<compile_context>
chip_gen: v7x
topology: tpu7x:2x2x1
jax: 0.10.2.dev20260603
libtpu: 0.0.44.dev20260713+nightly
codegen_flags: <defaults>
</compile_context>

<pallas_src>
import jax
import jax.numpy as jnp
from jax import lax
from jax.experimental import pallas as pl
from jax.experimental.pallas import tpu as pltpu
from jax.experimental.pallas import tpu_sc as plsc

N = 10000
IN = 128
H = 64
C = 32

NPAD = 10240
CH = 128
NC = 2
NS = 16
NW = NC * NS
ROWS_PER_TILE = NPAD // NS
NB = 5
NPOOL = 2 * NB


HH = H // NC


def _make_sc_agg(nchunks: int, with_deg: bool):
    out_type = [jax.ShapeDtypeStruct((NPAD, 128), jnp.float32)]
    if with_deg:
        out_type.append(jax.ShapeDtypeStruct((NC, NPAD), jnp.float32))

    scratch = [
        pltpu.VMEM((nchunks, CH), jnp.int32),
        pltpu.VMEM((nchunks, CH), jnp.int32),
        pltpu.VMEM((NPOOL, CH, HH), jnp.float32),
        pltpu.VMEM((CH,), jnp.float32),
        pltpu.VMEM_SHARED((NPAD, HH), jnp.float32),
        pltpu.VMEM_SHARED((NPAD,), jnp.float32),
        pltpu.VMEM_SHARED((N, HH), jnp.float32),
    ] + [pltpu.SemaphoreType.DMA] * (2 * NPOOL)

    mesh = plsc.VectorSubcoreMesh(core_axis_name="c", subcore_axis_name="s",
                                  num_cores=NC, num_subcores=NS)
    nch2 = nchunks // 2

    def body(table, src, dst, zh, z1, *rest):
        if with_deg:
            out, degout, sidx, didx, rows, ones, acc, dacc, tab = rest[:9]
        else:
            out, sidx, didx, rows, ones, acc, dacc, tab = rest[:8]
            degout = None
        sems = rest[-2 * NPOOL:]
        c = lax.axis_index("c")
        s = lax.axis_index("s")

        for i in range(CH // 16):
            ones[pl.ds(i * 16, 16)] = jnp.ones((16,), jnp.float32)

        r0 = s * ROWS_PER_TILE
        pltpu.sync_copy(zh.at[pl.ds(r0, ROWS_PER_TILE)],
                        acc.at[pl.ds(r0, ROWS_PER_TILE)])
        pltpu.sync_copy(z1.at[pl.ds(r0, ROWS_PER_TILE)],
                        dacc.at[pl.ds(r0, ROWS_PER_TILE)])
        tr = N // NS

        @pl.when(c == 0)
        def _():
            pltpu.sync_copy(table.at[pl.ds(s * tr, tr), pl.ds(0, HH)],
                            tab.at[pl.ds(s * tr, tr)])

        @pl.when(c == 1)
        def _():
            pltpu.sync_copy(table.at[pl.ds(s * tr, tr), pl.ds(HH, HH)],
                            tab.at[pl.ds(s * tr, tr)])

        pltpu.sync_copy(src.at[pl.ds(s * nchunks, nchunks)], sidx)
        pltpu.sync_copy(dst.at[pl.ds(s * nchunks, nchunks)], didx)
        plsc.subcore_barrier()

        def sidx_of(j):
            return sidx.at[j]

        def didx_of(j):
            return didx.at[j]

        for b in range(NB):
            pltpu.async_copy(tab.at[sidx_of(b)], rows.at[b], sems[b])

        def pair(p, carry):
            for u in range(NPOOL):
                j = p * NPOOL + u
                b = u
                bn = (u + NB) % NPOOL
                pltpu.make_async_copy(tab.at[sidx_of(j)], rows.at[b],
                                      sems[b]).wait()
                pltpu.async_copy(rows.at[b], acc.at[didx_of(j)],
                                 sems[NPOOL + b], add=True)
                if with_deg:
                    @pl.when((j < nch2) == (c == 0))
                    def _():
                        pltpu.sync_copy(ones, dacc.at[didx_of(j)], add=True)

                @pl.when(jnp.logical_and(j + NB < nchunks, j >= NB))
                def _():
                    pltpu.make_async_copy(rows.at[bn], acc.at[didx_of(0)],
                                          sems[NPOOL + bn]).wait()

                @pl.when(j + NB < nchunks)
                def _():
                    pltpu.async_copy(tab.at[sidx_of(j + NB)], rows.at[bn],
                                     sems[bn])
            return carry

        lax.fori_loop(0, nchunks // NPOOL, pair, 0)

        for b in range(NPOOL):
            pltpu.make_async_copy(rows.at[b], acc.at[didx_of(0)],
                                  sems[NPOOL + b]).wait()
        plsc.subcore_barrier()

        @pl.when(c == 0)
        def _():
            pltpu.sync_copy(acc.at[pl.ds(r0, ROWS_PER_TILE)],
                            out.at[pl.ds(r0, ROWS_PER_TILE), pl.ds(0, HH)])

        @pl.when(c == 1)
        def _():
            pltpu.sync_copy(acc.at[pl.ds(r0, ROWS_PER_TILE)],
                            out.at[pl.ds(r0, ROWS_PER_TILE), pl.ds(HH, HH)])
        if with_deg:
            pltpu.sync_copy(dacc.at[pl.ds(r0, ROWS_PER_TILE)],
                            degout.at[c, pl.ds(r0, ROWS_PER_TILE)])

    return pl.kernel(body, out_type=out_type, mesh=mesh, scratch_types=scratch,
                     compiler_params=pltpu.CompilerParams(use_tc_tiling_on_sc=False))


def _tc1_body(x_ref, wl_ref, wr_ref, a_ref):
    x = x_ref[...]
    y = jnp.dot(x, wl_ref[...], preferred_element_type=jnp.float32)
    r = jnp.dot(x, wr_ref[...], preferred_element_type=jnp.float32)
    a_ref[...] = jnp.concatenate([y, r], axis=-1)


def _tc2_body(p_ref, dpt_ref, a1_ref, b1_ref, wl_ref, wr_ref, a_ref):
    agg = p_ref[:N, :H]
    deg = dpt_ref[:N, 0] + dpt_ref[:N, 1]
    inv = 1.0 / jnp.maximum(deg, 1.0)
    r1 = a1_ref[:, H:]
    h = jnp.maximum(agg * inv[:, None] + r1 + b1_ref[...][None, :], 0.0)
    y = jnp.dot(h, wl_ref[...], preferred_element_type=jnp.float32)
    r = jnp.dot(h, wr_ref[...], preferred_element_type=jnp.float32)
    a_ref[...] = jnp.concatenate([y, r], axis=-1)


def _tc3_body(p_ref, dpt_ref, a2_ref, b2_ref, wc_ref, bc_ref, log_ref, emb_ref):
    agg = p_ref[:N, :H]
    deg = dpt_ref[:N, 0] + dpt_ref[:N, 1]
    inv = 1.0 / jnp.maximum(deg, 1.0)
    emb = agg * inv[:, None] + a2_ref[:, H:] + b2_ref[...][None, :]
    emb_ref[...] = emb
    log_ref[...] = (jnp.dot(emb, wc_ref[...], preferred_element_type=jnp.float32)
                    + bc_ref[...][None, :])


def _whole(shape):
    return pl.BlockSpec(shape, lambda i: tuple(0 for _ in shape))


_tc1 = pl.pallas_call(
    _tc1_body,
    grid=(1,),
    in_specs=[_whole((N, IN)), _whole((IN, H)), _whole((IN, H))],
    out_specs=[_whole((N, 2 * H))],
    out_shape=[jax.ShapeDtypeStruct((N, 2 * H), jnp.float32)],
)

_tc2 = pl.pallas_call(
    _tc2_body,
    grid=(1,),
    in_specs=[
        _whole((NPAD, 128)),
        _whole((NPAD, NC)),
        _whole((N, 2 * H)),
        _whole((H,)),
        _whole((H, H)),
        _whole((H, H)),
    ],
    out_specs=[_whole((N, 2 * H))],
    out_shape=[jax.ShapeDtypeStruct((N, 2 * H), jnp.float32)],
)

_tc3 = pl.pallas_call(
    _tc3_body,
    grid=(1,),
    in_specs=[
        _whole((NPAD, 128)),
        _whole((NPAD, NC)),
        _whole((N, 2 * H)),
        _whole((H,)),
        _whole((H, C)),
        _whole((C,)),
    ],
    out_specs=[_whole((N, C)), _whole((N, H))],
    out_shape=[jax.ShapeDtypeStruct((N, C), jnp.float32),
               jax.ShapeDtypeStruct((N, H), jnp.float32)],
)


def _make_edge_prep(E: int, e_pad: int):
    nrows = e_pad // CH

    def body(ei_ref, srcm_ref, dstm_ref):
        sm = ei_ref[0].reshape(nrows, CH)
        dm = ei_ref[1].reshape(nrows, CH)
        flat = (lax.broadcasted_iota(jnp.int32, (nrows, CH), 0) * CH +
                lax.broadcasted_iota(jnp.int32, (nrows, CH), 1))
        mask = flat < E
        srcm_ref[...] = jnp.where(mask, sm, 0)
        dstm_ref[...] = jnp.where(mask, dm, NPAD - 1)

    return pl.pallas_call(
        body,
        grid=(1,),
        in_specs=[pl.BlockSpec((2, e_pad), lambda i: (0, 0))],
        out_specs=[_whole((nrows, CH)), _whole((nrows, CH))],
        out_shape=[jax.ShapeDtypeStruct((nrows, CH), jnp.int32)] * 2,
    )


def kernel(x, edge_index, W1l, b1, W1r, W2l, b2, W2r, Wc, bc):
    E = edge_index.shape[1]
    nchunks = -(-(-(-E // (NS * CH))) // NPOOL) * NPOOL
    e_pad = NS * nchunks * CH

    srcm, dstm = _make_edge_prep(E, e_pad)(edge_index)

    zh = jnp.zeros((NPAD, HH), jnp.float32)
    z1 = jnp.zeros((NPAD,), jnp.float32)

    sc_agg1 = _make_sc_agg(nchunks, with_deg=True)
    sc_agg2 = _make_sc_agg(nchunks, with_deg=False)

    (a1,) = _tc1(x, W1l, W1r)
    p1, dp = sc_agg1(a1, srcm, dstm, zh, z1)
    dpt = dp.T
    (a2,) = _tc2(p1, dpt, a1, b1, W2l, W2r)
    p2 = sc_agg2(a2, srcm, dstm, zh, z1)
    p2 = p2[0] if isinstance(p2, (list, tuple)) else p2
    logits, emb = _tc3(p2, dpt, a2, b2, Wc, bc)
    return logits, emb

# --- scband reference (transcript-rebuilt; emitter-appended) ---
"""Pipeline reference for scband-graph-sagemodel-89069031784798 (READ-ONLY COPY).

The authoritative reference and input builder live on the scoring server;
editing this copy changes nothing except your own understanding.
"""

import jax, jax.numpy as jnp
import numpy as np

N = 10000
E = 320000
IN = 128
H = 64
C = 32


def setup_inputs(seed: int = 0) -> dict:
    key = jax.random.key(seed)
    ks = jax.random.split(key, 12)
    x = jax.random.normal(ks[0], (N, IN), dtype=jnp.float32)
    edge_index = jax.random.randint(ks[1], (2, E), 0, N, dtype=jnp.int32)
    # SAGEConv1 params: lin_l (applied to aggregated neighbors, with bias), lin_r (root)
    W1l = jax.random.normal(ks[2], (IN, H), dtype=jnp.float32) / np.sqrt(IN)
    b1 = jnp.zeros((H,), dtype=jnp.float32)
    W1r = jax.random.normal(ks[3], (IN, H), dtype=jnp.float32) / np.sqrt(IN)
    # SAGEConv2 params
    W2l = jax.random.normal(ks[4], (H, H), dtype=jnp.float32) / np.sqrt(H)
    b2 = jnp.zeros((H,), dtype=jnp.float32)
    W2r = jax.random.normal(ks[5], (H, H), dtype=jnp.float32) / np.sqrt(H)
    # classifier
    Wc = jax.random.normal(ks[6], (H, C), dtype=jnp.float32) / np.sqrt(H)
    bc = jnp.zeros((C,), dtype=jnp.float32)
    return {"x": x, "edge_index": edge_index, "W1l": W1l, "b1": b1, "W1r": W1r,
            "W2l": W2l, "b2": b2, "W2r": W2r, "Wc": Wc, "bc": bc}


def _sage_conv(x, edge_index, Wl, bl, Wr):
    # PyG SAGEConv with mean aggregation:
    #   out = lin_l(mean_{j in N(i)} x_j) + lin_r(x_i)
    src = edge_index[0]
    dst = edge_index[1]
    msg = x[src]                                            # gather [E, d]
    agg = jax.ops.segment_sum(msg, dst, num_segments=N)     # scatter-add [N, d]
    deg = jax.ops.segment_sum(jnp.ones((edge_index.shape[1],), dtype=x.dtype), dst,
                              num_segments=N)
    mean = agg / jnp.clip(deg, 1.0)[:, None]
    return mean @ Wl + bl + x @ Wr


def reference(x, edge_index, W1l, b1, W1r, W2l, b2, W2r, Wc, bc):
    h = _sage_conv(x, edge_index, W1l, b1, W1r)
    h = jax.nn.relu(h)
    # dropout is identity in eval mode
    embeddings = _sage_conv(h, edge_index, W2l, b2, W2r)
    logits = embeddings @ Wc + bc
    return logits, embeddings

if __name__ == "__main__":
    import jax
    _d = setup_inputs()
    print(jax.jit(kernel)(*tuple(_d.values())))

</pallas_src>

<mosaic_0001>
#map = affine_map<(d0, d1) -> (0, 0)>
#map1 = affine_map<(d0, d1) -> (0)>
module attributes {stable_mosaic.version = 14 : i64} {
  func.func @body(%arg0: i32, %arg1: i32, %arg2: memref<10000x128xf32, #tpu.memory_space<hbm>>, %arg3: memref<2560x128xi32, #tpu.memory_space<hbm>>, %arg4: memref<2560x128xi32, #tpu.memory_space<hbm>>, %arg5: memref<10240x32xf32, #tpu.memory_space<hbm>>, %arg6: memref<10240xf32, #tpu.memory_space<hbm>>, %arg7: memref<10240x128xf32, #tpu.memory_space<hbm>>, %arg8: memref<2x10240xf32, #tpu.memory_space<hbm>>, %arg9: memref<160x128xi32, #tpu.memory_space<vmem>>, %arg10: memref<160x128xi32, #tpu.memory_space<vmem>>, %arg11: memref<10x128x32xf32, #tpu.memory_space<vmem>>, %arg12: memref<128xf32, #tpu.memory_space<vmem>>, %arg13: memref<10240x32xf32, #tpu.memory_space<vmem_shared>>, %arg14: memref<10240xf32, #tpu.memory_space<vmem_shared>>, %arg15: memref<10000x32xf32, #tpu.memory_space<vmem_shared>>, %arg16: memref<!tpu.dma_semaphore, #tpu.memory_space<semaphore_mem>>, %arg17: memref<!tpu.dma_semaphore, #tpu.memory_space<semaphore_mem>>, %arg18: memref<!tpu.dma_semaphore, #tpu.memory_space<semaphore_mem>>, %arg19: memref<!tpu.dma_semaphore, #tpu.memory_space<semaphore_mem>>, %arg20: memref<!tpu.dma_semaphore, #tpu.memory_space<semaphore_mem>>, %arg21: memref<!tpu.dma_semaphore, #tpu.memory_space<semaphore_mem>>, %arg22: memref<!tpu.dma_semaphore, #tpu.memory_space<semaphore_mem>>, %arg23: memref<!tpu.dma_semaphore, #tpu.memory_space<semaphore_mem>>, %arg24: memref<!tpu.dma_semaphore, #tpu.memory_space<semaphore_mem>>, %arg25: memref<!tpu.dma_semaphore, #tpu.memory_space<semaphore_mem>>, %arg26: memref<!tpu.dma_semaphore, #tpu.memory_space<semaphore_mem>>, %arg27: memref<!tpu.dma_semaphore, #tpu.memory_space<semaphore_mem>>, %arg28: memref<!tpu.dma_semaphore, #tpu.memory_space<semaphore_mem>>, %arg29: memref<!tpu.dma_semaphore, #tpu.memory_space<semaphore_mem>>, %arg30: memref<!tpu.dma_semaphore, #tpu.memory_space<semaphore_mem>>, %arg31: memref<!tpu.dma_semaphore, #tpu.memory_space<semaphore_mem>>, %arg32: memref<!tpu.dma_semaphore, #tpu.memory_space<semaphore_mem>>, %arg33: memref<!tpu.dma_semaphore, #tpu.memory_space<semaphore_mem>>, %arg34: memref<!tpu.dma_semaphore, #tpu.memory_space<semaphore_mem>>, %arg35: memref<!tpu.dma_semaphore, #tpu.memory_space<semaphore_mem>>) attributes {dimension_semantics = [#tpu.dimension_semantics<core_parallel>, #tpu.dimension_semantics<subcore_parallel>], iteration_bounds = array<i64: 2, 16>, scalar_prefetch = 0 : i64, scratch_operands = 27 : i64, tpu.core_type = #tpu.core_type<sc_vector_subcore>, window_params = [{transform_indices = #map}, {transform_indices = #map}, {transform_indices = #map}, {transform_indices = #map}, {transform_indices = #map1}, {transform_indices = #map}, {transform_indices = #map}]} {
    %broadcast_in_dim3A = arith.constant 1.000000e+00 : f32
    %broadcast_in_dim3A_0 = vector.broadcast %broadcast_in_dim3A : f32 to vector<16xf32>
    %swap3A = arith.constant 0 : index
    %swap3A_1 = tpu.vector_load %arg12[%swap3A] {strides = array<i32>} : memref<128xf32, #tpu.memory_space<vmem>>, vector<16xf32>,
    %swap3A_2 = vector.shape_cast %swap3A_1 : vector<16xf32> to vector<16xf32>
    %swap3A_3 = vector.shape_cast %broadcast_in_dim3A_0 : vector<16xf32> to vector<16xf32>
    tpu.vector_store %arg12[%swap3A], %swap3A_3 {strides = array<i32>} : memref<128xf32, #tpu.memory_space<vmem>>, vector<16xf32>,
    %broadcast_in_dim3A_4 = arith.constant 1.000000e+00 : f32
    %broadcast_in_dim3A_5 = vector.broadcast %broadcast_in_dim3A_4 : f32 to vector<16xf32>
    %swap3A_6 = arith.constant 16 : index
    %swap3A_7 = tpu.vector_load %arg12[%swap3A_6] {strides = array<i32>} : memref<128xf32, #tpu.memory_space<vmem>>, vector<16xf32>,
    %swap3A_8 = vector.shape_cast %swap3A_7 : vector<16xf32> to vector<16xf32>
    %swap3A_9 = vector.shape_cast %broadcast_in_dim3A_5 : vector<16xf32> to vector<16xf32>
    tpu.vector_store %arg12[%swap3A_6], %swap3A_9 {strides = array<i32>} : memref<128xf32, #tpu.memory_space<vmem>>, vector<16xf32>,
    %broadcast_in_dim3A_10 = arith.constant 1.000000e+00 : f32
    %broadcast_in_dim3A_11 = vector.broadcast %broadcast_in_dim3A_10 : f32 to vector<16xf32>
    %swap3A_12 = arith.constant 32 : index
    %swap3A_13 = tpu.vector_load %arg12[%swap3A_12] {strides = array<i32>} : memref<128xf32, #tpu.memory_space<vmem>>, vector<16xf32>,
    %swap3A_14 = vector.shape_cast %swap3A_13 : vector<16xf32> to vector<16xf32>
    %swap3A_15 = vector.shape_cast %broadcast_in_dim3A_11 : vector<16xf32> to vector<16xf32>
    tpu.vector_store %arg12[%swap3A_12], %swap3A_15 {strides = array<i32>} : memref<128xf32, #tpu.memory_space<vmem>>, vector<16xf32>,
    %broadcast_in_dim3A_16 = arith.constant 1.000000e+00 : f32
    %broadcast_in_dim3A_17 = vector.broadcast %broadcast_in_dim3A_16 : f32 to vector<16xf32>
    %swap3A_18 = arith.constant 48 : index
    %swap3A_19 = tpu.vector_load %arg12[%swap3A_18] {strides = array<i32>} : memref<128xf32, #tpu.memory_space<vmem>>, vector<16xf32>,
    %swap3A_20 = vector.shape_cast %swap3A_19 : vector<16xf32> to vector<16xf32>
    %swap3A_21 = vector.shape_cast %broadcast_in_dim3A_17 : vector<16xf32> to vector<16xf32>
    tpu.vector_store %arg12[%swap3A_18], %swap3A_21 {strides = array<i32>} : memref<128xf32, #tpu.memory_space<vmem>>, vector<16xf32>,
    %broadcast_in_dim3A_22 = arith.constant 1.000000e+00 : f32
    %broadcast_in_dim3A_23 = vector.broadcast %broadcast_in_dim3A_22 : f32 to vector<16xf32>
    %swap3A_24 = arith.constant 64 : index
    %swap3A_25 = tpu.vector_load %arg12[%swap3A_24] {strides = array<i32>} : memref<128xf32, #tpu.memory_space<vmem>>, vector<16xf32>,
    %swap3A_26 = vector.shape_cast %swap3A_25 : vector<16xf32> to vector<16xf32>
    %swap3A_27 = vector.shape_cast %broadcast_in_dim3A_23 : vector<16xf32> to vector<16xf32>
    tpu.vector_store %arg12[%swap3A_24], %swap3A_27 {strides = array<i32>} : memref<128xf32, #tpu.memory_space<vmem>>, vector<16xf32>,
    %broadcast_in_dim3A_28 = arith.constant 1.000000e+00 : f32
    %broadcast_in_dim3A_29 = vector.broadcast %broadcast_in_dim3A_28 : f32 to vector<16xf32>
    %swap3A_30 = arith.constant 80 : index
    %swap3A_31 = tpu.vector_load %arg12[%swap3A_30] {strides = array<i32>} : memref<128xf32, #tpu.memory_space<vmem>>, vector<16xf32>,
    %swap3A_32 = vector.shape_cast %swap3A_31 : vector<16xf32> to vector<16xf32>
    %swap3A_33 = vector.shape_cast %broadcast_in_dim3A_29 : vector<16xf32> to vector<16xf32>
    tpu.vector_store %arg12[%swap3A_30], %swap3A_33 {strides = array<i32>} : memref<128xf32, #tpu.memory_space<vmem>>, vector<16xf32>,
    %broadcast_in_dim3A_34 = arith.constant 1.000000e+00 : f32
    %broadcast_in_dim3A_35 = vector.broadcast %broadcast_in_dim3A_34 : f32 to vector<16xf32>
    %swap3A_36 = arith.constant 96 : index
    %swap3A_37 = tpu.vector_load %arg12[%swap3A_36] {strides = array<i32>} : memref<128xf32, #tpu.memory_space<vmem>>, vector<16xf32>,
    %swap3A_38 = vector.shape_cast %swap3A_37 : vector<16xf32> to vector<16xf32>
    %swap3A_39 = vector.shape_cast %broadcast_in_dim3A_35 : vector<16xf32> to vector<16xf32>
    tpu.vector_store %arg12[%swap3A_36], %swap3A_39 {strides = array<i32>} : memref<128xf32, #tpu.memory_space<vmem>>, vector<16xf32>,
    %broadcast_in_dim3A_40 = arith.constant 1.000000e+00 : f32
    %broadcast_in_dim3A_41 = vector.broadcast %broadcast_in_dim3A_40 : f32 to vector<16xf32>
    %swap3A_42 = arith.constant 112 : index
    %swap3A_43 = tpu.vector_load %arg12[%swap3A_42] {strides = array<i32>} : memref<128xf32, #tpu.memory_space<vmem>>, vector<16xf32>,
    %swap3A_44 = vector.shape_cast %swap3A_43 : vector<16xf32> to vector<16xf32>
    %swap3A_45 = vector.shape_cast %broadcast_in_dim3A_41 : vector<16xf32> to vector<16xf32>
    tpu.vector_store %arg12[%swap3A_42], %swap3A_45 {strides = array<i32>} : memref<128xf32, #tpu.memory_space<vmem>>, vector<16xf32>,
    %mul3A = arith.constant 640 : i32
    %mul3A_46 = arith.muli %arg1, %mul3A : i32
    "tpu.region"() ({
      %run_scoped3A = tpu.sem_alloc : memref<!tpu.dma_semaphore, #tpu.memory_space<semaphore_mem>>
      %dma_start3A_252 = arith.constant 0 : i32
      %dma_start3A_253 = tpu.memref_slice %arg13[%mul3A_46, %dma_start3A_252] : memref<10240x32xf32, #tpu.memory_space<vmem_shared>> -> memref<640x32xf32, #tpu.memory_space<vmem_shared>>
      %dma_start3A_254 = arith.constant 0 : i32
      %dma_start3A_255 = tpu.memref_slice %arg5[%mul3A_46, %dma_start3A_254] : memref<10240x32xf32, #tpu.memory_space<hbm>> -> memref<640x32xf32, #tpu.memory_space<hbm>>
      tpu.enqueue_dma source(%dma_start3A_255 : memref<640x32xf32, #tpu.memory_space<hbm>>) target(%dma_start3A_253 : memref<640x32xf32, #tpu.memory_space<vmem_shared>>) target_semaphore(%run_scoped3A : memref<!tpu.dma_semaphore, #tpu.memory_space<semaphore_mem>>)
      %dma_wait3A_256 = arith.constant 0 : i32
      %dma_wait3A_257 = tpu.memref_slice %arg13[%mul3A_46, %dma_wait3A_256] : memref<10240x32xf32, #tpu.memory_space<vmem_shared>> -> memref<640x32xf32, #tpu.memory_space<vmem_shared>>
      %dma_wait3A_258 = arith.constant 0 : i32
      %dma_wait3A_259 = tpu.memref_slice %arg5[%mul3A_46, %dma_wait3A_258] : memref<10240x32xf32, #tpu.memory_space<hbm>> -> memref<640x32xf32, #tpu.memory_space<hbm>>
      tpu.wait_dma2 semaphore(%run_scoped3A : memref<!tpu.dma_semaphore, #tpu.memory_space<semaphore_mem>>) src(%dma_wait3A_259 : memref<640x32xf32, #tpu.memory_space<hbm>>) dst(%dma_wait3A_257 : memref<640x32xf32, #tpu.memory_space<vmem_shared>>)
      tpu.yield
    }) : () -> ()
    "tpu.region"() ({
      %run_scoped3A = tpu.sem_alloc : memref<!tpu.dma_semaphore, #tpu.memory_space<semaphore_mem>>
      %dma_start3A_252 = tpu.memref_slice %arg14[%mul3A_46] : memref<10240xf32, #tpu.memory_space<vmem_shared>> -> memref<640xf32, #tpu.memory_space<vmem_shared>>
      %dma_start3A_253 = tpu.memref_slice %arg6[%mul3A_46] : memref<10240xf32, #tpu.memory_space<hbm>> -> memref<640xf32, #tpu.memory_space<hbm>>
      tpu.enqueue_dma source(%dma_start3A_253 : memref<640xf32, #tpu.memory_space<hbm>>) target(%dma_start3A_252 : memref<640xf32, #tpu.memory_space<vmem_shared>>) target_semaphore(%run_scoped3A : memref<!tpu.dma_semaphore, #tpu.memory_space<semaphore_mem>>)
      %dma_wait3A_254 = tpu.memref_slice %arg14[%mul3A_46] : memref<10240xf32, #tpu.memory_space<vmem_shared>> -> memref<640xf32, #tpu.memory_space<vmem_shared>>
      %dma_wait3A_255 = tpu.memref_slice %arg6[%mul3A_46] : memref<10240xf32, #tpu.memory_space<hbm>> -> memref<640xf32, #tpu.memory_space<hbm>>
      tpu.wait_dma2 semaphore(%run_scoped3A : memref<!tpu.dma_semaphore, #tpu.memory_space<semaphore_mem>>) src(%dma_wait3A_255 : memref<640xf32, #tpu.memory_space<hbm>>) dst(%dma_wait3A_254 : memref<640xf32, #tpu.memory_space<vmem_shared>>)
      tpu.yield
    }) : () -> ()
    %eq3A = arith.constant 0 : i32
    %eq3A_47 = arith.cmpi eq, %arg0, %eq3A : i32
    %convert_element_type3A = arith.extui %eq3A_47 : i1 to i32
    %cond3A = arith.constant 0 : i32
    %cond3A_48 = arith.cmpi ne, %convert_element_type3A, %cond3A : i32
    scf.if %cond3A_48 {
      %mul3A_252 = arith.constant 625 : i32
      %mul3A_253 = arith.muli %arg1, %mul3A_252 : i32
      %mul3A_254 = arith.constant 625 : i32
      %mul3A_255 = arith.muli %arg1, %mul3A_254 : i32
      "tpu.region"() ({
        %run_scoped3A = tpu.sem_alloc : memref<!tpu.dma_semaphore, #tpu.memory_space<semaphore_mem>>
        %dma_start3A_256 = arith.constant 0 : i32
        %dma_start3A_257 = tpu.memref_slice %arg15[%mul3A_255, %dma_start3A_256] : memref<10000x32xf32, #tpu.memory_space<vmem_shared>> -> memref<625x32xf32, #tpu.memory_space<vmem_shared>>
        %dma_start3A_258 = arith.constant 0 : i32
        %dma_start3A_259 = tpu.memref_slice %arg2[%mul3A_253, %dma_start3A_258] : memref<10000x128xf32, #tpu.memory_space<hbm>> -> memref<625x32xf32, #tpu.memory_space<hbm>>
        tpu.enqueue_dma source(%dma_start3A_259 : memref<625x32xf32, #tpu.memory_space<hbm>>) target(%dma_start3A_257 : memref<625x32xf32, #tpu.memory_space<vmem_shared>>) target_semaphore(%run_scoped3A : memref<!tpu.dma_semaphore, #tpu.memory_space<semaphore_mem>>)
        %dma_wait3A_260 = arith.constant 0 : i32
        %dma_wait3A_261 = tpu.memref_slice %arg15[%mul3A_255, %dma_wait3A_260] : memref<10000x32xf32, #tpu.memory_space<vmem_shared>> -> memref<625x32xf32, #tpu.memory_space<vmem_shared>>
        %dma_wait3A_262 = arith.constant 0 : i32
        %dma_wait3A_263 = tpu.memref_slice %arg2[%mul3A_253, %dma_wait3A_262] : memref<10000x128xf32, #tpu.memory_space<hbm>> -> memref<625x32xf32, #tpu.memory_space<hbm>>
        tpu.wait_dma2 semaphore(%run_scoped3A : memref<!tpu.dma_semaphore, #tpu.memory_space<semaphore_mem>>) src(%dma_wait3A_263 : memref<625x32xf32, #tpu.memory_space<hbm>>) dst(%dma_wait3A_261 : memref<625x32xf32, #tpu.memory_space<vmem_shared>>)
        tpu.yield
      }) : () -> ()
    } else {
    }
    %eq3A_49 = arith.constant 1 : i32
    %eq3A_50 = arith.cmpi eq, %arg0, %eq3A_49 : i32
    %convert_element_type3A_51 = arith.extui %eq3A_50 : i1 to i32
    %cond3A_52 = arith.constant 0 : i32
    %cond3A_53 = arith.cmpi ne, %convert_element_type3A_51, %cond3A_52 : i32
    scf.if %cond3A_53 {
      %mul3A_252 = arith.constant 625 : i32
      %mul3A_253 = arith.muli %arg1, %mul3A_252 : i32
      %mul3A_254 = arith.constant 625 : i32
      %mul3A_255 = arith.muli %arg1, %mul3A_254 : i32
      "tpu.region"() ({
        %run_scoped3A = tpu.sem_alloc : memref<!tpu.dma_semaphore, #tpu.memory_space<semaphore_mem>>
        %dma_start3A_256 = arith.constant 0 : i32
        %dma_start3A_257 = tpu.memref_slice %arg15[%mul3A_255, %dma_start3A_256] : memref<10000x32xf32, #tpu.memory_space<vmem_shared>> -> memref<625x32xf32, #tpu.memory_space<vmem_shared>>
        %dma_start3A_258 = arith.constant 32 : i32
        %dma_start3A_259 = tpu.memref_slice %arg2[%mul3A_253, %dma_start3A_258] : memref<10000x128xf32, #tpu.memory_space<hbm>> -> memref<625x32xf32, #tpu.memory_space<hbm>>
        tpu.enqueue_dma source(%dma_start3A_259 : memref<625x32xf32, #tpu.memory_space<hbm>>) target(%dma_start3A_257 : memref<625x32xf32, #tpu.memory_space<vmem_shared>>) target_semaphore(%run_scoped3A : memref<!tpu.dma_semaphore, #tpu.memory_space<semaphore_mem>>)
        %dma_wait3A_260 = arith.constant 0 : i32
        %dma_wait3A_261 = tpu.memref_slice %arg15[%mul3A_255, %dma_wait3A_260] : memref<10000x32xf32, #tpu.memory_space<vmem_shared>> -> memref<625x32xf32, #tpu.memory_space<vmem_shared>>
        %dma_wait3A_262 = arith.constant 32 : i32
        %dma_wait3A_263 = tpu.memref_slice %arg2[%mul3A_253, %dma_wait3A_262] : memref<10000x128xf32, #tpu.memory_space<hbm>> -> memref<625x32xf32, #tpu.memory_space<hbm>>
        tpu.wait_dma2 semaphore(%run_scoped3A : memref<!tpu.dma_semaphore, #tpu.memory_space<semaphore_mem>>) src(%dma_wait3A_263 : memref<625x32xf32, #tpu.memory_space<hbm>>) dst(%dma_wait3A_261 : memref<625x32xf32, #tpu.memory_space<vmem_shared>>)
        tpu.yield
      }) : () -> ()
    } else {
    }
    %mul3A_54 = arith.constant 160 : i32
    %mul3A_55 = arith.muli %arg1, %mul3A_54 : i32
    "tpu.region"() ({
      %run_scoped3A = tpu.sem_alloc : memref<!tpu.dma_semaphore, #tpu.memory_space<semaphore_mem>>
      %dma_start3A_252 = arith.constant 0 : i32
      %dma_start3A_253 = tpu.memref_slice %arg3[%mul3A_55, %dma_start3A_252] : memref<2560x128xi32, #tpu.memory_space<hbm>> -> memref<160x128xi32, #tpu.memory_space<hbm>>
      %dma_start3A_254 = arith.constant 0 : i32
      %dma_start3A_255 = tpu.memref_slice %arg3[%mul3A_55, %dma_start3A_254] : memref<2560x128xi32, #tpu.memory_space<hbm>> -> memref<160x128xi32, #tpu.memory_space<hbm>>
      tpu.enqueue_dma source(%dma_start3A_255 : memref<160x128xi32, #tpu.memory_space<hbm>>) target(%arg9 : memref<160x128xi32, #tpu.memory_space<vmem>>) target_semaphore(%run_scoped3A : memref<!tpu.dma_semaphore, #tpu.memory_space<semaphore_mem>>)
      %dma_wait3A_256 = arith.constant 0 : i32
      %dma_wait3A_257 = tpu.memref_slice %arg3[%mul3A_55, %dma_wait3A_256] : memref<2560x128xi32, #tpu.memory_space<hbm>> -> memref<160x128xi32, #tpu.memory_space<hbm>>
      %dma_wait3A_258 = arith.constant 0 : i32
      %dma_wait3A_259 = tpu.memref_slice %arg3[%mul3A_55, %dma_wait3A_258] : memref<2560x128xi32, #tpu.memory_space<hbm>> -> memref<160x128xi32, #tpu.memory_space<hbm>>
      tpu.wait_dma2 semaphore(%run_scoped3A : memref<!tpu.dma_semaphore, #tpu.memory_space<semaphore_mem>>) src(%dma_wait3A_259 : memref<160x128xi32, #tpu.memory_space<hbm>>) dst(%arg9 : memref<160x128xi32, #tpu.memory_space<vmem>>)
      tpu.yield
    }) : () -> ()
    %mul3A_56 = arith.constant 160 : i32
    %mul3A_57 = arith.muli %arg1, %mul3A_56 : i32
    "tpu.region"() ({
      %run_scoped3A = tpu.sem_alloc : memref<!tpu.dma_semaphore, #tpu.memory_space<semaphore_mem>>
      %dma_start3A_252 = arith.constant 0 : i32
      %dma_start3A_253 = tpu.memref_slice %arg4[%mul3A_57, %dma_start3A_252] : memref<2560x128xi32, #tpu.memory_space<hbm>> -> memref<160x128xi32, #tpu.memory_space<hbm>>
      %dma_start3A_254 = arith.constant 0 : i32
      %dma_start3A_255 = tpu.memref_slice %arg4[%mul3A_57, %dma_start3A_254] : memref<2560x128xi32, #tpu.memory_space<hbm>> -> memref<160x128xi32, #tpu.memory_space<hbm>>
      tpu.enqueue_dma source(%dma_start3A_255 : memref<160x128xi32, #tpu.memory_space<hbm>>) target(%arg10 : memref<160x128xi32, #tpu.memory_space<vmem>>) target_semaphore(%run_scoped3A : memref<!tpu.dma_semaphore, #tpu.memory_space<semaphore_mem>>)
      %dma_wait3A_256 = arith.constant 0 : i32
      %dma_wait3A_257 = tpu.memref_slice %arg4[%mul3A_57, %dma_wait3A_256] : memref<2560x128xi32, #tpu.memory_space<hbm>> -> memref<160x128xi32, #tpu.memory_space<hbm>>
      %dma_wait3A_258 = arith.constant 0 : i32
      %dma_wait3A_259 = tpu.memref_slice %arg4[%mul3A_57, %dma_wait3A_258] : memref<2560x128xi32, #tpu.memory_space<hbm>> -> memref<160x128xi32, #tpu.memory_space<hbm>>
      tpu.wait_dma2 semaphore(%run_scoped3A : memref<!tpu.dma_semaphore, #tpu.memory_space<semaphore_mem>>) src(%dma_wait3A_259 : memref<160x128xi32, #tpu.memory_space<hbm>>) dst(%arg10 : memref<160x128xi32, #tpu.memory_space<vmem>>)
      tpu.yield
    }) : () -> ()
    %barrier3A = arith.constant 0 : index
    tpu.barrier barrier_id(%barrier3A)
    %dma_start3A = arith.constant 0 : i32
    %dma_start3A_58 = arith.constant 0 : i32
    %dma_start3A_59 = arith.constant 0 : i32
    %dma_start3A_60 = arith.constant 0 : i32
    %dma_start3A_61 = tpu.memref_slice %arg11[%dma_start3A_58, %dma_start3A_59, %dma_start3A_60] : memref<10x128x32xf32, #tpu.memory_space<vmem>> -> memref<1x128x32xf32, #tpu.memory_space<vmem>>
    %dma_start3A_62 = tpu.memref_squeeze %dma_start3A_61 : memref<1x128x32xf32, #tpu.memory_space<vmem>> -> memref<128x32xf32, #tpu.memory_space<vmem>>
    %dma_start3A_63 = arith.constant 0 : i32
    %dma_start3A_64 = tpu.memref_slice %arg9[%dma_start3A, %dma_start3A_63] : memref<160x128xi32, #tpu.memory_space<vmem>> -> memref<1x128xi32, #tpu.memory_space<vmem>>
    %dma_start3A_65 = tpu.memref_squeeze %dma_start3A_64 : memref<1x128xi32, #tpu.memory_space<vmem>> -> memref<128xi32, #tpu.memory_space<vmem>>
    %dma_start3A_66 = arith.constant 0 : i32
    %dma_start3A_67 = arith.constant 0 : i32
    %dma_start3A_68 = tpu.memref_slice %arg15[%dma_start3A_66, %dma_start3A_67] : memref<10000x32xf32, #tpu.memory_space<vmem_shared>> -> memref<10000x32xf32, #tpu.memory_space<vmem_shared>>
    tpu.enqueue_indirect_dma source(%dma_start3A_68 : memref<10000x32xf32, #tpu.memory_space<vmem_shared>>) target(%dma_start3A_62 : memref<128x32xf32, #tpu.memory_space<vmem>>) offsets(%dma_start3A_65 : memref<128xi32, #tpu.memory_space<vmem>>) semaphore(%arg16 : memref<!tpu.dma_semaphore, #tpu.memory_space<semaphore_mem>>)
    %dma_start3A_69 = arith.constant 1 : i32
    %dma_start3A_70 = arith.constant 1 : i32
    %dma_start3A_71 = arith.constant 0 : i32
    %dma_start3A_72 = arith.constant 0 : i32
    %dma_start3A_73 = tpu.memref_slice %arg11[%dma_start3A_70, %dma_start3A_71, %dma_start3A_72] : memref<10x128x32xf32, #tpu.memory_space<vmem>> -> memref<1x128x32xf32, #tpu.memory_space<vmem>>
    %dma_start3A_74 = tpu.memref_squeeze %dma_start3A_73 : memref<1x128x32xf32, #tpu.memory_space<vmem>> -> memref<128x32xf32, #tpu.memory_space<vmem>>
    %dma_start3A_75 = arith.constant 0 : i32
    %dma_start3A_76 = tpu.memref_slice %arg9[%dma_start3A_69, %dma_start3A_75] : memref<160x128xi32, #tpu.memory_space<vmem>> -> memref<1x128xi32, #tpu.memory_space<vmem>>
    %dma_start3A_77 = tpu.memref_squeeze %dma_start3A_76 : memref<1x128xi32, #tpu.memory_space<vmem>> -> memref<128xi32, #tpu.memory_space<vmem>>
    %dma_start3A_78 = arith.constant 0 : i32
    %dma_start3A_79 = arith.constant 0 : i32
    %dma_start3A_80 = tpu.memref_slice %arg15[%dma_start3A_78, %dma_start3A_79] : memref<10000x32xf32, #tpu.memory_space<vmem_shared>> -> memref<10000x32xf32, #tpu.memory_space<vmem_shared>>
    tpu.enqueue_indirect_dma source(%dma_start3A_80 : memref<10000x32xf32, #tpu.memory_space<vmem_shared>>) target(%dma_start3A_74 : memref<128x32xf32, #tpu.memory_space<vmem>>) offsets(%dma_start3A_77 : memref<128xi32, #tpu.memory_space<vmem>>) semaphore(%arg17 : memref<!tpu.dma_semaphore, #tpu.memory_space<semaphore_mem>>)
    %dma_start3A_81 = arith.constant 2 : i32
    %dma_start3A_82 = arith.constant 2 : i32
    %dma_start3A_83 = arith.constant 0 : i32
    %dma_start3A_84 = arith.constant 0 : i32
    %dma_start3A_85 = tpu.memref_slice %arg11[%dma_start3A_82, %dma_start3A_83, %dma_start3A_84] : memref<10x128x32xf32, #tpu.memory_space<vmem>> -> memref<1x128x32xf32, #tpu.memory_space<vmem>>
    %dma_start3A_86 = tpu.memref_squeeze %dma_start3A_85 : memref<1x128x32xf32, #tpu.memory_space<vmem>> -> memref<128x32xf32, #tpu.memory_space<vmem>>
    %dma_start3A_87 = arith.constant 0 : i32
    %dma_start3A_88 = tpu.memref_slice %arg9[%dma_start3A_81, %dma_start3A_87] : memref<160x128xi32, #tpu.memory_space<vmem>> -> memref<1x128xi32, #tpu.memory_space<vmem>>
    %dma_start3A_89 = tpu.memref_squeeze %dma_start3A_88 : memref<1x128xi32, #tpu.memory_space<vmem>> -> memref<128xi32, #tpu.memory_space<vmem>>
    %dma_start3A_90 = arith.constant 0 : i32
    %dma_start3A_91 = arith.constant 0 : i32
    %dma_start3A_92 = tpu.memref_slice %arg15[%dma_start3A_90, %dma_start3A_91] : memref<10000x32xf32, #tpu.memory_space<vmem_shared>> -> memref<10000x32xf32, #tpu.memory_space<vmem_shared>>
    tpu.enqueue_indirect_dma source(%dma_start3A_92 : memref<10000x32xf32, #tpu.memory_space<vmem_shared>>) target(%dma_start3A_86 : memref<128x32xf32, #tpu.memory_space<vmem>>) offsets(%dma_start3A_89 : memref<128xi32, #tpu.memory_space<vmem>>) semaphore(%arg18 : memref<!tpu.dma_semaphore, #tpu.memory_space<semaphore_mem>>)
    %dma_start3A_93 = arith.constant 3 : i32
    %dma_start3A_94 = arith.constant 3 : i32
    %dma_start3A_95 = arith.constant 0 : i32
    %dma_start3A_96 = arith.constant 0 : i32
    %dma_start3A_97 = tpu.memref_slice %arg11[%dma_start3A_94, %dma_start3A_95, %dma_start3A_96] : memref<10x128x32xf32, #tpu.memory_space<vmem>> -> memref<1x128x32xf32, #tpu.memory_space<vmem>>
    %dma_start3A_98 = tpu.memref_squeeze %dma_start3A_97 : memref<1x128x32xf32, #tpu.memory_space<vmem>> -> memref<128x32xf32, #tpu.memory_space<vmem>>
    %dma_start3A_99 = arith.constant 0 : i32
    %dma_start3A_100 = tpu.memref_slice %arg9[%dma_start3A_93, %dma_start3A_99] : memref<160x128xi32, #tpu.memory_space<vmem>> -> memref<1x128xi32, #tpu.memory_space<vmem>>
    %dma_start3A_101 = tpu.memref_squeeze %dma_start3A_100 : memref<1x128xi32, #tpu.memory_space<vmem>> -> memref<128xi32, #tpu.memory_space<vmem>>
    %dma_start3A_102 = arith.constant 0 : i32
    %dma_start3A_103 = arith.constant 0 : i32
    %dma_start3A_104 = tpu.memref_slice %arg15[%dma_start3A_102, %dma_start3A_103] : memref<10000x32xf32, #tpu.memory_space<vmem_shared>> -> memref<10000x32xf32, #tpu.memory_space<vmem_shared>>
    tpu.enqueue_indirect_dma source(%dma_start3A_104 : memref<10000x32xf32, #tpu.memory_space<vmem_shared>>) target(%dma_start3A_98 : memref<128x32xf32, #tpu.memory_space<vmem>>) offsets(%dma_start3A_101 : memref<128xi32, #tpu.memory_space<vmem>>) semaphore(%arg19 : memref<!tpu.dma_semaphore, #tpu.memory_space<semaphore_mem>>)
    %dma_start3A_105 = arith.constant 4 : i32
    %dma_start3A_106 = arith.constant 4 : i32
    %dma_start3A_107 = arith.constant 0 : i32
    %dma_start3A_108 = arith.constant 0 : i32
    %dma_start3A_109 = tpu.memref_slice %arg11[%dma_start3A_106, %dma_start3A_107, %dma_start3A_108] : memref<10x128x32xf32, #tpu.memory_space<vmem>> -> memref<1x128x32xf32, #tpu.memory_space<vmem>>
    %dma_start3A_110 = tpu.memref_squeeze %dma_start3A_109 : memref<1x128x32xf32, #tpu.memory_space<vmem>> -> memref<128x32xf32, #tpu.memory_space<vmem>>
    %dma_start3A_111 = arith.constant 0 : i32
    %dma_start3A_112 = tpu.memref_slice %arg9[%dma_start3A_105, %dma_start3A_111] : memref<160x128xi32, #tpu.memory_space<vmem>> -> memref<1x128xi32, #tpu.memory_space<vmem>>
    %dma_start3A_113 = tpu.memref_squeeze %dma_start3A_112 : memref<1x128xi32, #tpu.memory_space<vmem>> -> memref<128xi32, #tpu.memory_space<vmem>>
    %dma_start3A_114 = arith.constant 0 : i32
    %dma_start3A_115 = arith.constant 0 : i32
    %dma_start3A_116 = tpu.memref_slice %arg15[%dma_start3A_114, %dma_start3A_115] : memref<10000x32xf32, #tpu.memory_space<vmem_shared>> -> memref<10000x32xf32, #tpu.memory_space<vmem_shared>>
    tpu.enqueue_indirect_dma source(%dma_start3A_116 : memref<10000x32xf32, #tpu.memory_space<vmem_shared>>) target(%dma_start3A_110 : memref<128x32xf32, #tpu.memory_space<vmem>>) offsets(%dma_start3A_113 : memref<128xi32, #tpu.memory_space<vmem>>) semaphore(%arg20 : memref<!tpu.dma_semaphore, #tpu.memory_space<semaphore_mem>>)
    %scan3A = arith.constant 0 : i32
    %scan3A_117 = arith.constant 0 : i32
    %scan3A_118 = arith.constant 16 : i32
    %scan3A_119 = arith.addi %scan3A_117, %scan3A_118 : i32
    %scan3A_120 = arith.constant 1 : i32
    scf.for %scan3A_252 = %scan3A_117 to %scan3A_119 step %scan3A_120  : i32 {
      %mul3A_253 = arith.constant 10 : i32
      %mul3A_254 = arith.muli %scan3A_252, %mul3A_253 : i32
      %add3A = arith.constant 0 : i32
      %add3A_255 = arith.addi %mul3A_254, %add3A : i32
      %dma_wait3A_256 = arith.constant 0 : i32
      %dma_wait3A_257 = arith.constant 0 : i32
      %dma_wait3A_258 = arith.constant 0 : i32
      %dma_wait3A_259 = tpu.memref_slice %arg11[%dma_wait3A_256, %dma_wait3A_257, %dma_wait3A_258] : memref<10x128x32xf32, #tpu.memory_space<vmem>> -> memref<1x128x32xf32, #tpu.memory_space<vmem>>
      %dma_wait3A_260 = tpu.memref_squeeze %dma_wait3A_259 : memref<1x128x32xf32, #tpu.memory_space<vmem>> -> memref<128x32xf32, #tpu.memory_space<vmem>>
      %dma_wait3A_261 = arith.constant 0 : i32
      %dma_wait3A_262 = tpu.memref_slice %arg9[%add3A_255, %dma_wait3A_261] : memref<160x128xi32, #tpu.memory_space<vmem>> -> memref<1x128xi32, #tpu.memory_space<vmem>>
      %dma_wait3A_263 = tpu.memref_squeeze %dma_wait3A_262 : memref<1x128xi32, #tpu.memory_space<vmem>> -> memref<128xi32, #tpu.memory_space<vmem>>
      %dma_wait3A_264 = arith.constant 0 : i32
      %dma_wait3A_265 = arith.constant 0 : i32
      %dma_wait3A_266 = tpu.memref_slice %arg15[%dma_wait3A_264, %dma_wait3A_265] : memref<10000x32xf32, #tpu.memory_space<vmem_shared>> -> memref<10000x32xf32, #tpu.memory_space<vmem_shared>>
      tpu.wait_indirect_dma semaphore(%arg16 : memref<!tpu.dma_semaphore, #tpu.memory_space<semaphore_mem>>) src(%dma_wait3A_266 : memref<10000x32xf32, #tpu.memory_space<vmem_shared>>) dst(%dma_wait3A_260 : memref<128x32xf32, #tpu.memory_space<vmem>>)
      %dma_start3A_267 = arith.constant 0 : i32
      %dma_start3A_268 = arith.constant 0 : i32
      %dma_start3A_269 = arith.constant 0 : i32
      %dma_start3A_270 = tpu.memref_slice %arg11[%dma_start3A_267, %dma_start3A_268, %dma_start3A_269] : memref<10x128x32xf32, #tpu.memory_space<vmem>> -> memref<1x128x32xf32, #tpu.memory_space<vmem>>
      %dma_start3A_271 = tpu.memref_squeeze %dma_start3A_270 : memref<1x128x32xf32, #tpu.memory_space<vmem>> -> memref<128x32xf32, #tpu.memory_space<vmem>>
      %dma_start3A_272 = arith.constant 0 : i32
      %dma_start3A_273 = tpu.memref_slice %arg10[%add3A_255, %dma_start3A_272] : memref<160x128xi32, #tpu.memory_space<vmem>> -> memref<1x128xi32, #tpu.memory_space<vmem>>
      %dma_start3A_274 = tpu.memref_squeeze %dma_start3A_273 : memref<1x128xi32, #tpu.memory_space<vmem>> -> memref<128xi32, #tpu.memory_space<vmem>>
      %dma_start3A_275 = arith.constant 0 : i32
      %dma_start3A_276 = arith.constant 0 : i32
      %dma_start3A_277 = tpu.memref_slice %arg13[%dma_start3A_275, %dma_start3A_276] : memref<10240x32xf32, #tpu.memory_space<vmem_shared>> -> memref<10240x32xf32, #tpu.memory_space<vmem_shared>>
      tpu.enqueue_indirect_dma source(%dma_start3A_271 : memref<128x32xf32, #tpu.memory_space<vmem>>) target(%dma_start3A_277 : memref<10240x32xf32, #tpu.memory_space<vmem_shared>>) offsets(%dma_start3A_274 : memref<128xi32, #tpu.memory_space<vmem>>) semaphore(%arg26 : memref<!tpu.dma_semaphore, #tpu.memory_space<semaphore_mem>>) {add = true}
      %lt3A = arith.constant 80 : i32
      %lt3A_278 = arith.cmpi slt, %add3A_255, %lt3A : i32
      %eq3A_279 = arith.constant 0 : i32
      %eq3A_280 = arith.cmpi eq, %arg0, %eq3A_279 : i32
      %eq3A_281 = arith.xori %lt3A_278, %eq3A_280 : i1
      %eq3A_282 = arith.constant true
      %eq3A_283 = arith.xori %eq3A_281, %eq3A_282 : i1
      %convert_element_type3A_284 = arith.extui %eq3A_283 : i1 to i32
      %cond3A_285 = arith.constant 0 : i32
      %cond3A_286 = arith.cmpi ne, %convert_element_type3A_284, %cond3A_285 : i32
      scf.if %cond3A_286 {
        "tpu.region"() ({
          %run_scoped3A = tpu.sem_alloc : memref<!tpu.dma_semaphore, #tpu.memory_space<semaphore_mem>>
          %dma_start3A_779 = arith.constant 0 : i32
          %dma_start3A_780 = tpu.memref_slice %arg10[%add3A_255, %dma_start3A_779] : memref<160x128xi32, #tpu.memory_space<vmem>> -> memref<1x128xi32, #tpu.memory_space<vmem>>
          %dma_start3A_781 = tpu.memref_squeeze %dma_start3A_780 : memref<1x128xi32, #tpu.memory_space<vmem>> -> memref<128xi32, #tpu.memory_space<vmem>>
          %dma_start3A_782 = arith.constant 0 : i32
          %dma_start3A_783 = tpu.memref_slice %arg14[%dma_start3A_782] : memref<10240xf32, #tpu.memory_space<vmem_shared>> -> memref<10240xf32, #tpu.memory_space<vmem_shared>>
          tpu.enqueue_indirect_dma source(%arg12 : memref<128xf32, #tpu.memory_space<vmem>>) target(%dma_start3A_783 : memref<10240xf32, #tpu.memory_space<vmem_shared>>) offsets(%dma_start3A_781 : memref<128xi32, #tpu.memory_space<vmem>>) semaphore(%run_scoped3A : memref<!tpu.dma_semaphore, #tpu.memory_space<semaphore_mem>>) {add = true}
          %dma_wait3A_784 = arith.constant 0 : i32
          %dma_wait3A_785 = tpu.memref_slice %arg10[%add3A_255, %dma_wait3A_784] : memref<160x128xi32, #tpu.memory_space<vmem>> -> memref<1x128xi32, #tpu.memory_space<vmem>>
          %dma_wait3A_786 = tpu.memref_squeeze %dma_wait3A_785 : memref<1x128xi32, #tpu.memory_space<vmem>> -> memref<128xi32, #tpu.memory_space<vmem>>
          %dma_wait3A_787 = arith.constant 0 : i32
          %dma_wait3A_788 = tpu.memref_slice %arg14[%dma_wait3A_787] : memref<10240xf32, #tpu.memory_space<vmem_shared>> -> memref<10240xf32, #tpu.memory_space<vmem_shared>>
          tpu.wait_indirect_dma semaphore(%run_scoped3A : memref<!tpu.dma_semaphore, #tpu.memory_space<semaphore_mem>>) src(%arg12 : memref<128xf32, #tpu.memory_space<vmem>>) dst(%dma_wait3A_788 : memref<10240xf32, #tpu.memory_space<vmem_shared>>)
          tpu.yield
        }) : () -> ()
      } else {
      }
      %add3A_287 = arith.constant 5 : i32
      %add3A_288 = arith.addi %add3A_255, %add3A_287 : i32
      %lt3A_289 = arith.constant 160 : i32
      %lt3A_290 = arith.cmpi slt, %add3A_288, %lt3A_289 : i32
      %ge3A = arith.constant 5 : i32
      %ge3A_291 = arith.cmpi sge, %add3A_255, %ge3A : i32
      %and3A = arith.andi %lt3A_290, %ge3A_291 : i1
      %convert_element_type3A_292 = arith.extui %and3A : i1 to i32
      %cond3A_293 = arith.constant 0 : i32
      %cond3A_294 = arith.cmpi ne, %convert_element_type3A_292, %cond3A_293 : i32
      scf.if %cond3A_294 {
        %dma_wait3A_779 = arith.constant 5 : i32
        %dma_wait3A_780 = arith.constant 0 : i32
        %dma_wait3A_781 = arith.constant 0 : i32
        %dma_wait3A_782 = arith.constant 0 : i32
        %dma_wait3A_783 = tpu.memref_slice %arg11[%dma_wait3A_779, %dma_wait3A_781, %dma_wait3A_782] : memref<10x128x32xf32, #tpu.memory_space<vmem>> -> memref<1x128x32xf32, #tpu.memory_space<vmem>>
        %dma_wait3A_784 = tpu.memref_squeeze %dma_wait3A_783 : memref<1x128x32xf32, #tpu.memory_space<vmem>> -> memref<128x32xf32, #tpu.memory_space<vmem>>
        %dma_wait3A_785 = arith.constant 0 : i32
        %dma_wait3A_786 = tpu.memref_slice %arg10[%dma_wait3A_780, %dma_wait3A_785] : memref<160x128xi32, #tpu.memory_space<vmem>> -> memref<1x128xi32, #tpu.memory_space<vmem>>
        %dma_wait3A_787 = tpu.memref_squeeze %dma_wait3A_786 : memref<1x128xi32, #tpu.memory_space<vmem>> -> memref<128xi32, #tpu.memory_space<vmem>>
        %dma_wait3A_788 = arith.constant 0 : i32
        %dma_wait3A_789 = arith.constant 0 : i32
        %dma_wait3A_790 = tpu.memref_slice %arg13[%dma_wait3A_788, %dma_wait3A_789] : memref<10240x32xf32, #tpu.memory_space<vmem_shared>> -> memref<10240x32xf32, #tpu.memory_space<vmem_shared>>
        tpu.wait_indirect_dma semaphore(%arg31 : memref<!tpu.dma_semaphore, #tpu.memory_space<semaphore_mem>>) src(%dma_wait3A_784 : memref<128x32xf32, #tpu.memory_space<vmem>>) dst(%dma_wait3A_790 : memref<10240x32xf32, #tpu.memory_space<vmem_shared>>)
      } else {
      }
      %add3A_295 = arith.constant 5 : i32
      %add3A_296 = arith.addi %add3A_255, %add3A_295 : i32
      %lt3A_297 = arith.constant 160 : i32
      %lt3A_298 = arith.cmpi slt, %add3A_296, %lt3A_297 : i32
      %convert_element_type3A_299 = arith.extui %lt3A_298 : i1 to i32
      %cond3A_300 = arith.constant 0 : i32
      %cond3A_301 = arith.cmpi ne, %convert_element_type3A_299, %cond3A_300 : i32
      scf.if %cond3A_301 {
        %add3A_779 = arith.constant 5 : i32
        %add3A_780 = arith.addi %add3A_255, %add3A_779 : i32
        %dma_start3A_781 = arith.constant 5 : i32
        %dma_start3A_782 = arith.constant 0 : i32
        %dma_start3A_783 = arith.constant 0 : i32
        %dma_start3A_784 = tpu.memref_slice %arg11[%dma_start3A_781, %dma_start3A_782, %dma_start3A_783] : memref<10x128x32xf32, #tpu.memory_space<vmem>> -> memref<1x128x32xf32, #tpu.memory_space<vmem>>
        %dma_start3A_785 = tpu.memref_squeeze %dma_start3A_784 : memref<1x128x32xf32, #tpu.memory_space<vmem>> -> memref<128x32xf32, #tpu.memory_space<vmem>>
        %dma_start3A_786 = arith.constant 0 : i32
        %dma_start3A_787 = tpu.memref_slice %arg9[%add3A_780, %dma_start3A_786] : memref<160x128xi32, #tpu.memory_space<vmem>> -> memref<1x128xi32, #tpu.memory_space<vmem>>
        %dma_start3A_788 = tpu.memref_squeeze %dma_start3A_787 : memref<1x128xi32, #tpu.memory_space<vmem>> -> memref<128xi32, #tpu.memory_space<vmem>>
        %dma_start3A_789 = arith.constant 0 : i32
        %dma_start3A_790 = arith.constant 0 : i32
        %dma_start3A_791 = tpu.memref_slice %arg15[%dma_start3A_789, %dma_start3A_790] : memref<10000x32xf32, #tpu.memory_space<vmem_shared>> -> memref<10000x32xf32, #tpu.memory_space<vmem_shared>>
        tpu.enqueue_indirect_dma source(%dma_start3A_791 : memref<10000x32xf32, #tpu.memory_space<vmem_shared>>) target(%dma_start3A_785 : memref<128x32xf32, #tpu.memory_space<vmem>>) offsets(%dma_start3A_788 : memref<128xi32, #tpu.memory_space<vmem>>) semaphore(%arg21 : memref<!tpu.dma_semaphore, #tpu.memory_space<semaphore_mem>>)
      } else {
      }
      %mul3A_302 = arith.constant 10 : i32
      %mul3A_303 = arith.muli %scan3A_252, %mul3A_302 : i32
      %add3A_304 = arith.constant 1 : i32
      %add3A_305 = arith.addi %mul3A_303, %add3A_304 : i32
      %dma_wait3A_306 = arith.constant 1 : i32
      %dma_wait3A_307 = arith.constant 0 : i32
      %dma_wait3A_308 = arith.constant 0 : i32
      %dma_wait3A_309 = tpu.memref_slice %arg11[%dma_wait3A_306, %dma_wait3A_307, %dma_wait3A_308] : memref<10x128x32xf32, #tpu.memory_space<vmem>> -> memref<1x128x32xf32, #tpu.memory_space<vmem>>
      %dma_wait3A_310 = tpu.memref_squeeze %dma_wait3A_309 : memref<1x128x32xf32, #tpu.memory_space<vmem>> -> memref<128x32xf32, #tpu.memory_space<vmem>>
      %dma_wait3A_311 = arith.constant 0 : i32
      %dma_wait3A_312 = tpu.memref_slice %arg9[%add3A_305, %dma_wait3A_311] : memref<160x128xi32, #tpu.memory_space<vmem>> -> memref<1x128xi32, #tpu.memory_space<vmem>>
      %dma_wait3A_313 = tpu.memref_squeeze %dma_wait3A_312 : memref<1x128xi32, #tpu.memory_space<vmem>> -> memref<128xi32, #tpu.memory_space<vmem>>
      %dma_wait3A_314 = arith.constant 0 : i32
      %dma_wait3A_315 = arith.constant 0 : i32
      %dma_wait3A_316 = tpu.memref_slice %arg15[%dma_wait3A_314, %dma_wait3A_315] : memref<10000x32xf32, #tpu.memory_space<vmem_shared>> -> memref<10000x32xf32, #tpu.memory_space<vmem_shared>>
      tpu.wait_indirect_dma semaphore(%arg17 : memref<!tpu.dma_semaphore, #tpu.memory_space<semaphore_mem>>) src(%dma_wait3A_316 : memref<10000x32xf32, #tpu.memory_space<vmem_shared>>) dst(%dma_wait3A_310 : memref<128x32xf32, #tpu.memory_space<vmem>>)
      %dma_start3A_317 = arith.constant 1 : i32
      %dma_start3A_318 = arith.constant 0 : i32
      %dma_start3A_319 = arith.constant 0 : i32
      %dma_start3A_320 = tpu.memref_slice %arg11[%dma_start3A_317, %dma_start3A_318, %dma_start3A_319] : memref<10x128x32xf32, #tpu.memory_space<vmem>> -> memref<1x128x32xf32, #tpu.memory_space<vmem>>
      %dma_start3A_321 = tpu.memref_squeeze %dma_start3A_320 : memref<1x128x32xf32, #tpu.memory_space<vmem>> -> memref<128x32xf32, #tpu.memory_space<vmem>>
      %dma_start3A_322 = arith.constant 0 : i32
      %dma_start3A_323 = tpu.memref_slice %arg10[%add3A_305, %dma_start3A_322] : memref<160x128xi32, #tpu.memory_space<vmem>> -> memref<1x128xi32, #tpu.memory_space<vmem>>
      %dma_start3A_324 = tpu.memref_squeeze %dma_start3A_323 : memref<1x128xi32, #tpu.memory_space<vmem>> -> memref<128xi32, #tpu.memory_space<vmem>>
      %dma_start3A_325 = arith.constant 0 : i32
      %dma_start3A_326 = arith.constant 0 : i32
      %dma_start3A_327 = tpu.memref_slice %arg13[%dma_start3A_325, %dma_start3A_326] : memref<10240x32xf32, #tpu.memory_space<vmem_shared>> -> memref<10240x32xf32, #tpu.memory_space<vmem_shared>>
      tpu.enqueue_indirect_dma source(%dma_start3A_321 : memref<128x32xf32, #tpu.memory_space<vmem>>) target(%dma_start3A_327 : memref<10240x32xf32, #tpu.memory_space<vmem_shared>>) offsets(%dma_start3A_324 : memref<128xi32, #tpu.memory_space<vmem>>) semaphore(%arg27 : memref<!tpu.dma_semaphore, #tpu.memory_space<semaphore_mem>>) {add = true}
      %lt3A_328 = arith.constant 80 : i32
      %lt3A_329 = arith.cmpi slt, %add3A_305, %lt3A_328 : i32
      %eq3A_330 = arith.constant 0 : i32
      %eq3A_331 = arith.cmpi eq, %arg0, %eq3A_330 : i32
      %eq3A_332 = arith.xori %lt3A_329, %eq3A_331 : i1
      %eq3A_333 = arith.constant true
      %eq3A_334 = arith.xori %eq3A_332, %eq3A_333 : i1
      %convert_element_type3A_335 = arith.extui %eq3A_334 : i1 to i32
      %cond3A_336 = arith.constant 0 : i32
      %cond3A_337 = arith.cmpi ne, %convert_element_type3A_335, %cond3A_336 : i32
      scf.if %cond3A_337 {
        "tpu.region"() ({
          %run_scoped3A = tpu.sem_alloc : memref<!tpu.dma_semaphore, #tpu.memory_space<semaphore_mem>>
          %dma_start3A_779 = arith.constant 0 : i32
          %dma_start3A_780 = tpu.memref_slice %arg10[%add3A_305, %dma_start3A_779] : memref<160x128xi32, #tpu.memory_space<vmem>> -> memref<1x128xi32, #tpu.memory_space<vmem>>
          %dma_start3A_781 = tpu.memref_squeeze %dma_start3A_780 : memref<1x128xi32, #tpu.memory_space<vmem>> -> memref<128xi32, #tpu.memory_space<vmem>>
          %dma_start3A_782 = arith.constant 0 : i32
          %dma_start3A_783 = tpu.memref_slice %arg14[%dma_start3A_782] : memref<10240xf32, #tpu.memory_space<vmem_shared>> -> memref<10240xf32, #tpu.memory_space<vmem_shared>>
          tpu.enqueue_indirect_dma source(%arg12 : memref<128xf32, #tpu.memory_space<vmem>>) target(%dma_start3A_783 : memref<10240xf32, #tpu.memory_space<vmem_shared>>) offsets(%dma_start3A_781 : memref<128xi32, #tpu.memory_space<vmem>>) semaphore(%run_scoped3A : memref<!tpu.dma_semaphore, #tpu.memory_space<semaphore_mem>>) {add = true}
          %dma_wait3A_784 = arith.constant 0 : i32
          %dma_wait3A_785 = tpu.memref_slice %arg10[%add3A_305, %dma_wait3A_784] : memref<160x128xi32, #tpu.memory_space<vmem>> -> memref<1x128xi32, #tpu.memory_space<vmem>>
          %dma_wait3A_786 = tpu.memref_squeeze %dma_wait3A_785 : memref<1x128xi32, #tpu.memory_space<vmem>> -> memref<128xi32, #tpu.memory_space<vmem>>
          %dma_wait3A_787 = arith.constant 0 : i32
          %dma_wait3A_788 = tpu.memref_slice %arg14[%dma_wait3A_787] : memref<10240xf32, #tpu.memory_space<vmem_shared>> -> memref<10240xf32, #tpu.memory_space<vmem_shared>>
          tpu.wait_indirect_dma semaphore(%run_scoped3A : memref<!tpu.dma_semaphore, #tpu.memory_space<semaphore_mem>>) src(%arg12 : memref<128xf32, #tpu.memory_space<vmem>>) dst(%dma_wait3A_788 : memref<10240xf32, #tpu.memory_space<vmem_shared>>)
          tpu.yield
        }) : () -> ()
      } else {
      }
      %add3A_338 = arith.constant 5 : i32
      %add3A_339 = arith.addi %add3A_305, %add3A_338 : i32
      %lt3A_340 = arith.constant 160 : i32
      %lt3A_341 = arith.cmpi slt, %add3A_339, %lt3A_340 : i32
      %ge3A_342 = arith.constant 5 : i32
      %ge3A_343 = arith.cmpi sge, %add3A_305, %ge3A_342 : i32
      %and3A_344 = arith.andi %lt3A_341, %ge3A_343 : i1
      %convert_element_type3A_345 = arith.extui %and3A_344 : i1 to i32
      %cond3A_346 = arith.constant 0 : i32
      %cond3A_347 = arith.cmpi ne, %convert_element_type3A_345, %cond3A_346 : i32
      scf.if %cond3A_347 {
        %dma_wait3A_779 = arith.constant 6 : i32
        %dma_wait3A_780 = arith.constant 0 : i32
        %dma_wait3A_781 = arith.constant 0 : i32
        %dma_wait3A_782 = arith.constant 0 : i32
        %dma_wait3A_783 = tpu.memref_slice %arg11[%dma_wait3A_779, %dma_wait3A_781, %dma_wait3A_782] : memref<10x128x32xf32, #tpu.memory_space<vmem>> -> memref<1x128x32xf32, #tpu.memory_space<vmem>>
        %dma_wait3A_784 = tpu.memref_squeeze %dma_wait3A_783 : memref<1x128x32xf32, #tpu.memory_space<vmem>> -> memref<128x32xf32, #tpu.memory_space<vmem>>
        %dma_wait3A_785 = arith.constant 0 : i32
        %dma_wait3A_786 = tpu.memref_slice %arg10[%dma_wait3A_780, %dma_wait3A_785] : memref<160x128xi32, #tpu.memory_space<vmem>> -> memref<1x128xi32, #tpu.memory_space<vmem>>
        %dma_wait3A_787 = tpu.memref_squeeze %dma_wait3A_786 : memref<1x128xi32, #tpu.memory_space<vmem>> -> memref<128xi32, #tpu.memory_space<vmem>>
        %dma_wait3A_788 = arith.constant 0 : i32
        %dma_wait3A_789 = arith.constant 0 : i32
        %dma_wait3A_790 = tpu.memref_slice %arg13[%dma_wait3A_788, %dma_wait3A_789] : memref<10240x32xf32, #tpu.memory_space<vmem_shared>> -> memref<10240x32xf32, #tpu.memory_space<vmem_shared>>
        tpu.wait_indirect_dma semaphore(%arg32 : memref<!tpu.dma_semaphore, #tpu.memory_space<semaphore_mem>>) src(%dma_wait3A_784 : memref<128x32xf32, #tpu.memory_space<vmem>>) dst(%dma_wait3A_790 : memref<10240x32xf32, #tpu.memory_space<vmem_shared>>)
      } else {
      }
      %add3A_348 = arith.constant 5 : i32
      %add3A_349 = arith.addi %add3A_305, %add3A_348 : i32
      %lt3A_350 = arith.constant 160 : i32
      %lt3A_351 = arith.cmpi slt, %add3A_349, %lt3A_350 : i32
      %convert_element_type3A_352 = arith.extui %lt3A_351 : i1 to i32
      %cond3A_353 = arith.constant 0 : i32
      %cond3A_354 = arith.cmpi ne, %convert_element_type3A_352, %cond3A_353 : i32
      scf.if %cond3A_354 {
        %add3A_779 = arith.constant 5 : i32
        %add3A_780 = arith.addi %add3A_305, %add3A_779 : i32
        %dma_start3A_781 = arith.constant 6 : i32
        %dma_start3A_782 = arith.constant 0 : i32
        %dma_start3A_783 = arith.constant 0 : i32
        %dma_start3A_784 = tpu.memref_slice %arg11[%dma_start3A_781, %dma_start3A_782, %dma_start3A_783] : memref<10x128x32xf32, #tpu.memory_space<vmem>> -> memref<1x128x32xf32, #tpu.memory_space<vmem>>
        %dma_start3A_785 = tpu.memref_squeeze %dma_start3A_784 : memref<1x128x32xf32, #tpu.memory_space<vmem>> -> memref<128x32xf32, #tpu.memory_space<vmem>>
        %dma_start3A_786 = arith.constant 0 : i32
        %dma_start3A_787 = tpu.memref_slice %arg9[%add3A_780, %dma_start3A_786] : memref<160x128xi32, #tpu.memory_space<vmem>> -> memref<1x128xi32, #tpu.memory_space<vmem>>
        %dma_start3A_788 = tpu.memref_squeeze %dma_start3A_787 : memref<1x128xi32, #tpu.memory_space<vmem>> -> memref<128xi32, #tpu.memory_space<vmem>>
        %dma_start3A_789 = arith.constant 0 : i32
        %dma_start3A_790 = arith.constant 0 : i32
        %dma_start3A_791 = tpu.memref_slice %arg15[%dma_start3A_789, %dma_start3A_790] : memref<10000x32xf32, #tpu.memory_space<vmem_shared>> -> memref<10000x32xf32, #tpu.memory_space<vmem_shared>>
        tpu.enqueue_indirect_dma source(%dma_start3A_791 : memref<10000x32xf32, #tpu.memory_space<vmem_shared>>) target(%dma_start3A_785 : memref<128x32xf32, #tpu.memory_space<vmem>>) offsets(%dma_start3A_788 : memref<128xi32, #tpu.memory_space<vmem>>) semaphore(%arg22 : memref<!tpu.dma_semaphore, #tpu.memory_space<semaphore_mem>>)
      } else {
      }
      %mul3A_355 = arith.constant 10 : i32
      %mul3A_356 = arith.muli %scan3A_252, %mul3A_355 : i32
      %add3A_357 = arith.constant 2 : i32
      %add3A_358 = arith.addi %mul3A_356, %add3A_357 : i32
      %dma_wait3A_359 = arith.constant 2 : i32
      %dma_wait3A_360 = arith.constant 0 : i32
      %dma_wait3A_361 = arith.constant 0 : i32
      %dma_wait3A_362 = tpu.memref_slice %arg11[%dma_wait3A_359, %dma_wait3A_360, %dma_wait3A_361] : memref<10x128x32xf32, #tpu.memory_space<vmem>> -> memref<1x128x32xf32, #tpu.memory_space<vmem>>
      %dma_wait3A_363 = tpu.memref_squeeze %dma_wait3A_362 : memref<1x128x32xf32, #tpu.memory_space<vmem>> -> memref<128x32xf32, #tpu.memory_space<vmem>>
      %dma_wait3A_364 = arith.constant 0 : i32
      %dma_wait3A_365 = tpu.memref_slice %arg9[%add3A_358, %dma_wait3A_364] : memref<160x128xi32, #tpu.memory_space<vmem>> -> memref<1x128xi32, #tpu.memory_space<vmem>>
      %dma_wait3A_366 = tpu.memref_squeeze %dma_wait3A_365 : memref<1x128xi32, #tpu.memory_space<vmem>> -> memref<128xi32, #tpu.memory_space<vmem>>
      %dma_wait3A_367 = arith.constant 0 : i32
      %dma_wait3A_368 = arith.constant 0 : i32
      %dma_wait3A_369 = tpu.memref_slice %arg15[%dma_wait3A_367, %dma_wait3A_368] : memref<10000x32xf32, #tpu.memory_space<vmem_shared>> -> memref<10000x32xf32, #tpu.memory_space<vmem_shared>>
      tpu.wait_indirect_dma semaphore(%arg18 : memref<!tpu.dma_semaphore, #tpu.memory_space<semaphore_mem>>) src(%dma_wait3A_369 : memref<10000x32xf32, #tpu.memory_space<vmem_shared>>) dst(%dma_wait3A_363 : memref<128x32xf32, #tpu.memory_space<vmem>>)
      %dma_start3A_370 = arith.constant 2 : i32
      %dma_start3A_371 = arith.constant 0 : i32
      %dma_start3A_372 = arith.constant 0 : i32
      %dma_start3A_373 = tpu.memref_slice %arg11[%dma_start3A_370, %dma_start3A_371, %dma_start3A_372] : memref<10x128x32xf32, #tpu.memory_space<vmem>> -> memref<1x128x32xf32, #tpu.memory_space<vmem>>
      %dma_start3A_374 = tpu.memref_squeeze %dma_start3A_373 : memref<1x128x32xf32, #tpu.memory_space<vmem>> -> memref<128x32xf32, #tpu.memory_space<vmem>>
      %dma_start3A_375 = arith.constant 0 : i32
      %dma_start3A_376 = tpu.memref_slice %arg10[%add3A_358, %dma_start3A_375] : memref<160x128xi32, #tpu.memory_space<vmem>> -> memref<1x128xi32, #tpu.memory_space<vmem>>
      %dma_start3A_377 = tpu.memref_squeeze %dma_start3A_376 : memref<1x128xi32, #tpu.memory_space<vmem>> -> memref<128xi32, #tpu.memory_space<vmem>>
      %dma_start3A_378 = arith.constant 0 : i32
      %dma_start3A_379 = arith.constant 0 : i32
      %dma_start3A_380 = tpu.memref_slice %arg13[%dma_start3A_378, %dma_start3A_379] : memref<10240x32xf32, #tpu.memory_space<vmem_shared>> -> memref<10240x32xf32, #tpu.memory_space<vmem_shared>>
      tpu.enqueue_indirect_dma source(%dma_start3A_374 : memref<128x32xf32, #tpu.memory_space<vmem>>) target(%dma_start3A_380 : memref<10240x32xf32, #tpu.memory_space<vmem_shared>>) offsets(%dma_start3A_377 : memref<128xi32, #tpu.memory_space<vmem>>) semaphore(%arg28 : memref<!tpu.dma_semaphore, #tpu.memory_space<semaphore_mem>>) {add = true}
      %lt3A_381 = arith.constant 80 : i32
      %lt3A_382 = arith.cmpi slt, %add3A_358, %lt3A_381 : i32
      %eq3A_383 = arith.constant 0 : i32
      %eq3A_384 = arith.cmpi eq, %arg0, %eq3A_383 : i32
      %eq3A_385 = arith.xori %lt3A_382, %eq3A_384 : i1
      %eq3A_386 = arith.constant true
      %eq3A_387 = arith.xori %eq3A_385, %eq3A_386 : i1
      %convert_element_type3A_388 = arith.extui %eq3A_387 : i1 to i32
      %cond3A_389 = arith.constant 0 : i32
      %cond3A_390 = arith.cmpi ne, %convert_element_type3A_388, %cond3A_389 : i32
      scf.if %cond3A_390 {
        "tpu.region"() ({
          %run_scoped3A = tpu.sem_alloc : memref<!tpu.dma_semaphore, #tpu.memory_space<semaphore_mem>>
          %dma_start3A_779 = arith.constant 0 : i32
          %dma_start3A_780 = tpu.memref_slice %arg10[%add3A_358, %dma_start3A_779] : memref<160x128xi32, #tpu.memory_space<vmem>> -> memref<1x128xi32, #tpu.memory_space<vmem>>
          %dma_start3A_781 = tpu.memref_squeeze %dma_start3A_780 : memref<1x128xi32, #tpu.memory_space<vmem>> -> memref<128xi32, #tpu.memory_space<vmem>>
          %dma_start3A_782 = arith.constant 0 : i32
          %dma_start3A_783 = tpu.memref_slice %arg14[%dma_start3A_782] : memref<10240xf32, #tpu.memory_space<vmem_shared>> -> memref<10240xf32, #tpu.memory_space<vmem_shared>>
          tpu.enqueue_indirect_dma source(%arg12 : memref<128xf32, #tpu.memory_space<vmem>>) target(%dma_start3A_783 : memref<10240xf32, #tpu.memory_space<vmem_shared>>) offsets(%dma_start3A_781 : memref<128xi32, #tpu.memory_space<vmem>>) semaphore(%run_scoped3A : memref<!tpu.dma_semaphore, #tpu.memory_space<semaphore_mem>>) {add = true}
          %dma_wait3A_784 = arith.constant 0 : i32
          %dma_wait3A_785 = tpu.memref_slice %arg10[%add3A_358, %dma_wait3A_784] : memref<160x128xi32, #tpu.memory_space<vmem>> -> memref<1x128xi32, #tpu.memory_space<vmem>>
          %dma_wait3A_786 = tpu.memref_squeeze %dma_wait3A_785 : memref<1x128xi32, #tpu.memory_space<vmem>> -> memref<128xi32, #tpu.memory_space<vmem>>
          %dma_wait3A_787 = arith.constant 0 : i32
          %dma_wait3A_788 = tpu.memref_slice %arg14[%dma_wait3A_787] : memref<10240xf32, #tpu.memory_space<vmem_shared>> -> memref<10240xf32, #tpu.memory_space<vmem_shared>>
          tpu.wait_indirect_dma semaphore(%run_scoped3A : memref<!tpu.dma_semaphore, #tpu.memory_space<semaphore_mem>>) src(%arg12 : memref<128xf32, #tpu.memory_space<vmem>>) dst(%dma_wait3A_788 : memref<10240xf32, #tpu.memory_space<vmem_shared>>)
          tpu.yield
        }) : () -> ()
      } else {
      }
      %add3A_391 = arith.constant 5 : i32
      %add3A_392 = arith.addi %add3A_358, %add3A_391 : i32
      %lt3A_393 = arith.constant 160 : i32
      %lt3A_394 = arith.cmpi slt, %add3A_392, %lt3A_393 : i32
      %ge3A_395 = arith.constant 5 : i32
      %ge3A_396 = arith.cmpi sge, %add3A_358, %ge3A_395 : i32
      %and3A_397 = arith.andi %lt3A_394, %ge3A_396 : i1
      %convert_element_type3A_398 = arith.extui %and3A_397 : i1 to i32
      %cond3A_399 = arith.constant 0 : i32
      %cond3A_400 = arith.cmpi ne, %convert_element_type3A_398, %cond3A_399 : i32
      scf.if %cond3A_400 {
        %dma_wait3A_779 = arith.constant 7 : i32
        %dma_wait3A_780 = arith.constant 0 : i32
        %dma_wait3A_781 = arith.constant 0 : i32
        %dma_wait3A_782 = arith.constant 0 : i32
        %dma_wait3A_783 = tpu.memref_slice %arg11[%dma_wait3A_779, %dma_wait3A_781, %dma_wait3A_782] : memref<10x128x32xf32, #tpu.memory_space<vmem>> -> memref<1x128x32xf32, #tpu.memory_space<vmem>>
        %dma_wait3A_784 = tpu.memref_squeeze %dma_wait3A_783 : memref<1x128x32xf32, #tpu.memory_space<vmem>> -> memref<128x32xf32, #tpu.memory_space<vmem>>
        %dma_wait3A_785 = arith.constant 0 : i32
        %dma_wait3A_786 = tpu.memref_slice %arg10[%dma_wait3A_780, %dma_wait3A_785] : memref<160x128xi32, #tpu.memory_space<vmem>> -> memref<1x128xi32, #tpu.memory_space<vmem>>
        %dma_wait3A_787 = tpu.memref_squeeze %dma_wait3A_786 : memref<1x128xi32, #tpu.memory_space<vmem>> -> memref<128xi32, #tpu.memory_space<vmem>>
        %dma_wait3A_788 = arith.constant 0 : i32
        %dma_wait3A_789 = arith.constant 0 : i32
        %dma_wait3A_790 = tpu.memref_slice %arg13[%dma_wait3A_788, %dma_wait3A_789] : memref<10240x32xf32, #tpu.memory_space<vmem_shared>> -> memref<10240x32xf32, #tpu.memory_space<vmem_shared>>
        tpu.wait_indirect_dma semaphore(%arg33 : memref<!tpu.dma_semaphore, #tpu.memory_space<semaphore_mem>>) src(%dma_wait3A_784 : memref<128x32xf32, #tpu.memory_space<vmem>>) dst(%dma_wait3A_790 : memref<10240x32xf32, #tpu.memory_space<vmem_shared>>)
      } else {
      }
      %add3A_401 = arith.constant 5 : i32
      %add3A_402 = arith.addi %add3A_358, %add3A_401 : i32
      %lt3A_403 = arith.constant 160 : i32
      %lt3A_404 = arith.cmpi slt, %add3A_402, %lt3A_403 : i32
      %convert_element_type3A_405 = arith.extui %lt3A_404 : i1 to i32
      %cond3A_406 = arith.constant 0 : i32
      %cond3A_407 = arith.cmpi ne, %convert_element_type3A_405, %cond3A_406 : i32
      scf.if %cond3A_407 {
        %add3A_779 = arith.constant 5 : i32
        %add3A_780 = arith.addi %add3A_358, %add3A_779 : i32
        %dma_start3A_781 = arith.constant 7 : i32
        %dma_start3A_782 = arith.constant 0 : i32
        %dma_start3A_783 = arith.constant 0 : i32
        %dma_start3A_784 = tpu.memref_slice %arg11[%dma_start3A_781, %dma_start3A_782, %dma_start3A_783] : memref<10x128x32xf32, #tpu.memory_space<vmem>> -> memref<1x128x32xf32, #tpu.memory_space<vmem>>
        %dma_start3A_785 = tpu.memref_squeeze %dma_start3A_784 : memref<1x128x32xf32, #tpu.memory_space<vmem>> -> memref<128x32xf32, #tpu.memory_space<vmem>>
        %dma_start3A_786 = arith.constant 0 : i32
        %dma_start3A_787 = tpu.memref_slice %arg9[%add3A_780, %dma_start3A_786] : memref<160x128xi32, #tpu.memory_space<vmem>> -> memref<1x128xi32, #tpu.memory_space<vmem>>
        %dma_start3A_788 = tpu.memref_squeeze %dma_start3A_787 : memref<1x128xi32, #tpu.memory_space<vmem>> -> memref<128xi32, #tpu.memory_space<vmem>>
        %dma_start3A_789 = arith.constant 0 : i32
        %dma_start3A_790 = arith.constant 0 : i32
        %dma_start3A_791 = tpu.memref_slice %arg15[%dma_start3A_789, %dma_start3A_790] : memref<10000x32xf32, #tpu.memory_space<vmem_shared>> -> memref<10000x32xf32, #tpu.memory_space<vmem_shared>>
        tpu.enqueue_indirect_dma source(%dma_start3A_791 : memref<10000x32xf32, #tpu.memory_space<vmem_shared>>) target(%dma_start3A_785 : memref<128x32xf32, #tpu.memory_space<vmem>>) offsets(%dma_start3A_788 : memref<128xi32, #tpu.memory_space<vmem>>) semaphore(%arg23 : memref<!tpu.dma_semaphore, #tpu.memory_space<semaphore_mem>>)
      } else {
      }
      %mul3A_408 = arith.constant 10 : i32
      %mul3A_409 = arith.muli %scan3A_252, %mul3A_408 : i32
      %add3A_410 = arith.constant 3 : i32
      %add3A_411 = arith.addi %mul3A_409, %add3A_410 : i32
      %dma_wait3A_412 = arith.constant 3 : i32
      %dma_wait3A_413 = arith.constant 0 : i32
      %dma_wait3A_414 = arith.constant 0 : i32
      %dma_wait3A_415 = tpu.memref_slice %arg11[%dma_wait3A_412, %dma_wait3A_413, %dma_wait3A_414] : memref<10x128x32xf32, #tpu.memory_space<vmem>> -> memref<1x128x32xf32, #tpu.memory_space<vmem>>
      %dma_wait3A_416 = tpu.memref_squeeze %dma_wait3A_415 : memref<1x128x32xf32, #tpu.memory_space<vmem>> -> memref<128x32xf32, #tpu.memory_space<vmem>>
      %dma_wait3A_417 = arith.constant 0 : i32
      %dma_wait3A_418 = tpu.memref_slice %arg9[%add3A_411, %dma_wait3A_417] : memref<160x128xi32, #tpu.memory_space<vmem>> -> memref<1x128xi32, #tpu.memory_space<vmem>>
      %dma_wait3A_419 = tpu.memref_squeeze %dma_wait3A_418 : memref<1x128xi32, #tpu.memory_space<vmem>> -> memref<128xi32, #tpu.memory_space<vmem>>
      %dma_wait3A_420 = arith.constant 0 : i32
      %dma_wait3A_421 = arith.constant 0 : i32
      %dma_wait3A_422 = tpu.memref_slice %arg15[%dma_wait3A_420, %dma_wait3A_421] : memref<10000x32xf32, #tpu.memory_space<vmem_shared>> -> memref<10000x32xf32, #tpu.memory_space<vmem_shared>>
      tpu.wait_indirect_dma semaphore(%arg19 : memref<!tpu.dma_semaphore, #tpu.memory_space<semaphore_mem>>) src(%dma_wait3A_422 : memref<10000x32xf32, #tpu.memory_space<vmem_shared>>) dst(%dma_wait3A_416 : memref<128x32xf32, #tpu.memory_space<vmem>>)
      %dma_start3A_423 = arith.constant 3 : i32
      %dma_start3A_424 = arith.constant 0 : i32
      %dma_start3A_425 = arith.constant 0 : i32
      %dma_start3A_426 = tpu.memref_slice %arg11[%dma_start3A_423, %dma_start3A_424, %dma_start3A_425] : memref<10x128x32xf32, #tpu.memory_space<vmem>> -> memref<1x128x32xf32, #tpu.memory_space<vmem>>
      %dma_start3A_427 = tpu.memref_squeeze %dma_start3A_426 : memref<1x128x32xf32, #tpu.memory_space<vmem>> -> memref<128x32xf32, #tpu.memory_space<vmem>>
      %dma_start3A_428 = arith.constant 0 : i32
      %dma_start3A_429 = tpu.memref_slice %arg10[%add3A_411, %dma_start3A_428] : memref<160x128xi32, #tpu.memory_space<vmem>> -> memref<1x128xi32, #tpu.memory_space<vmem>>
      %dma_start3A_430 = tpu.memref_squeeze %dma_start3A_429 : memref<1x128xi32, #tpu.memory_space<vmem>> -> memref<128xi32, #tpu.memory_space<vmem>>
      %dma_start3A_431 = arith.constant 0 : i32
      %dma_start3A_432 = arith.constant 0 : i32
      %dma_start3A_433 = tpu.memref_slice %arg13[%dma_start3A_431, %dma_start3A_432] : memref<10240x32xf32, #tpu.memory_space<vmem_shared>> -> memref<10240x32xf32, #tpu.memory_space<vmem_shared>>
      tpu.enqueue_indirect_dma source(%dma_start3A_427 : memref<128x32xf32, #tpu.memory_space<vmem>>) target(%dma_start3A_433 : memref<10240x32xf32, #tpu.memory_space<vmem_shared>>) offsets(%dma_start3A_430 : memref<128xi32, #tpu.memory_space<vmem>>) semaphore(%arg29 : memref<!tpu.dma_semaphore, #tpu.memory_space<semaphore_mem>>) {add = true}
      %lt3A_434 = arith.constant 80 : i32
      %lt3A_435 = arith.cmpi slt, %add3A_411, %lt3A_434 : i32
      %eq3A_436 = arith.constant 0 : i32
      %eq3A_437 = arith.cmpi eq, %arg0, %eq3A_436 : i32
      %eq3A_438 = arith.xori %lt3A_435, %eq3A_437 : i1
      %eq3A_439 = arith.constant true
      %eq3A_440 = arith.xori %eq3A_438, %eq3A_439 : i1
      %convert_element_type3A_441 = arith.extui %eq3A_440 : i1 to i32
      %cond3A_442 = arith.constant 0 : i32
      %cond3A_443 = arith.cmpi ne, %convert_element_type3A_441, %cond3A_442 : i32
      scf.if %cond3A_443 {
        "tpu.region"() ({
          %run_scoped3A = tpu.sem_alloc : memref<!tpu.dma_semaphore, #tpu.memory_space<semaphore_mem>>
          %dma_start3A_779 = arith.constant 0 : i32
          %dma_start3A_780 = tpu.memref_slice %arg10[%add3A_411, %dma_start3A_779] : memref<160x128xi32, #tpu.memory_space<vmem>> -> memref<1x128xi32, #tpu.memory_space<vmem>>
          %dma_start3A_781 = tpu.memref_squeeze %dma_start3A_780 : memref<1x128xi32, #tpu.memory_space<vmem>> -> memref<128xi32, #tpu.memory_space<vmem>>
          %dma_start3A_782 = arith.constant 0 : i32
          %dma_start3A_783 = tpu.memref_slice %arg14[%dma_start3A_782] : memref<10240xf32, #tpu.memory_space<vmem_shared>> -> memref<10240xf32, #tpu.memory_space<vmem_shared>>
          tpu.enqueue_indirect_dma source(%arg12 : memref<128xf32, #tpu.memory_space<vmem>>) target(%dma_start3A_783 : memref<10240xf32, #tpu.memory_space<vmem_shared>>) offsets(%dma_start3A_781 : memref<128xi32, #tpu.memory_space<vmem>>) semaphore(%run_scoped3A : memref<!tpu.dma_semaphore, #tpu.memory_space<semaphore_mem>>) {add = true}
          %dma_wait3A_784 = arith.constant 0 : i32
          %dma_wait3A_785 = tpu.memref_slice %arg10[%add3A_411, %dma_wait3A_784] : memref<160x128xi32, #tpu.memory_space<vmem>> -> memref<1x128xi32, #tpu.memory_space<vmem>>
          %dma_wait3A_786 = tpu.memref_squeeze %dma_wait3A_785 : memref<1x128xi32, #tpu.memory_space<vmem>> -> memref<128xi32, #tpu.memory_space<vmem>>
          %dma_wait3A_787 = arith.constant 0 : i32
          %dma_wait3A_788 = tpu.memref_slice %arg14[%dma_wait3A_787] : memref<10240xf32, #tpu.memory_space<vmem_shared>> -> memref<10240xf32, #tpu.memory_space<vmem_shared>>
          tpu.wait_indirect_dma semaphore(%run_scoped3A : memref<!tpu.dma_semaphore, #tpu.memory_space<semaphore_mem>>) src(%arg12 : memref<128xf32, #tpu.memory_space<vmem>>) dst(%dma_wait3A_788 : memref<10240xf32, #tpu.memory_space<vmem_shared>>)
          tpu.yield
        }) : () -> ()
      } else {
      }
      %add3A_444 = arith.constant 5 : i32
      %add3A_445 = arith.addi %add3A_411, %add3A_444 : i32
      %lt3A_446 = arith.constant 160 : i32
      %lt3A_447 = arith.cmpi slt, %add3A_445, %lt3A_446 : i32
      %ge3A_448 = arith.constant 5 : i32
      %ge3A_449 = arith.cmpi sge, %add3A_411, %ge3A_448 : i32
      %and3A_450 = arith.andi %lt3A_447, %ge3A_449 : i1
      %convert_element_type3A_451 = arith.extui %and3A_450 : i1 to i32
      %cond3A_452 = arith.constant 0 : i32
      %cond3A_453 = arith.cmpi ne, %convert_element_type3A_451, %cond3A_452 : i32
      scf.if %cond3A_453 {
        %dma_wait3A_779 = arith.constant 8 : i32
        %dma_wait3A_780 = arith.constant 0 : i32
        %dma_wait3A_781 = arith.constant 0 : i32
        %dma_wait3A_782 = arith.constant 0 : i32
        %dma_wait3A_783 = tpu.memref_slice %arg11[%dma_wait3A_779, %dma_wait3A_781, %dma_wait3A_782] : memref<10x128x32xf32, #tpu.memory_space<vmem>> -> memref<1x128x32xf32, #tpu.memory_space<vmem>>
        %dma_wait3A_784 = tpu.memref_squeeze %dma_wait3A_783 : memref<1x128x32xf32, #tpu.memory_space<vmem>> -> memref<128x32xf32, #tpu.memory_space<vmem>>
        %dma_wait3A_785 = arith.constant 0 : i32
        %dma_wait3A_786 = tpu.memref_slice %arg10[%dma_wait3A_780, %dma_wait3A_785] : memref<160x128xi32, #tpu.memory_space<vmem>> -> memref<1x128xi32, #tpu.memory_space<vmem>>
        %dma_wait3A_787 = tpu.memref_squeeze %dma_wait3A_786 : memref<1x128xi32, #tpu.memory_space<vmem>> -> memref<128xi32, #tpu.memory_space<vmem>>
        %dma_wait3A_788 = arith.constant 0 : i32
        %dma_wait3A_789 = arith.constant 0 : i32
        %dma_wait3A_790 = tpu.memref_slice %arg13[%dma_wait3A_788, %dma_wait3A_789] : memref<10240x32xf32, #tpu.memory_space<vmem_shared>> -> memref<10240x32xf32, #tpu.memory_space<vmem_shared>>
        tpu.wait_indirect_dma semaphore(%arg34 : memref<!tpu.dma_semaphore, #tpu.memory_space<semaphore_mem>>) src(%dma_wait3A_784 : memref<128x32xf32, #tpu.memory_space<vmem>>) dst(%dma_wait3A_790 : memref<10240x32xf32, #tpu.memory_space<vmem_shared>>)
      } else {
      }
      %add3A_454 = arith.constant 5 : i32
      %add3A_455 = arith.addi %add3A_411, %add3A_454 : i32
      %lt3A_456 = arith.constant 160 : i32
      %lt3A_457 = arith.cmpi slt, %add3A_455, %lt3A_456 : i32
      %convert_element_type3A_458 = arith.extui %lt3A_457 : i1 to i32
      %cond3A_459 = arith.constant 0 : i32
      %cond3A_460 = arith.cmpi ne, %convert_element_type3A_458, %cond3A_459 : i32
      scf.if %cond3A_460 {
        %add3A_779 = arith.constant 5 : i32
        %add3A_780 = arith.addi %add3A_411, %add3A_779 : i32
        %dma_start3A_781 = arith.constant 8 : i32
        %dma_start3A_782 = arith.constant 0 : i32
        %dma_start3A_783 = arith.constant 0 : i32
        %dma_start3A_784 = tpu.memref_slice %arg11[%dma_start3A_781, %dma_start3A_782, %dma_start3A_783] : memref<10x128x32xf32, #tpu.memory_space<vmem>> -> memref<1x128x32xf32, #tpu.memory_space<vmem>>
        %dma_start3A_785 = tpu.memref_squeeze %dma_start3A_784 : memref<1x128x32xf32, #tpu.memory_space<vmem>> -> memref<128x32xf32, #tpu.memory_space<vmem>>
        %dma_start3A_786 = arith.constant 0 : i32
        %dma_start3A_787 = tpu.memref_slice %arg9[%add3A_780, %dma_start3A_786] : memref<160x128xi32, #tpu.memory_space<vmem>> -> memref<1x128xi32, #tpu.memory_space<vmem>>
        %dma_start3A_788 = tpu.memref_squeeze %dma_start3A_787 : memref<1x128xi32, #tpu.memory_space<vmem>> -> memref<128xi32, #tpu.memory_space<vmem>>
        %dma_start3A_789 = arith.constant 0 : i32
        %dma_start3A_790 = arith.constant 0 : i32
        %dma_start3A_791 = tpu.memref_slice %arg15[%dma_start3A_789, %dma_start3A_790] : memref<10000x32xf32, #tpu.memory_space<vmem_shared>> -> memref<10000x32xf32, #tpu.memory_space<vmem_shared>>
        tpu.enqueue_indirect_dma source(%dma_start3A_791 : memref<10000x32xf32, #tpu.memory_space<vmem_shared>>) target(%dma_start3A_785 : memref<128x32xf32, #tpu.memory_space<vmem>>) offsets(%dma_start3A_788 : memref<128xi32, #tpu.memory_space<vmem>>) semaphore(%arg24 : memref<!tpu.dma_semaphore, #tpu.memory_space<semaphore_mem>>)
      } else {
      }
      %mul3A_461 = arith.constant 10 : i32
      %mul3A_462 = arith.muli %scan3A_252, %mul3A_461 : i32
      %add3A_463 = arith.constant 4 : i32
      %add3A_464 = arith.addi %mul3A_462, %add3A_463 : i32
      %dma_wait3A_465 = arith.constant 4 : i32
      %dma_wait3A_466 = arith.constant 0 : i32
      %dma_wait3A_467 = arith.constant 0 : i32
      %dma_wait3A_468 = tpu.memref_slice %arg11[%dma_wait3A_465, %dma_wait3A_466, %dma_wait3A_467] : memref<10x128x32xf32, #tpu.memory_space<vmem>> -> memref<1x128x32xf32, #tpu.memory_space<vmem>>
      %dma_wait3A_469 = tpu.memref_squeeze %dma_wait3A_468 : memref<1x128x32xf32, #tpu.memory_space<vmem>> -> memref<128x32xf32, #tpu.memory_space<vmem>>
      %dma_wait3A_470 = arith.constant 0 : i32
      %dma_wait3A_471 = tpu.memref_slice %arg9[%add3A_464, %dma_wait3A_470] : memref<160x128xi32, #tpu.memory_space<vmem>> -> memref<1x128xi32, #tpu.memory_space<vmem>>
      %dma_wait3A_472 = tpu.memref_squeeze %dma_wait3A_471 : memref<1x128xi32, #tpu.memory_space<vmem>> -> memref<128xi32, #tpu.memory_space<vmem>>
      %dma_wait3A_473 = arith.constant 0 : i32
      %dma_wait3A_474 = arith.constant 0 : i32
      %dma_wait3A_475 = tpu.memref_slice %arg15[%dma_wait3A_473, %dma_wait3A_474] : memref<10000x32xf32, #tpu.memory_space<vmem_shared>> -> memref<10000x32xf32, #tpu.memory_space<vmem_shared>>
      tpu.wait_indirect_dma semaphore(%arg20 : memref<!tpu.dma_semaphore, #tpu.memory_space<semaphore_mem>>) src(%dma_wait3A_475 : memref<10000x32xf32, #tpu.memory_space<vmem_shared>>) dst(%dma_wait3A_469 : memref<128x32xf32, #tpu.memory_space<vmem>>)
      %dma_start3A_476 = arith.constant 4 : i32
      %dma_start3A_477 = arith.constant 0 : i32
      %dma_start3A_478 = arith.constant 0 : i32
      %dma_start3A_479 = tpu.memref_slice %arg11[%dma_start3A_476, %dma_start3A_477, %dma_start3A_478] : memref<10x128x32xf32, #tpu.memory_space<vmem>> -> memref<1x128x32xf32, #tpu.memory_space<vmem>>
      %dma_start3A_480 = tpu.memref_squeeze %dma_start3A_479 : memref<1x128x32xf32, #tpu.memory_space<vmem>> -> memref<128x32xf32, #tpu.memory_space<vmem>>
      %dma_start3A_481 = arith.constant 0 : i32
      %dma_start3A_482 = tpu.memref_slice %arg10[%add3A_464, %dma_start3A_481] : memref<160x128xi32, #tpu.memory_space<vmem>> -> memref<1x128xi32, #tpu.memory_space<vmem>>
      %dma_start3A_483 = tpu.memref_squeeze %dma_start3A_482 : memref<1x128xi32, #tpu.memory_space<vmem>> -> memref<128xi32, #tpu.memory_space<vmem>>
      %dma_start3A_484 = arith.constant 0 : i32
      %dma_start3A_485 = arith.constant 0 : i32
      %dma_start3A_486 = tpu.memref_slice %arg13[%dma_start3A_484, %dma_start3A_485] : memref<10240x32xf32, #tpu.memory_space<vmem_shared>> -> memref<10240x32xf32, #tpu.memory_space<vmem_shared>>
      tpu.enqueue_indirect_dma source(%dma_start3A_480 : memref<128x32xf32, #tpu.memory_space<vmem>>) target(%dma_start3A_486 : memref<10240x32xf32, #tpu.memory_space<vmem_shared>>) offsets(%dma_start3A_483 : memref<128xi32, #tpu.memory_space<vmem>>) semaphore(%arg30 : memref<!tpu.dma_semaphore, #tpu.memory_space<semaphore_mem>>) {add = true}
      %lt3A_487 = arith.constant 80 : i32
      %lt3A_488 = arith.cmpi slt, %add3A_464, %lt3A_487 : i32
      %eq3A_489 = arith.constant 0 : i32
      %eq3A_490 = arith.cmpi eq, %arg0, %eq3A_489 : i32
      %eq3A_491 = arith.xori %lt3A_488, %eq3A_490 : i1
      %eq3A_492 = arith.constant true
      %eq3A_493 = arith.xori %eq3A_491, %eq3A_492 : i1
      %convert_element_type3A_494 = arith.extui %eq3A_493 : i1 to i32
      %cond3A_495 = arith.constant 0 : i32
      %cond3A_496 = arith.cmpi ne, %convert_element_type3A_494, %cond3A_495 : i32
      scf.if %cond3A_496 {
        "tpu.region"() ({
          %run_scoped3A = tpu.sem_alloc : memref<!tpu.dma_semaphore, #tpu.memory_space<semaphore_mem>>
          %dma_start3A_779 = arith.constant 0 : i32
          %dma_start3A_780 = tpu.memref_slice %arg10[%add3A_464, %dma_start3A_779] : memref<160x128xi32, #tpu.memory_space<vmem>> -> memref<1x128xi32, #tpu.memory_space<vmem>>
          %dma_start3A_781 = tpu.memref_squeeze %dma_start3A_780 : memref<1x128xi32, #tpu.memory_space<vmem>> -> memref<128xi32, #tpu.memory_space<vmem>>
          %dma_start3A_782 = arith.constant 0 : i32
          %dma_start3A_783 = tpu.memref_slice %arg14[%dma_start3A_782] : memref<10240xf32, #tpu.memory_space<vmem_shared>> -> memref<10240xf32, #tpu.memory_space<vmem_shared>>
          tpu.enqueue_indirect_dma source(%arg12 : memref<128xf32, #tpu.memory_space<vmem>>) target(%dma_start3A_783 : memref<10240xf32, #tpu.memory_space<vmem_shared>>) offsets(%dma_start3A_781 : memref<128xi32, #tpu.memory_space<vmem>>) semaphore(%run_scoped3A : memref<!tpu.dma_semaphore, #tpu.memory_space<semaphore_mem>>) {add = true}
          %dma_wait3A_784 = arith.constant 0 : i32
          %dma_wait3A_785 = tpu.memref_slice %arg10[%add3A_464, %dma_wait3A_784] : memref<160x128xi32, #tpu.memory_space<vmem>> -> memref<1x128xi32, #tpu.memory_space<vmem>>
          %dma_wait3A_786 = tpu.memref_squeeze %dma_wait3A_785 : memref<1x128xi32, #tpu.memory_space<vmem>> -> memref<128xi32, #tpu.memory_space<vmem>>
          %dma_wait3A_787 = arith.constant 0 : i32
          %dma_wait3A_788 = tpu.memref_slice %arg14[%dma_wait3A_787] : memref<10240xf32, #tpu.memory_space<vmem_shared>> -> memref<10240xf32, #tpu.memory_space<vmem_shared>>
          tpu.wait_indirect_dma semaphore(%run_scoped3A : memref<!tpu.dma_semaphore, #tpu.memory_space<semaphore_mem>>) src(%arg12 : memref<128xf32, #tpu.memory_space<vmem>>) dst(%dma_wait3A_788 : memref<10240xf32, #tpu.memory_space<vmem_shared>>)
          tpu.yield
        }) : () -> ()
      } else {
      }
      %add3A_497 = arith.constant 5 : i32
      %add3A_498 = arith.addi %add3A_464, %add3A_497 : i32
      %lt3A_499 = arith.constant 160 : i32
      %lt3A_500 = arith.cmpi slt, %add3A_498, %lt3A_499 : i32
      %ge3A_501 = arith.constant 5 : i32
      %ge3A_502 = arith.cmpi sge, %add3A_464, %ge3A_501 : i32
      %and3A_503 = arith.andi %lt3A_500, %ge3A_502 : i1
      %convert_element_type3A_504 = arith.extui %and3A_503 : i1 to i32
      %cond3A_505 = arith.constant 0 : i32
      %cond3A_506 = arith.cmpi ne, %convert_element_type3A_504, %cond3A_505 : i32
      scf.if %cond3A_506 {
        %dma_wait3A_779 = arith.constant 9 : i32
        %dma_wait3A_780 = arith.constant 0 : i32
        %dma_wait3A_781 = arith.constant 0 : i32
        %dma_wait3A_782 = arith.constant 0 : i32
        %dma_wait3A_783 = tpu.memref_slice %arg11[%dma_wait3A_779, %dma_wait3A_781, %dma_wait3A_782] : memref<10x128x32xf32, #tpu.memory_space<vmem>> -> memref<1x128x32xf32, #tpu.memory_space<vmem>>
        %dma_wait3A_784 = tpu.memref_squeeze %dma_wait3A_783 : memref<1x128x32xf32, #tpu.memory_space<vmem>> -> memref<128x32xf32, #tpu.memory_space<vmem>>
        %dma_wait3A_785 = arith.constant 0 : i32
        %dma_wait3A_786 = tpu.memref_slice %arg10[%dma_wait3A_780, %dma_wait3A_785] : memref<160x128xi32, #tpu.memory_space<vmem>> -> memref<1x128xi32, #tpu.memory_space<vmem>>
        %dma_wait3A_787 = tpu.memref_squeeze %dma_wait3A_786 : memref<1x128xi32, #tpu.memory_space<vmem>> -> memref<128xi32, #tpu.memory_space<vmem>>
        %dma_wait3A_788 = arith.constant 0 : i32
        %dma_wait3A_789 = arith.constant 0 : i32
        %dma_wait3A_790 = tpu.memref_slice %arg13[%dma_wait3A_788, %dma_wait3A_789] : memref<10240x32xf32, #tpu.memory_space<vmem_shared>> -> memref<10240x32xf32, #tpu.memory_space<vmem_shared>>
        tpu.wait_indirect_dma semaphore(%arg35 : memref<!tpu.dma_semaphore, #tpu.memory_space<semaphore_mem>>) src(%dma_wait3A_784 : memref<128x32xf32, #tpu.memory_space<vmem>>) dst(%dma_wait3A_790 : memref<10240x32xf32, #tpu.memory_space<vmem_shared>>)
      } else {
      }
      %add3A_507 = arith.constant 5 : i32
      %add3A_508 = arith.addi %add3A_464, %add3A_507 : i32
      %lt3A_509 = arith.constant 160 : i32
      %lt3A_510 = arith.cmpi slt, %add3A_508, %lt3A_509 : i32
      %convert_element_type3A_511 = arith.extui %lt3A_510 : i1 to i32
      %cond3A_512 = arith.constant 0 : i32
      %cond3A_513 = arith.cmpi ne, %convert_element_type3A_511, %cond3A_512 : i32
      scf.if %cond3A_513 {
        %add3A_779 = arith.constant 5 : i32
        %add3A_780 = arith.addi %add3A_464, %add3A_779 : i32
        %dma_start3A_781 = arith.constant 9 : i32
        %dma_start3A_782 = arith.constant 0 : i32
        %dma_start3A_783 = arith.constant 0 : i32
        %dma_start3A_784 = tpu.memref_slice %arg11[%dma_start3A_781, %dma_start3A_782, %dma_start3A_783] : memref<10x128x32xf32, #tpu.memory_space<vmem>> -> memref<1x128x32xf32, #tpu.memory_space<vmem>>
        %dma_start3A_785 = tpu.memref_squeeze %dma_start3A_784 : memref<1x128x32xf32, #tpu.memory_space<vmem>> -> memref<128x32xf32, #tpu.memory_space<vmem>>
        %dma_start3A_786 = arith.constant 0 : i32
        %dma_start3A_787 = tpu.memref_slice %arg9[%add3A_780, %dma_start3A_786] : memref<160x128xi32, #tpu.memory_space<vmem>> -> memref<1x128xi32, #tpu.memory_space<vmem>>
        %dma_start3A_788 = tpu.memref_squeeze %dma_start3A_787 : memref<1x128xi32, #tpu.memory_space<vmem>> -> memref<128xi32, #tpu.memory_space<vmem>>
        %dma_start3A_789 = arith.constant 0 : i32
        %dma_start3A_790 = arith.constant 0 : i32
        %dma_start3A_791 = tpu.memref_slice %arg15[%dma_start3A_789, %dma_start3A_790] : memref<10000x32xf32, #tpu.memory_space<vmem_shared>> -> memref<10000x32xf32, #tpu.memory_space<vmem_shared>>
        tpu.enqueue_indirect_dma source(%dma_start3A_791 : memref<10000x32xf32, #tpu.memory_space<vmem_shared>>) target(%dma_start3A_785 : memref<128x32xf32, #tpu.memory_space<vmem>>) offsets(%dma_start3A_788 : memref<128xi32, #tpu.memory_space<vmem>>) semaphore(%arg25 : memref<!tpu.dma_semaphore, #tpu.memory_space<semaphore_mem>>)
      } else {
      }
      %mul3A_514 = arith.constant 10 : i32
      %mul3A_515 = arith.muli %scan3A_252, %mul3A_514 : i32
      %add3A_516 = arith.constant 5 : i32
      %add3A_517 = arith.addi %mul3A_515, %add3A_516 : i32
      %dma_wait3A_518 = arith.constant 5 : i32
      %dma_wait3A_519 = arith.constant 0 : i32
      %dma_wait3A_520 = arith.constant 0 : i32
      %dma_wait3A_521 = tpu.memref_slice %arg11[%dma_wait3A_518, %dma_wait3A_519, %dma_wait3A_520] : memref<10x128x32xf32, #tpu.memory_space<vmem>> -> memref<1x128x32xf32, #tpu.memory_space<vmem>>
      %dma_wait3A_522 = tpu.memref_squeeze %dma_wait3A_521 : memref<1x128x32xf32, #tpu.memory_space<vmem>> -> memref<128x32xf32, #tpu.memory_space<vmem>>
      %dma_wait3A_523 = arith.constant 0 : i32
      %dma_wait3A_524 = tpu.memref_slice %arg9[%add3A_517, %dma_wait3A_523] : memref<160x128xi32, #tpu.memory_space<vmem>> -> memref<1x128xi32, #tpu.memory_space<vmem>>
      %dma_wait3A_525 = tpu.memref_squeeze %dma_wait3A_524 : memref<1x128xi32, #tpu.memory_space<vmem>> -> memref<128xi32, #tpu.memory_space<vmem>>
      %dma_wait3A_526 = arith.constant 0 : i32
      %dma_wait3A_527 = arith.constant 0 : i32
      %dma_wait3A_528 = tpu.memref_slice %arg15[%dma_wait3A_526, %dma_wait3A_527] : memref<10000x32xf32, #tpu.memory_space<vmem_shared>> -> memref<10000x32xf32, #tpu.memory_space<vmem_shared>>
      tpu.wait_indirect_dma semaphore(%arg21 : memref<!tpu.dma_semaphore, #tpu.memory_space<semaphore_mem>>) src(%dma_wait3A_528 : memref<10000x32xf32, #tpu.memory_space<vmem_shared>>) dst(%dma_wait3A_522 : memref<128x32xf32, #tpu.memory_space<vmem>>)
      %dma_start3A_529 = arith.constant 5 : i32
      %dma_start3A_530 = arith.constant 0 : i32
      %dma_start3A_531 = arith.constant 0 : i32
      %dma_start3A_532 = tpu.memref_slice %arg11[%dma_start3A_529, %dma_start3A_530, %dma_start3A_531] : memref<10x128x32xf32, #tpu.memory_space<vmem>> -> memref<1x128x32xf32, #tpu.memory_space<vmem>>
      %dma_start3A_533 = tpu.memref_squeeze %dma_start3A_532 : memref<1x128x32xf32, #tpu.memory_space<vmem>> -> memref<128x32xf32, #tpu.memory_space<vmem>>
      %dma_start3A_534 = arith.constant 0 : i32
      %dma_start3A_535 = tpu.memref_slice %arg10[%add3A_517, %dma_start3A_534] : memref<160x128xi32, #tpu.memory_space<vmem>> -> memref<1x128xi32, #tpu.memory_space<vmem>>
      %dma_start3A_536 = tpu.memref_squeeze %dma_start3A_535 : memref<1x128xi32, #tpu.memory_space<vmem>> -> memref<128xi32, #tpu.memory_space<vmem>>
      %dma_start3A_537 = arith.constant 0 : i32
      %dma_start3A_538 = arith.constant 0 : i32
      %dma_start3A_539 = tpu.memref_slice %arg13[%dma_start3A_537, %dma_start3A_538] : memref<10240x32xf32, #tpu.memory_space<vmem_shared>> -> memref<10240x32xf32, #tpu.memory_space<vmem_shared>>
      tpu.enqueue_indirect_dma source(%dma_start3A_533 : memref<128x32xf32, #tpu.memory_space<vmem>>) target(%dma_start3A_539 : memref<10240x32xf32, #tpu.memory_space<vmem_shared>>) offsets(%dma_start3A_536 : memref<128xi32, #tpu.memory_space<vmem>>) semaphore(%arg31 : memref<!tpu.dma_semaphore, #tpu.memory_space<semaphore_mem>>) {add = true}
      %lt3A_540 = arith.constant 80 : i32
      %lt3A_541 = arith.cmpi slt, %add3A_517, %lt3A_540 : i32
      %eq3A_542 = arith.constant 0 : i32
      %eq3A_543 = arith.cmpi eq, %arg0, %eq3A_542 : i32
      %eq3A_544 = arith.xori %lt3A_541, %eq3A_543 : i1
      %eq3A_545 = arith.constant true
      %eq3A_546 = arith.xori %eq3A_544, %eq3A_545 : i1
      %convert_element_type3A_547 = arith.extui %eq3A_546 : i1 to i32
      %cond3A_548 = arith.constant 0 : i32
      %cond3A_549 = arith.cmpi ne, %convert_element_type3A_547, %cond3A_548 : i32
      scf.if %cond3A_549 {
        "tpu.region"() ({
          %run_scoped3A = tpu.sem_alloc : memref<!tpu.dma_semaphore, #tpu.memory_space<semaphore_mem>>
          %dma_start3A_779 = arith.constant 0 : i32
          %dma_start3A_780 = tpu.memref_slice %arg10[%add3A_517, %dma_start3A_779] : memref<160x128xi32, #tpu.memory_space<vmem>> -> memref<1x128xi32, #tpu.memory_space<vmem>>
          %dma_start3A_781 = tpu.memref_squeeze %dma_start3A_780 : memref<1x128xi32, #tpu.memory_space<vmem>> -> memref<128xi32, #tpu.memory_space<vmem>>
          %dma_start3A_782 = arith.constant 0 : i32
          %dma_start3A_783 = tpu.memref_slice %arg14[%dma_start3A_782] : memref<10240xf32, #tpu.memory_space<vmem_shared>> -> memref<10240xf32, #tpu.memory_space<vmem_shared>>
          tpu.enqueue_indirect_dma source(%arg12 : memref<128xf32, #tpu.memory_space<vmem>>) target(%dma_start3A_783 : memref<10240xf32, #tpu.memory_space<vmem_shared>>) offsets(%dma_start3A_781 : memref<128xi32, #tpu.memory_space<vmem>>) semaphore(%run_scoped3A : memref<!tpu.dma_semaphore, #tpu.memory_space<semaphore_mem>>) {add = true}
          %dma_wait3A_784 = arith.constant 0 : i32
          %dma_wait3A_785 = tpu.memref_slice %arg10[%add3A_517, %dma_wait3A_784] : memref<160x128xi32, #tpu.memory_space<vmem>> -> memref<1x128xi32, #tpu.memory_space<vmem>>
          %dma_wait3A_786 = tpu.memref_squeeze %dma_wait3A_785 : memref<1x128xi32, #tpu.memory_space<vmem>> -> memref<128xi32, #tpu.memory_space<vmem>>
          %dma_wait3A_787 = arith.constant 0 : i32
          %dma_wait3A_788 = tpu.memref_slice %arg14[%dma_wait3A_787] : memref<10240xf32, #tpu.memory_space<vmem_shared>> -> memref<10240xf32, #tpu.memory_space<vmem_shared>>
          tpu.wait_indirect_dma semaphore(%run_scoped3A : memref<!tpu.dma_semaphore, #tpu.memory_space<semaphore_mem>>) src(%arg12 : memref<128xf32, #tpu.memory_space<vmem>>) dst(%dma_wait3A_788 : memref<10240xf32, #tpu.memory_space<vmem_shared>>)
          tpu.yield
        }) : () -> ()
      } else {
      }
      %add3A_550 = arith.constant 5 : i32
      %add3A_551 = arith.addi %add3A_517, %add3A_550 : i32
      %lt3A_552 = arith.constant 160 : i32
      %lt3A_553 = arith.cmpi slt, %add3A_551, %lt3A_552 : i32
      %ge3A_554 = arith.constant 5 : i32
      %ge3A_555 = arith.cmpi sge, %add3A_517, %ge3A_554 : i32
      %and3A_556 = arith.andi %lt3A_553, %ge3A_555 : i1
      %convert_element_type3A_557 = arith.extui %and3A_556 : i1 to i32
      %cond3A_558 = arith.constant 0 : i32
      %cond3A_559 = arith.cmpi ne, %convert_element_type3A_557, %cond3A_558 : i32
      scf.if %cond3A_559 {
        %dma_wait3A_779 = arith.constant 0 : i32
        %dma_wait3A_780 = arith.constant 0 : i32
        %dma_wait3A_781 = arith.constant 0 : i32
        %dma_wait3A_782 = arith.constant 0 : i32
        %dma_wait3A_783 = tpu.memref_slice %arg11[%dma_wait3A_779, %dma_wait3A_781, %dma_wait3A_782] : memref<10x128x32xf32, #tpu.memory_space<vmem>> -> memref<1x128x32xf32, #tpu.memory_space<vmem>>
        %dma_wait3A_784 = tpu.memref_squeeze %dma_wait3A_783 : memref<1x128x32xf32, #tpu.memory_space<vmem>> -> memref<128x32xf32, #tpu.memory_space<vmem>>
        %dma_wait3A_785 = arith.constant 0 : i32
        %dma_wait3A_786 = tpu.memref_slice %arg10[%dma_wait3A_780, %dma_wait3A_785] : memref<160x128xi32, #tpu.memory_space<vmem>> -> memref<1x128xi32, #tpu.memory_space<vmem>>
        %dma_wait3A_787 = tpu.memref_squeeze %dma_wait3A_786 : memref<1x128xi32, #tpu.memory_space<vmem>> -> memref<128xi32, #tpu.memory_space<vmem>>
        %dma_wait3A_788 = arith.constant 0 : i32
        %dma_wait3A_789 = arith.constant 0 : i32
        %dma_wait3A_790 = tpu.memref_slice %arg13[%dma_wait3A_788, %dma_wait3A_789] : memref<10240x32xf32, #tpu.memory_space<vmem_shared>> -> memref<10240x32xf32, #tpu.memory_space<vmem_shared>>
        tpu.wait_indirect_dma semaphore(%arg26 : memref<!tpu.dma_semaphore, #tpu.memory_space<semaphore_mem>>) src(%dma_wait3A_784 : memref<128x32xf32, #tpu.memory_space<vmem>>) dst(%dma_wait3A_790 : memref<10240x32xf32, #tpu.memory_space<vmem_shared>>)
      } else {
      }
      %add3A_560 = arith.constant 5 : i32
      %add3A_561 = arith.addi %add3A_517, %add3A_560 : i32
      %lt3A_562 = arith.constant 160 : i32
      %lt3A_563 = arith.cmpi slt, %add3A_561, %lt3A_562 : i32
      %convert_element_type3A_564 = arith.extui %lt3A_563 : i1 to i32
      %cond3A_565 = arith.constant 0 : i32
      %cond3A_566 = arith.cmpi ne, %convert_element_type3A_564, %cond3A_565 : i32
      scf.if %cond3A_566 {
        %add3A_779 = arith.constant 5 : i32
        %add3A_780 = arith.addi %add3A_517, %add3A_779 : i32
        %dma_start3A_781 = arith.constant 0 : i32
        %dma_start3A_782 = arith.constant 0 : i32
        %dma_start3A_783 = arith.constant 0 : i32
        %dma_start3A_784 = tpu.memref_slice %arg11[%dma_start3A_781, %dma_start3A_782, %dma_start3A_783] : memref<10x128x32xf32, #tpu.memory_space<vmem>> -> memref<1x128x32xf32, #tpu.memory_space<vmem>>
        %dma_start3A_785 = tpu.memref_squeeze %dma_start3A_784 : memref<1x128x32xf32, #tpu.memory_space<vmem>> -> memref<128x32xf32, #tpu.memory_space<vmem>>
        %dma_start3A_786 = arith.constant 0 : i32
        %dma_start3A_787 = tpu.memref_slice %arg9[%add3A_780, %dma_start3A_786] : memref<160x128xi32, #tpu.memory_space<vmem>> -> memref<1x128xi32, #tpu.memory_space<vmem>>
        %dma_start3A_788 = tpu.memref_squeeze %dma_start3A_787 : memref<1x128xi32, #tpu.memory_space<vmem>> -> memref<128xi32, #tpu.memory_space<vmem>>
        %dma_start3A_789 = arith.constant 0 : i32
        %dma_start3A_790 = arith.constant 0 : i32
        %dma_start3A_791 = tpu.memref_slice %arg15[%dma_start3A_789, %dma_start3A_790] : memref<10000x32xf32, #tpu.memory_space<vmem_shared>> -> memref<10000x32xf32, #tpu.memory_space<vmem_shared>>
        tpu.enqueue_indirect_dma source(%dma_start3A_791 : memref<10000x32xf32, #tpu.memory_space<vmem_shared>>) target(%dma_start3A_785 : memref<128x32xf32, #tpu.memory_space<vmem>>) offsets(%dma_start3A_788 : memref<128xi32, #tpu.memory_space<vmem>>) semaphore(%arg16 : memref<!tpu.dma_semaphore, #tpu.memory_space<semaphore_mem>>)
      } else {
      }
      %mul3A_567 = arith.constant 10 : i32
      %mul3A_568 = arith.muli %scan3A_252, %mul3A_567 : i32
      %add3A_569 = arith.constant 6 : i32
      %add3A_570 = arith.addi %mul3A_568, %add3A_569 : i32
      %dma_wait3A_571 = arith.constant 6 : i32
      %dma_wait3A_572 = arith.constant 0 : i32
      %dma_wait3A_573 = arith.constant 0 : i32
      %dma_wait3A_574 = tpu.memref_slice %arg11[%dma_wait3A_571, %dma_wait3A_572, %dma_wait3A_573] : memref<10x128x32xf32, #tpu.memory_space<vmem>> -> memref<1x128x32xf32, #tpu.memory_space<vmem>>
      %dma_wait3A_575 = tpu.memref_squeeze %dma_wait3A_574 : memref<1x128x32xf32, #tpu.memory_space<vmem>> -> memref<128x32xf32, #tpu.memory_space<vmem>>
      %dma_wait3A_576 = arith.constant 0 : i32
      %dma_wait3A_577 = tpu.memref_slice %arg9[%add3A_570, %dma_wait3A_576] : memref<160x128xi32, #tpu.memory_space<vmem>> -> memref<1x128xi32, #tpu.memory_space<vmem>>
      %dma_wait3A_578 = tpu.memref_squeeze %dma_wait3A_577 : memref<1x128xi32, #tpu.memory_space<vmem>> -> memref<128xi32, #tpu.memory_space<vmem>>
      %dma_wait3A_579 = arith.constant 0 : i32
      %dma_wait3A_580 = arith.constant 0 : i32
      %dma_wait3A_581 = tpu.memref_slice %arg15[%dma_wait3A_579, %dma_wait3A_580] : memref<10000x32xf32, #tpu.memory_space<vmem_shared>> -> memref<10000x32xf32, #tpu.memory_space<vmem_shared>>
      tpu.wait_indirect_dma semaphore(%arg22 : memref<!tpu.dma_semaphore, #tpu.memory_space<semaphore_mem>>) src(%dma_wait3A_581 : memref<10000x32xf32, #tpu.memory_space<vmem_shared>>) dst(%dma_wait3A_575 : memref<128x32xf32, #tpu.memory_space<vmem>>)
      %dma_start3A_582 = arith.constant 6 : i32
      %dma_start3A_583 = arith.constant 0 : i32
      %dma_start3A_584 = arith.constant 0 : i32
      %dma_start3A_585 = tpu.memref_slice %arg11[%dma_start3A_582, %dma_start3A_583, %dma_start3A_584] : memref<10x128x32xf32, #tpu.memory_space<vmem>> -> memref<1x128x32xf32, #tpu.memory_space<vmem>>
      %dma_start3A_586 = tpu.memref_squeeze %dma_start3A_585 : memref<1x128x32xf32, #tpu.memory_space<vmem>> -> memref<128x32xf32, #tpu.memory_space<vmem>>
      %dma_start3A_587 = arith.constant 0 : i32
      %dma_start3A_588 = tpu.memref_slice %arg10[%add3A_570, %dma_start3A_587] : memref<160x128xi32, #tpu.memory_space<vmem>> -> memref<1x128xi32, #tpu.memory_space<vmem>>
      %dma_start3A_589 = tpu.memref_squeeze %dma_start3A_588 : memref<1x128xi32, #tpu.memory_space<vmem>> -> memref<128xi32, #tpu.memory_space<vmem>>
      %dma_start3A_590 = arith.constant 0 : i32
      %dma_start3A_591 = arith.constant 0 : i32
      %dma_start3A_592 = tpu.memref_slice %arg13[%dma_start3A_590, %dma_start3A_591] : memref<10240x32xf32, #tpu.memory_space<vmem_shared>> -> memref<10240x32xf32, #tpu.memory_space<vmem_shared>>
      tpu.enqueue_indirect_dma source(%dma_start3A_586 : memref<128x32xf32, #tpu.memory_space<vmem>>) target(%dma_start3A_592 : memref<10240x32xf32, #tpu.memory_space<vmem_shared>>) offsets(%dma_start3A_589 : memref<128xi32, #tpu.memory_space<vmem>>) semaphore(%arg32 : memref<!tpu.dma_semaphore, #tpu.memory_space<semaphore_mem>>) {add = true}
      %lt3A_593 = arith.constant 80 : i32
      %lt3A_594 = arith.cmpi slt, %add3A_570, %lt3A_593 : i32
      %eq3A_595 = arith.constant 0 : i32
      %eq3A_596 = arith.cmpi eq, %arg0, %eq3A_595 : i32
      %eq3A_597 = arith.xori %lt3A_594, %eq3A_596 : i1
      %eq3A_598 = arith.constant true
      %eq3A_599 = arith.xori %eq3A_597, %eq3A_598 : i1
      %convert_element_type3A_600 = arith.extui %eq3A_599 : i1 to i32
      %cond3A_601 = arith.constant 0 : i32
      %cond3A_602 = arith.cmpi ne, %convert_element_type3A_600, %cond3A_601 : i32
      scf.if %cond3A_602 {
        "tpu.region"() ({
          %run_scoped3A = tpu.sem_alloc : memref<!tpu.dma_semaphore, #tpu.memory_space<semaphore_mem>>
          %dma_start3A_779 = arith.constant 0 : i32
          %dma_start3A_780 = tpu.memref_slice %arg10[%add3A_570, %dma_start3A_779] : memref<160x128xi32, #tpu.memory_space<vmem>> -> memref<1x128xi32, #tpu.memory_space<vmem>>
          %dma_start3A_781 = tpu.memref_squeeze %dma_start3A_780 : memref<1x128xi32, #tpu.memory_space<vmem>> -> memref<128xi32, #tpu.memory_space<vmem>>
          %dma_start3A_782 = arith.constant 0 : i32
          %dma_start3A_783 = tpu.memref_slice %arg14[%dma_start3A_782] : memref<10240xf32, #tpu.memory_space<vmem_shared>> -> memref<10240xf32, #tpu.memory_space<vmem_shared>>
          tpu.enqueue_indirect_dma source(%arg12 : memref<128xf32, #tpu.memory_space<vmem>>) target(%dma_start3A_783 : memref<10240xf32, #tpu.memory_space<vmem_shared>>) offsets(%dma_start3A_781 : memref<128xi32, #tpu.memory_space<vmem>>) semaphore(%run_scoped3A : memref<!tpu.dma_semaphore, #tpu.memory_space<semaphore_mem>>) {add = true}
          %dma_wait3A_784 = arith.constant 0 : i32
          %dma_wait3A_785 = tpu.memref_slice %arg10[%add3A_570, %dma_wait3A_784] : memref<160x128xi32, #tpu.memory_space<vmem>> -> memref<1x128xi32, #tpu.memory_space<vmem>>
          %dma_wait3A_786 = tpu.memref_squeeze %dma_wait3A_785 : memref<1x128xi32, #tpu.memory_space<vmem>> -> memref<128xi32, #tpu.memory_space<vmem>>
          %dma_wait3A_787 = arith.constant 0 : i32
          %dma_wait3A_788 = tpu.memref_slice %arg14[%dma_wait3A_787] : memref<10240xf32, #tpu.memory_space<vmem_shared>> -> memref<10240xf32, #tpu.memory_space<vmem_shared>>
          tpu.wait_indirect_dma semaphore(%run_scoped3A : memref<!tpu.dma_semaphore, #tpu.memory_space<semaphore_mem>>) src(%arg12 : memref<128xf32, #tpu.memory_space<vmem>>) dst(%dma_wait3A_788 : memref<10240xf32, #tpu.memory_space<vmem_shared>>)
          tpu.yield
        }) : () -> ()
      } else {
      }
      %add3A_603 = arith.constant 5 : i32
      %add3A_604 = arith.addi %add3A_570, %add3A_603 : i32
      %lt3A_605 = arith.constant 160 : i32
      %lt3A_606 = arith.cmpi slt, %add3A_604, %lt3A_605 : i32
      %ge3A_607 = arith.constant 5 : i32
      %ge3A_608 = arith.cmpi sge, %add3A_570, %ge3A_607 : i32
      %and3A_609 = arith.andi %lt3A_606, %ge3A_608 : i1
      %convert_element_type3A_610 = arith.extui %and3A_609 : i1 to i32
      %cond3A_611 = arith.constant 0 : i32
      %cond3A_612 = arith.cmpi ne, %convert_element_type3A_610, %cond3A_611 : i32
      scf.if %cond3A_612 {
        %dma_wait3A_779 = arith.constant 1 : i32
        %dma_wait3A_780 = arith.constant 0 : i32
        %dma_wait3A_781 = arith.constant 0 : i32
        %dma_wait3A_782 = arith.constant 0 : i32
        %dma_wait3A_783 = tpu.memref_slice %arg11[%dma_wait3A_779, %dma_wait3A_781, %dma_wait3A_782] : memref<10x128x32xf32, #tpu.memory_space<vmem>> -> memref<1x128x32xf32, #tpu.memory_space<vmem>>
        %dma_wait3A_784 = tpu.memref_squeeze %dma_wait3A_783 : memref<1x128x32xf32, #tpu.memory_space<vmem>> -> memref<128x32xf32, #tpu.memory_space<vmem>>
        %dma_wait3A_785 = arith.constant 0 : i32
        %dma_wait3A_786 = tpu.memref_slice %arg10[%dma_wait3A_780, %dma_wait3A_785] : memref<160x128xi32, #tpu.memory_space<vmem>> -> memref<1x128xi32, #tpu.memory_space<vmem>>
        %dma_wait3A_787 = tpu.memref_squeeze %dma_wait3A_786 : memref<1x128xi32, #tpu.memory_space<vmem>> -> memref<128xi32, #tpu.memory_space<vmem>>
        %dma_wait3A_788 = arith.constant 0 : i32
        %dma_wait3A_789 = arith.constant 0 : i32
        %dma_wait3A_790 = tpu.memref_slice %arg13[%dma_wait3A_788, %dma_wait3A_789] : memref<10240x32xf32, #tpu.memory_space<vmem_shared>> -> memref<10240x32xf32, #tpu.memory_space<vmem_shared>>
        tpu.wait_indirect_dma semaphore(%arg27 : memref<!tpu.dma_semaphore, #tpu.memory_space<semaphore_mem>>) src(%dma_wait3A_784 : memref<128x32xf32, #tpu.memory_space<vmem>>) dst(%dma_wait3A_790 : memref<10240x32xf32, #tpu.memory_space<vmem_shared>>)
      } else {
      }
      %add3A_613 = arith.constant 5 : i32
      %add3A_614 = arith.addi %add3A_570, %add3A_613 : i32
      %lt3A_615 = arith.constant 160 : i32
      %lt3A_616 = arith.cmpi slt, %add3A_614, %lt3A_615 : i32
      %convert_element_type3A_617 = arith.extui %lt3A_616 : i1 to i32
      %cond3A_618 = arith.constant 0 : i32
      %cond3A_619 = arith.cmpi ne, %convert_element_type3A_617, %cond3A_618 : i32
      scf.if %cond3A_619 {
        %add3A_779 = arith.constant 5 : i32
        %add3A_780 = arith.addi %add3A_570, %add3A_779 : i32
        %dma_start3A_781 = arith.constant 1 : i32
        %dma_start3A_782 = arith.constant 0 : i32
        %dma_start3A_783 = arith.constant 0 : i32
        %dma_start3A_784 = tpu.memref_slice %arg11[%dma_start3A_781, %dma_start3A_782, %dma_start3A_783] : memref<10x128x32xf32, #tpu.memory_space<vmem>> -> memref<1x128x32xf32, #tpu.memory_space<vmem>>
        %dma_start3A_785 = tpu.memref_squeeze %dma_start3A_784 : memref<1x128x32xf32, #tpu.memory_space<vmem>> -> memref<128x32xf32, #tpu.memory_space<vmem>>
        %dma_start3A_786 = arith.constant 0 : i32
        %dma_start3A_787 = tpu.memref_slice %arg9[%add3A_780, %dma_start3A_786] : memref<160x128xi32, #tpu.memory_space<vmem>> -> memref<1x128xi32, #tpu.memory_space<vmem>>
        %dma_start3A_788 = tpu.memref_squeeze %dma_start3A_787 : memref<1x128xi32, #tpu.memory_space<vmem>> -> memref<128xi32, #tpu.memory_space<vmem>>
        %dma_start3A_789 = arith.constant 0 : i32
        %dma_start3A_790 = arith.constant 0 : i32
        %dma_start3A_791 = tpu.memref_slice %arg15[%dma_start3A_789, %dma_start3A_790] : memref<10000x32xf32, #tpu.memory_space<vmem_shared>> -> memref<10000x32xf32, #tpu.memory_space<vmem_shared>>
        tpu.enqueue_indirect_dma source(%dma_start3A_791 : memref<10000x32xf32, #tpu.memory_space<vmem_shared>>) target(%dma_start3A_785 : memref<128x32xf32, #tpu.memory_space<vmem>>) offsets(%dma_start3A_788 : memref<128xi32, #tpu.memory_space<vmem>>) semaphore(%arg17 : memref<!tpu.dma_semaphore, #tpu.memory_space<semaphore_mem>>)
      } else {
      }
      %mul3A_620 = arith.constant 10 : i32
      %mul3A_621 = arith.muli %scan3A_252, %mul3A_620 : i32
      %add3A_622 = arith.constant 7 : i32
      %add3A_623 = arith.addi %mul3A_621, %add3A_622 : i32
      %dma_wait3A_624 = arith.constant 7 : i32
      %dma_wait3A_625 = arith.constant 0 : i32
      %dma_wait3A_626 = arith.constant 0 : i32
      %dma_wait3A_627 = tpu.memref_slice %arg11[%dma_wait3A_624, %dma_wait3A_625, %dma_wait3A_626] : memref<10x128x32xf32, #tpu.memory_space<vmem>> -> memref<1x128x32xf32, #tpu.memory_space<vmem>>
      %dma_wait3A_628 = tpu.memref_squeeze %dma_wait3A_627 : memref<1x128x32xf32, #tpu.memory_space<vmem>> -> memref<128x32xf32, #tpu.memory_space<vmem>>
      %dma_wait3A_629 = arith.constant 0 : i32
      %dma_wait3A_630 = tpu.memref_slice %arg9[%add3A_623, %dma_wait3A_629] : memref<160x128xi32, #tpu.memory_space<vmem>> -> memref<1x128xi32, #tpu.memory_space<vmem>>
      %dma_wait3A_631 = tpu.memref_squeeze %dma_wait3A_630 : memref<1x128xi32, #tpu.memory_space<vmem>> -> memref<128xi32, #tpu.memory_space<vmem>>
      %dma_wait3A_632 = arith.constant 0 : i32
      %dma_wait3A_633 = arith.constant 0 : i32
      %dma_wait3A_634 = tpu.memref_slice %arg15[%dma_wait3A_632, %dma_wait3A_633] : memref<10000x32xf32, #tpu.memory_space<vmem_shared>> -> memref<10000x32xf32, #tpu.memory_space<vmem_shared>>
      tpu.wait_indirect_dma semaphore(%arg23 : memref<!tpu.dma_semaphore, #tpu.memory_space<semaphore_mem>>) src(%dma_wait3A_634 : memref<10000x32xf32, #tpu.memory_space<vmem_shared>>) dst(%dma_wait3A_628 : memref<128x32xf32, #tpu.memory_space<vmem>>)
      %dma_start3A_635 = arith.constant 7 : i32
      %dma_start3A_636 = arith.constant 0 : i32
      %dma_start3A_637 = arith.constant 0 : i32
      %dma_start3A_638 = tpu.memref_slice %arg11[%dma_start3A_635, %dma_start3A_636, %dma_start3A_637] : memref<10x128x32xf32, #tpu.memory_space<vmem>> -> memref<1x128x32xf32, #tpu.memory_space<vmem>>
      %dma_start3A_639 = tpu.memref_squeeze %dma_start3A_638 : memref<1x128x32xf32, #tpu.memory_space<vmem>> -> memref<128x32xf32, #tpu.memory_space<vmem>>
      %dma_start3A_640 = arith.constant 0 : i32
      %dma_start3A_641 = tpu.memref_slice %arg10[%add3A_623, %dma_start3A_640] : memref<160x128xi32, #tpu.memory_space<vmem>> -> memref<1x128xi32, #tpu.memory_space<vmem>>
      %dma_start3A_642 = tpu.memref_squeeze %dma_start3A_641 : memref<1x128xi32, #tpu.memory_space<vmem>> -> memref<128xi32, #tpu.memory_space<vmem>>
      %dma_start3A_643 = arith.constant 0 : i32
      %dma_start3A_644 = arith.constant 0 : i32
      %dma_start3A_645 = tpu.memref_slice %arg13[%dma_start3A_643, %dma_start3A_644] : memref<10240x32xf32, #tpu.memory_space<vmem_shared>> -> memref<10240x32xf32, #tpu.memory_space<vmem_shared>>
      tpu.enqueue_indirect_dma source(%dma_start3A_639 : memref<128x32xf32, #tpu.memory_space<vmem>>) target(%dma_start3A_645 : memref<10240x32xf32, #tpu.memory_space<vmem_shared>>) offsets(%dma_start3A_642 : memref<128xi32, #tpu.memory_space<vmem>>) semaphore(%arg33 : memref<!tpu.dma_semaphore, #tpu.memory_space<semaphore_mem>>) {add = true}
      %lt3A_646 = arith.constant 80 : i32
      %lt3A_647 = arith.cmpi slt, %add3A_623, %lt3A_646 : i32
      %eq3A_648 = arith.constant 0 : i32
      %eq3A_649 = arith.cmpi eq, %arg0, %eq3A_648 : i32
      %eq3A_650 = arith.xori %lt3A_647, %eq3A_649 : i1
      %eq3A_651 = arith.constant true
      %eq3A_652 = arith.xori %eq3A_650, %eq3A_651 : i1
      %convert_element_type3A_653 = arith.extui %eq3A_652 : i1 to i32
      %cond3A_654 = arith.constant 0 : i32
      %cond3A_655 = arith.cmpi ne, %convert_element_type3A_653, %cond3A_654 : i32
      scf.if %cond3A_655 {
        "tpu.region"() ({
          %run_scoped3A = tpu.sem_alloc : memref<!tpu.dma_semaphore, #tpu.memory_space<semaphore_mem>>
          %dma_start3A_779 = arith.constant 0 : i32
          %dma_start3A_780 = tpu.memref_slice %arg10[%add3A_623, %dma_start3A_779] : memref<160x128xi32, #tpu.memory_space<vmem>> -> memref<1x128xi32, #tpu.memory_space<vmem>>
          %dma_start3A_781 = tpu.memref_squeeze %dma_start3A_780 : memref<1x128xi32, #tpu.memory_space<vmem>> -> memref<128xi32, #tpu.memory_space<vmem>>
          %dma_start3A_782 = arith.constant 0 : i32
          %dma_start3A_783 = tpu.memref_slice %arg14[%dma_start3A_782] : memref<10240xf32, #tpu.memory_space<vmem_shared>> -> memref<10240xf32, #tpu.memory_space<vmem_shared>>
          tpu.enqueue_indirect_dma source(%arg12 : memref<128xf32, #tpu.memory_space<vmem>>) target(%dma_start3A_783 : memref<10240xf32, #tpu.memory_space<vmem_shared>>) offsets(%dma_start3A_781 : memref<128xi32, #tpu.memory_space<vmem>>) semaphore(%run_scoped3A : memref<!tpu.dma_semaphore, #tpu.memory_space<semaphore_mem>>) {add = true}
          %dma_wait3A_784 = arith.constant 0 : i32
          %dma_wait3A_785 = tpu.memref_slice %arg10[%add3A_623, %dma_wait3A_784] : memref<160x128xi32, #tpu.memory_space<vmem>> -> memref<1x128xi32, #tpu.memory_space<vmem>>
          %dma_wait3A_786 = tpu.memref_squeeze %dma_wait3A_785 : memref<1x128xi32, #tpu.memory_space<vmem>> -> memref<128xi32, #tpu.memory_space<vmem>>
          %dma_wait3A_787 = arith.constant 0 : i32
          %dma_wait3A_788 = tpu.memref_slice %arg14[%dma_wait3A_787] : memref<10240xf32, #tpu.memory_space<vmem_shared>> -> memref<10240xf32, #tpu.memory_space<vmem_shared>>
          tpu.wait_indirect_dma semaphore(%run_scoped3A : memref<!tpu.dma_semaphore, #tpu.memory_space<semaphore_mem>>) src(%arg12 : memref<128xf32, #tpu.memory_space<vmem>>) dst(%dma_wait3A_788 : memref<10240xf32, #tpu.memory_space<vmem_shared>>)
          tpu.yield
        }) : () -> ()
      } else {
      }
      %add3A_656 = arith.constant 5 : i32
      %add3A_657 = arith.addi %add3A_623, %add3A_656 : i32
      %lt3A_658 = arith.constant 160 : i32
      %lt3A_659 = arith.cmpi slt, %add3A_657, %lt3A_658 : i32
      %ge3A_660 = arith.constant 5 : i32
      %ge3A_661 = arith.cmpi sge, %add3A_623, %ge3A_660 : i32
      %and3A_662 = arith.andi %lt3A_659, %ge3A_661 : i1
      %convert_element_type3A_663 = arith.extui %and3A_662 : i1 to i32
      %cond3A_664 = arith.constant 0 : i32
      %cond3A_665 = arith.cmpi ne, %convert_element_type3A_663, %cond3A_664 : i32
      scf.if %cond3A_665 {
        %dma_wait3A_779 = arith.constant 2 : i32
        %dma_wait3A_780 = arith.constant 0 : i32
        %dma_wait3A_781 = arith.constant 0 : i32
        %dma_wait3A_782 = arith.constant 0 : i32
        %dma_wait3A_783 = tpu.memref_slice %arg11[%dma_wait3A_779, %dma_wait3A_781, %dma_wait3A_782] : memref<10x128x32xf32, #tpu.memory_space<vmem>> -> memref<1x128x32xf32, #tpu.memory_space<vmem>>
        %dma_wait3A_784 = tpu.memref_squeeze %dma_wait3A_783 : memref<1x128x32xf32, #tpu.memory_space<vmem>> -> memref<128x32xf32, #tpu.memory_space<vmem>>
        %dma_wait3A_785 = arith.constant 0 : i32
        %dma_wait3A_786 = tpu.memref_slice %arg10[%dma_wait3A_780, %dma_wait3A_785] : memref<160x128xi32, #tpu.memory_space<vmem>> -> memref<1x128xi32, #tpu.memory_space<vmem>>
        %dma_wait3A_787 = tpu.memref_squeeze %dma_wait3A_786 : memref<1x128xi32, #tpu.memory_space<vmem>> -> memref<128xi32, #tpu.memory_space<vmem>>
        %dma_wait3A_788 = arith.constant 0 : i32
        %dma_wait3A_789 = arith.constant 0 : i32
        %dma_wait3A_790 = tpu.memref_slice %arg13[%dma_wait3A_788, %dma_wait3A_789] : memref<10240x32xf32, #tpu.memory_space<vmem_shared>> -> memref<10240x32xf32, #tpu.memory_space<vmem_shared>>
        tpu.wait_indirect_dma semaphore(%arg28 : memref<!tpu.dma_semaphore, #tpu.memory_space<semaphore_mem>>) src(%dma_wait3A_784 : memref<128x32xf32, #tpu.memory_space<vmem>>) dst(%dma_wait3A_790 : memref<10240x32xf32, #tpu.memory_space<vmem_shared>>)
      } else {
      }
      %add3A_666 = arith.constant 5 : i32
      %add3A_667 = arith.addi %add3A_623, %add3A_666 : i32
      %lt3A_668 = arith.constant 160 : i32
      %lt3A_669 = arith.cmpi slt, %add3A_667, %lt3A_668 : i32
      %convert_element_type3A_670 = arith.extui %lt3A_669 : i1 to i32
      %cond3A_671 = arith.constant 0 : i32
      %cond3A_672 = arith.cmpi ne, %convert_element_type3A_670, %cond3A_671 : i32
      scf.if %cond3A_672 {
        %add3A_779 = arith.constant 5 : i32
        %add3A_780 = arith.addi %add3A_623, %add3A_779 : i32
        %dma_start3A_781 = arith.constant 2 : i32
        %dma_start3A_782 = arith.constant 0 : i32
        %dma_start3A_783 = arith.constant 0 : i32
        %dma_start3A_784 = tpu.memref_slice %arg11[%dma_start3A_781, %dma_start3A_782, %dma_start3A_783] : memref<10x128x32xf32, #tpu.memory_space<vmem>> -> memref<1x128x32xf32, #tpu.memory_space<vmem>>
        %dma_start3A_785 = tpu.memref_squeeze %dma_start3A_784 : memref<1x128x32xf32, #tpu.memory_space<vmem>> -> memref<128x32xf32, #tpu.memory_space<vmem>>
        %dma_start3A_786 = arith.constant 0 : i32
        %dma_start3A_787 = tpu.memref_slice %arg9[%add3A_780, %dma_start3A_786] : memref<160x128xi32, #tpu.memory_space<vmem>> -> memref<1x128xi32, #tpu.memory_space<vmem>>
        %dma_start3A_788 = tpu.memref_squeeze %dma_start3A_787 : memref<1x128xi32, #tpu.memory_space<vmem>> -> memref<128xi32, #tpu.memory_space<vmem>>
        %dma_start3A_789 = arith.constant 0 : i32
        %dma_start3A_790 = arith.constant 0 : i32
        %dma_start3A_791 = tpu.memref_slice %arg15[%dma_start3A_789, %dma_start3A_790] : memref<10000x32xf32, #tpu.memory_space<vmem_shared>> -> memref<10000x32xf32, #tpu.memory_space<vmem_shared>>
        tpu.enqueue_indirect_dma source(%dma_start3A_791 : memref<10000x32xf32, #tpu.memory_space<vmem_shared>>) target(%dma_start3A_785 : memref<128x32xf32, #tpu.memory_space<vmem>>) offsets(%dma_start3A_788 : memref<128xi32, #tpu.memory_space<vmem>>) semaphore(%arg18 : memref<!tpu.dma_semaphore, #tpu.memory_space<semaphore_mem>>)
      } else {
      }
      %mul3A_673 = arith.constant 10 : i32
      %mul3A_674 = arith.muli %scan3A_252, %mul3A_673 : i32
      %add3A_675 = arith.constant 8 : i32
      %add3A_676 = arith.addi %mul3A_674, %add3A_675 : i32
      %dma_wait3A_677 = arith.constant 8 : i32
      %dma_wait3A_678 = arith.constant 0 : i32
      %dma_wait3A_679 = arith.constant 0 : i32
      %dma_wait3A_680 = tpu.memref_slice %arg11[%dma_wait3A_677, %dma_wait3A_678, %dma_wait3A_679] : memref<10x128x32xf32, #tpu.memory_space<vmem>> -> memref<1x128x32xf32, #tpu.memory_space<vmem>>
      %dma_wait3A_681 = tpu.memref_squeeze %dma_wait3A_680 : memref<1x128x32xf32, #tpu.memory_space<vmem>> -> memref<128x32xf32, #tpu.memory_space<vmem>>
      %dma_wait3A_682 = arith.constant 0 : i32
      %dma_wait3A_683 = tpu.memref_slice %arg9[%add3A_676, %dma_wait3A_682] : memref<160x128xi32, #tpu.memory_space<vmem>> -> memref<1x128xi32, #tpu.memory_space<vmem>>
      %dma_wait3A_684 = tpu.memref_squeeze %dma_wait3A_683 : memref<1x128xi32, #tpu.memory_space<vmem>> -> memref<128xi32, #tpu.memory_space<vmem>>
      %dma_wait3A_685 = arith.constant 0 : i32
      %dma_wait3A_686 = arith.constant 0 : i32
      %dma_wait3A_687 = tpu.memref_slice %arg15[%dma_wait3A_685, %dma_wait3A_686] : memref<10000x32xf32, #tpu.memory_space<vmem_shared>> -> memref<10000x32xf32, #tpu.memory_space<vmem_shared>>
      tpu.wait_indirect_dma semaphore(%arg24 : memref<!tpu.dma_semaphore, #tpu.memory_space<semaphore_mem>>) src(%dma_wait3A_687 : memref<10000x32xf32, #tpu.memory_space<vmem_shared>>) dst(%dma_wait3A_681 : memref<128x32xf32, #tpu.memory_space<vmem>>)
      %dma_start3A_688 = arith.constant 8 : i32
      %dma_start3A_689 = arith.constant 0 : i32
      %dma_start3A_690 = arith.constant 0 : i32
      %dma_start3A_691 = tpu.memref_slice %arg11[%dma_start3A_688, %dma_start3A_689, %dma_start3A_690] : memref<10x128x32xf32, #tpu.memory_space<vmem>> -> memref<1x128x32xf32, #tpu.memory_space<vmem>>
      %dma_start3A_692 = tpu.memref_squeeze %dma_start3A_691 : memref<1x128x32xf32, #tpu.memory_space<vmem>> -> memref<128x32xf32, #tpu.memory_space<vmem>>
      %dma_start3A_693 = arith.constant 0 : i32
      %dma_start3A_694 = tpu.memref_slice %arg10[%add3A_676, %dma_start3A_693] : memref<160x128xi32, #tpu.memory_space<vmem>> -> memref<1x128xi32, #tpu.memory_space<vmem>>
      %dma_start3A_695 = tpu.memref_squeeze %dma_start3A_694 : memref<1x128xi32, #tpu.memory_space<vmem>> -> memref<128xi32, #tpu.memory_space<vmem>>
      %dma_start3A_696 = arith.constant 0 : i32
      %dma_start3A_697 = arith.constant 0 : i32
      %dma_start3A_698 = tpu.memref_slice %arg13[%dma_start3A_696, %dma_start3A_697] : memref<10240x32xf32, #tpu.memory_space<vmem_shared>> -> memref<10240x32xf32, #tpu.memory_space<vmem_shared>>
      tpu.enqueue_indirect_dma source(%dma_start3A_692 : memref<128x32xf32, #tpu.memory_space<vmem>>) target(%dma_start3A_698 : memref<10240x32xf32, #tpu.memory_space<vmem_shared>>) offsets(%dma_start3A_695 : memref<128xi32, #tpu.memory_space<vmem>>) semaphore(%arg34 : memref<!tpu.dma_semaphore, #tpu.memory_space<semaphore_mem>>) {add = true}
      %lt3A_699 = arith.constant 80 : i32
      %lt3A_700 = arith.cmpi slt, %add3A_676, %lt3A_699 : i32
      %eq3A_701 = arith.constant 0 : i32
      %eq3A_702 = arith.cmpi eq, %arg0, %eq3A_701 : i32
      %eq3A_703 = arith.xori %lt3A_700, %eq3A_702 : i1
      %eq3A_704 = arith.constant true
      %eq3A_705 = arith.xori %eq3A_703, %eq3A_704 : i1
      %convert_element_type3A_706 = arith.extui %eq3A_705 : i1 to i32
      %cond3A_707 = arith.constant 0 : i32
      %cond3A_708 = arith.cmpi ne, %convert_element_type3A_706, %cond3A_707 : i32
      scf.if %cond3A_708 {
        "tpu.region"() ({
          %run_scoped3A = tpu.sem_alloc : memref<!tpu.dma_semaphore, #tpu.memory_space<semaphore_mem>>
          %dma_start3A_779 = arith.constant 0 : i32
          %dma_start3A_780 = tpu.memref_slice %arg10[%add3A_676, %dma_start3A_779] : memref<160x128xi32, #tpu.memory_space<vmem>> -> memref<1x128xi32, #tpu.memory_space<vmem>>
          %dma_start3A_781 = tpu.memref_squeeze %dma_start3A_780 : memref<1x128xi32, #tpu.memory_space<vmem>> -> memref<128xi32, #tpu.memory_space<vmem>>
          %dma_start3A_782 = arith.constant 0 : i32
          %dma_start3A_783 = tpu.memref_slice %arg14[%dma_start3A_782] : memref<10240xf32, #tpu.memory_space<vmem_shared>> -> memref<10240xf32, #tpu.memory_space<vmem_shared>>
          tpu.enqueue_indirect_dma source(%arg12 : memref<128xf32, #tpu.memory_space<vmem>>) target(%dma_start3A_783 : memref<10240xf32, #tpu.memory_space<vmem_shared>>) offsets(%dma_start3A_781 : memref<128xi32, #tpu.memory_space<vmem>>) semaphore(%run_scoped3A : memref<!tpu.dma_semaphore, #tpu.memory_space<semaphore_mem>>) {add = true}
          %dma_wait3A_784 = arith.constant 0 : i32
          %dma_wait3A_785 = tpu.memref_slice %arg10[%add3A_676, %dma_wait3A_784] : memref<160x128xi32, #tpu.memory_space<vmem>> -> memref<1x128xi32, #tpu.memory_space<vmem>>
          %dma_wait3A_786 = tpu.memref_squeeze %dma_wait3A_785 : memref<1x128xi32, #tpu.memory_space<vmem>> -> memref<128xi32, #tpu.memory_space<vmem>>
          %dma_wait3A_787 = arith.constant 0 : i32
          %dma_wait3A_788 = tpu.memref_slice %arg14[%dma_wait3A_787] : memref<10240xf32, #tpu.memory_space<vmem_shared>> -> memref<10240xf32, #tpu.memory_space<vmem_shared>>
          tpu.wait_indirect_dma semaphore(%run_scoped3A : memref<!tpu.dma_semaphore, #tpu.memory_space<semaphore_mem>>) src(%arg12 : memref<128xf32, #tpu.memory_space<vmem>>) dst(%dma_wait3A_788 : memref<10240xf32, #tpu.memory_space<vmem_shared>>)
          tpu.yield
        }) : () -> ()
      } else {
      }
      %add3A_709 = arith.constant 5 : i32
      %add3A_710 = arith.addi %add3A_676, %add3A_709 : i32
      %lt3A_711 = arith.constant 160 : i32
      %lt3A_712 = arith.cmpi slt, %add3A_710, %lt3A_711 : i32
      %ge3A_713 = arith.constant 5 : i32
      %ge3A_714 = arith.cmpi sge, %add3A_676, %ge3A_713 : i32
      %and3A_715 = arith.andi %lt3A_712, %ge3A_714 : i1
      %convert_element_type3A_716 = arith.extui %and3A_715 : i1 to i32
      %cond3A_717 = arith.constant 0 : i32
      %cond3A_718 = arith.cmpi ne, %convert_element_type3A_716, %cond3A_717 : i32
      scf.if %cond3A_718 {
        %dma_wait3A_779 = arith.constant 3 : i32
        %dma_wait3A_780 = arith.constant 0 : i32
        %dma_wait3A_781 = arith.constant 0 : i32
        %dma_wait3A_782 = arith.constant 0 : i32
        %dma_wait3A_783 = tpu.memref_slice %arg11[%dma_wait3A_779, %dma_wait3A_781, %dma_wait3A_782] : memref<10x128x32xf32, #tpu.memory_space<vmem>> -> memref<1x128x32xf32, #tpu.memory_space<vmem>>
        %dma_wait3A_784 = tpu.memref_squeeze %dma_wait3A_783 : memref<1x128x32xf32, #tpu.memory_space<vmem>> -> memref<128x32xf32, #tpu.memory_space<vmem>>
        %dma_wait3A_785 = arith.constant 0 : i32
        %dma_wait3A_786 = tpu.memref_slice %arg10[%dma_wait3A_780, %dma_wait3A_785] : memref<160x128xi32, #tpu.memory_space<vmem>> -> memref<1x128xi32, #tpu.memory_space<vmem>>
        %dma_wait3A_787 = tpu.memref_squeeze %dma_wait3A_786 : memref<1x128xi32, #tpu.memory_space<vmem>> -> memref<128xi32, #tpu.memory_space<vmem>>
        %dma_wait3A_788 = arith.constant 0 : i32
        %dma_wait3A_789 = arith.constant 0 : i32
        %dma_wait3A_790 = tpu.memref_slice %arg13[%dma_wait3A_788, %dma_wait3A_789] : memref<10240x32xf32, #tpu.memory_space<vmem_shared>> -> memref<10240x32xf32, #tpu.memory_space<vmem_shared>>
        tpu.wait_indirect_dma semaphore(%arg29 : memref<!tpu.dma_semaphore, #tpu.memory_space<semaphore_mem>>) src(%dma_wait3A_784 : memref<128x32xf32, #tpu.memory_space<vmem>>) dst(%dma_wait3A_790 : memref<10240x32xf32, #tpu.memory_space<vmem_shared>>)
      } else {
      }
      %add3A_719 = arith.constant 5 : i32
      %add3A_720 = arith.addi %add3A_676, %add3A_719 : i32
      %lt3A_721 = arith.constant 160 : i32
      %lt3A_722 = arith.cmpi slt, %add3A_720, %lt3A_721 : i32
      %convert_element_type3A_723 = arith.extui %lt3A_722 : i1 to i32
      %cond3A_724 = arith.constant 0 : i32
      %cond3A_725 = arith.cmpi ne, %convert_element_type3A_723, %cond3A_724 : i32
      scf.if %cond3A_725 {
        %add3A_779 = arith.constant 5 : i32
        %add3A_780 = arith.addi %add3A_676, %add3A_779 : i32
        %dma_start3A_781 = arith.constant 3 : i32
        %dma_start3A_782 = arith.constant 0 : i32
        %dma_start3A_783 = arith.constant 0 : i32
        %dma_start3A_784 = tpu.memref_slice %arg11[%dma_start3A_781, %dma_start3A_782, %dma_start3A_783] : memref<10x128x32xf32, #tpu.memory_space<vmem>> -> memref<1x128x32xf32, #tpu.memory_space<vmem>>
        %dma_start3A_785 = tpu.memref_squeeze %dma_start3A_784 : memref<1x128x32xf32, #tpu.memory_space<vmem>> -> memref<128x32xf32, #tpu.memory_space<vmem>>
        %dma_start3A_786 = arith.constant 0 : i32
        %dma_start3A_787 = tpu.memref_slice %arg9[%add3A_780, %dma_start3A_786] : memref<160x128xi32, #tpu.memory_space<vmem>> -> memref<1x128xi32, #tpu.memory_space<vmem>>
        %dma_start3A_788 = tpu.memref_squeeze %dma_start3A_787 : memref<1x128xi32, #tpu.memory_space<vmem>> -> memref<128xi32, #tpu.memory_space<vmem>>
        %dma_start3A_789 = arith.constant 0 : i32
        %dma_start3A_790 = arith.constant 0 : i32
        %dma_start3A_791 = tpu.memref_slice %arg15[%dma_start3A_789, %dma_start3A_790] : memref<10000x32xf32, #tpu.memory_space<vmem_shared>> -> memref<10000x32xf32, #tpu.memory_space<vmem_shared>>
        tpu.enqueue_indirect_dma source(%dma_start3A_791 : memref<10000x32xf32, #tpu.memory_space<vmem_shared>>) target(%dma_start3A_785 : memref<128x32xf32, #tpu.memory_space<vmem>>) offsets(%dma_start3A_788 : memref<128xi32, #tpu.memory_space<vmem>>) semaphore(%arg19 : memref<!tpu.dma_semaphore, #tpu.memory_space<semaphore_mem>>)
      } else {
      }
      %mul3A_726 = arith.constant 10 : i32
      %mul3A_727 = arith.muli %scan3A_252, %mul3A_726 : i32
      %add3A_728 = arith.constant 9 : i32
      %add3A_729 = arith.addi %mul3A_727, %add3A_728 : i32
      %dma_wait3A_730 = arith.constant 9 : i32
      %dma_wait3A_731 = arith.constant 0 : i32
      %dma_wait3A_732 = arith.constant 0 : i32
      %dma_wait3A_733 = tpu.memref_slice %arg11[%dma_wait3A_730, %dma_wait3A_731, %dma_wait3A_732] : memref<10x128x32xf32, #tpu.memory_space<vmem>> -> memref<1x128x32xf32, #tpu.memory_space<vmem>>
      %dma_wait3A_734 = tpu.memref_squeeze %dma_wait3A_733 : memref<1x128x32xf32, #tpu.memory_space<vmem>> -> memref<128x32xf32, #tpu.memory_space<vmem>>
      %dma_wait3A_735 = arith.constant 0 : i32
      %dma_wait3A_736 = tpu.memref_slice %arg9[%add3A_729, %dma_wait3A_735] : memref<160x128xi32, #tpu.memory_space<vmem>> -> memref<1x128xi32, #tpu.memory_space<vmem>>
      %dma_wait3A_737 = tpu.memref_squeeze %dma_wait3A_736 : memref<1x128xi32, #tpu.memory_space<vmem>> -> memref<128xi32, #tpu.memory_space<vmem>>
      %dma_wait3A_738 = arith.constant 0 : i32
      %dma_wait3A_739 = arith.constant 0 : i32
      %dma_wait3A_740 = tpu.memref_slice %arg15[%dma_wait3A_738, %dma_wait3A_739] : memref<10000x32xf32, #tpu.memory_space<vmem_shared>> -> memref<10000x32xf32, #tpu.memory_space<vmem_shared>>
      tpu.wait_indirect_dma semaphore(%arg25 : memref<!tpu.dma_semaphore, #tpu.memory_space<semaphore_mem>>) src(%dma_wait3A_740 : memref<10000x32xf32, #tpu.memory_space<vmem_shared>>) dst(%dma_wait3A_734 : memref<128x32xf32, #tpu.memory_space<vmem>>)
      %dma_start3A_741 = arith.constant 9 : i32
      %dma_start3A_742 = arith.constant 0 : i32
      %dma_start3A_743 = arith.constant 0 : i32
      %dma_start3A_744 = tpu.memref_slice %arg11[%dma_start3A_741, %dma_start3A_742, %dma_start3A_743] : memref<10x128x32xf32, #tpu.memory_space<vmem>> -> memref<1x128x32xf32, #tpu.memory_space<vmem>>
      %dma_start3A_745 = tpu.memref_squeeze %dma_start3A_744 : memref<1x128x32xf32, #tpu.memory_space<vmem>> -> memref<128x32xf32, #tpu.memory_space<vmem>>
      %dma_start3A_746 = arith.constant 0 : i32
      %dma_start3A_747 = tpu.memref_slice %arg10[%add3A_729, %dma_start3A_746] : memref<160x128xi32, #tpu.memory_space<vmem>> -> memref<1x128xi32, #tpu.memory_space<vmem>>
      %dma_start3A_748 = tpu.memref_squeeze %dma_start3A_747 : memref<1x128xi32, #tpu.memory_space<vmem>> -> memref<128xi32, #tpu.memory_space<vmem>>
      %dma_start3A_749 = arith.constant 0 : i32
      %dma_start3A_750 = arith.constant 0 : i32
      %dma_start3A_751 = tpu.memref_slice %arg13[%dma_start3A_749, %dma_start3A_750] : memref<10240x32xf32, #tpu.memory_space<vmem_shared>> -> memref<10240x32xf32, #tpu.memory_space<vmem_shared>>
      tpu.enqueue_indirect_dma source(%dma_start3A_745 : memref<128x32xf32, #tpu.memory_space<vmem>>) target(%dma_start3A_751 : memref<10240x32xf32, #tpu.memory_space<vmem_shared>>) offsets(%dma_start3A_748 : memref<128xi32, #tpu.memory_space<vmem>>) semaphore(%arg35 : memref<!tpu.dma_semaphore, #tpu.memory_space<semaphore_mem>>) {add = true}
      %lt3A_752 = arith.constant 80 : i32
      %lt3A_753 = arith.cmpi slt, %add3A_729, %lt3A_752 : i32
      %eq3A_754 = arith.constant 0 : i32
      %eq3A_755 = arith.cmpi eq, %arg0, %eq3A_754 : i32
      %eq3A_756 = arith.xori %lt3A_753, %eq3A_755 : i1
      %eq3A_757 = arith.constant true
      %eq3A_758 = arith.xori %eq3A_756, %eq3A_757 : i1
      %convert_element_type3A_759 = arith.extui %eq3A_758 : i1 to i32
      %cond3A_760 = arith.constant 0 : i32
      %cond3A_761 = arith.cmpi ne, %convert_element_type3A_759, %cond3A_760 : i32
      scf.if %cond3A_761 {
        "tpu.region"() ({
          %run_scoped3A = tpu.sem_alloc : memref<!tpu.dma_semaphore, #tpu.memory_space<semaphore_mem>>
          %dma_start3A_779 = arith.constant 0 : i32
          %dma_start3A_780 = tpu.memref_slice %arg10[%add3A_729, %dma_start3A_779] : memref<160x128xi32, #tpu.memory_space<vmem>> -> memref<1x128xi32, #tpu.memory_space<vmem>>
          %dma_start3A_781 = tpu.memref_squeeze %dma_start3A_780 : memref<1x128xi32, #tpu.memory_space<vmem>> -> memref<128xi32, #tpu.memory_space<vmem>>
          %dma_start3A_782 = arith.constant 0 : i32
          %dma_start3A_783 = tpu.memref_slice %arg14[%dma_start3A_782] : memref<10240xf32, #tpu.memory_space<vmem_shared>> -> memref<10240xf32, #tpu.memory_space<vmem_shared>>
          tpu.enqueue_indirect_dma source(%arg12 : memref<128xf32, #tpu.memory_space<vmem>>) target(%dma_start3A_783 : memref<10240xf32, #tpu.memory_space<vmem_shared>>) offsets(%dma_start3A_781 : memref<128xi32, #tpu.memory_space<vmem>>) semaphore(%run_scoped3A : memref<!tpu.dma_semaphore, #tpu.memory_space<semaphore_mem>>) {add = true}
          %dma_wait3A_784 = arith.constant 0 : i32
          %dma_wait3A_785 = tpu.memref_slice %arg10[%add3A_729, %dma_wait3A_784] : memref<160x128xi32, #tpu.memory_space<vmem>> -> memref<1x128xi32, #tpu.memory_space<vmem>>
          %dma_wait3A_786 = tpu.memref_squeeze %dma_wait3A_785 : memref<1x128xi32, #tpu.memory_space<vmem>> -> memref<128xi32, #tpu.memory_space<vmem>>
          %dma_wait3A_787 = arith.constant 0 : i32
          %dma_wait3A_788 = tpu.memref_slice %arg14[%dma_wait3A_787] : memref<10240xf32, #tpu.memory_space<vmem_shared>> -> memref<10240xf32, #tpu.memory_space<vmem_shared>>
          tpu.wait_indirect_dma semaphore(%run_scoped3A : memref<!tpu.dma_semaphore, #tpu.memory_space<semaphore_mem>>) src(%arg12 : memref<128xf32, #tpu.memory_space<vmem>>) dst(%dma_wait3A_788 : memref<10240xf32, #tpu.memory_space<vmem_shared>>)
          tpu.yield
        }) : () -> ()
      } else {
      }
      %add3A_762 = arith.constant 5 : i32
      %add3A_763 = arith.addi %add3A_729, %add3A_762 : i32
      %lt3A_764 = arith.constant 160 : i32
      %lt3A_765 = arith.cmpi slt, %add3A_763, %lt3A_764 : i32
      %ge3A_766 = arith.constant 5 : i32
      %ge3A_767 = arith.cmpi sge, %add3A_729, %ge3A_766 : i32
      %and3A_768 = arith.andi %lt3A_765, %ge3A_767 : i1
      %convert_element_type3A_769 = arith.extui %and3A_768 : i1 to i32
      %cond3A_770 = arith.constant 0 : i32
      %cond3A_771 = arith.cmpi ne, %convert_element_type3A_769, %cond3A_770 : i32
      scf.if %cond3A_771 {
        %dma_wait3A_779 = arith.constant 4 : i32
        %dma_wait3A_780 = arith.constant 0 : i32
        %dma_wait3A_781 = arith.constant 0 : i32
        %dma_wait3A_782 = arith.constant 0 : i32
        %dma_wait3A_783 = tpu.memref_slice %arg11[%dma_wait3A_779, %dma_wait3A_781, %dma_wait3A_782] : memref<10x128x32xf32, #tpu.memory_space<vmem>> -> memref<1x128x32xf32, #tpu.memory_space<vmem>>
        %dma_wait3A_784 = tpu.memref_squeeze %dma_wait3A_783 : memref<1x128x32xf32, #tpu.memory_space<vmem>> -> memref<128x32xf32, #tpu.memory_space<vmem>>
        %dma_wait3A_785 = arith.constant 0 : i32
        %dma_wait3A_786 = tpu.memref_slice %arg10[%dma_wait3A_780, %dma_wait3A_785] : memref<160x128xi32, #tpu.memory_space<vmem>> -> memref<1x128xi32, #tpu.memory_space<vmem>>
        %dma_wait3A_787 = tpu.memref_squeeze %dma_wait3A_786 : memref<1x128xi32, #tpu.memory_space<vmem>> -> memref<128xi32, #tpu.memory_space<vmem>>
        %dma_wait3A_788 = arith.constant 0 : i32
        %dma_wait3A_789 = arith.constant 0 : i32
        %dma_wait3A_790 = tpu.memref_slice %arg13[%dma_wait3A_788, %dma_wait3A_789] : memref<10240x32xf32, #tpu.memory_space<vmem_shared>> -> memref<10240x32xf32, #tpu.memory_space<vmem_shared>>
        tpu.wait_indirect_dma semaphore(%arg30 : memref<!tpu.dma_semaphore, #tpu.memory_space<semaphore_mem>>) src(%dma_wait3A_784 : memref<128x32xf32, #tpu.memory_space<vmem>>) dst(%dma_wait3A_790 : memref<10240x32xf32, #tpu.memory_space<vmem_shared>>)
      } else {
      }
      %add3A_772 = arith.constant 5 : i32
      %add3A_773 = arith.addi %add3A_729, %add3A_772 : i32
      %lt3A_774 = arith.constant 160 : i32
      %lt3A_775 = arith.cmpi slt, %add3A_773, %lt3A_774 : i32
      %convert_element_type3A_776 = arith.extui %lt3A_775 : i1 to i32
      %cond3A_777 = arith.constant 0 : i32
      %cond3A_778 = arith.cmpi ne, %convert_element_type3A_776, %cond3A_777 : i32
      scf.if %cond3A_778 {
        %add3A_779 = arith.constant 5 : i32
        %add3A_780 = arith.addi %add3A_729, %add3A_779 : i32
        %dma_start3A_781 = arith.constant 4 : i32
        %dma_start3A_782 = arith.constant 0 : i32
        %dma_start3A_783 = arith.constant 0 : i32
        %dma_start3A_784 = tpu.memref_slice %arg11[%dma_start3A_781, %dma_start3A_782, %dma_start3A_783] : memref<10x128x32xf32, #tpu.memory_space<vmem>> -> memref<1x128x32xf32, #tpu.memory_space<vmem>>
        %dma_start3A_785 = tpu.memref_squeeze %dma_start3A_784 : memref<1x128x32xf32, #tpu.memory_space<vmem>> -> memref<128x32xf32, #tpu.memory_space<vmem>>
        %dma_start3A_786 = arith.constant 0 : i32
        %dma_start3A_787 = tpu.memref_slice %arg9[%add3A_780, %dma_start3A_786] : memref<160x128xi32, #tpu.memory_space<vmem>> -> memref<1x128xi32, #tpu.memory_space<vmem>>
        %dma_start3A_788 = tpu.memref_squeeze %dma_start3A_787 : memref<1x128xi32, #tpu.memory_space<vmem>> -> memref<128xi32, #tpu.memory_space<vmem>>
        %dma_start3A_789 = arith.constant 0 : i32
        %dma_start3A_790 = arith.constant 0 : i32
        %dma_start3A_791 = tpu.memref_slice %arg15[%dma_start3A_789, %dma_start3A_790] : memref<10000x32xf32, #tpu.memory_space<vmem_shared>> -> memref<10000x32xf32, #tpu.memory_space<vmem_shared>>
        tpu.enqueue_indirect_dma source(%dma_start3A_791 : memref<10000x32xf32, #tpu.memory_space<vmem_shared>>) target(%dma_start3A_785 : memref<128x32xf32, #tpu.memory_space<vmem>>) offsets(%dma_start3A_788 : memref<128xi32, #tpu.memory_space<vmem>>) semaphore(%arg20 : memref<!tpu.dma_semaphore, #tpu.memory_space<semaphore_mem>>)
      } else {
      }
    }
    %scan3A_121 = arith.constant 16 : i32
    %dma_wait3A = arith.constant 0 : i32
    %dma_wait3A_122 = arith.constant 0 : i32
    %dma_wait3A_123 = arith.constant 0 : i32
    %dma_wait3A_124 = arith.constant 0 : i32
    %dma_wait3A_125 = tpu.memref_slice %arg11[%dma_wait3A, %dma_wait3A_123, %dma_wait3A_124] : memref<10x128x32xf32, #tpu.memory_space<vmem>> -> memref<1x128x32xf32, #tpu.memory_space<vmem>>
    %dma_wait3A_126 = tpu.memref_squeeze %dma_wait3A_125 : memref<1x128x32xf32, #tpu.memory_space<vmem>> -> memref<128x32xf32, #tpu.memory_space<vmem>>
    %dma_wait3A_127 = arith.constant 0 : i32
    %dma_wait3A_128 = tpu.memref_slice %arg10[%dma_wait3A_122, %dma_wait3A_127] : memref<160x128xi32, #tpu.memory_space<vmem>> -> memref<1x128xi32, #tpu.memory_space<vmem>>
    %dma_wait3A_129 = tpu.memref_squeeze %dma_wait3A_128 : memref<1x128xi32, #tpu.memory_space<vmem>> -> memref<128xi32, #tpu.memory_space<vmem>>
    %dma_wait3A_130 = arith.constant 0 : i32
    %dma_wait3A_131 = arith.constant 0 : i32
    %dma_wait3A_132 = tpu.memref_slice %arg13[%dma_wait3A_130, %dma_wait3A_131] : memref<10240x32xf32, #tpu.memory_space<vmem_shared>> -> memref<10240x32xf32, #tpu.memory_space<vmem_shared>>
    tpu.wait_indirect_dma semaphore(%arg26 : memref<!tpu.dma_semaphore, #tpu.memory_space<semaphore_mem>>) src(%dma_wait3A_126 : memref<128x32xf32, #tpu.memory_space<vmem>>) dst(%dma_wait3A_132 : memref<10240x32xf32, #tpu.memory_space<vmem_shared>>)
    %dma_wait3A_133 = arith.constant 1 : i32
    %dma_wait3A_134 = arith.constant 0 : i32
    %dma_wait3A_135 = arith.constant 0 : i32
    %dma_wait3A_136 = arith.constant 0 : i32
    %dma_wait3A_137 = tpu.memref_slice %arg11[%dma_wait3A_133, %dma_wait3A_135, %dma_wait3A_136] : memref<10x128x32xf32, #tpu.memory_space<vmem>> -> memref<1x128x32xf32, #tpu.memory_space<vmem>>
    %dma_wait3A_138 = tpu.memref_squeeze %dma_wait3A_137 : memref<1x128x32xf32, #tpu.memory_space<vmem>> -> memref<128x32xf32, #tpu.memory_space<vmem>>
    %dma_wait3A_139 = arith.constant 0 : i32
    %dma_wait3A_140 = tpu.memref_slice %arg10[%dma_wait3A_134, %dma_wait3A_139] : memref<160x128xi32, #tpu.memory_space<vmem>> -> memref<1x128xi32, #tpu.memory_space<vmem>>
    %dma_wait3A_141 = tpu.memref_squeeze %dma_wait3A_140 : memref<1x128xi32, #tpu.memory_space<vmem>> -> memref<128xi32, #tpu.memory_space<vmem>>
    %dma_wait3A_142 = arith.constant 0 : i32
    %dma_wait3A_143 = arith.constant 0 : i32
    %dma_wait3A_144 = tpu.memref_slice %arg13[%dma_wait3A_142, %dma_wait3A_143] : memref<10240x32xf32, #tpu.memory_space<vmem_shared>> -> memref<10240x32xf32, #tpu.memory_space<vmem_shared>>
    tpu.wait_indirect_dma semaphore(%arg27 : memref<!tpu.dma_semaphore, #tpu.memory_space<semaphore_mem>>) src(%dma_wait3A_138 : memref<128x32xf32, #tpu.memory_space<vmem>>) dst(%dma_wait3A_144 : memref<10240x32xf32, #tpu.memory_space<vmem_shared>>)
    %dma_wait3A_145 = arith.constant 2 : i32
    %dma_wait3A_146 = arith.constant 0 : i32
    %dma_wait3A_147 = arith.constant 0 : i32
    %dma_wait3A_148 = arith.constant 0 : i32
    %dma_wait3A_149 = tpu.memref_slice %arg11[%dma_wait3A_145, %dma_wait3A_147, %dma_wait3A_148] : memref<10x128x32xf32, #tpu.memory_space<vmem>> -> memref<1x128x32xf32, #tpu.memory_space<vmem>>
    %dma_wait3A_150 = tpu.memref_squeeze %dma_wait3A_149 : memref<1x128x32xf32, #tpu.memory_space<vmem>> -> memref<128x32xf32, #tpu.memory_space<vmem>>
    %dma_wait3A_151 = arith.constant 0 : i32
    %dma_wait3A_152 = tpu.memref_slice %arg10[%dma_wait3A_146, %dma_wait3A_151] : memref<160x128xi32, #tpu.memory_space<vmem>> -> memref<1x128xi32, #tpu.memory_space<vmem>>
    %dma_wait3A_153 = tpu.memref_squeeze %dma_wait3A_152 : memref<1x128xi32, #tpu.memory_space<vmem>> -> memref<128xi32, #tpu.memory_space<vmem>>
    %dma_wait3A_154 = arith.constant 0 : i32
    %dma_wait3A_155 = arith.constant 0 : i32
    %dma_wait3A_156 = tpu.memref_slice %arg13[%dma_wait3A_154, %dma_wait3A_155] : memref<10240x32xf32, #tpu.memory_space<vmem_shared>> -> memref<10240x32xf32, #tpu.memory_space<vmem_shared>>
    tpu.wait_indirect_dma semaphore(%arg28 : memref<!tpu.dma_semaphore, #tpu.memory_space<semaphore_mem>>) src(%dma_wait3A_150 : memref<128x32xf32, #tpu.memory_space<vmem>>) dst(%dma_wait3A_156 : memref<10240x32xf32, #tpu.memory_space<vmem_shared>>)
    %dma_wait3A_157 = arith.constant 3 : i32
    %dma_wait3A_158 = arith.constant 0 : i32
    %dma_wait3A_159 = arith.constant 0 : i32
    %dma_wait3A_160 = arith.constant 0 : i32
    %dma_wait3A_161 = tpu.memref_slice %arg11[%dma_wait3A_157, %dma_wait3A_159, %dma_wait3A_160] : memref<10x128x32xf32, #tpu.memory_space<vmem>> -> memref<1x128x32xf32, #tpu.memory_space<vmem>>
    %dma_wait3A_162 = tpu.memref_squeeze %dma_wait3A_161 : memref<1x128x32xf32, #tpu.memory_space<vmem>> -> memref<128x32xf32, #tpu.memory_space<vmem>>
    %dma_wait3A_163 = arith.constant 0 : i32
    %dma_wait3A_164 = tpu.memref_slice %arg10[%dma_wait3A_158, %dma_wait3A_163] : memref<160x128xi32, #tpu.memory_space<vmem>> -> memref<1x128xi32, #tpu.memory_space<vmem>>
    %dma_wait3A_165 = tpu.memref_squeeze %dma_wait3A_164 : memref<1x128xi32, #tpu.memory_space<vmem>> -> memref<128xi32, #tpu.memory_space<vmem>>
    %dma_wait3A_166 = arith.constant 0 : i32
    %dma_wait3A_167 = arith.constant 0 : i32
    %dma_wait3A_168 = tpu.memref_slice %arg13[%dma_wait3A_166, %dma_wait3A_167] : memref<10240x32xf32, #tpu.memory_space<vmem_shared>> -> memref<10240x32xf32, #tpu.memory_space<vmem_shared>>
    tpu.wait_indirect_dma semaphore(%arg29 : memref<!tpu.dma_semaphore, #tpu.memory_space<semaphore_mem>>) src(%dma_wait3A_162 : memref<128x32xf32, #tpu.memory_space<vmem>>) dst(%dma_wait3A_168 : memref<10240x32xf32, #tpu.memory_space<vmem_shared>>)
    %dma_wait3A_169 = arith.constant 4 : i32
    %dma_wait3A_170 = arith.constant 0 : i32
    %dma_wait3A_171 = arith.constant 0 : i32
    %dma_wait3A_172 = arith.constant 0 : i32
    %dma_wait3A_173 = tpu.memref_slice %arg11[%dma_wait3A_169, %dma_wait3A_171, %dma_wait3A_172] : memref<10x128x32xf32, #tpu.memory_space<vmem>> -> memref<1x128x32xf32, #tpu.memory_space<vmem>>
    %dma_wait3A_174 = tpu.memref_squeeze %dma_wait3A_173 : memref<1x128x32xf32, #tpu.memory_space<vmem>> -> memref<128x32xf32, #tpu.memory_space<vmem>>
    %dma_wait3A_175 = arith.constant 0 : i32
    %dma_wait3A_176 = tpu.memref_slice %arg10[%dma_wait3A_170, %dma_wait3A_175] : memref<160x128xi32, #tpu.memory_space<vmem>> -> memref<1x128xi32, #tpu.memory_space<vmem>>
    %dma_wait3A_177 = tpu.memref_squeeze %dma_wait3A_176 : memref<1x128xi32, #tpu.memory_space<vmem>> -> memref<128xi32, #tpu.memory_space<vmem>>
    %dma_wait3A_178 = arith.constant 0 : i32
    %dma_wait3A_179 = arith.constant 0 : i32
    %dma_wait3A_180 = tpu.memref_slice %arg13[%dma_wait3A_178, %dma_wait3A_179] : memref<10240x32xf32, #tpu.memory_space<vmem_shared>> -> memref<10240x32xf32, #tpu.memory_space<vmem_shared>>
    tpu.wait_indirect_dma semaphore(%arg30 : memref<!tpu.dma_semaphore, #tpu.memory_space<semaphore_mem>>) src(%dma_wait3A_174 : memref<128x32xf32, #tpu.memory_space<vmem>>) dst(%dma_wait3A_180 : memref<10240x32xf32, #tpu.memory_space<vmem_shared>>)
    %dma_wait3A_181 = arith.constant 5 : i32
    %dma_wait3A_182 = arith.constant 0 : i32
    %dma_wait3A_183 = arith.constant 0 : i32
    %dma_wait3A_184 = arith.constant 0 : i32
    %dma_wait3A_185 = tpu.memref_slice %arg11[%dma_wait3A_181, %dma_wait3A_183, %dma_wait3A_184] : memref<10x128x32xf32, #tpu.memory_space<vmem>> -> memref<1x128x32xf32, #tpu.memory_space<vmem>>
    %dma_wait3A_186 = tpu.memref_squeeze %dma_wait3A_185 : memref<1x128x32xf32, #tpu.memory_space<vmem>> -> memref<128x32xf32, #tpu.memory_space<vmem>>
    %dma_wait3A_187 = arith.constant 0 : i32
    %dma_wait3A_188 = tpu.memref_slice %arg10[%dma_wait3A_182, %dma_wait3A_187] : memref<160x128xi32, #tpu.memory_space<vmem>> -> memref<1x128xi32, #tpu.memory_space<vmem>>
    %dma_wait3A_189 = tpu.memref_squeeze %dma_wait3A_188 : memref<1x128xi32, #tpu.memory_space<vmem>> -> memref<128xi32, #tpu.memory_space<vmem>>
    %dma_wait3A_190 = arith.constant 0 : i32
    %dma_wait3A_191 = arith.constant 0 : i32
    %dma_wait3A_192 = tpu.memref_slice %arg13[%dma_wait3A_190, %dma_wait3A_191] : memref<10240x32xf32, #tpu.memory_space<vmem_shared>> -> memref<10240x32xf32, #tpu.memory_space<vmem_shared>>
    tpu.wait_indirect_dma semaphore(%arg31 : memref<!tpu.dma_semaphore, #tpu.memory_space<semaphore_mem>>) src(%dma_wait3A_186 : memref<128x32xf32, #tpu.memory_space<vmem>>) dst(%dma_wait3A_192 : memref<10240x32xf32, #tpu.memory_space<vmem_shared>>)
    %dma_wait3A_193 = arith.constant 6 : i32
    %dma_wait3A_194 = arith.constant 0 : i32
    %dma_wait3A_195 = arith.constant 0 : i32
    %dma_wait3A_196 = arith.constant 0 : i32
    %dma_wait3A_197 = tpu.memref_slice %arg11[%dma_wait3A_193, %dma_wait3A_195, %dma_wait3A_196] : memref<10x128x32xf32, #tpu.memory_space<vmem>> -> memref<1x128x32xf32, #tpu.memory_space<vmem>>
    %dma_wait3A_198 = tpu.memref_squeeze %dma_wait3A_197 : memref<1x128x32xf32, #tpu.memory_space<vmem>> -> memref<128x32xf32, #tpu.memory_space<vmem>>
    %dma_wait3A_199 = arith.constant 0 : i32
    %dma_wait3A_200 = tpu.memref_slice %arg10[%dma_wait3A_194, %dma_wait3A_199] : memref<160x128xi32, #tpu.memory_space<vmem>> -> memref<1x128xi32, #tpu.memory_space<vmem>>
    %dma_wait3A_201 = tpu.memref_squeeze %dma_wait3A_200 : memref<1x128xi32, #tpu.memory_space<vmem>> -> memref<128xi32, #tpu.memory_space<vmem>>
    %dma_wait3A_202 = arith.constant 0 : i32
    %dma_wait3A_203 = arith.constant 0 : i32
    %dma_wait3A_204 = tpu.memref_slice %arg13[%dma_wait3A_202, %dma_wait3A_203] : memref<10240x32xf32, #tpu.memory_space<vmem_shared>> -> memref<10240x32xf32, #tpu.memory_space<vmem_shared>>
    tpu.wait_indirect_dma semaphore(%arg32 : memref<!tpu.dma_semaphore, #tpu.memory_space<semaphore_mem>>) src(%dma_wait3A_198 : memref<128x32xf32, #tpu.memory_space<vmem>>) dst(%dma_wait3A_204 : memref<10240x32xf32, #tpu.memory_space<vmem_shared>>)
    %dma_wait3A_205 = arith.constant 7 : i32
    %dma_wait3A_206 = arith.constant 0 : i32
    %dma_wait3A_207 = arith.constant 0 : i32
    %dma_wait3A_208 = arith.constant 0 : i32
    %dma_wait3A_209 = tpu.memref_slice %arg11[%dma_wait3A_205, %dma_wait3A_207, %dma_wait3A_208] : memref<10x128x32xf32, #tpu.memory_space<vmem>> -> memref<1x128x32xf32, #tpu.memory_space<vmem>>
    %dma_wait3A_210 = tpu.memref_squeeze %dma_wait3A_209 : memref<1x128x32xf32, #tpu.memory_space<vmem>> -> memref<128x32xf32, #tpu.memory_space<vmem>>
    %dma_wait3A_211 = arith.constant 0 : i32
    %dma_wait3A_212 = tpu.memref_slice %arg10[%dma_wait3A_206, %dma_wait3A_211] : memref<160x128xi32, #tpu.memory_space<vmem>> -> memref<1x128xi32, #tpu.memory_space<vmem>>
    %dma_wait3A_213 = tpu.memref_squeeze %dma_wait3A_212 : memref<1x128xi32, #tpu.memory_space<vmem>> -> memref<128xi32, #tpu.memory_space<vmem>>
    %dma_wait3A_214 = arith.constant 0 : i32
    %dma_wait3A_215 = arith.constant 0 : i32
    %dma_wait3A_216 = tpu.memref_slice %arg13[%dma_wait3A_214, %dma_wait3A_215] : memref<10240x32xf32, #tpu.memory_space<vmem_shared>> -> memref<10240x32xf32, #tpu.memory_space<vmem_shared>>
    tpu.wait_indirect_dma semaphore(%arg33 : memref<!tpu.dma_semaphore, #tpu.memory_space<semaphore_mem>>) src(%dma_wait3A_210 : memref<128x32xf32, #tpu.memory_space<vmem>>) dst(%dma_wait3A_216 : memref<10240x32xf32, #tpu.memory_space<vmem_shared>>)
    %dma_wait3A_217 = arith.constant 8 : i32
    %dma_wait3A_218 = arith.constant 0 : i32
    %dma_wait3A_219 = arith.constant 0 : i32
    %dma_wait3A_220 = arith.constant 0 : i32
    %dma_wait3A_221 = tpu.memref_slice %arg11[%dma_wait3A_217, %dma_wait3A_219, %dma_wait3A_220] : memref<10x128x32xf32, #tpu.memory_space<vmem>> -> memref<1x128x32xf32, #tpu.memory_space<vmem>>
    %dma_wait3A_222 = tpu.memref_squeeze %dma_wait3A_221 : memref<1x128x32xf32, #tpu.memory_space<vmem>> -> memref<128x32xf32, #tpu.memory_space<vmem>>
    %dma_wait3A_223 = arith.constant 0 : i32
    %dma_wait3A_224 = tpu.memref_slice %arg10[%dma_wait3A_218, %dma_wait3A_223] : memref<160x128xi32, #tpu.memory_space<vmem>> -> memref<1x128xi32, #tpu.memory_space<vmem>>
    %dma_wait3A_225 = tpu.memref_squeeze %dma_wait3A_224 : memref<1x128xi32, #tpu.memory_space<vmem>> -> memref<128xi32, #tpu.memory_space<vmem>>
    %dma_wait3A_226 = arith.constant 0 : i32
    %dma_wait3A_227 = arith.constant 0 : i32
    %dma_wait3A_228 = tpu.memref_slice %arg13[%dma_wait3A_226, %dma_wait3A_227] : memref<10240x32xf32, #tpu.memory_space<vmem_shared>> -> memref<10240x32xf32, #tpu.memory_space<vmem_shared>>
    tpu.wait_indirect_dma semaphore(%arg34 : memref<!tpu.dma_semaphore, #tpu.memory_space<semaphore_mem>>) src(%dma_wait3A_222 : memref<128x32xf32, #tpu.memory_space<vmem>>) dst(%dma_wait3A_228 : memref<10240x32xf32, #tpu.memory_space<vmem_shared>>)
    %dma_wait3A_229 = arith.constant 9 : i32
    %dma_wait3A_230 = arith.constant 0 : i32
    %dma_wait3A_231 = arith.constant 0 : i32
    %dma_wait3A_232 = arith.constant 0 : i32
    %dma_wait3A_233 = tpu.memref_slice %arg11[%dma_wait3A_229, %dma_wait3A_231, %dma_wait3A_232] : memref<10x128x32xf32, #tpu.memory_space<vmem>> -> memref<1x128x32xf32, #tpu.memory_space<vmem>>
    %dma_wait3A_234 = tpu.memref_squeeze %dma_wait3A_233 : memref<1x128x32xf32, #tpu.memory_space<vmem>> -> memref<128x32xf32, #tpu.memory_space<vmem>>
    %dma_wait3A_235 = arith.constant 0 : i32
    %dma_wait3A_236 = tpu.memref_slice %arg10[%dma_wait3A_230, %dma_wait3A_235] : memref<160x128xi32, #tpu.memory_space<vmem>> -> memref<1x128xi32, #tpu.memory_space<vmem>>
    %dma_wait3A_237 = tpu.memref_squeeze %dma_wait3A_236 : memref<1x128xi32, #tpu.memory_space<vmem>> -> memref<128xi32, #tpu.memory_space<vmem>>
    %dma_wait3A_238 = arith.constant 0 : i32
    %dma_wait3A_239 = arith.constant 0 : i32
    %dma_wait3A_240 = tpu.memref_slice %arg13[%dma_wait3A_238, %dma_wait3A_239] : memref<10240x32xf32, #tpu.memory_space<vmem_shared>> -> memref<10240x32xf32, #tpu.memory_space<vmem_shared>>
    tpu.wait_indirect_dma semaphore(%arg35 : memref<!tpu.dma_semaphore, #tpu.memory_space<semaphore_mem>>) src(%dma_wait3A_234 : memref<128x32xf32, #tpu.memory_space<vmem>>) dst(%dma_wait3A_240 : memref<10240x32xf32, #tpu.memory_space<vmem_shared>>)
    %barrier3A_241 = arith.constant 0 : index
    tpu.barrier barrier_id(%barrier3A_241)
    %eq3A_242 = arith.constant 0 : i32
    %eq3A_243 = arith.cmpi eq, %arg0, %eq3A_242 : i32
    %convert_element_type3A_244 = arith.extui %eq3A_243 : i1 to i32
    %cond3A_245 = arith.constant 0 : i32
    %cond3A_246 = arith.cmpi ne, %convert_element_type3A_244, %cond3A_245 : i32
    scf.if %cond3A_246 {
      "tpu.region"() ({
        %run_scoped3A = tpu.sem_alloc : memref<!tpu.dma_semaphore, #tpu.memory_space<semaphore_mem>>
        %dma_start3A_252 = arith.constant 0 : i32
        %dma_start3A_253 = tpu.memref_slice %arg7[%mul3A_46, %dma_start3A_252] : memref<10240x128xf32, #tpu.memory_space<hbm>> -> memref<640x32xf32, #tpu.memory_space<hbm>>
        %dma_start3A_254 = arith.constant 0 : i32
        %dma_start3A_255 = tpu.memref_slice %arg13[%mul3A_46, %dma_start3A_254] : memref<10240x32xf32, #tpu.memory_space<vmem_shared>> -> memref<640x32xf32, #tpu.memory_space<vmem_shared>>
        tpu.enqueue_dma source(%dma_start3A_255 : memref<640x32xf32, #tpu.memory_space<vmem_shared>>) target(%dma_start3A_253 : memref<640x32xf32, #tpu.memory_space<hbm>>) target_semaphore(%run_scoped3A : memref<!tpu.dma_semaphore, #tpu.memory_space<semaphore_mem>>)
        %dma_wait3A_256 = arith.constant 0 : i32
        %dma_wait3A_257 = tpu.memref_slice %arg7[%mul3A_46, %dma_wait3A_256] : memref<10240x128xf32, #tpu.memory_space<hbm>> -> memref<640x32xf32, #tpu.memory_space<hbm>>
        %dma_wait3A_258 = arith.constant 0 : i32
        %dma_wait3A_259 = tpu.memref_slice %arg13[%mul3A_46, %dma_wait3A_258] : memref<10240x32xf32, #tpu.memory_space<vmem_shared>> -> memref<640x32xf32, #tpu.memory_space<vmem_shared>>
        tpu.wait_dma2 semaphore(%run_scoped3A : memref<!tpu.dma_semaphore, #tpu.memory_space<semaphore_mem>>) src(%dma_wait3A_259 : memref<640x32xf32, #tpu.memory_space<vmem_shared>>) dst(%dma_wait3A_257 : memref<640x32xf32, #tpu.memory_space<hbm>>)
        tpu.yield
      }) : () -> ()
    } else {
    }
    %eq3A_247 = arith.constant 1 : i32
    %eq3A_248 = arith.cmpi eq, %arg0, %eq3A_247 : i32
    %convert_element_type3A_249 = arith.extui %eq3A_248 : i1 to i32
    %cond3A_250 = arith.constant 0 : i32
    %cond3A_251 = arith.cmpi ne, %convert_element_type3A_249, %cond3A_250 : i32
    scf.if %cond3A_251 {
      "tpu.region"() ({
        %run_scoped3A = tpu.sem_alloc : memref<!tpu.dma_semaphore, #tpu.memory_space<semaphore_mem>>
        %dma_start3A_252 = arith.constant 32 : i32
        %dma_start3A_253 = tpu.memref_slice %arg7[%mul3A_46, %dma_start3A_252] : memref<10240x128xf32, #tpu.memory_space<hbm>> -> memref<640x32xf32, #tpu.memory_space<hbm>>
        %dma_start3A_254 = arith.constant 0 : i32
        %dma_start3A_255 = tpu.memref_slice %arg13[%mul3A_46, %dma_start3A_254] : memref<10240x32xf32, #tpu.memory_space<vmem_shared>> -> memref<640x32xf32, #tpu.memory_space<vmem_shared>>
        tpu.enqueue_dma source(%dma_start3A_255 : memref<640x32xf32, #tpu.memory_space<vmem_shared>>) target(%dma_start3A_253 : memref<640x32xf32, #tpu.memory_space<hbm>>) target_semaphore(%run_scoped3A : memref<!tpu.dma_semaphore, #tpu.memory_space<semaphore_mem>>)
        %dma_wait3A_256 = arith.constant 32 : i32
        %dma_wait3A_257 = tpu.memref_slice %arg7[%mul3A_46, %dma_wait3A_256] : memref<10240x128xf32, #tpu.memory_space<hbm>> -> memref<640x32xf32, #tpu.memory_space<hbm>>
        %dma_wait3A_258 = arith.constant 0 : i32
        %dma_wait3A_259 = tpu.memref_slice %arg13[%mul3A_46, %dma_wait3A_258] : memref<10240x32xf32, #tpu.memory_space<vmem_shared>> -> memref<640x32xf32, #tpu.memory_space<vmem_shared>>
        tpu.wait_dma2 semaphore(%run_scoped3A : memref<!tpu.dma_semaphore, #tpu.memory_space<semaphore_mem>>) src(%dma_wait3A_259 : memref<640x32xf32, #tpu.memory_space<vmem_shared>>) dst(%dma_wait3A_257 : memref<640x32xf32, #tpu.memory_space<hbm>>)
        tpu.yield
      }) : () -> ()
    } else {
    }
    "tpu.region"() ({
      %run_scoped3A = tpu.sem_alloc : memref<!tpu.dma_semaphore, #tpu.memory_space<semaphore_mem>>
      %dma_start3A_252 = tpu.memref_slice %arg8[%arg0, %mul3A_46] : memref<2x10240xf32, #tpu.memory_space<hbm>> -> memref<1x640xf32, #tpu.memory_space<hbm>>
      %dma_start3A_253 = tpu.memref_squeeze %dma_start3A_252 : memref<1x640xf32, #tpu.memory_space<hbm>> -> memref<640xf32, #tpu.memory_space<hbm>>
      %dma_start3A_254 = tpu.memref_slice %arg14[%mul3A_46] : memref<10240xf32, #tpu.memory_space<vmem_shared>> -> memref<640xf32, #tpu.memory_space<vmem_shared>>
      tpu.enqueue_dma source(%dma_start3A_254 : memref<640xf32, #tpu.memory_space<vmem_shared>>) target(%dma_start3A_253 : memref<640xf32, #tpu.memory_space<hbm>>) target_semaphore(%run_scoped3A : memref<!tpu.dma_semaphore, #tpu.memory_space<semaphore_mem>>)
      %dma_wait3A_255 = tpu.memref_slice %arg8[%arg0, %mul3A_46] : memref<2x10240xf32, #tpu.memory_space<hbm>> -> memref<1x640xf32, #tpu.memory_space<hbm>>
      %dma_wait3A_256 = tpu.memref_squeeze %dma_wait3A_255 : memref<1x640xf32, #tpu.memory_space<hbm>> -> memref<640xf32, #tpu.memory_space<hbm>>
      %dma_wait3A_257 = tpu.memref_slice %arg14[%mul3A_46] : memref<10240xf32, #tpu.memory_space<vmem_shared>> -> memref<640xf32, #tpu.memory_space<vmem_shared>>
      tpu.wait_dma2 semaphore(%run_scoped3A : memref<!tpu.dma_semaphore, #tpu.memory_space<semaphore_mem>>) src(%dma_wait3A_257 : memref<640xf32, #tpu.memory_space<vmem_shared>>) dst(%dma_wait3A_256 : memref<640xf32, #tpu.memory_space<hbm>>)
      tpu.yield
    }) : () -> ()
    return
  }
}

#map = affine_map<(d0, d1) -> (0, 0)>
#map1 = affine_map<(d0, d1) -> (0)>
module attributes {stable_mosaic.version = 14 : i64} {
  func.func @body(%arg0: i32, %arg1: i32, %arg2: memref<10000x128xf32, #tpu.memory_space<hbm>>, %arg3: memref<2560x128xi32, #tpu.memory_space<hbm>>, %arg4: memref<2560x128xi32, #tpu.memory_space<hbm>>, %arg5: memref<10240x32xf32, #tpu.memory_space<hbm>>, %arg6: memref<10240xf32, #tpu.memory_space<hbm>>, %arg7: memref<10240x128xf32, #tpu.memory_space<hbm>>, %arg8: memref<160x128xi32, #tpu.memory_space<vmem>>, %arg9: memref<160x128xi32, #tpu.memory_space<vmem>>, %arg10: memref<10x128x32xf32, #tpu.memory_space<vmem>>, %arg11: memref<128xf32, #tpu.memory_space<vmem>>, %arg12: memref<10240x32xf32, #tpu.memory_space<vmem_shared>>, %arg13: memref<10240xf32, #tpu.memory_space<vmem_shared>>, %arg14: memref<10000x32xf32, #tpu.memory_space<vmem_shared>>, %arg15: memref<!tpu.dma_semaphore, #tpu.memory_space<semaphore_mem>>, %arg16: memref<!tpu.dma_semaphore, #tpu.memory_space<semaphore_mem>>, %arg17: memref<!tpu.dma_semaphore, #tpu.memory_space<semaphore_mem>>, %arg18: memref<!tpu.dma_semaphore, #tpu.memory_space<semaphore_mem>>, %arg19: memref<!tpu.dma_semaphore, #tpu.memory_space<semaphore_mem>>, %arg20: memref<!tpu.dma_semaphore, #tpu.memory_space<semaphore_mem>>, %arg21: memref<!tpu.dma_semaphore, #tpu.memory_space<semaphore_mem>>, %arg22: memref<!tpu.dma_semaphore, #tpu.memory_space<semaphore_mem>>, %arg23: memref<!tpu.dma_semaphore, #tpu.memory_space<semaphore_mem>>, %arg24: memref<!tpu.dma_semaphore, #tpu.memory_space<semaphore_mem>>, %arg25: memref<!tpu.dma_semaphore, #tpu.memory_space<semaphore_mem>>, %arg26: memref<!tpu.dma_semaphore, #tpu.memory_space<semaphore_mem>>, %arg27: memref<!tpu.dma_semaphore, #tpu.memory_space<semaphore_mem>>, %arg28: memref<!tpu.dma_semaphore, #tpu.memory_space<semaphore_mem>>, %arg29: memref<!tpu.dma_semaphore, #tpu.memory_space<semaphore_mem>>, %arg30: memref<!tpu.dma_semaphore, #tpu.memory_space<semaphore_mem>>, %arg31: memref<!tpu.dma_semaphore, #tpu.memory_space<semaphore_mem>>, %arg32: memref<!tpu.dma_semaphore, #tpu.memory_space<semaphore_mem>>, %arg33: memref<!tpu.dma_semaphore, #tpu.memory_space<semaphore_mem>>, %arg34: memref<!tpu.dma_semaphore, #tpu.memory_space<semaphore_mem>>) attributes {dimension_semantics = [#tpu.dimension_semantics<core_parallel>, #tpu.dimension_semantics<subcore_parallel>], iteration_bounds = array<i64: 2, 16>, scalar_prefetch = 0 : i64, scratch_operands = 27 : i64, tpu.core_type = #tpu.core_type<sc_vector_subcore>, window_params = [{transform_indices = #map}, {transform_indices = #map}, {transform_indices = #map}, {transform_indices = #map}, {transform_indices = #map1}, {transform_indices = #map}]} {
    %broadcast_in_dim3A = arith.constant 1.000000e+00 : f32
    %broadcast_in_dim3A_0 = vector.broadcast %broadcast_in_dim3A : f32 to vector<16xf32>
    %swap3A = arith.constant 0 : index
    %swap3A_1 = tpu.vector_load %arg11[%swap3A] {strides = array<i32>} : memref<128xf32, #tpu.memory_space<vmem>>, vector<16xf32>,
    %swap3A_2 = vector.shape_cast %swap3A_1 : vector<16xf32> to vector<16xf32>
    %swap3A_3 = vector.shape_cast %broadcast_in_dim3A_0 : vector<16xf32> to vector<16xf32>
    tpu.vector_store %arg11[%swap3A], %swap3A_3 {strides = array<i32>} : memref<128xf32, #tpu.memory_space<vmem>>, vector<16xf32>,
    %broadcast_in_dim3A_4 = arith.constant 1.000000e+00 : f32
    %broadcast_in_dim3A_5 = vector.broadcast %broadcast_in_dim3A_4 : f32 to vector<16xf32>
    %swap3A_6 = arith.constant 16 : index
    %swap3A_7 = tpu.vector_load %arg11[%swap3A_6] {strides = array<i32>} : memref<128xf32, #tpu.memory_space<vmem>>, vector<16xf32>,
    %swap3A_8 = vector.shape_cast %swap3A_7 : vector<16xf32> to vector<16xf32>
    %swap3A_9 = vector.shape_cast %broadcast_in_dim3A_5 : vector<16xf32> to vector<16xf32>
    tpu.vector_store %arg11[%swap3A_6], %swap3A_9 {strides = array<i32>} : memref<128xf32, #tpu.memory_space<vmem>>, vector<16xf32>,
    %broadcast_in_dim3A_10 = arith.constant 1.000000e+00 : f32
    %broadcast_in_dim3A_11 = vector.broadcast %broadcast_in_dim3A_10 : f32 to vector<16xf32>
    %swap3A_12 = arith.constant 32 : index
    %swap3A_13 = tpu.vector_load %arg11[%swap3A_12] {strides = array<i32>} : memref<128xf32, #tpu.memory_space<vmem>>, vector<16xf32>,
    %swap3A_14 = vector.shape_cast %swap3A_13 : vector<16xf32> to vector<16xf32>
    %swap3A_15 = vector.shape_cast %broadcast_in_dim3A_11 : vector<16xf32> to vector<16xf32>
    tpu.vector_store %arg11[%swap3A_12], %swap3A_15 {strides = array<i32>} : memref<128xf32, #tpu.memory_space<vmem>>, vector<16xf32>,
    %broadcast_in_dim3A_16 = arith.constant 1.000000e+00 : f32
    %broadcast_in_dim3A_17 = vector.broadcast %broadcast_in_dim3A_16 : f32 to vector<16xf32>
    %swap3A_18 = arith.constant 48 : index
    %swap3A_19 = tpu.vector_load %arg11[%swap3A_18] {strides = array<i32>} : memref<128xf32, #tpu.memory_space<vmem>>, vector<16xf32>,
    %swap3A_20 = vector.shape_cast %swap3A_19 : vector<16xf32> to vector<16xf32>
    %swap3A_21 = vector.shape_cast %broadcast_in_dim3A_17 : vector<16xf32> to vector<16xf32>
    tpu.vector_store %arg11[%swap3A_18], %swap3A_21 {strides = array<i32>} : memref<128xf32, #tpu.memory_space<vmem>>, vector<16xf32>,
    %broadcast_in_dim3A_22 = arith.constant 1.000000e+00 : f32
    %broadcast_in_dim3A_23 = vector.broadcast %broadcast_in_dim3A_22 : f32 to vector<16xf32>
    %swap3A_24 = arith.constant 64 : index
    %swap3A_25 = tpu.vector_load %arg11[%swap3A_24] {strides = array<i32>} : memref<128xf32, #tpu.memory_space<vmem>>, vector<16xf32>,
    %swap3A_26 = vector.shape_cast %swap3A_25 : vector<16xf32> to vector<16xf32>
    %swap3A_27 = vector.shape_cast %broadcast_in_dim3A_23 : vector<16xf32> to vector<16xf32>
    tpu.vector_store %arg11[%swap3A_24], %swap3A_27 {strides = array<i32>} : memref<128xf32, #tpu.memory_space<vmem>>, vector<16xf32>,
    %broadcast_in_dim3A_28 = arith.constant 1.000000e+00 : f32
    %broadcast_in_dim3A_29 = vector.broadcast %broadcast_in_dim3A_28 : f32 to vector<16xf32>
    %swap3A_30 = arith.constant 80 : index
    %swap3A_31 = tpu.vector_load %arg11[%swap3A_30] {strides = array<i32>} : memref<128xf32, #tpu.memory_space<vmem>>, vector<16xf32>,
    %swap3A_32 = vector.shape_cast %swap3A_31 : vector<16xf32> to vector<16xf32>
    %swap3A_33 = vector.shape_cast %broadcast_in_dim3A_29 : vector<16xf32> to vector<16xf32>
    tpu.vector_store %arg11[%swap3A_30], %swap3A_33 {strides = array<i32>} : memref<128xf32, #tpu.memory_space<vmem>>, vector<16xf32>,
    %broadcast_in_dim3A_34 = arith.constant 1.000000e+00 : f32
    %broadcast_in_dim3A_35 = vector.broadcast %broadcast_in_dim3A_34 : f32 to vector<16xf32>
    %swap3A_36 = arith.constant 96 : index
    %swap3A_37 = tpu.vector_load %arg11[%swap3A_36] {strides = array<i32>} : memref<128xf32, #tpu.memory_space<vmem>>, vector<16xf32>,
    %swap3A_38 = vector.shape_cast %swap3A_37 : vector<16xf32> to vector<16xf32>
    %swap3A_39 = vector.shape_cast %broadcast_in_dim3A_35 : vector<16xf32> to vector<16xf32>
    tpu.vector_store %arg11[%swap3A_36], %swap3A_39 {strides = array<i32>} : memref<128xf32, #tpu.memory_space<vmem>>, vector<16xf32>,
    %broadcast_in_dim3A_40 = arith.constant 1.000000e+00 : f32
    %broadcast_in_dim3A_41 = vector.broadcast %broadcast_in_dim3A_40 : f32 to vector<16xf32>
    %swap3A_42 = arith.constant 112 : index
    %swap3A_43 = tpu.vector_load %arg11[%swap3A_42] {strides = array<i32>} : memref<128xf32, #tpu.memory_space<vmem>>, vector<16xf32>,
    %swap3A_44 = vector.shape_cast %swap3A_43 : vector<16xf32> to vector<16xf32>
    %swap3A_45 = vector.shape_cast %broadcast_in_dim3A_41 : vector<16xf32> to vector<16xf32>
    tpu.vector_store %arg11[%swap3A_42], %swap3A_45 {strides = array<i32>} : memref<128xf32, #tpu.memory_space<vmem>>, vector<16xf32>,
    %mul3A = arith.constant 640 : i32
    %mul3A_46 = arith.muli %arg1, %mul3A : i32
    "tpu.region"() ({
      %run_scoped3A = tpu.sem_alloc : memref<!tpu.dma_semaphore, #tpu.memory_space<semaphore_mem>>
      %dma_start3A_252 = arith.constant 0 : i32
      %dma_start3A_253 = tpu.memref_slice %arg12[%mul3A_46, %dma_start3A_252] : memref<10240x32xf32, #tpu.memory_space<vmem_shared>> -> memref<640x32xf32, #tpu.memory_space<vmem_shared>>
      %dma_start3A_254 = arith.constant 0 : i32
      %dma_start3A_255 = tpu.memref_slice %arg5[%mul3A_46, %dma_start3A_254] : memref<10240x32xf32, #tpu.memory_space<hbm>> -> memref<640x32xf32, #tpu.memory_space<hbm>>
      tpu.enqueue_dma source(%dma_start3A_255 : memref<640x32xf32, #tpu.memory_space<hbm>>) target(%dma_start3A_253 : memref<640x32xf32, #tpu.memory_space<vmem_shared>>) target_semaphore(%run_scoped3A : memref<!tpu.dma_semaphore, #tpu.memory_space<semaphore_mem>>)
      %dma_wait3A_256 = arith.constant 0 : i32
      %dma_wait3A_257 = tpu.memref_slice %arg12[%mul3A_46, %dma_wait3A_256] : memref<10240x32xf32, #tpu.memory_space<vmem_shared>> -> memref<640x32xf32, #tpu.memory_space<vmem_shared>>
      %dma_wait3A_258 = arith.constant 0 : i32
      %dma_wait3A_259 = tpu.memref_slice %arg5[%mul3A_46, %dma_wait3A_258] : memref<10240x32xf32, #tpu.memory_space<hbm>> -> memref<640x32xf32, #tpu.memory_space<hbm>>
      tpu.wait_dma2 semaphore(%run_scoped3A : memref<!tpu.dma_semaphore, #tpu.memory_space<semaphore_mem>>) src(%dma_wait3A_259 : memref<640x32xf32, #tpu.memory_space<hbm>>) dst(%dma_wait3A_257 : memref<640x32xf32, #tpu.memory_space<vmem_shared>>)
      tpu.yield
    }) : () -> ()
    "tpu.region"() ({
      %run_scoped3A = tpu.sem_alloc : memref<!tpu.dma_semaphore, #tpu.memory_space<semaphore_mem>>
      %dma_start3A_252 = tpu.memref_slice %arg13[%mul3A_46] : memref<10240xf32, #tpu.memory_space<vmem_shared>> -> memref<640xf32, #tpu.memory_space<vmem_shared>>
      %dma_start3A_253 = tpu.memref_slice %arg6[%mul3A_46] : memref<10240xf32, #tpu.memory_space<hbm>> -> memref<640xf32, #tpu.memory_space<hbm>>
      tpu.enqueue_dma source(%dma_start3A_253 : memref<640xf32, #tpu.memory_space<hbm>>) target(%dma_start3A_252 : memref<640xf32, #tpu.memory_space<vmem_shared>>) target_semaphore(%run_scoped3A : memref<!tpu.dma_semaphore, #tpu.memory_space<semaphore_mem>>)
      %dma_wait3A_254 = tpu.memref_slice %arg13[%mul3A_46] : memref<10240xf32, #tpu.memory_space<vmem_shared>> -> memref<640xf32, #tpu.memory_space<vmem_shared>>
      %dma_wait3A_255 = tpu.memref_slice %arg6[%mul3A_46] : memref<10240xf32, #tpu.memory_space<hbm>> -> memref<640xf32, #tpu.memory_space<hbm>>
      tpu.wait_dma2 semaphore(%run_scoped3A : memref<!tpu.dma_semaphore, #tpu.memory_space<semaphore_mem>>) src(%dma_wait3A_255 : memref<640xf32, #tpu.memory_space<hbm>>) dst(%dma_wait3A_254 : memref<640xf32, #tpu.memory_space<vmem_shared>>)
      tpu.yield
    }) : () -> ()
    %eq3A = arith.constant 0 : i32
    %eq3A_47 = arith.cmpi eq, %arg0, %eq3A : i32
    %convert_element_type3A = arith.extui %eq3A_47 : i1 to i32
    %cond3A = arith.constant 0 : i32
    %cond3A_48 = arith.cmpi ne, %convert_element_type3A, %cond3A : i32
    scf.if %cond3A_48 {
      %mul3A_252 = arith.constant 625 : i32
      %mul3A_253 = arith.muli %arg1, %mul3A_252 : i32
      %mul3A_254 = arith.constant 625 : i32
      %mul3A_255 = arith.muli %arg1, %mul3A_254 : i32
      "tpu.region"() ({
        %run_scoped3A = tpu.sem_alloc : memref<!tpu.dma_semaphore, #tpu.memory_space<semaphore_mem>>
        %dma_start3A_256 = arith.constant 0 : i32
        %dma_start3A_257 = tpu.memref_slice %arg14[%mul3A_255, %dma_start3A_256] : memref<10000x32xf32, #tpu.memory_space<vmem_shared>> -> memref<625x32xf32, #tpu.memory_space<vmem_shared>>
        %dma_start3A_258 = arith.constant 0 : i32
        %dma_start3A_259 = tpu.memref_slice %arg2[%mul3A_253, %dma_start3A_258] : memref<10000x128xf32, #tpu.memory_space<hbm>> -> memref<625x32xf32, #tpu.memory_space<hbm>>
        tpu.enqueue_dma source(%dma_start3A_259 : memref<625x32xf32, #tpu.memory_space<hbm>>) target(%dma_start3A_257 : memref<625x32xf32, #tpu.memory_space<vmem_shared>>) target_semaphore(%run_scoped3A : memref<!tpu.dma_semaphore, #tpu.memory_space<semaphore_mem>>)
        %dma_wait3A_260 = arith.constant 0 : i32
        %dma_wait3A_261 = tpu.memref_slice %arg14[%mul3A_255, %dma_wait3A_260] : memref<10000x32xf32, #tpu.memory_space<vmem_shared>> -> memref<625x32xf32, #tpu.memory_space<vmem_shared>>
        %dma_wait3A_262 = arith.constant 0 : i32
        %dma_wait3A_263 = tpu.memref_slice %arg2[%mul3A_253, %dma_wait3A_262] : memref<10000x128xf32, #tpu.memory_space<hbm>> -> memref<625x32xf32, #tpu.memory_space<hbm>>
        tpu.wait_dma2 semaphore(%run_scoped3A : memref<!tpu.dma_semaphore, #tpu.memory_space<semaphore_mem>>) src(%dma_wait3A_263 : memref<625x32xf32, #tpu.memory_space<hbm>>) dst(%dma_wait3A_261 : memref<625x32xf32, #tpu.memory_space<vmem_shared>>)
        tpu.yield
      }) : () -> ()
    } else {
    }
    %eq3A_49 = arith.constant 1 : i32
    %eq3A_50 = arith.cmpi eq, %arg0, %eq3A_49 : i32
    %convert_element_type3A_51 = arith.extui %eq3A_50 : i1 to i32
    %cond3A_52 = arith.constant 0 : i32
    %cond3A_53 = arith.cmpi ne, %convert_element_type3A_51, %cond3A_52 : i32
    scf.if %cond3A_53 {
      %mul3A_252 = arith.constant 625 : i32
      %mul3A_253 = arith.muli %arg1, %mul3A_252 : i32
      %mul3A_254 = arith.constant 625 : i32
      %mul3A_255 = arith.muli %arg1, %mul3A_254 : i32
      "tpu.region"() ({
        %run_scoped3A = tpu.sem_alloc : memref<!tpu.dma_semaphore, #tpu.memory_space<semaphore_mem>>
        %dma_start3A_256 = arith.constant 0 : i32
        %dma_start3A_257 = tpu.memref_slice %arg14[%mul3A_255, %dma_start3A_256] : memref<10000x32xf32, #tpu.memory_space<vmem_shared>> -> memref<625x32xf32, #tpu.memory_space<vmem_shared>>
        %dma_start3A_258 = arith.constant 32 : i32
        %dma_start3A_259 = tpu.memref_slice %arg2[%mul3A_253, %dma_start3A_258] : memref<10000x128xf32, #tpu.memory_space<hbm>> -> memref<625x32xf32, #tpu.memory_space<hbm>>
        tpu.enqueue_dma source(%dma_start3A_259 : memref<625x32xf32, #tpu.memory_space<hbm>>) target(%dma_start3A_257 : memref<625x32xf32, #tpu.memory_space<vmem_shared>>) target_semaphore(%run_scoped3A : memref<!tpu.dma_semaphore, #tpu.memory_space<semaphore_mem>>)
        %dma_wait3A_260 = arith.constant 0 : i32
        %dma_wait3A_261 = tpu.memref_slice %arg14[%mul3A_255, %dma_wait3A_260] : memref<10000x32xf32, #tpu.memory_space<vmem_shared>> -> memref<625x32xf32, #tpu.memory_space<vmem_shared>>
        %dma_wait3A_262 = arith.constant 32 : i32
        %dma_wait3A_263 = tpu.memref_slice %arg2[%mul3A_253, %dma_wait3A_262] : memref<10000x128xf32, #tpu.memory_space<hbm>> -> memref<625x32xf32, #tpu.memory_space<hbm>>
        tpu.wait_dma2 semaphore(%run_scoped3A : memref<!tpu.dma_semaphore, #tpu.memory_space<semaphore_mem>>) src(%dma_wait3A_263 : memref<625x32xf32, #tpu.memory_space<hbm>>) dst(%dma_wait3A_261 : memref<625x32xf32, #tpu.memory_space<vmem_shared>>)
        tpu.yield
      }) : () -> ()
    } else {
    }
    %mul3A_54 = arith.constant 160 : i32
    %mul3A_55 = arith.muli %arg1, %mul3A_54 : i32
    "tpu.region"() ({
      %run_scoped3A = tpu.sem_alloc : memref<!tpu.dma_semaphore, #tpu.memory_space<semaphore_mem>>
      %dma_start3A_252 = arith.constant 0 : i32
      %dma_start3A_253 = tpu.memref_slice %arg3[%mul3A_55, %dma_start3A_252] : memref<2560x128xi32, #tpu.memory_space<hbm>> -> memref<160x128xi32, #tpu.memory_space<hbm>>
      %dma_start3A_254 = arith.constant 0 : i32
      %dma_start3A_255 = tpu.memref_slice %arg3[%mul3A_55, %dma_start3A_254] : memref<2560x128xi32, #tpu.memory_space<hbm>> -> memref<160x128xi32, #tpu.memory_space<hbm>>
      tpu.enqueue_dma source(%dma_start3A_255 : memref<160x128xi32, #tpu.memory_space<hbm>>) target(%arg8 : memref<160x128xi32, #tpu.memory_space<vmem>>) target_semaphore(%run_scoped3A : memref<!tpu.dma_semaphore, #tpu.memory_space<semaphore_mem>>)
      %dma_wait3A_256 = arith.constant 0 : i32
      %dma_wait3A_257 = tpu.memref_slice %arg3[%mul3A_55, %dma_wait3A_256] : memref<2560x128xi32, #tpu.memory_space<hbm>> -> memref<160x128xi32, #tpu.memory_space<hbm>>
      %dma_wait3A_258 = arith.constant 0 : i32
      %dma_wait3A_259 = tpu.memref_slice %arg3[%mul3A_55, %dma_wait3A_258] : memref<2560x128xi32, #tpu.memory_space<hbm>> -> memref<160x128xi32, #tpu.memory_space<hbm>>
      tpu.wait_dma2 semaphore(%run_scoped3A : memref<!tpu.dma_semaphore, #tpu.memory_space<semaphore_mem>>) src(%dma_wait3A_259 : memref<160x128xi32, #tpu.memory_space<hbm>>) dst(%arg8 : memref<160x128xi32, #tpu.memory_space<vmem>>)
      tpu.yield
    }) : () -> ()
    %mul3A_56 = arith.constant 160 : i32
    %mul3A_57 = arith.muli %arg1, %mul3A_56 : i32
    "tpu.region"() ({
      %run_scoped3A = tpu.sem_alloc : memref<!tpu.dma_semaphore, #tpu.memory_space<semaphore_mem>>
      %dma_start3A_252 = arith.constant 0 : i32
      %dma_start3A_253 = tpu.memref_slice %arg4[%mul3A_57, %dma_start3A_252] : memref<2560x128xi32, #tpu.memory_space<hbm>> -> memref<160x128xi32, #tpu.memory_space<hbm>>
      %dma_start3A_254 = arith.constant 0 : i32
      %dma_start3A_255 = tpu.memref_slice %arg4[%mul3A_57, %dma_start3A_254] : memref<2560x128xi32, #tpu.memory_space<hbm>> -> memref<160x128xi32, #tpu.memory_space<hbm>>
      tpu.enqueue_dma source(%dma_start3A_255 : memref<160x128xi32, #tpu.memory_space<hbm>>) target(%arg9 : memref<160x128xi32, #tpu.memory_space<vmem>>) target_semaphore(%run_scoped3A : memref<!tpu.dma_semaphore, #tpu.memory_space<semaphore_mem>>)
      %dma_wait3A_256 = arith.constant 0 : i32
      %dma_wait3A_257 = tpu.memref_slice %arg4[%mul3A_57, %dma_wait3A_256] : memref<2560x128xi32, #tpu.memory_space<hbm>> -> memref<160x128xi32, #tpu.memory_space<hbm>>
      %dma_wait3A_258 = arith.constant 0 : i32
      %dma_wait3A_259 = tpu.memref_slice %arg4[%mul3A_57, %dma_wait3A_258] : memref<2560x128xi32, #tpu.memory_space<hbm>> -> memref<160x128xi32, #tpu.memory_space<hbm>>
      tpu.wait_dma2 semaphore(%run_scoped3A : memref<!tpu.dma_semaphore, #tpu.memory_space<semaphore_mem>>) src(%dma_wait3A_259 : memref<160x128xi32, #tpu.memory_space<hbm>>) dst(%arg9 : memref<160x128xi32, #tpu.memory_space<vmem>>)
      tpu.yield
    }) : () -> ()
    %barrier3A = arith.constant 0 : index
    tpu.barrier barrier_id(%barrier3A)
    %dma_start3A = arith.constant 0 : i32
    %dma_start3A_58 = arith.constant 0 : i32
    %dma_start3A_59 = arith.constant 0 : i32
    %dma_start3A_60 = arith.constant 0 : i32
    %dma_start3A_61 = tpu.memref_slice %arg10[%dma_start3A_58, %dma_start3A_59, %dma_start3A_60] : memref<10x128x32xf32, #tpu.memory_space<vmem>> -> memref<1x128x32xf32, #tpu.memory_space<vmem>>
    %dma_start3A_62 = tpu.memref_squeeze %dma_start3A_61 : memref<1x128x32xf32, #tpu.memory_space<vmem>> -> memref<128x32xf32, #tpu.memory_space<vmem>>
    %dma_start3A_63 = arith.constant 0 : i32
    %dma_start3A_64 = tpu.memref_slice %arg8[%dma_start3A, %dma_start3A_63] : memref<160x128xi32, #tpu.memory_space<vmem>> -> memref<1x128xi32, #tpu.memory_space<vmem>>
    %dma_start3A_65 = tpu.memref_squeeze %dma_start3A_64 : memref<1x128xi32, #tpu.memory_space<vmem>> -> memref<128xi32, #tpu.memory_space<vmem>>
    %dma_start3A_66 = arith.constant 0 : i32
    %dma_start3A_67 = arith.constant 0 : i32
    %dma_start3A_68 = tpu.memref_slice %arg14[%dma_start3A_66, %dma_start3A_67] : memref<10000x32xf32, #tpu.memory_space<vmem_shared>> -> memref<10000x32xf32, #tpu.memory_space<vmem_shared>>
    tpu.enqueue_indirect_dma source(%dma_start3A_68 : memref<10000x32xf32, #tpu.memory_space<vmem_shared>>) target(%dma_start3A_62 : memref<128x32xf32, #tpu.memory_space<vmem>>) offsets(%dma_start3A_65 : memref<128xi32, #tpu.memory_space<vmem>>) semaphore(%arg15 : memref<!tpu.dma_semaphore, #tpu.memory_space<semaphore_mem>>)
    %dma_start3A_69 = arith.constant 1 : i32
    %dma_start3A_70 = arith.constant 1 : i32
    %dma_start3A_71 = arith.constant 0 : i32
    %dma_start3A_72 = arith.constant 0 : i32
    %dma_start3A_73 = tpu.memref_slice %arg10[%dma_start3A_70, %dma_start3A_71, %dma_start3A_72] : memref<10x128x32xf32, #tpu.memory_space<vmem>> -> memref<1x128x32xf32, #tpu.memory_space<vmem>>
    %dma_start3A_74 = tpu.memref_squeeze %dma_start3A_73 : memref<1x128x32xf32, #tpu.memory_space<vmem>> -> memref<128x32xf32, #tpu.memory_space<vmem>>
    %dma_start3A_75 = arith.constant 0 : i32
    %dma_start3A_76 = tpu.memref_slice %arg8[%dma_start3A_69, %dma_start3A_75] : memref<160x128xi32, #tpu.memory_space<vmem>> -> memref<1x128xi32, #tpu.memory_space<vmem>>
    %dma_start3A_77 = tpu.memref_squeeze %dma_start3A_76 : memref<1x128xi32, #tpu.memory_space<vmem>> -> memref<128xi32, #tpu.memory_space<vmem>>
    %dma_start3A_78 = arith.constant 0 : i32
    %dma_start3A_79 = arith.constant 0 : i32
    %dma_start3A_80 = tpu.memref_slice %arg14[%dma_start3A_78, %dma_start3A_79] : memref<10000x32xf32, #tpu.memory_space<vmem_shared>> -> memref<10000x32xf32, #tpu.memory_space<vmem_shared>>
    tpu.enqueue_indirect_dma source(%dma_start3A_80 : memref<10000x32xf32, #tpu.memory_space<vmem_shared>>) target(%dma_start3A_74 : memref<128x32xf32, #tpu.memory_space<vmem>>) offsets(%dma_start3A_77 : memref<128xi32, #tpu.memory_space<vmem>>) semaphore(%arg16 : memref<!tpu.dma_semaphore, #tpu.memory_space<semaphore_mem>>)
    %dma_start3A_81 = arith.constant 2 : i32
    %dma_start3A_82 = arith.constant 2 : i32
    %dma_start3A_83 = arith.constant 0 : i32
    %dma_start3A_84 = arith.constant 0 : i32
    %dma_start3A_85 = tpu.memref_slice %arg10[%dma_start3A_82, %dma_start3A_83, %dma_start3A_84] : memref<10x128x32xf32, #tpu.memory_space<vmem>> -> memref<1x128x32xf32, #tpu.memory_space<vmem>>
    %dma_start3A_86 = tpu.memref_squeeze %dma_start3A_85 : memref<1x128x32xf32, #tpu.memory_space<vmem>> -> memref<128x32xf32, #tpu.memory_space<vmem>>
    %dma_start3A_87 = arith.constant 0 : i32
    %dma_start3A_88 = tpu.memref_slice %arg8[%dma_start3A_81, %dma_start3A_87] : memref<160x128xi32, #tpu.memory_space<vmem>> -> memref<1x128xi32, #tpu.memory_space<vmem>>
    %dma_start3A_89 = tpu.memref_squeeze %dma_start3A_88 : memref<1x128xi32, #tpu.memory_space<vmem>> -> memref<128xi32, #tpu.memory_space<vmem>>
    %dma_start3A_90 = arith.constant 0 : i32
    %dma_start3A_91 = arith.constant 0 : i32
    %dma_start3A_92 = tpu.memref_slice %arg14[%dma_start3A_90, %dma_start3A_91] : memref<10000x32xf32, #tpu.memory_space<vmem_shared>> -> memref<10000x32xf32, #tpu.memory_space<vmem_shared>>
    tpu.enqueue_indirect_dma source(%dma_start3A_92 : memref<10000x32xf32, #tpu.memory_space<vmem_shared>>) target(%dma_start3A_86 : memref<128x32xf32, #tpu.memory_space<vmem>>) offsets(%dma_start3A_89 : memref<128xi32, #tpu.memory_space<vmem>>) semaphore(%arg17 : memref<!tpu.dma_semaphore, #tpu.memory_space<semaphore_mem>>)
    %dma_start3A_93 = arith.constant 3 : i32
    %dma_start3A_94 = arith.constant 3 : i32
    %dma_start3A_95 = arith.constant 0 : i32
    %dma_start3A_96 = arith.constant 0 : i32
    %dma_start3A_97 = tpu.memref_slice %arg10[%dma_start3A_94, %dma_start3A_95, %dma_start3A_96] : memref<10x128x32xf32, #tpu.memory_space<vmem>> -> memref<1x128x32xf32, #tpu.memory_space<vmem>>
    %dma_start3A_98 = tpu.memref_squeeze %dma_start3A_97 : memref<1x128x32xf32, #tpu.memory_space<vmem>> -> memref<128x32xf32, #tpu.memory_space<vmem>>
    %dma_start3A_99 = arith.constant 0 : i32
    %dma_start3A_100 = tpu.memref_slice %arg8[%dma_start3A_93, %dma_start3A_99] : memref<160x128xi32, #tpu.memory_space<vmem>> -> memref<1x128xi32, #tpu.memory_space<vmem>>
    %dma_start3A_101 = tpu.memref_squeeze %dma_start3A_100 : memref<1x128xi32, #tpu.memory_space<vmem>> -> memref<128xi32, #tpu.memory_space<vmem>>
    %dma_start3A_102 = arith.constant 0 : i32
    %dma_start3A_103 = arith.constant 0 : i32
    %dma_start3A_104 = tpu.memref_slice %arg14[%dma_start3A_102, %dma_start3A_103] : memref<10000x32xf32, #tpu.memory_space<vmem_shared>> -> memref<10000x32xf32, #tpu.memory_space<vmem_shared>>
    tpu.enqueue_indirect_dma source(%dma_start3A_104 : memref<10000x32xf32, #tpu.memory_space<vmem_shared>>) target(%dma_start3A_98 : memref<128x32xf32, #tpu.memory_space<vmem>>) offsets(%dma_start3A_101 : memref<128xi32, #tpu.memory_space<vmem>>) semaphore(%arg18 : memref<!tpu.dma_semaphore, #tpu.memory_space<semaphore_mem>>)
    %dma_start3A_105 = arith.constant 4 : i32
    %dma_start3A_106 = arith.constant 4 : i32
    %dma_start3A_107 = arith.constant 0 : i32
    %dma_start3A_108 = arith.constant 0 : i32
    %dma_start3A_109 = tpu.memref_slice %arg10[%dma_start3A_106, %dma_start3A_107, %dma_start3A_108] : memref<10x128x32xf32, #tpu.memory_space<vmem>> -> memref<1x128x32xf32, #tpu.memory_space<vmem>>
    %dma_start3A_110 = tpu.memref_squeeze %dma_start3A_109 : memref<1x128x32xf32, #tpu.memory_space<vmem>> -> memref<128x32xf32, #tpu.memory_space<vmem>>
    %dma_start3A_111 = arith.constant 0 : i32
    %dma_start3A_112 = tpu.memref_slice %arg8[%dma_start3A_105, %dma_start3A_111] : memref<160x128xi32, #tpu.memory_space<vmem>> -> memref<1x128xi32, #tpu.memory_space<vmem>>
    %dma_start3A_113 = tpu.memref_squeeze %dma_start3A_112 : memref<1x128xi32, #tpu.memory_space<vmem>> -> memref<128xi32, #tpu.memory_space<vmem>>
    %dma_start3A_114 = arith.constant 0 : i32
    %dma_start3A_115 = arith.constant 0 : i32
    %dma_start3A_116 = tpu.memref_slice %arg14[%dma_start3A_114, %dma_start3A_115] : memref<10000x32xf32, #tpu.memory_space<vmem_shared>> -> memref<10000x32xf32, #tpu.memory_space<vmem_shared>>
    tpu.enqueue_indirect_dma source(%dma_start3A_116 : memref<10000x32xf32, #tpu.memory_space<vmem_shared>>) target(%dma_start3A_110 : memref<128x32xf32, #tpu.memory_space<vmem>>) offsets(%dma_start3A_113 : memref<128xi32, #tpu.memory_space<vmem>>) semaphore(%arg19 : memref<!tpu.dma_semaphore, #tpu.memory_space<semaphore_mem>>)
    %scan3A = arith.constant 0 : i32
    %scan3A_117 = arith.constant 0 : i32
    %scan3A_118 = arith.constant 16 : i32
    %scan3A_119 = arith.addi %scan3A_117, %scan3A_118 : i32
    %scan3A_120 = arith.constant 1 : i32
    scf.for %scan3A_252 = %scan3A_117 to %scan3A_119 step %scan3A_120  : i32 {
      %mul3A_253 = arith.constant 10 : i32
      %mul3A_254 = arith.muli %scan3A_252, %mul3A_253 : i32
      %add3A = arith.constant 0 : i32
      %add3A_255 = arith.addi %mul3A_254, %add3A : i32
      %dma_wait3A_256 = arith.constant 0 : i32
      %dma_wait3A_257 = arith.constant 0 : i32
      %dma_wait3A_258 = arith.constant 0 : i32
      %dma_wait3A_259 = tpu.memref_slice %arg10[%dma_wait3A_256, %dma_wait3A_257, %dma_wait3A_258] : memref<10x128x32xf32, #tpu.memory_space<vmem>> -> memref<1x128x32xf32, #tpu.memory_space<vmem>>
      %dma_wait3A_260 = tpu.memref_squeeze %dma_wait3A_259 : memref<1x128x32xf32, #tpu.memory_space<vmem>> -> memref<128x32xf32, #tpu.memory_space<vmem>>
      %dma_wait3A_261 = arith.constant 0 : i32
      %dma_wait3A_262 = tpu.memref_slice %arg8[%add3A_255, %dma_wait3A_261] : memref<160x128xi32, #tpu.memory_space<vmem>> -> memref<1x128xi32, #tpu.memory_space<vmem>>
      %dma_wait3A_263 = tpu.memref_squeeze %dma_wait3A_262 : memref<1x128xi32, #tpu.memory_space<vmem>> -> memref<128xi32, #tpu.memory_space<vmem>>
      %dma_wait3A_264 = arith.constant 0 : i32
      %dma_wait3A_265 = arith.constant 0 : i32
      %dma_wait3A_266 = tpu.memref_slice %arg14[%dma_wait3A_264, %dma_wait3A_265] : memref<10000x32xf32, #tpu.memory_space<vmem_shared>> -> memref<10000x32xf32, #tpu.memory_space<vmem_shared>>
      tpu.wait_indirect_dma semaphore(%arg15 : memref<!tpu.dma_semaphore, #tpu.memory_space<semaphore_mem>>) src(%dma_wait3A_266 : memref<10000x32xf32, #tpu.memory_space<vmem_shared>>) dst(%dma_wait3A_260 : memref<128x32xf32, #tpu.memory_space<vmem>>)
      %dma_start3A_267 = arith.constant 0 : i32
      %dma_start3A_268 = arith.constant 0 : i32
      %dma_start3A_269 = arith.constant 0 : i32
      %dma_start3A_270 = tpu.memref_slice %arg10[%dma_start3A_267, %dma_start3A_268, %dma_start3A_269] : memref<10x128x32xf32, #tpu.memory_space<vmem>> -> memref<1x128x32xf32, #tpu.memory_space<vmem>>
      %dma_start3A_271 = tpu.memref_squeeze %dma_start3A_270 : memref<1x128x32xf32, #tpu.memory_space<vmem>> -> memref<128x32xf32, #tpu.memory_space<vmem>>
      %dma_start3A_272 = arith.constant 0 : i32
      %dma_start3A_273 = tpu.memref_slice %arg9[%add3A_255, %dma_start3A_272] : memref<160x128xi32, #tpu.memory_space<vmem>> -> memref<1x128xi32, #tpu.memory_space<vmem>>
      %dma_start3A_274 = tpu.memref_squeeze %dma_start3A_273 : memref<1x128xi32, #tpu.memory_space<vmem>> -> memref<128xi32, #tpu.memory_space<vmem>>
      %dma_start3A_275 = arith.constant 0 : i32
      %dma_start3A_276 = arith.constant 0 : i32
      %dma_start3A_277 = tpu.memref_slice %arg12[%dma_start3A_275, %dma_start3A_276] : memref<10240x32xf32, #tpu.memory_space<vmem_shared>> -> memref<10240x32xf32, #tpu.memory_space<vmem_shared>>
      tpu.enqueue_indirect_dma source(%dma_start3A_271 : memref<128x32xf32, #tpu.memory_space<vmem>>) target(%dma_start3A_277 : memref<10240x32xf32, #tpu.memory_space<vmem_shared>>) offsets(%dma_start3A_274 : memref<128xi32, #tpu.memory_space<vmem>>) semaphore(%arg25 : memref<!tpu.dma_semaphore, #tpu.memory_space<semaphore_mem>>) {add = true}
      %add3A_278 = arith.constant 5 : i32
      %add3A_279 = arith.addi %add3A_255, %add3A_278 : i32
      %lt3A = arith.constant 160 : i32
      %lt3A_280 = arith.cmpi slt, %add3A_279, %lt3A : i32
      %ge3A = arith.constant 5 : i32
      %ge3A_281 = arith.cmpi sge, %add3A_255, %ge3A : i32
      %and3A = arith.andi %lt3A_280, %ge3A_281 : i1
      %convert_element_type3A_282 = arith.extui %and3A : i1 to i32
      %cond3A_283 = arith.constant 0 : i32
      %cond3A_284 = arith.cmpi ne, %convert_element_type3A_282, %cond3A_283 : i32
      scf.if %cond3A_284 {
        %dma_wait3A_679 = arith.constant 5 : i32
        %dma_wait3A_680 = arith.constant 0 : i32
        %dma_wait3A_681 = arith.constant 0 : i32
        %dma_wait3A_682 = arith.constant 0 : i32
        %dma_wait3A_683 = tpu.memref_slice %arg10[%dma_wait3A_679, %dma_wait3A_681, %dma_wait3A_682] : memref<10x128x32xf32, #tpu.memory_space<vmem>> -> memref<1x128x32xf32, #tpu.memory_space<vmem>>
        %dma_wait3A_684 = tpu.memref_squeeze %dma_wait3A_683 : memref<1x128x32xf32, #tpu.memory_space<vmem>> -> memref<128x32xf32, #tpu.memory_space<vmem>>
        %dma_wait3A_685 = arith.constant 0 : i32
        %dma_wait3A_686 = tpu.memref_slice %arg9[%dma_wait3A_680, %dma_wait3A_685] : memref<160x128xi32, #tpu.memory_space<vmem>> -> memref<1x128xi32, #tpu.memory_space<vmem>>
        %dma_wait3A_687 = tpu.memref_squeeze %dma_wait3A_686 : memref<1x128xi32, #tpu.memory_space<vmem>> -> memref<128xi32, #tpu.memory_space<vmem>>
        %dma_wait3A_688 = arith.constant 0 : i32
        %dma_wait3A_689 = arith.constant 0 : i32
        %dma_wait3A_690 = tpu.memref_slice %arg12[%dma_wait3A_688, %dma_wait3A_689] : memref<10240x32xf32, #tpu.memory_space<vmem_shared>> -> memref<10240x32xf32, #tpu.memory_space<vmem_shared>>
        tpu.wait_indirect_dma semaphore(%arg30 : memref<!tpu.dma_semaphore, #tpu.memory_space<semaphore_mem>>) src(%dma_wait3A_684 : memref<128x32xf32, #tpu.memory_space<vmem>>) dst(%dma_wait3A_690 : memref<10240x32xf32, #tpu.memory_space<vmem_shared>>)
      } else {
      }
      %add3A_285 = arith.constant 5 : i32
      %add3A_286 = arith.addi %add3A_255, %add3A_285 : i32
      %lt3A_287 = arith.constant 160 : i32
      %lt3A_288 = arith.cmpi slt, %add3A_286, %lt3A_287 : i32
      %convert_element_type3A_289 = arith.extui %lt3A_288 : i1 to i32
      %cond3A_290 = arith.constant 0 : i32
      %cond3A_291 = arith.cmpi ne, %convert_element_type3A_289, %cond3A_290 : i32
      scf.if %cond3A_291 {
        %add3A_679 = arith.constant 5 : i32
        %add3A_680 = arith.addi %add3A_255, %add3A_679 : i32
        %dma_start3A_681 = arith.constant 5 : i32
        %dma_start3A_682 = arith.constant 0 : i32
        %dma_start3A_683 = arith.constant 0 : i32
        %dma_start3A_684 = tpu.memref_slice %arg10[%dma_start3A_681, %dma_start3A_682, %dma_start3A_683] : memref<10x128x32xf32, #tpu.memory_space<vmem>> -> memref<1x128x32xf32, #tpu.memory_space<vmem>>
        %dma_start3A_685 = tpu.memref_squeeze %dma_start3A_684 : memref<1x128x32xf32, #tpu.memory_space<vmem>> -> memref<128x32xf32, #tpu.memory_space<vmem>>
        %dma_start3A_686 = arith.constant 0 : i32
        %dma_start3A_687 = tpu.memref_slice %arg8[%add3A_680, %dma_start3A_686] : memref<160x128xi32, #tpu.memory_space<vmem>> -> memref<1x128xi32, #tpu.memory_space<vmem>>
        %dma_start3A_688 = tpu.memref_squeeze %dma_start3A_687 : memref<1x128xi32, #tpu.memory_space<vmem>> -> memref<128xi32, #tpu.memory_space<vmem>>
        %dma_start3A_689 = arith.constant 0 : i32
        %dma_start3A_690 = arith.constant 0 : i32
        %dma_start3A_691 = tpu.memref_slice %arg14[%dma_start3A_689, %dma_start3A_690] : memref<10000x32xf32, #tpu.memory_space<vmem_shared>> -> memref<10000x32xf32, #tpu.memory_space<vmem_shared>>
        tpu.enqueue_indirect_dma source(%dma_start3A_691 : memref<10000x32xf32, #tpu.memory_space<vmem_shared>>) target(%dma_start3A_685 : memref<128x32xf32, #tpu.memory_space<vmem>>) offsets(%dma_start3A_688 : memref<128xi32, #tpu.memory_space<vmem>>) semaphore(%arg20 : memref<!tpu.dma_semaphore, #tpu.memory_space<semaphore_mem>>)
      } else {
      }
      %mul3A_292 = arith.constant 10 : i32
      %mul3A_293 = arith.muli %scan3A_252, %mul3A_292 : i32
      %add3A_294 = arith.constant 1 : i32
      %add3A_295 = arith.addi %mul3A_293, %add3A_294 : i32
      %dma_wait3A_296 = arith.constant 1 : i32
      %dma_wait3A_297 = arith.constant 0 : i32
      %dma_wait3A_298 = arith.constant 0 : i32
      %dma_wait3A_299 = tpu.memref_slice %arg10[%dma_wait3A_296, %dma_wait3A_297, %dma_wait3A_298] : memref<10x128x32xf32, #tpu.memory_space<vmem>> -> memref<1x128x32xf32, #tpu.memory_space<vmem>>
      %dma_wait3A_300 = tpu.memref_squeeze %dma_wait3A_299 : memref<1x128x32xf32, #tpu.memory_space<vmem>> -> memref<128x32xf32, #tpu.memory_space<vmem>>
      %dma_wait3A_301 = arith.constant 0 : i32
      %dma_wait3A_302 = tpu.memref_slice %arg8[%add3A_295, %dma_wait3A_301] : memref<160x128xi32, #tpu.memory_space<vmem>> -> memref<1x128xi32, #tpu.memory_space<vmem>>
      %dma_wait3A_303 = tpu.memref_squeeze %dma_wait3A_302 : memref<1x128xi32, #tpu.memory_space<vmem>> -> memref<128xi32, #tpu.memory_space<vmem>>
      %dma_wait3A_304 = arith.constant 0 : i32
      %dma_wait3A_305 = arith.constant 0 : i32
      %dma_wait3A_306 = tpu.memref_slice %arg14[%dma_wait3A_304, %dma_wait3A_305] : memref<10000x32xf32, #tpu.memory_space<vmem_shared>> -> memref<10000x32xf32, #tpu.memory_space<vmem_shared>>
      tpu.wait_indirect_dma semaphore(%arg16 : memref<!tpu.dma_semaphore, #tpu.memory_space<semaphore_mem>>) src(%dma_wait3A_306 : memref<10000x32xf32, #tpu.memory_space<vmem_shared>>) dst(%dma_wait3A_300 : memref<128x32xf32, #tpu.memory_space<vmem>>)
      %dma_start3A_307 = arith.constant 1 : i32
      %dma_start3A_308 = arith.constant 0 : i32
      %dma_start3A_309 = arith.constant 0 : i32
      %dma_start3A_310 = tpu.memref_slice %arg10[%dma_start3A_307, %dma_start3A_308, %dma_start3A_309] : memref<10x128x32xf32, #tpu.memory_space<vmem>> -> memref<1x128x32xf32, #tpu.memory_space<vmem>>
      %dma_start3A_311 = tpu.memref_squeeze %dma_start3A_310 : memref<1x128x32xf32, #tpu.memory_space<vmem>> -> memref<128x32xf32, #tpu.memory_space<vmem>>
      %dma_start3A_312 = arith.constant 0 : i32
      %dma_start3A_313 = tpu.memref_slice %arg9[%add3A_295, %dma_start3A_312] : memref<160x128xi32, #tpu.memory_space<vmem>> -> memref<1x128xi32, #tpu.memory_space<vmem>>
      %dma_start3A_314 = tpu.memref_squeeze %dma_start3A_313 : memref<1x128xi32, #tpu.memory_space<vmem>> -> memref<128xi32, #tpu.memory_space<vmem>>
      %dma_start3A_315 = arith.constant 0 : i32
      %dma_start3A_316 = arith.constant 0 : i32
      %dma_start3A_317 = tpu.memref_slice %arg12[%dma_start3A_315, %dma_start3A_316] : memref<10240x32xf32, #tpu.memory_space<vmem_shared>> -> memref<10240x32xf32, #tpu.memory_space<vmem_shared>>
      tpu.enqueue_indirect_dma source(%dma_start3A_311 : memref<128x32xf32, #tpu.memory_space<vmem>>) target(%dma_start3A_317 : memref<10240x32xf32, #tpu.memory_space<vmem_shared>>) offsets(%dma_start3A_314 : memref<128xi32, #tpu.memory_space<vmem>>) semaphore(%arg26 : memref<!tpu.dma_semaphore, #tpu.memory_space<semaphore_mem>>) {add = true}
      %add3A_318 = arith.constant 5 : i32
      %add3A_319 = arith.addi %add3A_295, %add3A_318 : i32
      %lt3A_320 = arith.constant 160 : i32
      %lt3A_321 = arith.cmpi slt, %add3A_319, %lt3A_320 : i32
      %ge3A_322 = arith.constant 5 : i32
      %ge3A_323 = arith.cmpi sge, %add3A_295, %ge3A_322 : i32
      %and3A_324 = arith.andi %lt3A_321, %ge3A_323 : i1
      %convert_element_type3A_325 = arith.extui %and3A_324 : i1 to i32
      %cond3A_326 = arith.constant 0 : i32
      %cond3A_327 = arith.cmpi ne, %convert_element_type3A_325, %cond3A_326 : i32
      scf.if %cond3A_327 {
        %dma_wait3A_679 = arith.constant 6 : i32
        %dma_wait3A_680 = arith.constant 0 : i32
        %dma_wait3A_681 = arith.constant 0 : i32
        %dma_wait3A_682 = arith.constant 0 : i32
        %dma_wait3A_683 = tpu.memref_slice %arg10[%dma_wait3A_679, %dma_wait3A_681, %dma_wait3A_682] : memref<10x128x32xf32, #tpu.memory_space<vmem>> -> memref<1x128x32xf32, #tpu.memory_space<vmem>>
        %dma_wait3A_684 = tpu.memref_squeeze %dma_wait3A_683 : memref<1x128x32xf32, #tpu.memory_space<vmem>> -> memref<128x32xf32, #tpu.memory_space<vmem>>
        %dma_wait3A_685 = arith.constant 0 : i32
        %dma_wait3A_686 = tpu.memref_slice %arg9[%dma_wait3A_680, %dma_wait3A_685] : memref<160x128xi32, #tpu.memory_space<vmem>> -> memref<1x128xi32, #tpu.memory_space<vmem>>
        %dma_wait3A_687 = tpu.memref_squeeze %dma_wait3A_686 : memref<1x128xi32, #tpu.memory_space<vmem>> -> memref<128xi32, #tpu.memory_space<vmem>>
        %dma_wait3A_688 = arith.constant 0 : i32
        %dma_wait3A_689 = arith.constant 0 : i32
        %dma_wait3A_690 = tpu.memref_slice %arg12[%dma_wait3A_688, %dma_wait3A_689] : memref<10240x32xf32, #tpu.memory_space<vmem_shared>> -> memref<10240x32xf32, #tpu.memory_space<vmem_shared>>
        tpu.wait_indirect_dma semaphore(%arg31 : memref<!tpu.dma_semaphore, #tpu.memory_space<semaphore_mem>>) src(%dma_wait3A_684 : memref<128x32xf32, #tpu.memory_space<vmem>>) dst(%dma_wait3A_690 : memref<10240x32xf32, #tpu.memory_space<vmem_shared>>)
      } else {
      }
      %add3A_328 = arith.constant 5 : i32
      %add3A_329 = arith.addi %add3A_295, %add3A_328 : i32
      %lt3A_330 = arith.constant 160 : i32
      %lt3A_331 = arith.cmpi slt, %add3A_329, %lt3A_330 : i32
      %convert_element_type3A_332 = arith.extui %lt3A_331 : i1 to i32
      %cond3A_333 = arith.constant 0 : i32
      %cond3A_334 = arith.cmpi ne, %convert_element_type3A_332, %cond3A_333 : i32
      scf.if %cond3A_334 {
        %add3A_679 = arith.constant 5 : i32
        %add3A_680 = arith.addi %add3A_295, %add3A_679 : i32
        %dma_start3A_681 = arith.constant 6 : i32
        %dma_start3A_682 = arith.constant 0 : i32
        %dma_start3A_683 = arith.constant 0 : i32
        %dma_start3A_684 = tpu.memref_slice %arg10[%dma_start3A_681, %dma_start3A_682, %dma_start3A_683] : memref<10x128x32xf32, #tpu.memory_space<vmem>> -> memref<1x128x32xf32, #tpu.memory_space<vmem>>
        %dma_start3A_685 = tpu.memref_squeeze %dma_start3A_684 : memref<1x128x32xf32, #tpu.memory_space<vmem>> -> memref<128x32xf32, #tpu.memory_space<vmem>>
        %dma_start3A_686 = arith.constant 0 : i32
        %dma_start3A_687 = tpu.memref_slice %arg8[%add3A_680, %dma_start3A_686] : memref<160x128xi32, #tpu.memory_space<vmem>> -> memref<1x128xi32, #tpu.memory_space<vmem>>
        %dma_start3A_688 = tpu.memref_squeeze %dma_start3A_687 : memref<1x128xi32, #tpu.memory_space<vmem>> -> memref<128xi32, #tpu.memory_space<vmem>>
        %dma_start3A_689 = arith.constant 0 : i32
        %dma_start3A_690 = arith.constant 0 : i32
        %dma_start3A_691 = tpu.memref_slice %arg14[%dma_start3A_689, %dma_start3A_690] : memref<10000x32xf32, #tpu.memory_space<vmem_shared>> -> memref<10000x32xf32, #tpu.memory_space<vmem_shared>>
        tpu.enqueue_indirect_dma source(%dma_start3A_691 : memref<10000x32xf32, #tpu.memory_space<vmem_shared>>) target(%dma_start3A_685 : memref<128x32xf32, #tpu.memory_space<vmem>>) offsets(%dma_start3A_688 : memref<128xi32, #tpu.memory_space<vmem>>) semaphore(%arg21 : memref<!tpu.dma_semaphore, #tpu.memory_space<semaphore_mem>>)
      } else {
      }
      %mul3A_335 = arith.constant 10 : i32
      %mul3A_336 = arith.muli %scan3A_252, %mul3A_335 : i32
      %add3A_337 = arith.constant 2 : i32
      %add3A_338 = arith.addi %mul3A_336, %add3A_337 : i32
      %dma_wait3A_339 = arith.constant 2 : i32
      %dma_wait3A_340 = arith.constant 0 : i32
      %dma_wait3A_341 = arith.constant 0 : i32
      %dma_wait3A_342 = tpu.memref_slice %arg10[%dma_wait3A_339, %dma_wait3A_340, %dma_wait3A_341] : memref<10x128x32xf32, #tpu.memory_space<vmem>> -> memref<1x128x32xf32, #tpu.memory_space<vmem>>
      %dma_wait3A_343 = tpu.memref_squeeze %dma_wait3A_342 : memref<1x128x32xf32, #tpu.memory_space<vmem>> -> memref<128x32xf32, #tpu.memory_space<vmem>>
      %dma_wait3A_344 = arith.constant 0 : i32
      %dma_wait3A_345 = tpu.memref_slice %arg8[%add3A_338, %dma_wait3A_344] : memref<160x128xi32, #tpu.memory_space<vmem>> -> memref<1x128xi32, #tpu.memory_space<vmem>>
      %dma_wait3A_346 = tpu.memref_squeeze %dma_wait3A_345 : memref<1x128xi32, #tpu.memory_space<vmem>> -> memref<128xi32, #tpu.memory_space<vmem>>
      %dma_wait3A_347 = arith.constant 0 : i32
      %dma_wait3A_348 = arith.constant 0 : i32
      %dma_wait3A_349 = tpu.memref_slice %arg14[%dma_wait3A_347, %dma_wait3A_348] : memref<10000x32xf32, #tpu.memory_space<vmem_shared>> -> memref<10000x32xf32, #tpu.memory_space<vmem_shared>>
      tpu.wait_indirect_dma semaphore(%arg17 : memref<!tpu.dma_semaphore, #tpu.memory_space<semaphore_mem>>) src(%dma_wait3A_349 : memref<10000x32xf32, #tpu.memory_space<vmem_shared>>) dst(%dma_wait3A_343 : memref<128x32xf32, #tpu.memory_space<vmem>>)
      %dma_start3A_350 = arith.constant 2 : i32
      %dma_start3A_351 = arith.constant 0 : i32
      %dma_start3A_352 = arith.constant 0 : i32
      %dma_start3A_353 = tpu.memref_slice %arg10[%dma_start3A_350, %dma_start3A_351, %dma_start3A_352] : memref<10x128x32xf32, #tpu.memory_space<vmem>> -> memref<1x128x32xf32, #tpu.memory_space<vmem>>
      %dma_start3A_354 = tpu.memref_squeeze %dma_start3A_353 : memref<1x128x32xf32, #tpu.memory_space<vmem>> -> memref<128x32xf32, #tpu.memory_space<vmem>>
      %dma_start3A_355 = arith.constant 0 : i32
      %dma_start3A_356 = tpu.memref_slice %arg9[%add3A_338, %dma_start3A_355] : memref<160x128xi32, #tpu.memory_space<vmem>> -> memref<1x128xi32, #tpu.memory_space<vmem>>
      %dma_start3A_357 = tpu.memref_squeeze %dma_start3A_356 : memref<1x128xi32, #tpu.memory_space<vmem>> -> memref<128xi32, #tpu.memory_space<vmem>>
      %dma_start3A_358 = arith.constant 0 : i32
      %dma_start3A_359 = arith.constant 0 : i32
      %dma_start3A_360 = tpu.memref_slice %arg12[%dma_start3A_358, %dma_start3A_359] : memref<10240x32xf32, #tpu.memory_space<vmem_shared>> -> memref<10240x32xf32, #tpu.memory_space<vmem_shared>>
      tpu.enqueue_indirect_dma source(%dma_start3A_354 : memref<128x32xf32, #tpu.memory_space<vmem>>) target(%dma_start3A_360 : memref<10240x32xf32, #tpu.memory_space<vmem_shared>>) offsets(%dma_start3A_357 : memref<128xi32, #tpu.memory_space<vmem>>) semaphore(%arg27 : memref<!tpu.dma_semaphore, #tpu.memory_space<semaphore_mem>>) {add = true}
      %add3A_361 = arith.constant 5 : i32
      %add3A_362 = arith.addi %add3A_338, %add3A_361 : i32
      %lt3A_363 = arith.constant 160 : i32
      %lt3A_364 = arith.cmpi slt, %add3A_362, %lt3A_363 : i32
      %ge3A_365 = arith.constant 5 : i32
      %ge3A_366 = arith.cmpi sge, %add3A_338, %ge3A_365 : i32
      %and3A_367 = arith.andi %lt3A_364, %ge3A_366 : i1
      %convert_element_type3A_368 = arith.extui %and3A_367 : i1 to i32
      %cond3A_369 = arith.constant 0 : i32
      %cond3A_370 = arith.cmpi ne, %convert_element_type3A_368, %cond3A_369 : i32
      scf.if %cond3A_370 {
        %dma_wait3A_679 = arith.constant 7 : i32
        %dma_wait3A_680 = arith.constant 0 : i32
        %dma_wait3A_681 = arith.constant 0 : i32
        %dma_wait3A_682 = arith.constant 0 : i32
        %dma_wait3A_683 = tpu.memref_slice %arg10[%dma_wait3A_679, %dma_wait3A_681, %dma_wait3A_682] : memref<10x128x32xf32, #tpu.memory_space<vmem>> -> memref<1x128x32xf32, #tpu.memory_space<vmem>>
        %dma_wait3A_684 = tpu.memref_squeeze %dma_wait3A_683 : memref<1x128x32xf32, #tpu.memory_space<vmem>> -> memref<128x32xf32, #tpu.memory_space<vmem>>
        %dma_wait3A_685 = arith.constant 0 : i32
        %dma_wait3A_686 = tpu.memref_slice %arg9[%dma_wait3A_680, %dma_wait3A_685] : memref<160x128xi32, #tpu.memory_space<vmem>> -> memref<1x128xi32, #tpu.memory_space<vmem>>
        %dma_wait3A_687 = tpu.memref_squeeze %dma_wait3A_686 : memref<1x128xi32, #tpu.memory_space<vmem>> -> memref<128xi32, #tpu.memory_space<vmem>>
        %dma_wait3A_688 = arith.constant 0 : i32
        %dma_wait3A_689 = arith.constant 0 : i32
        %dma_wait3A_690 = tpu.memref_slice %arg12[%dma_wait3A_688, %dma_wait3A_689] : memref<10240x32xf32, #tpu.memory_space<vmem_shared>> -> memref<10240x32xf32, #tpu.memory_space<vmem_shared>>
        tpu.wait_indirect_dma semaphore(%arg32 : memref<!tpu.dma_semaphore, #tpu.memory_space<semaphore_mem>>) src(%dma_wait3A_684 : memref<128x32xf32, #tpu.memory_space<vmem>>) dst(%dma_wait3A_690 : memref<10240x32xf32, #tpu.memory_space<vmem_shared>>)
      } else {
      }
      %add3A_371 = arith.constant 5 : i32
      %add3A_372 = arith.addi %add3A_338, %add3A_371 : i32
      %lt3A_373 = arith.constant 160 : i32
      %lt3A_374 = arith.cmpi slt, %add3A_372, %lt3A_373 : i32
      %convert_element_type3A_375 = arith.extui %lt3A_374 : i1 to i32
      %cond3A_376 = arith.constant 0 : i32
      %cond3A_377 = arith.cmpi ne, %convert_element_type3A_375, %cond3A_376 : i32
      scf.if %cond3A_377 {
        %add3A_679 = arith.constant 5 : i32
        %add3A_680 = arith.addi %add3A_338, %add3A_679 : i32
        %dma_start3A_681 = arith.constant 7 : i32
        %dma_start3A_682 = arith.constant 0 : i32
        %dma_start3A_683 = arith.constant 0 : i32
        %dma_start3A_684 = tpu.memref_slice %arg10[%dma_start3A_681, %dma_start3A_682, %dma_start3A_683] : memref<10x128x32xf32, #tpu.memory_space<vmem>> -> memref<1x128x32xf32, #tpu.memory_space<vmem>>
        %dma_start3A_685 = tpu.memref_squeeze %dma_start3A_684 : memref<1x128x32xf32, #tpu.memory_space<vmem>> -> memref<128x32xf32, #tpu.memory_space<vmem>>
        %dma_start3A_686 = arith.constant 0 : i32
        %dma_start3A_687 = tpu.memref_slice %arg8[%add3A_680, %dma_start3A_686] : memref<160x128xi32, #tpu.memory_space<vmem>> -> memref<1x128xi32, #tpu.memory_space<vmem>>
        %dma_start3A_688 = tpu.memref_squeeze %dma_start3A_687 : memref<1x128xi32, #tpu.memory_space<vmem>> -> memref<128xi32, #tpu.memory_space<vmem>>
        %dma_start3A_689 = arith.constant 0 : i32
        %dma_start3A_690 = arith.constant 0 : i32
        %dma_start3A_691 = tpu.memref_slice %arg14[%dma_start3A_689, %dma_start3A_690] : memref<10000x32xf32, #tpu.memory_space<vmem_shared>> -> memref<10000x32xf32, #tpu.memory_space<vmem_shared>>
        tpu.enqueue_indirect_dma source(%dma_start3A_691 : memref<10000x32xf32, #tpu.memory_space<vmem_shared>>) target(%dma_start3A_685 : memref<128x32xf32, #tpu.memory_space<vmem>>) offsets(%dma_start3A_688 : memref<128xi32, #tpu.memory_space<vmem>>) semaphore(%arg22 : memref<!tpu.dma_semaphore, #tpu.memory_space<semaphore_mem>>)
      } else {
      }
      %mul3A_378 = arith.constant 10 : i32
      %mul3A_379 = arith.muli %scan3A_252, %mul3A_378 : i32
      %add3A_380 = arith.constant 3 : i32
      %add3A_381 = arith.addi %mul3A_379, %add3A_380 : i32
      %dma_wait3A_382 = arith.constant 3 : i32
      %dma_wait3A_383 = arith.constant 0 : i32
      %dma_wait3A_384 = arith.constant 0 : i32
      %dma_wait3A_385 = tpu.memref_slice %arg10[%dma_wait3A_382, %dma_wait3A_383, %dma_wait3A_384] : memref<10x128x32xf32, #tpu.memory_space<vmem>> -> memref<1x128x32xf32, #tpu.memory_space<vmem>>
      %dma_wait3A_386 = tpu.memref_squeeze %dma_wait3A_385 : memref<1x128x32xf32, #tpu.memory_space<vmem>> -> memref<128x32xf32, #tpu.memory_space<vmem>>
      %dma_wait3A_387 = arith.constant 0 : i32
      %dma_wait3A_388 = tpu.memref_slice %arg8[%add3A_381, %dma_wait3A_387] : memref<160x128xi32, #tpu.memory_space<vmem>> -> memref<1x128xi32, #tpu.memory_space<vmem>>
      %dma_wait3A_389 = tpu.memref_squeeze %dma_wait3A_388 : memref<1x128xi32, #tpu.memory_space<vmem>> -> memref<128xi32, #tpu.memory_space<vmem>>
      %dma_wait3A_390 = arith.constant 0 : i32
      %dma_wait3A_391 = arith.constant 0 : i32
      %dma_wait3A_392 = tpu.memref_slice %arg14[%dma_wait3A_390, %dma_wait3A_391] : memref<10000x32xf32, #tpu.memory_space<vmem_shared>> -> memref<10000x32xf32, #tpu.memory_space<vmem_shared>>
      tpu.wait_indirect_dma semaphore(%arg18 : memref<!tpu.dma_semaphore, #tpu.memory_space<semaphore_mem>>) src(%dma_wait3A_392 : memref<10000x32xf32, #tpu.memory_space<vmem_shared>>) dst(%dma_wait3A_386 : memref<128x32xf32, #tpu.memory_space<vmem>>)
      %dma_start3A_393 = arith.constant 3 : i32
      %dma_start3A_394 = arith.constant 0 : i32
      %dma_start3A_395 = arith.constant 0 : i32
      %dma_start3A_396 = tpu.memref_slice %arg10[%dma_start3A_393, %dma_start3A_394, %dma_start3A_395] : memref<10x128x32xf32, #tpu.memory_space<vmem>> -> memref<1x128x32xf32, #tpu.memory_space<vmem>>
      %dma_start3A_397 = tpu.memref_squeeze %dma_start3A_396 : memref<1x128x32xf32, #tpu.memory_space<vmem>> -> memref<128x32xf32, #tpu.memory_space<vmem>>
      %dma_start3A_398 = arith.constant 0 : i32
      %dma_start3A_399 = tpu.memref_slice %arg9[%add3A_381, %dma_start3A_398] : memref<160x128xi32, #tpu.memory_space<vmem>> -> memref<1x128xi32, #tpu.memory_space<vmem>>
      %dma_start3A_400 = tpu.memref_squeeze %dma_start3A_399 : memref<1x128xi32, #tpu.memory_space<vmem>> -> memref<128xi32, #tpu.memory_space<vmem>>
      %dma_start3A_401 = arith.constant 0 : i32
      %dma_start3A_402 = arith.constant 0 : i32
      %dma_start3A_403 = tpu.memref_slice %arg12[%dma_start3A_401, %dma_start3A_402] : memref<10240x32xf32, #tpu.memory_space<vmem_shared>> -> memref<10240x32xf32, #tpu.memory_space<vmem_shared>>
      tpu.enqueue_indirect_dma source(%dma_start3A_397 : memref<128x32xf32, #tpu.memory_space<vmem>>) target(%dma_start3A_403 : memref<10240x32xf32, #tpu.memory_space<vmem_shared>>) offsets(%dma_start3A_400 : memref<128xi32, #tpu.memory_space<vmem>>) semaphore(%arg28 : memref<!tpu.dma_semaphore, #tpu.memory_space<semaphore_mem>>) {add = true}
      %add3A_404 = arith.constant 5 : i32
      %add3A_405 = arith.addi %add3A_381, %add3A_404 : i32
      %lt3A_406 = arith.constant 160 : i32
      %lt3A_407 = arith.cmpi slt, %add3A_405, %lt3A_406 : i32
      %ge3A_408 = arith.constant 5 : i32
      %ge3A_409 = arith.cmpi sge, %add3A_381, %ge3A_408 : i32
      %and3A_410 = arith.andi %lt3A_407, %ge3A_409 : i1
      %convert_element_type3A_411 = arith.extui %and3A_410 : i1 to i32
      %cond3A_412 = arith.constant 0 : i32
      %cond3A_413 = arith.cmpi ne, %convert_element_type3A_411, %cond3A_412 : i32
      scf.if %cond3A_413 {
        %dma_wait3A_679 = arith.constant 8 : i32
        %dma_wait3A_680 = arith.constant 0 : i32
        %dma_wait3A_681 = arith.constant 0 : i32
        %dma_wait3A_682 = arith.constant 0 : i32
        %dma_wait3A_683 = tpu.memref_slice %arg10[%dma_wait3A_679, %dma_wait3A_681, %dma_wait3A_682] : memref<10x128x32xf32, #tpu.memory_space<vmem>> -> memref<1x128x32xf32, #tpu.memory_space<vmem>>
        %dma_wait3A_684 = tpu.memref_squeeze %dma_wait3A_683 : memref<1x128x32xf32, #tpu.memory_space<vmem>> -> memref<128x32xf32, #tpu.memory_space<vmem>>
        %dma_wait3A_685 = arith.constant 0 : i32
        %dma_wait3A_686 = tpu.memref_slice %arg9[%dma_wait3A_680, %dma_wait3A_685] : memref<160x128xi32, #tpu.memory_space<vmem>> -> memref<1x128xi32, #tpu.memory_space<vmem>>
        %dma_wait3A_687 = tpu.memref_squeeze %dma_wait3A_686 : memref<1x128xi32, #tpu.memory_space<vmem>> -> memref<128xi32, #tpu.memory_space<vmem>>
        %dma_wait3A_688 = arith.constant 0 : i32
        %dma_wait3A_689 = arith.constant 0 : i32
        %dma_wait3A_690 = tpu.memref_slice %arg12[%dma_wait3A_688, %dma_wait3A_689] : memref<10240x32xf32, #tpu.memory_space<vmem_shared>> -> memref<10240x32xf32, #tpu.memory_space<vmem_shared>>
        tpu.wait_indirect_dma semaphore(%arg33 : memref<!tpu.dma_semaphore, #tpu.memory_space<semaphore_mem>>) src(%dma_wait3A_684 : memref<128x32xf32, #tpu.memory_space<vmem>>) dst(%dma_wait3A_690 : memref<10240x32xf32, #tpu.memory_space<vmem_shared>>)
      } else {
      }
      %add3A_414 = arith.constant 5 : i32
      %add3A_415 = arith.addi %add3A_381, %add3A_414 : i32
      %lt3A_416 = arith.constant 160 : i32
      %lt3A_417 = arith.cmpi slt, %add3A_415, %lt3A_416 : i32
      %convert_element_type3A_418 = arith.extui %lt3A_417 : i1 to i32
      %cond3A_419 = arith.constant 0 : i32
      %cond3A_420 = arith.cmpi ne, %convert_element_type3A_418, %cond3A_419 : i32
      scf.if %cond3A_420 {
        %add3A_679 = arith.constant 5 : i32
        %add3A_680 = arith.addi %add3A_381, %add3A_679 : i32
        %dma_start3A_681 = arith.constant 8 : i32
        %dma_start3A_682 = arith.constant 0 : i32
        %dma_start3A_683 = arith.constant 0 : i32
        %dma_start3A_684 = tpu.memref_slice %arg10[%dma_start3A_681, %dma_start3A_682, %dma_start3A_683] : memref<10x128x32xf32, #tpu.memory_space<vmem>> -> memref<1x128x32xf32, #tpu.memory_space<vmem>>
        %dma_start3A_685 = tpu.memref_squeeze %dma_start3A_684 : memref<1x128x32xf32, #tpu.memory_space<vmem>> -> memref<128x32xf32, #tpu.memory_space<vmem>>
        %dma_start3A_686 = arith.constant 0 : i32
        %dma_start3A_687 = tpu.memref_slice %arg8[%add3A_680, %dma_start3A_686] : memref<160x128xi32, #tpu.memory_space<vmem>> -> memref<1x128xi32, #tpu.memory_space<vmem>>
        %dma_start3A_688 = tpu.memref_squeeze %dma_start3A_687 : memref<1x128xi32, #tpu.memory_space<vmem>> -> memref<128xi32, #tpu.memory_space<vmem>>
        %dma_start3A_689 = arith.constant 0 : i32
        %dma_start3A_690 = arith.constant 0 : i32
        %dma_start3A_691 = tpu.memref_slice %arg14[%dma_start3A_689, %dma_start3A_690] : memref<10000x32xf32, #tpu.memory_space<vmem_shared>> -> memref<10000x32xf32, #tpu.memory_space<vmem_shared>>
        tpu.enqueue_indirect_dma source(%dma_start3A_691 : memref<10000x32xf32, #tpu.memory_space<vmem_shared>>) target(%dma_start3A_685 : memref<128x32xf32, #tpu.memory_space<vmem>>) offsets(%dma_start3A_688 : memref<128xi32, #tpu.memory_space<vmem>>) semaphore(%arg23 : memref<!tpu.dma_semaphore, #tpu.memory_space<semaphore_mem>>)
      } else {
      }
      %mul3A_421 = arith.constant 10 : i32
      %mul3A_422 = arith.muli %scan3A_252, %mul3A_421 : i32
      %add3A_423 = arith.constant 4 : i32
      %add3A_424 = arith.addi %mul3A_422, %add3A_423 : i32
      %dma_wait3A_425 = arith.constant 4 : i32
      %dma_wait3A_426 = arith.constant 0 : i32
      %dma_wait3A_427 = arith.constant 0 : i32
      %dma_wait3A_428 = tpu.memref_slice %arg10[%dma_wait3A_425, %dma_wait3A_426, %dma_wait3A_427] : memref<10x128x32xf32, #tpu.memory_space<vmem>> -> memref<1x128x32xf32, #tpu.memory_space<vmem>>
      %dma_wait3A_429 = tpu.memref_squeeze %dma_wait3A_428 : memref<1x128x32xf32, #tpu.memory_space<vmem>> -> memref<128x32xf32, #tpu.memory_space<vmem>>
      %dma_wait3A_430 = arith.constant 0 : i32
      %dma_wait3A_431 = tpu.memref_slice %arg8[%add3A_424, %dma_wait3A_430] : memref<160x128xi32, #tpu.memory_space<vmem>> -> memref<1x128xi32, #tpu.memory_space<vmem>>
      %dma_wait3A_432 = tpu.memref_squeeze %dma_wait3A_431 : memref<1x128xi32, #tpu.memory_space<vmem>> -> memref<128xi32, #tpu.memory_space<vmem>>
      %dma_wait3A_433 = arith.constant 0 : i32
      %dma_wait3A_434 = arith.constant 0 : i32
      %dma_wait3A_435 = tpu.memref_slice %arg14[%dma_wait3A_433, %dma_wait3A_434] : memref<10000x32xf32, #tpu.memory_space<vmem_shared>> -> memref<10000x32xf32, #tpu.memory_space<vmem_shared>>
      tpu.wait_indirect_dma semaphore(%arg19 : memref<!tpu.dma_semaphore, #tpu.memory_space<semaphore_mem>>) src(%dma_wait3A_435 : memref<10000x32xf32, #tpu.memory_space<vmem_shared>>) dst(%dma_wait3A_429 : memref<128x32xf32, #tpu.memory_space<vmem>>)
      %dma_start3A_436 = arith.constant 4 : i32
      %dma_start3A_437 = arith.constant 0 : i32
      %dma_start3A_438 = arith.constant 0 : i32
      %dma_start3A_439 = tpu.memref_slice %arg10[%dma_start3A_436, %dma_start3A_437, %dma_start3A_438] : memref<10x128x32xf32, #tpu.memory_space<vmem>> -> memref<1x128x32xf32, #tpu.memory_space<vmem>>
      %dma_start3A_440 = tpu.memref_squeeze %dma_start3A_439 : memref<1x128x32xf32, #tpu.memory_space<vmem>> -> memref<128x32xf32, #tpu.memory_space<vmem>>
      %dma_start3A_441 = arith.constant 0 : i32
      %dma_start3A_442 = tpu.memref_slice %arg9[%add3A_424, %dma_start3A_441] : memref<160x128xi32, #tpu.memory_space<vmem>> -> memref<1x128xi32, #tpu.memory_space<vmem>>
      %dma_start3A_443 = tpu.memref_squeeze %dma_start3A_442 : memref<1x128xi32, #tpu.memory_space<vmem>> -> memref<128xi32, #tpu.memory_space<vmem>>
      %dma_start3A_444 = arith.constant 0 : i32
      %dma_start3A_445 = arith.constant 0 : i32
      %dma_start3A_446 = tpu.memref_slice %arg12[%dma_start3A_444, %dma_start3A_445] : memref<10240x32xf32, #tpu.memory_space<vmem_shared>> -> memref<10240x32xf32, #tpu.memory_space<vmem_shared>>
      tpu.enqueue_indirect_dma source(%dma_start3A_440 : memref<128x32xf32, #tpu.memory_space<vmem>>) target(%dma_start3A_446 : memref<10240x32xf32, #tpu.memory_space<vmem_shared>>) offsets(%dma_start3A_443 : memref<128xi32, #tpu.memory_space<vmem>>) semaphore(%arg29 : memref<!tpu.dma_semaphore, #tpu.memory_space<semaphore_mem>>) {add = true}
      %add3A_447 = arith.constant 5 : i32
      %add3A_448 = arith.addi %add3A_424, %add3A_447 : i32
      %lt3A_449 = arith.constant 160 : i32
      %lt3A_450 = arith.cmpi slt, %add3A_448, %lt3A_449 : i32
      %ge3A_451 = arith.constant 5 : i32
      %ge3A_452 = arith.cmpi sge, %add3A_424, %ge3A_451 : i32
      %and3A_453 = arith.andi %lt3A_450, %ge3A_452 : i1
      %convert_element_type3A_454 = arith.extui %and3A_453 : i1 to i32
      %cond3A_455 = arith.constant 0 : i32
      %cond3A_456 = arith.cmpi ne, %convert_element_type3A_454, %cond3A_455 : i32
      scf.if %cond3A_456 {
        %dma_wait3A_679 = arith.constant 9 : i32
        %dma_wait3A_680 = arith.constant 0 : i32
        %dma_wait3A_681 = arith.constant 0 : i32
        %dma_wait3A_682 = arith.constant 0 : i32
        %dma_wait3A_683 = tpu.memref_slice %arg10[%dma_wait3A_679, %dma_wait3A_681, %dma_wait3A_682] : memref<10x128x32xf32, #tpu.memory_space<vmem>> -> memref<1x128x32xf32, #tpu.memory_space<vmem>>
        %dma_wait3A_684 = tpu.memref_squeeze %dma_wait3A_683 : memref<1x128x32xf32, #tpu.memory_space<vmem>> -> memref<128x32xf32, #tpu.memory_space<vmem>>
        %dma_wait3A_685 = arith.constant 0 : i32
        %dma_wait3A_686 = tpu.memref_slice %arg9[%dma_wait3A_680, %dma_wait3A_685] : memref<160x128xi32, #tpu.memory_space<vmem>> -> memref<1x128xi32, #tpu.memory_space<vmem>>
        %dma_wait3A_687 = tpu.memref_squeeze %dma_wait3A_686 : memref<1x128xi32, #tpu.memory_space<vmem>> -> memref<128xi32, #tpu.memory_space<vmem>>
        %dma_wait3A_688 = arith.constant 0 : i32
        %dma_wait3A_689 = arith.constant 0 : i32
        %dma_wait3A_690 = tpu.memref_slice %arg12[%dma_wait3A_688, %dma_wait3A_689] : memref<10240x32xf32, #tpu.memory_space<vmem_shared>> -> memref<10240x32xf32, #tpu.memory_space<vmem_shared>>
        tpu.wait_indirect_dma semaphore(%arg34 : memref<!tpu.dma_semaphore, #tpu.memory_space<semaphore_mem>>) src(%dma_wait3A_684 : memref<128x32xf32, #tpu.memory_space<vmem>>) dst(%dma_wait3A_690 : memref<10240x32xf32, #tpu.memory_space<vmem_shared>>)
      } else {
      }
      %add3A_457 = arith.constant 5 : i32
      %add3A_458 = arith.addi %add3A_424, %add3A_457 : i32
      %lt3A_459 = arith.constant 160 : i32
      %lt3A_460 = arith.cmpi slt, %add3A_458, %lt3A_459 : i32
      %convert_element_type3A_461 = arith.extui %lt3A_460 : i1 to i32
      %cond3A_462 = arith.constant 0 : i32
      %cond3A_463 = arith.cmpi ne, %convert_element_type3A_461, %cond3A_462 : i32
      scf.if %cond3A_463 {
        %add3A_679 = arith.constant 5 : i32
        %add3A_680 = arith.addi %add3A_424, %add3A_679 : i32
        %dma_start3A_681 = arith.constant 9 : i32
        %dma_start3A_682 = arith.constant 0 : i32
        %dma_start3A_683 = arith.constant 0 : i32
        %dma_start3A_684 = tpu.memref_slice %arg10[%dma_start3A_681, %dma_start3A_682, %dma_start3A_683] : memref<10x128x32xf32, #tpu.memory_space<vmem>> -> memref<1x128x32xf32, #tpu.memory_space<vmem>>
        %dma_start3A_685 = tpu.memref_squeeze %dma_start3A_684 : memref<1x128x32xf32, #tpu.memory_space<vmem>> -> memref<128x32xf32, #tpu.memory_space<vmem>>
        %dma_start3A_686 = arith.constant 0 : i32
        %dma_start3A_687 = tpu.memref_slice %arg8[%add3A_680, %dma_start3A_686] : memref<160x128xi32, #tpu.memory_space<vmem>> -> memref<1x128xi32, #tpu.memory_space<vmem>>
        %dma_start3A_688 = tpu.memref_squeeze %dma_start3A_687 : memref<1x128xi32, #tpu.memory_space<vmem>> -> memref<128xi32, #tpu.memory_space<vmem>>
        %dma_start3A_689 = arith.constant 0 : i32
        %dma_start3A_690 = arith.constant 0 : i32
        %dma_start3A_691 = tpu.memref_slice %arg14[%dma_start3A_689, %dma_start3A_690] : memref<10000x32xf32, #tpu.memory_space<vmem_shared>> -> memref<10000x32xf32, #tpu.memory_space<vmem_shared>>
        tpu.enqueue_indirect_dma source(%dma_start3A_691 : memref<10000x32xf32, #tpu.memory_space<vmem_shared>>) target(%dma_start3A_685 : memref<128x32xf32, #tpu.memory_space<vmem>>) offsets(%dma_start3A_688 : memref<128xi32, #tpu.memory_space<vmem>>) semaphore(%arg24 : memref<!tpu.dma_semaphore, #tpu.memory_space<semaphore_mem>>)
      } else {
      }
      %mul3A_464 = arith.constant 10 : i32
      %mul3A_465 = arith.muli %scan3A_252, %mul3A_464 : i32
      %add3A_466 = arith.constant 5 : i32
      %add3A_467 = arith.addi %mul3A_465, %add3A_466 : i32
      %dma_wait3A_468 = arith.constant 5 : i32
      %dma_wait3A_469 = arith.constant 0 : i32
      %dma_wait3A_470 = arith.constant 0 : i32
      %dma_wait3A_471 = tpu.memref_slice %arg10[%dma_wait3A_468, %dma_wait3A_469, %dma_wait3A_470] : memref<10x128x32xf32, #tpu.memory_space<vmem>> -> memref<1x128x32xf32, #tpu.memory_space<vmem>>
      %dma_wait3A_472 = tpu.memref_squeeze %dma_wait3A_471 : memref<1x128x32xf32, #tpu.memory_space<vmem>> -> memref<128x32xf32, #tpu.memory_space<vmem>>
      %dma_wait3A_473 = arith.constant 0 : i32
      %dma_wait3A_474 = tpu.memref_slice %arg8[%add3A_467, %dma_wait3A_473] : memref<160x128xi32, #tpu.memory_space<vmem>> -> memref<1x128xi32, #tpu.memory_space<vmem>>
      %dma_wait3A_475 = tpu.memref_squeeze %dma_wait3A_474 : memref<1x128xi32, #tpu.memory_space<vmem>> -> memref<128xi32, #tpu.memory_space<vmem>>
      %dma_wait3A_476 = arith.constant 0 : i32
      %dma_wait3A_477 = arith.constant 0 : i32
      %dma_wait3A_478 = tpu.memref_slice %arg14[%dma_wait3A_476, %dma_wait3A_477] : memref<10000x32xf32, #tpu.memory_space<vmem_shared>> -> memref<10000x32xf32, #tpu.memory_space<vmem_shared>>
      tpu.wait_indirect_dma semaphore(%arg20 : memref<!tpu.dma_semaphore, #tpu.memory_space<semaphore_mem>>) src(%dma_wait3A_478 : memref<10000x32xf32, #tpu.memory_space<vmem_shared>>) dst(%dma_wait3A_472 : memref<128x32xf32, #tpu.memory_space<vmem>>)
      %dma_start3A_479 = arith.constant 5 : i32
      %dma_start3A_480 = arith.constant 0 : i32
      %dma_start3A_481 = arith.constant 0 : i32
      %dma_start3A_482 = tpu.memref_slice %arg10[%dma_start3A_479, %dma_start3A_480, %dma_start3A_481] : memref<10x128x32xf32, #tpu.memory_space<vmem>> -> memref<1x128x32xf32, #tpu.memory_space<vmem>>
      %dma_start3A_483 = tpu.memref_squeeze %dma_start3A_482 : memref<1x128x32xf32, #tpu.memory_space<vmem>> -> memref<128x32xf32, #tpu.memory_space<vmem>>
      %dma_start3A_484 = arith.constant 0 : i32
      %dma_start3A_485 = tpu.memref_slice %arg9[%add3A_467, %dma_start3A_484] : memref<160x128xi32, #tpu.memory_space<vmem>> -> memref<1x128xi32, #tpu.memory_space<vmem>>
      %dma_start3A_486 = tpu.memref_squeeze %dma_start3A_485 : memref<1x128xi32, #tpu.memory_space<vmem>> -> memref<128xi32, #tpu.memory_space<vmem>>
      %dma_start3A_487 = arith.constant 0 : i32
      %dma_start3A_488 = arith.constant 0 : i32
      %dma_start3A_489 = tpu.memref_slice %arg12[%dma_start3A_487, %dma_start3A_488] : memref<10240x32xf32, #tpu.memory_space<vmem_shared>> -> memref<10240x32xf32, #tpu.memory_space<vmem_shared>>
      tpu.enqueue_indirect_dma source(%dma_start3A_483 : memref<128x32xf32, #tpu.memory_space<vmem>>) target(%dma_start3A_489 : memref<10240x32xf32, #tpu.memory_space<vmem_shared>>) offsets(%dma_start3A_486 : memref<128xi32, #tpu.memory_space<vmem>>) semaphore(%arg30 : memref<!tpu.dma_semaphore, #tpu.memory_space<semaphore_mem>>) {add = true}
      %add3A_490 = arith.constant 5 : i32
      %add3A_491 = arith.addi %add3A_467, %add3A_490 : i32
      %lt3A_492 = arith.constant 160 : i32
      %lt3A_493 = arith.cmpi slt, %add3A_491, %lt3A_492 : i32
      %ge3A_494 = arith.constant 5 : i32
      %ge3A_495 = arith.cmpi sge, %add3A_467, %ge3A_494 : i32
      %and3A_496 = arith.andi %lt3A_493, %ge3A_495 : i1
      %convert_element_type3A_497 = arith.extui %and3A_496 : i1 to i32
      %cond3A_498 = arith.constant 0 : i32
      %cond3A_499 = arith.cmpi ne, %convert_element_type3A_497, %cond3A_498 : i32
      scf.if %cond3A_499 {
        %dma_wait3A_679 = arith.constant 0 : i32
        %dma_wait3A_680 = arith.constant 0 : i32
        %dma_wait3A_681 = arith.constant 0 : i32
        %dma_wait3A_682 = arith.constant 0 : i32
        %dma_wait3A_683 = tpu.memref_slice %arg10[%dma_wait3A_679, %dma_wait3A_681, %dma_wait3A_682] : memref<10x128x32xf32, #tpu.memory_space<vmem>> -> memref<1x128x32xf32, #tpu.memory_space<vmem>>
        %dma_wait3A_684 = tpu.memref_squeeze %dma_wait3A_683 : memref<1x128x32xf32, #tpu.memory_space<vmem>> -> memref<128x32xf32, #tpu.memory_space<vmem>>
        %dma_wait3A_685 = arith.constant 0 : i32
        %dma_wait3A_686 = tpu.memref_slice %arg9[%dma_wait3A_680, %dma_wait3A_685] : memref<160x128xi32, #tpu.memory_space<vmem>> -> memref<1x128xi32, #tpu.memory_space<vmem>>
        %dma_wait3A_687 = tpu.memref_squeeze %dma_wait3A_686 : memref<1x128xi32, #tpu.memory_space<vmem>> -> memref<128xi32, #tpu.memory_space<vmem>>
        %dma_wait3A_688 = arith.constant 0 : i32
        %dma_wait3A_689 = arith.constant 0 : i32
        %dma_wait3A_690 = tpu.memref_slice %arg12[%dma_wait3A_688, %dma_wait3A_689] : memref<10240x32xf32, #tpu.memory_space<vmem_shared>> -> memref<10240x32xf32, #tpu.memory_space<vmem_shared>>
        tpu.wait_indirect_dma semaphore(%arg25 : memref<!tpu.dma_semaphore, #tpu.memory_space<semaphore_mem>>) src(%dma_wait3A_684 : memref<128x32xf32, #tpu.memory_space<vmem>>) dst(%dma_wait3A_690 : memref<10240x32xf32, #tpu.memory_space<vmem_shared>>)
      } else {
      }
      %add3A_500 = arith.constant 5 : i32
      %add3A_501 = arith.addi %add3A_467, %add3A_500 : i32
      %lt3A_502 = arith.constant 160 : i32
      %lt3A_503 = arith.cmpi slt, %add3A_501, %lt3A_502 : i32
      %convert_element_type3A_504 = arith.extui %lt3A_503 : i1 to i32
      %cond3A_505 = arith.constant 0 : i32
      %cond3A_506 = arith.cmpi ne, %convert_element_type3A_504, %cond3A_505 : i32
      scf.if %cond3A_506 {
        %add3A_679 = arith.constant 5 : i32
        %add3A_680 = arith.addi %add3A_467, %add3A_679 : i32
        %dma_start3A_681 = arith.constant 0 : i32
        %dma_start3A_682 = arith.constant 0 : i32
        %dma_start3A_683 = arith.constant 0 : i32
        %dma_start3A_684 = tpu.memref_slice %arg10[%dma_start3A_681, %dma_start3A_682, %dma_start3A_683] : memref<10x128x32xf32, #tpu.memory_space<vmem>> -> memref<1x128x32xf32, #tpu.memory_space<vmem>>
        %dma_start3A_685 = tpu.memref_squeeze %dma_start3A_684 : memref<1x128x32xf32, #tpu.memory_space<vmem>> -> memref<128x32xf32, #tpu.memory_space<vmem>>
        %dma_start3A_686 = arith.constant 0 : i32
        %dma_start3A_687 = tpu.memref_slice %arg8[%add3A_680, %dma_start3A_686] : memref<160x128xi32, #tpu.memory_space<vmem>> -> memref<1x128xi32, #tpu.memory_space<vmem>>
        %dma_start3A_688 = tpu.memref_squeeze %dma_start3A_687 : memref<1x128xi32, #tpu.memory_space<vmem>> -> memref<128xi32, #tpu.memory_space<vmem>>
        %dma_start3A_689 = arith.constant 0 : i32
        %dma_start3A_690 = arith.constant 0 : i32
        %dma_start3A_691 = tpu.memref_slice %arg14[%dma_start3A_689, %dma_start3A_690] : memref<10000x32xf32, #tpu.memory_space<vmem_shared>> -> memref<10000x32xf32, #tpu.memory_space<vmem_shared>>
        tpu.enqueue_indirect_dma source(%dma_start3A_691 : memref<10000x32xf32, #tpu.memory_space<vmem_shared>>) target(%dma_start3A_685 : memref<128x32xf32, #tpu.memory_space<vmem>>) offsets(%dma_start3A_688 : memref<128xi32, #tpu.memory_space<vmem>>) semaphore(%arg15 : memref<!tpu.dma_semaphore, #tpu.memory_space<semaphore_mem>>)
      } else {
      }
      %mul3A_507 = arith.constant 10 : i32
      %mul3A_508 = arith.muli %scan3A_252, %mul3A_507 : i32
      %add3A_509 = arith.constant 6 : i32
      %add3A_510 = arith.addi %mul3A_508, %add3A_509 : i32
      %dma_wait3A_511 = arith.constant 6 : i32
      %dma_wait3A_512 = arith.constant 0 : i32
      %dma_wait3A_513 = arith.constant 0 : i32
      %dma_wait3A_514 = tpu.memref_slice %arg10[%dma_wait3A_511, %dma_wait3A_512, %dma_wait3A_513] : memref<10x128x32xf32, #tpu.memory_space<vmem>> -> memref<1x128x32xf32, #tpu.memory_space<vmem>>
      %dma_wait3A_515 = tpu.memref_squeeze %dma_wait3A_514 : memref<1x128x32xf32, #tpu.memory_space<vmem>> -> memref<128x32xf32, #tpu.memory_space<vmem>>
      %dma_wait3A_516 = arith.constant 0 : i32
      %dma_wait3A_517 = tpu.memref_slice %arg8[%add3A_510, %dma_wait3A_516] : memref<160x128xi32, #tpu.memory_space<vmem>> -> memref<1x128xi32, #tpu.memory_space<vmem>>
      %dma_wait3A_518 = tpu.memref_squeeze %dma_wait3A_517 : memref<1x128xi32, #tpu.memory_space<vmem>> -> memref<128xi32, #tpu.memory_space<vmem>>
      %dma_wait3A_519 = arith.constant 0 : i32
      %dma_wait3A_520 = arith.constant 0 : i32
      %dma_wait3A_521 = tpu.memref_slice %arg14[%dma_wait3A_519, %dma_wait3A_520] : memref<10000x32xf32, #tpu.memory_space<vmem_shared>> -> memref<10000x32xf32, #tpu.memory_space<vmem_shared>>
      tpu.wait_indirect_dma semaphore(%arg21 : memref<!tpu.dma_semaphore, #tpu.memory_space<semaphore_mem>>) src(%dma_wait3A_521 : memref<10000x32xf32, #tpu.memory_space<vmem_shared>>) dst(%dma_wait3A_515 : memref<128x32xf32, #tpu.memory_space<vmem>>)
      %dma_start3A_522 = arith.constant 6 : i32
      %dma_start3A_523 = arith.constant 0 : i32
      %dma_start3A_524 = arith.constant 0 : i32
      %dma_start3A_525 = tpu.memref_slice %arg10[%dma_start3A_522, %dma_start3A_523, %dma_start3A_524] : memref<10x128x32xf32, #tpu.memory_space<vmem>> -> memref<1x128x32xf32, #tpu.memory_space<vmem>>
      %dma_start3A_526 = tpu.memref_squeeze %dma_start3A_525 : memref<1x128x32xf32, #tpu.memory_space<vmem>> -> memref<128x32xf32, #tpu.memory_space<vmem>>
      %dma_start3A_527 = arith.constant 0 : i32
      %dma_start3A_528 = tpu.memref_slice %arg9[%add3A_510, %dma_start3A_527] : memref<160x128xi32, #tpu.memory_space<vmem>> -> memref<1x128xi32, #tpu.memory_space<vmem>>
      %dma_start3A_529 = tpu.memref_squeeze %dma_start3A_528 : memref<1x128xi32, #tpu.memory_space<vmem>> -> memref<128xi32, #tpu.memory_space<vmem>>
      %dma_start3A_530 = arith.constant 0 : i32
      %dma_start3A_531 = arith.constant 0 : i32
      %dma_start3A_532 = tpu.memref_slice %arg12[%dma_start3A_530, %dma_start3A_531] : memref<10240x32xf32, #tpu.memory_space<vmem_shared>> -> memref<10240x32xf32, #tpu.memory_space<vmem_shared>>
      tpu.enqueue_indirect_dma source(%dma_start3A_526 : memref<128x32xf32, #tpu.memory_space<vmem>>) target(%dma_start3A_532 : memref<10240x32xf32, #tpu.memory_space<vmem_shared>>) offsets(%dma_start3A_529 : memref<128xi32, #tpu.memory_space<vmem>>) semaphore(%arg31 : memref<!tpu.dma_semaphore, #tpu.memory_space<semaphore_mem>>) {add = true}
      %add3A_533 = arith.constant 5 : i32
      %add3A_534 = arith.addi %add3A_510, %add3A_533 : i32
      %lt3A_535 = arith.constant 160 : i32
      %lt3A_536 = arith.cmpi slt, %add3A_534, %lt3A_535 : i32
      %ge3A_537 = arith.constant 5 : i32
      %ge3A_538 = arith.cmpi sge, %add3A_510, %ge3A_537 : i32
      %and3A_539 = arith.andi %lt3A_536, %ge3A_538 : i1
      %convert_element_type3A_540 = arith.extui %and3A_539 : i1 to i32
      %cond3A_541 = arith.constant 0 : i32
      %cond3A_542 = arith.cmpi ne, %convert_element_type3A_540, %cond3A_541 : i32
      scf.if %cond3A_542 {
        %dma_wait3A_679 = arith.constant 1 : i32
        %dma_wait3A_680 = arith.constant 0 : i32
        %dma_wait3A_681 = arith.constant 0 : i32
        %dma_wait3A_682 = arith.constant 0 : i32
        %dma_wait3A_683 = tpu.memref_slice %arg10[%dma_wait3A_679, %dma_wait3A_681, %dma_wait3A_682] : memref<10x128x32xf32, #tpu.memory_space<vmem>> -> memref<1x128x32xf32, #tpu.memory_space<vmem>>
        %dma_wait3A_684 = tpu.memref_squeeze %dma_wait3A_683 : memref<1x128x32xf32, #tpu.memory_space<vmem>> -> memref<128x32xf32, #tpu.memory_space<vmem>>
        %dma_wait3A_685 = arith.constant 0 : i32
        %dma_wait3A_686 = tpu.memref_slice %arg9[%dma_wait3A_680, %dma_wait3A_685] : memref<160x128xi32, #tpu.memory_space<vmem>> -> memref<1x128xi32, #tpu.memory_space<vmem>>
        %dma_wait3A_687 = tpu.memref_squeeze %dma_wait3A_686 : memref<1x128xi32, #tpu.memory_space<vmem>> -> memref<128xi32, #tpu.memory_space<vmem>>
        %dma_wait3A_688 = arith.constant 0 : i32
        %dma_wait3A_689 = arith.constant 0 : i32
        %dma_wait3A_690 = tpu.memref_slice %arg12[%dma_wait3A_688, %dma_wait3A_689] : memref<10240x32xf32, #tpu.memory_space<vmem_shared>> -> memref<10240x32xf32, #tpu.memory_space<vmem_shared>>
        tpu.wait_indirect_dma semaphore(%arg26 : memref<!tpu.dma_semaphore, #tpu.memory_space<semaphore_mem>>) src(%dma_wait3A_684 : memref<128x32xf32, #tpu.memory_space<vmem>>) dst(%dma_wait3A_690 : memref<10240x32xf32, #tpu.memory_space<vmem_shared>>)
      } else {
      }
      %add3A_543 = arith.constant 5 : i32
      %add3A_544 = arith.addi %add3A_510, %add3A_543 : i32
      %lt3A_545 = arith.constant 160 : i32
      %lt3A_546 = arith.cmpi slt, %add3A_544, %lt3A_545 : i32
      %convert_element_type3A_547 = arith.extui %lt3A_546 : i1 to i32
      %cond3A_548 = arith.constant 0 : i32
      %cond3A_549 = arith.cmpi ne, %convert_element_type3A_547, %cond3A_548 : i32
      scf.if %cond3A_549 {
        %add3A_679 = arith.constant 5 : i32
        %add3A_680 = arith.addi %add3A_510, %add3A_679 : i32
        %dma_start3A_681 = arith.constant 1 : i32
        %dma_start3A_682 = arith.constant 0 : i32
        %dma_start3A_683 = arith.constant 0 : i32
        %dma_start3A_684 = tpu.memref_slice %arg10[%dma_start3A_681, %dma_start3A_682, %dma_start3A_683] : memref<10x128x32xf32, #tpu.memory_space<vmem>> -> memref<1x128x32xf32, #tpu.memory_space<vmem>>
        %dma_start3A_685 = tpu.memref_squeeze %dma_start3A_684 : memref<1x128x32xf32, #tpu.memory_space<vmem>> -> memref<128x32xf32, #tpu.memory_space<vmem>>
        %dma_start3A_686 = arith.constant 0 : i32
        %dma_start3A_687 = tpu.memref_slice %arg8[%add3A_680, %dma_start3A_686] : memref<160x128xi32, #tpu.memory_space<vmem>> -> memref<1x128xi32, #tpu.memory_space<vmem>>
        %dma_start3A_688 = tpu.memref_squeeze %dma_start3A_687 : memref<1x128xi32, #tpu.memory_space<vmem>> -> memref<128xi32, #tpu.memory_space<vmem>>
        %dma_start3A_689 = arith.constant 0 : i32
        %dma_start3A_690 = arith.constant 0 : i32
        %dma_start3A_691 = tpu.memref_slice %arg14[%dma_start3A_689, %dma_start3A_690] : memref<10000x32xf32, #tpu.memory_space<vmem_shared>> -> memref<10000x32xf32, #tpu.memory_space<vmem_shared>>
        tpu.enqueue_indirect_dma source(%dma_start3A_691 : memref<10000x32xf32, #tpu.memory_space<vmem_shared>>) target(%dma_start3A_685 : memref<128x32xf32, #tpu.memory_space<vmem>>) offsets(%dma_start3A_688 : memref<128xi32, #tpu.memory_space<vmem>>) semaphore(%arg16 : memref<!tpu.dma_semaphore, #tpu.memory_space<semaphore_mem>>)
      } else {
      }
      %mul3A_550 = arith.constant 10 : i32
      %mul3A_551 = arith.muli %scan3A_252, %mul3A_550 : i32
      %add3A_552 = arith.constant 7 : i32
      %add3A_553 = arith.addi %mul3A_551, %add3A_552 : i32
      %dma_wait3A_554 = arith.constant 7 : i32
      %dma_wait3A_555 = arith.constant 0 : i32
      %dma_wait3A_556 = arith.constant 0 : i32
      %dma_wait3A_557 = tpu.memref_slice %arg10[%dma_wait3A_554, %dma_wait3A_555, %dma_wait3A_556] : memref<10x128x32xf32, #tpu.memory_space<vmem>> -> memref<1x128x32xf32, #tpu.memory_space<vmem>>
      %dma_wait3A_558 = tpu.memref_squeeze %dma_wait3A_557 : memref<1x128x32xf32, #tpu.memory_space<vmem>> -> memref<128x32xf32, #tpu.memory_space<vmem>>
      %dma_wait3A_559 = arith.constant 0 : i32
      %dma_wait3A_560 = tpu.memref_slice %arg8[%add3A_553, %dma_wait3A_559] : memref<160x128xi32, #tpu.memory_space<vmem>> -> memref<1x128xi32, #tpu.memory_space<vmem>>
      %dma_wait3A_561 = tpu.memref_squeeze %dma_wait3A_560 : memref<1x128xi32, #tpu.memory_space<vmem>> -> memref<128xi32, #tpu.memory_space<vmem>>
      %dma_wait3A_562 = arith.constant 0 : i32
      %dma_wait3A_563 = arith.constant 0 : i32
      %dma_wait3A_564 = tpu.memref_slice %arg14[%dma_wait3A_562, %dma_wait3A_563] : memref<10000x32xf32, #tpu.memory_space<vmem_shared>> -> memref<10000x32xf32, #tpu.memory_space<vmem_shared>>
      tpu.wait_indirect_dma semaphore(%arg22 : memref<!tpu.dma_semaphore, #tpu.memory_space<semaphore_mem>>) src(%dma_wait3A_564 : memref<10000x32xf32, #tpu.memory_space<vmem_shared>>) dst(%dma_wait3A_558 : memref<128x32xf32, #tpu.memory_space<vmem>>)
      %dma_start3A_565 = arith.constant 7 : i32
      %dma_start3A_566 = arith.constant 0 : i32
      %dma_start3A_567 = arith.constant 0 : i32
      %dma_start3A_568 = tpu.memref_slice %arg10[%dma_start3A_565, %dma_start3A_566, %dma_start3A_567] : memref<10x128x32xf32, #tpu.memory_space<vmem>> -> memref<1x128x32xf32, #tpu.memory_space<vmem>>
      %dma_start3A_569 = tpu.memref_squeeze %dma_start3A_568 : memref<1x128x32xf32, #tpu.memory_space<vmem>> -> memref<128x32xf32, #tpu.memory_space<vmem>>
      %dma_start3A_570 = arith.constant 0 : i32
      %dma_start3A_571 = tpu.memref_slice %arg9[%add3A_553, %dma_start3A_570] : memref<160x128xi32, #tpu.memory_space<vmem>> -> memref<1x128xi32, #tpu.memory_space<vmem>>
      %dma_start3A_572 = tpu.memref_squeeze %dma_start3A_571 : memref<1x128xi32, #tpu.memory_space<vmem>> -> memref<128xi32, #tpu.memory_space<vmem>>
      %dma_start3A_573 = arith.constant 0 : i32
      %dma_start3A_574 = arith.constant 0 : i32
      %dma_start3A_575 = tpu.memref_slice %arg12[%dma_start3A_573, %dma_start3A_574] : memref<10240x32xf32, #tpu.memory_space<vmem_shared>> -> memref<10240x32xf32, #tpu.memory_space<vmem_shared>>
      tpu.enqueue_indirect_dma source(%dma_start3A_569 : memref<128x32xf32, #tpu.memory_space<vmem>>) target(%dma_start3A_575 : memref<10240x32xf32, #tpu.memory_space<vmem_shared>>) offsets(%dma_start3A_572 : memref<128xi32, #tpu.memory_space<vmem>>) semaphore(%arg32 : memref<!tpu.dma_semaphore, #tpu.memory_space<semaphore_mem>>) {add = true}
      %add3A_576 = arith.constant 5 : i32
      %add3A_577 = arith.addi %add3A_553, %add3A_576 : i32
      %lt3A_578 = arith.constant 160 : i32
      %lt3A_579 = arith.cmpi slt, %add3A_577, %lt3A_578 : i32
      %ge3A_580 = arith.constant 5 : i32
      %ge3A_581 = arith.cmpi sge, %add3A_553, %ge3A_580 : i32
      %and3A_582 = arith.andi %lt3A_579, %ge3A_581 : i1
      %convert_element_type3A_583 = arith.extui %and3A_582 : i1 to i32
      %cond3A_584 = arith.constant 0 : i32
      %cond3A_585 = arith.cmpi ne, %convert_element_type3A_583, %cond3A_584 : i32
      scf.if %cond3A_585 {
        %dma_wait3A_679 = arith.constant 2 : i32
        %dma_wait3A_680 = arith.constant 0 : i32
        %dma_wait3A_681 = arith.constant 0 : i32
        %dma_wait3A_682 = arith.constant 0 : i32
        %dma_wait3A_683 = tpu.memref_slice %arg10[%dma_wait3A_679, %dma_wait3A_681, %dma_wait3A_682] : memref<10x128x32xf32, #tpu.memory_space<vmem>> -> memref<1x128x32xf32, #tpu.memory_space<vmem>>
        %dma_wait3A_684 = tpu.memref_squeeze %dma_wait3A_683 : memref<1x128x32xf32, #tpu.memory_space<vmem>> -> memref<128x32xf32, #tpu.memory_space<vmem>>
        %dma_wait3A_685 = arith.constant 0 : i32
        %dma_wait3A_686 = tpu.memref_slice %arg9[%dma_wait3A_680, %dma_wait3A_685] : memref<160x128xi32, #tpu.memory_space<vmem>> -> memref<1x128xi32, #tpu.memory_space<vmem>>
        %dma_wait3A_687 = tpu.memref_squeeze %dma_wait3A_686 : memref<1x128xi32, #tpu.memory_space<vmem>> -> memref<128xi32, #tpu.memory_space<vmem>>
        %dma_wait3A_688 = arith.constant 0 : i32
        %dma_wait3A_689 = arith.constant 0 : i32
        %dma_wait3A_690 = tpu.memref_slice %arg12[%dma_wait3A_688, %dma_wait3A_689] : memref<10240x32xf32, #tpu.memory_space<vmem_shared>> -> memref<10240x32xf32, #tpu.memory_space<vmem_shared>>
        tpu.wait_indirect_dma semaphore(%arg27 : memref<!tpu.dma_semaphore, #tpu.memory_space<semaphore_mem>>) src(%dma_wait3A_684 : memref<128x32xf32, #tpu.memory_space<vmem>>) dst(%dma_wait3A_690 : memref<10240x32xf32, #tpu.memory_space<vmem_shared>>)
      } else {
      }
      %add3A_586 = arith.constant 5 : i32
      %add3A_587 = arith.addi %add3A_553, %add3A_586 : i32
      %lt3A_588 = arith.constant 160 : i32
      %lt3A_589 = arith.cmpi slt, %add3A_587, %lt3A_588 : i32
      %convert_element_type3A_590 = arith.extui %lt3A_589 : i1 to i32
      %cond3A_591 = arith.constant 0 : i32
      %cond3A_592 = arith.cmpi ne, %convert_element_type3A_590, %cond3A_591 : i32
      scf.if %cond3A_592 {
        %add3A_679 = arith.constant 5 : i32
        %add3A_680 = arith.addi %add3A_553, %add3A_679 : i32
        %dma_start3A_681 = arith.constant 2 : i32
        %dma_start3A_682 = arith.constant 0 : i32
        %dma_start3A_683 = arith.constant 0 : i32
        %dma_start3A_684 = tpu.memref_slice %arg10[%dma_start3A_681, %dma_start3A_682, %dma_start3A_683] : memref<10x128x32xf32, #tpu.memory_space<vmem>> -> memref<1x128x32xf32, #tpu.memory_space<vmem>>
        %dma_start3A_685 = tpu.memref_squeeze %dma_start3A_684 : memref<1x128x32xf32, #tpu.memory_space<vmem>> -> memref<128x32xf32, #tpu.memory_space<vmem>>
        %dma_start3A_686 = arith.constant 0 : i32
        %dma_start3A_687 = tpu.memref_slice %arg8[%add3A_680, %dma_start3A_686] : memref<160x128xi32, #tpu.memory_space<vmem>> -> memref<1x128xi32, #tpu.memory_space<vmem>>
        %dma_start3A_688 = tpu.memref_squeeze %dma_start3A_687 : memref<1x128xi32, #tpu.memory_space<vmem>> -> memref<128xi32, #tpu.memory_space<vmem>>
        %dma_start3A_689 = arith.constant 0 : i32
        %dma_start3A_690 = arith.constant 0 : i32
        %dma_start3A_691 = tpu.memref_slice %arg14[%dma_start3A_689, %dma_start3A_690] : memref<10000x32xf32, #tpu.memory_space<vmem_shared>> -> memref<10000x32xf32, #tpu.memory_space<vmem_shared>>
        tpu.enqueue_indirect_dma source(%dma_start3A_691 : memref<10000x32xf32, #tpu.memory_space<vmem_shared>>) target(%dma_start3A_685 : memref<128x32xf32, #tpu.memory_space<vmem>>) offsets(%dma_start3A_688 : memref<128xi32, #tpu.memory_space<vmem>>) semaphore(%arg17 : memref<!tpu.dma_semaphore, #tpu.memory_space<semaphore_mem>>)
      } else {
      }
      %mul3A_593 = arith.constant 10 : i32
      %mul3A_594 = arith.muli %scan3A_252, %mul3A_593 : i32
      %add3A_595 = arith.constant 8 : i32
      %add3A_596 = arith.addi %mul3A_594, %add3A_595 : i32
      %dma_wait3A_597 = arith.constant 8 : i32
      %dma_wait3A_598 = arith.constant 0 : i32
      %dma_wait3A_599 = arith.constant 0 : i32
      %dma_wait3A_600 = tpu.memref_slice %arg10[%dma_wait3A_597, %dma_wait3A_598, %dma_wait3A_599] : memref<10x128x32xf32, #tpu.memory_space<vmem>> -> memref<1x128x32xf32, #tpu.memory_space<vmem>>
      %dma_wait3A_601 = tpu.memref_squeeze %dma_wait3A_600 : memref<1x128x32xf32, #tpu.memory_space<vmem>> -> memref<128x32xf32, #tpu.memory_space<vmem>>
      %dma_wait3A_602 = arith.constant 0 : i32
      %dma_wait3A_603 = tpu.memref_slice %arg8[%add3A_596, %dma_wait3A_602] : memref<160x128xi32, #tpu.memory_space<vmem>> -> memref<1x128xi32, #tpu.memory_space<vmem>>
      %dma_wait3A_604 = tpu.memref_squeeze %dma_wait3A_603 : memref<1x128xi32, #tpu.memory_space<vmem>> -> memref<128xi32, #tpu.memory_space<vmem>>
      %dma_wait3A_605 = arith.constant 0 : i32
      %dma_wait3A_606 = arith.constant 0 : i32
      %dma_wait3A_607 = tpu.memref_slice %arg14[%dma_wait3A_605, %dma_wait3A_606] : memref<10000x32xf32, #tpu.memory_space<vmem_shared>> -> memref<10000x32xf32, #tpu.memory_space<vmem_shared>>
      tpu.wait_indirect_dma semaphore(%arg23 : memref<!tpu.dma_semaphore, #tpu.memory_space<semaphore_mem>>) src(%dma_wait3A_607 : memref<10000x32xf32, #tpu.memory_space<vmem_shared>>) dst(%dma_wait3A_601 : memref<128x32xf32, #tpu.memory_space<vmem>>)
      %dma_start3A_608 = arith.constant 8 : i32
      %dma_start3A_609 = arith.constant 0 : i32
      %dma_start3A_610 = arith.constant 0 : i32
      %dma_start3A_611 = tpu.memref_slice %arg10[%dma_start3A_608, %dma_start3A_609, %dma_start3A_610] : memref<10x128x32xf32, #tpu.memory_space<vmem>> -> memref<1x128x32xf32, #tpu.memory_space<vmem>>
      %dma_start3A_612 = tpu.memref_squeeze %dma_start3A_611 : memref<1x128x32xf32, #tpu.memory_space<vmem>> -> memref<128x32xf32, #tpu.memory_space<vmem>>
      %dma_start3A_613 = arith.constant 0 : i32
      %dma_start3A_614 = tpu.memref_slice %arg9[%add3A_596, %dma_start3A_613] : memref<160x128xi32, #tpu.memory_space<vmem>> -> memref<1x128xi32, #tpu.memory_space<vmem>>
      %dma_start3A_615 = tpu.memref_squeeze %dma_start3A_614 : memref<1x128xi32, #tpu.memory_space<vmem>> -> memref<128xi32, #tpu.memory_space<vmem>>
      %dma_start3A_616 = arith.constant 0 : i32
      %dma_start3A_617 = arith.constant 0 : i32
      %dma_start3A_618 = tpu.memref_slice %arg12[%dma_start3A_616, %dma_start3A_617] : memref<10240x32xf32, #tpu.memory_space<vmem_shared>> -> memref<10240x32xf32, #tpu.memory_space<vmem_shared>>
      tpu.enqueue_indirect_dma source(%dma_start3A_612 : memref<128x32xf32, #tpu.memory_space<vmem>>) target(%dma_start3A_618 : memref<10240x32xf32, #tpu.memory_space<vmem_shared>>) offsets(%dma_start3A_615 : memref<128xi32, #tpu.memory_space<vmem>>) semaphore(%arg33 : memref<!tpu.dma_semaphore, #tpu.memory_space<semaphore_mem>>) {add = true}
      %add3A_619 = arith.constant 5 : i32
      %add3A_620 = arith.addi %add3A_596, %add3A_619 : i32
      %lt3A_621 = arith.constant 160 : i32
      %lt3A_622 = arith.cmpi slt, %add3A_620, %lt3A_621 : i32
      %ge3A_623 = arith.constant 5 : i32
      %ge3A_624 = arith.cmpi sge, %add3A_596, %ge3A_623 : i32
      %and3A_625 = arith.andi %lt3A_622, %ge3A_624 : i1
      %convert_element_type3A_626 = arith.extui %and3A_625 : i1 to i32
      %cond3A_627 = arith.constant 0 : i32
      %cond3A_628 = arith.cmpi ne, %convert_element_type3A_626, %cond3A_627 : i32
      scf.if %cond3A_628 {
        %dma_wait3A_679 = arith.constant 3 : i32
        %dma_wait3A_680 = arith.constant 0 : i32
        %dma_wait3A_681 = arith.constant 0 : i32
        %dma_wait3A_682 = arith.constant 0 : i32
        %dma_wait3A_683 = tpu.memref_slice %arg10[%dma_wait3A_679, %dma_wait3A_681, %dma_wait3A_682] : memref<10x128x32xf32, #tpu.memory_space<vmem>> -> memref<1x128x32xf32, #tpu.memory_space<vmem>>
        %dma_wait3A_684 = tpu.memref_squeeze %dma_wait3A_683 : memref<1x128x32xf32, #tpu.memory_space<vmem>> -> memref<128x32xf32, #tpu.memory_space<vmem>>
        %dma_wait3A_685 = arith.constant 0 : i32
        %dma_wait3A_686 = tpu.memref_slice %arg9[%dma_wait3A_680, %dma_wait3A_685] : memref<160x128xi32, #tpu.memory_space<vmem>> -> memref<1x128xi32, #tpu.memory_space<vmem>>
        %dma_wait3A_687 = tpu.memref_squeeze %dma_wait3A_686 : memref<1x128xi32, #tpu.memory_space<vmem>> -> memref<128xi32, #tpu.memory_space<vmem>>
        %dma_wait3A_688 = arith.constant 0 : i32
        %dma_wait3A_689 = arith.constant 0 : i32
        %dma_wait3A_690 = tpu.memref_slice %arg12[%dma_wait3A_688, %dma_wait3A_689] : memref<10240x32xf32, #tpu.memory_space<vmem_shared>> -> memref<10240x32xf32, #tpu.memory_space<vmem_shared>>
        tpu.wait_indirect_dma semaphore(%arg28 : memref<!tpu.dma_semaphore, #tpu.memory_space<semaphore_mem>>) src(%dma_wait3A_684 : memref<128x32xf32, #tpu.memory_space<vmem>>) dst(%dma_wait3A_690 : memref<10240x32xf32, #tpu.memory_space<vmem_shared>>)
      } else {
      }
      %add3A_629 = arith.constant 5 : i32
      %add3A_630 = arith.addi %add3A_596, %add3A_629 : i32
      %lt3A_631 = arith.constant 160 : i32
      %lt3A_632 = arith.cmpi slt, %add3A_630, %lt3A_631 : i32
      %convert_element_type3A_633 = arith.extui %lt3A_632 : i1 to i32
      %cond3A_634 = arith.constant 0 : i32
      %cond3A_635 = arith.cmpi ne, %convert_element_type3A_633, %cond3A_634 : i32
      scf.if %cond3A_635 {
        %add3A_679 = arith.constant 5 : i32
        %add3A_680 = arith.addi %add3A_596, %add3A_679 : i32
        %dma_start3A_681 = arith.constant 3 : i32
        %dma_start3A_682 = arith.constant 0 : i32
        %dma_start3A_683 = arith.constant 0 : i32
        %dma_start3A_684 = tpu.memref_slice %arg10[%dma_start3A_681, %dma_start3A_682, %dma_start3A_683] : memref<10x128x32xf32, #tpu.memory_space<vmem>> -> memref<1x128x32xf32, #tpu.memory_space<vmem>>
        %dma_start3A_685 = tpu.memref_squeeze %dma_start3A_684 : memref<1x128x32xf32, #tpu.memory_space<vmem>> -> memref<128x32xf32, #tpu.memory_space<vmem>>
        %dma_start3A_686 = arith.constant 0 : i32
        %dma_start3A_687 = tpu.memref_slice %arg8[%add3A_680, %dma_start3A_686] : memref<160x128xi32, #tpu.memory_space<vmem>> -> memref<1x128xi32, #tpu.memory_space<vmem>>
        %dma_start3A_688 = tpu.memref_squeeze %dma_start3A_687 : memref<1x128xi32, #tpu.memory_space<vmem>> -> memref<128xi32, #tpu.memory_space<vmem>>
        %dma_start3A_689 = arith.constant 0 : i32
        %dma_start3A_690 = arith.constant 0 : i32
        %dma_start3A_691 = tpu.memref_slice %arg14[%dma_start3A_689, %dma_start3A_690] : memref<10000x32xf32, #tpu.memory_space<vmem_shared>> -> memref<10000x32xf32, #tpu.memory_space<vmem_shared>>
        tpu.enqueue_indirect_dma source(%dma_start3A_691 : memref<10000x32xf32, #tpu.memory_space<vmem_shared>>) target(%dma_start3A_685 : memref<128x32xf32, #tpu.memory_space<vmem>>) offsets(%dma_start3A_688 : memref<128xi32, #tpu.memory_space<vmem>>) semaphore(%arg18 : memref<!tpu.dma_semaphore, #tpu.memory_space<semaphore_mem>>)
      } else {
      }
      %mul3A_636 = arith.constant 10 : i32
      %mul3A_637 = arith.muli %scan3A_252, %mul3A_636 : i32
      %add3A_638 = arith.constant 9 : i32
      %add3A_639 = arith.addi %mul3A_637, %add3A_638 : i32
      %dma_wait3A_640 = arith.constant 9 : i32
      %dma_wait3A_641 = arith.constant 0 : i32
      %dma_wait3A_642 = arith.constant 0 : i32
      %dma_wait3A_643 = tpu.memref_slice %arg10[%dma_wait3A_640, %dma_wait3A_641, %dma_wait3A_642] : memref<10x128x32xf32, #tpu.memory_space<vmem>> -> memref<1x128x32xf32, #tpu.memory_space<vmem>>
      %dma_wait3A_644 = tpu.memref_squeeze %dma_wait3A_643 : memref<1x128x32xf32, #tpu.memory_space<vmem>> -> memref<128x32xf32, #tpu.memory_space<vmem>>
      %dma_wait3A_645 = arith.constant 0 : i32
      %dma_wait3A_646 = tpu.memref_slice %arg8[%add3A_639, %dma_wait3A_645] : memref<160x128xi32, #tpu.memory_space<vmem>> -> memref<1x128xi32, #tpu.memory_space<vmem>>
      %dma_wait3A_647 = tpu.memref_squeeze %dma_wait3A_646 : memref<1x128xi32, #tpu.memory_space<vmem>> -> memref<128xi32, #tpu.memory_space<vmem>>
      %dma_wait3A_648 = arith.constant 0 : i32
      %dma_wait3A_649 = arith.constant 0 : i32
      %dma_wait3A_650 = tpu.memref_slice %arg14[%dma_wait3A_648, %dma_wait3A_649] : memref<10000x32xf32, #tpu.memory_space<vmem_shared>> -> memref<10000x32xf32, #tpu.memory_space<vmem_shared>>
      tpu.wait_indirect_dma semaphore(%arg24 : memref<!tpu.dma_semaphore, #tpu.memory_space<semaphore_mem>>) src(%dma_wait3A_650 : memref<10000x32xf32, #tpu.memory_space<vmem_shared>>) dst(%dma_wait3A_644 : memref<128x32xf32, #tpu.memory_space<vmem>>)
      %dma_start3A_651 = arith.constant 9 : i32
      %dma_start3A_652 = arith.constant 0 : i32
      %dma_start3A_653 = arith.constant 0 : i32
      %dma_start3A_654 = tpu.memref_slice %arg10[%dma_start3A_651, %dma_start3A_652, %dma_start3A_653] : memref<10x128x32xf32, #tpu.memory_space<vmem>> -> memref<1x128x32xf32, #tpu.memory_space<vmem>>
      %dma_start3A_655 = tpu.memref_squeeze %dma_start3A_654 : memref<1x128x32xf32, #tpu.memory_space<vmem>> -> memref<128x32xf32, #tpu.memory_space<vmem>>
      %dma_start3A_656 = arith.constant 0 : i32
      %dma_start3A_657 = tpu.memref_slice %arg9[%add3A_639, %dma_start3A_656] : memref<160x128xi32, #tpu.memory_space<vmem>> -> memref<1x128xi32, #tpu.memory_space<vmem>>
      %dma_start3A_658 = tpu.memref_squeeze %dma_start3A_657 : memref<1x128xi32, #tpu.memory_space<vmem>> -> memref<128xi32, #tpu.memory_space<vmem>>
      %dma_start3A_659 = arith.constant 0 : i32
      %dma_start3A_660 = arith.constant 0 : i32
      %dma_start3A_661 = tpu.memref_slice %arg12[%dma_start3A_659, %dma_start3A_660] : memref<10240x32xf32, #tpu.memory_space<vmem_shared>> -> memref<10240x32xf32, #tpu.memory_space<vmem_shared>>
      tpu.enqueue_indirect_dma source(%dma_start3A_655 : memref<128x32xf32, #tpu.memory_space<vmem>>) target(%dma_start3A_661 : memref<10240x32xf32, #tpu.memory_space<vmem_shared>>) offsets(%dma_start3A_658 : memref<128xi32, #tpu.memory_space<vmem>>) semaphore(%arg34 : memref<!tpu.dma_semaphore, #tpu.memory_space<semaphore_mem>>) {add = true}
      %add3A_662 = arith.constant 5 : i32
      %add3A_663 = arith.addi %add3A_639, %add3A_662 : i32
      %lt3A_664 = arith.constant 160 : i32
      %lt3A_665 = arith.cmpi slt, %add3A_663, %lt3A_664 : i32
      %ge3A_666 = arith.constant 5 : i32
      %ge3A_667 = arith.cmpi sge, %add3A_639, %ge3A_666 : i32
      %and3A_668 = arith.andi %lt3A_665, %ge3A_667 : i1
      %convert_element_type3A_669 = arith.extui %and3A_668 : i1 to i32
      %cond3A_670 = arith.constant 0 : i32
      %cond3A_671 = arith.cmpi ne, %convert_element_type3A_669, %cond3A_670 : i32
      scf.if %cond3A_671 {
        %dma_wait3A_679 = arith.constant 4 : i32
        %dma_wait3A_680 = arith.constant 0 : i32
        %dma_wait3A_681 = arith.constant 0 : i32
        %dma_wait3A_682 = arith.constant 0 : i32
        %dma_wait3A_683 = tpu.memref_slice %arg10[%dma_wait3A_679, %dma_wait3A_681, %dma_wait3A_682] : memref<10x128x32xf32, #tpu.memory_space<vmem>> -> memref<1x128x32xf32, #tpu.memory_space<vmem>>
        %dma_wait3A_684 = tpu.memref_squeeze %dma_wait3A_683 : memref<1x128x32xf32, #tpu.memory_space<vmem>> -> memref<128x32xf32, #tpu.memory_space<vmem>>
        %dma_wait3A_685 = arith.constant 0 : i32
        %dma_wait3A_686 = tpu.memref_slice %arg9[%dma_wait3A_680, %dma_wait3A_685] : memref<160x128xi32, #tpu.memory_space<vmem>> -> memref<1x128xi32, #tpu.memory_space<vmem>>
        %dma_wait3A_687 = tpu.memref_squeeze %dma_wait3A_686 : memref<1x128xi32, #tpu.memory_space<vmem>> -> memref<128xi32, #tpu.memory_space<vmem>>
        %dma_wait3A_688 = arith.constant 0 : i32
        %dma_wait3A_689 = arith.constant 0 : i32
        %dma_wait3A_690 = tpu.memref_slice %arg12[%dma_wait3A_688, %dma_wait3A_689] : memref<10240x32xf32, #tpu.memory_space<vmem_shared>> -> memref<10240x32xf32, #tpu.memory_space<vmem_shared>>
        tpu.wait_indirect_dma semaphore(%arg29 : memref<!tpu.dma_semaphore, #tpu.memory_space<semaphore_mem>>) src(%dma_wait3A_684 : memref<128x32xf32, #tpu.memory_space<vmem>>) dst(%dma_wait3A_690 : memref<10240x32xf32, #tpu.memory_space<vmem_shared>>)
      } else {
      }
      %add3A_672 = arith.constant 5 : i32
      %add3A_673 = arith.addi %add3A_639, %add3A_672 : i32
      %lt3A_674 = arith.constant 160 : i32
      %lt3A_675 = arith.cmpi slt, %add3A_673, %lt3A_674 : i32
      %convert_element_type3A_676 = arith.extui %lt3A_675 : i1 to i32
      %cond3A_677 = arith.constant 0 : i32
      %cond3A_678 = arith.cmpi ne, %convert_element_type3A_676, %cond3A_677 : i32
      scf.if %cond3A_678 {
        %add3A_679 = arith.constant 5 : i32
        %add3A_680 = arith.addi %add3A_639, %add3A_679 : i32
        %dma_start3A_681 = arith.constant 4 : i32
        %dma_start3A_682 = arith.constant 0 : i32
        %dma_start3A_683 = arith.constant 0 : i32
        %dma_start3A_684 = tpu.memref_slice %arg10[%dma_start3A_681, %dma_start3A_682, %dma_start3A_683] : memref<10x128x32xf32, #tpu.memory_space<vmem>> -> memref<1x128x32xf32, #tpu.memory_space<vmem>>
        %dma_start3A_685 = tpu.memref_squeeze %dma_start3A_684 : memref<1x128x32xf32, #tpu.memory_space<vmem>> -> memref<128x32xf32, #tpu.memory_space<vmem>>
        %dma_start3A_686 = arith.constant 0 : i32
        %dma_start3A_687 = tpu.memref_slice %arg8[%add3A_680, %dma_start3A_686] : memref<160x128xi32, #tpu.memory_space<vmem>> -> memref<1x128xi32, #tpu.memory_space<vmem>>
        %dma_start3A_688 = tpu.memref_squeeze %dma_start3A_687 : memref<1x128xi32, #tpu.memory_space<vmem>> -> memref<128xi32, #tpu.memory_space<vmem>>
        %dma_start3A_689 = arith.constant 0 : i32
        %dma_start3A_690 = arith.constant 0 : i32
        %dma_start3A_691 = tpu.memref_slice %arg14[%dma_start3A_689, %dma_start3A_690] : memref<10000x32xf32, #tpu.memory_space<vmem_shared>> -> memref<10000x32xf32, #tpu.memory_space<vmem_shared>>
        tpu.enqueue_indirect_dma source(%dma_start3A_691 : memref<10000x32xf32, #tpu.memory_space<vmem_shared>>) target(%dma_start3A_685 : memref<128x32xf32, #tpu.memory_space<vmem>>) offsets(%dma_start3A_688 : memref<128xi32, #tpu.memory_space<vmem>>) semaphore(%arg19 : memref<!tpu.dma_semaphore, #tpu.memory_space<semaphore_mem>>)
      } else {
      }
    }
    %scan3A_121 = arith.constant 16 : i32
    %dma_wait3A = arith.constant 0 : i32
    %dma_wait3A_122 = arith.constant 0 : i32
    %dma_wait3A_123 = arith.constant 0 : i32
    %dma_wait3A_124 = arith.constant 0 : i32
    %dma_wait3A_125 = tpu.memref_slice %arg10[%dma_wait3A, %dma_wait3A_123, %dma_wait3A_124] : memref<10x128x32xf32, #tpu.memory_space<vmem>> -> memref<1x128x32xf32, #tpu.memory_space<vmem>>
    %dma_wait3A_126 = tpu.memref_squeeze %dma_wait3A_125 : memref<1x128x32xf32, #tpu.memory_space<vmem>> -> memref<128x32xf32, #tpu.memory_space<vmem>>
    %dma_wait3A_127 = arith.constant 0 : i32
    %dma_wait3A_128 = tpu.memref_slice %arg9[%dma_wait3A_122, %dma_wait3A_127] : memref<160x128xi32, #tpu.memory_space<vmem>> -> memref<1x128xi32, #tpu.memory_space<vmem>>
    %dma_wait3A_129 = tpu.memref_squeeze %dma_wait3A_128 : memref<1x128xi32, #tpu.memory_space<vmem>> -> memref<128xi32, #tpu.memory_space<vmem>>
    %dma_wait3A_130 = arith.constant 0 : i32
    %dma_wait3A_131 = arith.constant 0 : i32
    %dma_wait3A_132 = tpu.memref_slice %arg12[%dma_wait3A_130, %dma_wait3A_131] : memref<10240x32xf32, #tpu.memory_space<vmem_shared>> -> memref<10240x32xf32, #tpu.memory_space<vmem_shared>>
    tpu.wait_indirect_dma semaphore(%arg25 : memref<!tpu.dma_semaphore, #tpu.memory_space<semaphore_mem>>) src(%dma_wait3A_126 : memref<128x32xf32, #tpu.memory_space<vmem>>) dst(%dma_wait3A_132 : memref<10240x32xf32, #tpu.memory_space<vmem_shared>>)
    %dma_wait3A_133 = arith.constant 1 : i32
    %dma_wait3A_134 = arith.constant 0 : i32
    %dma_wait3A_135 = arith.constant 0 : i32
    %dma_wait3A_136 = arith.constant 0 : i32
    %dma_wait3A_137 = tpu.memref_slice %arg10[%dma_wait3A_133, %dma_wait3A_135, %dma_wait3A_136] : memref<10x128x32xf32, #tpu.memory_space<vmem>> -> memref<1x128x32xf32, #tpu.memory_space<vmem>>
    %dma_wait3A_138 = tpu.memref_squeeze %dma_wait3A_137 : memref<1x128x32xf32, #tpu.memory_space<vmem>> -> memref<128x32xf32, #tpu.memory_space<vmem>>
    %dma_wait3A_139 = arith.constant 0 : i32
    %dma_wait3A_140 = tpu.memref_slice %arg9[%dma_wait3A_134, %dma_wait3A_139] : memref<160x128xi32, #tpu.memory_space<vmem>> -> memref<1x128xi32, #tpu.memory_space<vmem>>
    %dma_wait3A_141 = tpu.memref_squeeze %dma_wait3A_140 : memref<1x128xi32, #tpu.memory_space<vmem>> -> memref<128xi32, #tpu.memory_space<vmem>>
    %dma_wait3A_142 = arith.constant 0 : i32
    %dma_wait3A_143 = arith.constant 0 : i32
    %dma_wait3A_144 = tpu.memref_slice %arg12[%dma_wait3A_142, %dma_wait3A_143] : memref<10240x32xf32, #tpu.memory_space<vmem_shared>> -> memref<10240x32xf32, #tpu.memory_space<vmem_shared>>
    tpu.wait_indirect_dma semaphore(%arg26 : memref<!tpu.dma_semaphore, #tpu.memory_space<semaphore_mem>>) src(%dma_wait3A_138 : memref<128x32xf32, #tpu.memory_space<vmem>>) dst(%dma_wait3A_144 : memref<10240x32xf32, #tpu.memory_space<vmem_shared>>)
    %dma_wait3A_145 = arith.constant 2 : i32
    %dma_wait3A_146 = arith.constant 0 : i32
    %dma_wait3A_147 = arith.constant 0 : i32
    %dma_wait3A_148 = arith.constant 0 : i32
    %dma_wait3A_149 = tpu.memref_slice %arg10[%dma_wait3A_145, %dma_wait3A_147, %dma_wait3A_148] : memref<10x128x32xf32, #tpu.memory_space<vmem>> -> memref<1x128x32xf32, #tpu.memory_space<vmem>>
    %dma_wait3A_150 = tpu.memref_squeeze %dma_wait3A_149 : memref<1x128x32xf32, #tpu.memory_space<vmem>> -> memref<128x32xf32, #tpu.memory_space<vmem>>
    %dma_wait3A_151 = arith.constant 0 : i32
    %dma_wait3A_152 = tpu.memref_slice %arg9[%dma_wait3A_146, %dma_wait3A_151] : memref<160x128xi32, #tpu.memory_space<vmem>> -> memref<1x128xi32, #tpu.memory_space<vmem>>
    %dma_wait3A_153 = tpu.memref_squeeze %dma_wait3A_152 : memref<1x128xi32, #tpu.memory_space<vmem>> -> memref<128xi32, #tpu.memory_space<vmem>>
    %dma_wait3A_154 = arith.constant 0 : i32
    %dma_wait3A_155 = arith.constant 0 : i32
    %dma_wait3A_156 = tpu.memref_slice %arg12[%dma_wait3A_154, %dma_wait3A_155] : memref<10240x32xf32, #tpu.memory_space<vmem_shared>> -> memref<10240x32xf32, #tpu.memory_space<vmem_shared>>
    tpu.wait_indirect_dma semaphore(%arg27 : memref<!tpu.dma_semaphore, #tpu.memory_space<semaphore_mem>>) src(%dma_wait3A_150 : memref<128x32xf32, #tpu.memory_space<vmem>>) dst(%dma_wait3A_156 : memref<10240x32xf32, #tpu.memory_space<vmem_shared>>)
    %dma_wait3A_157 = arith.constant 3 : i32
    %dma_wait3A_158 = arith.constant 0 : i32
    %dma_wait3A_159 = arith.constant 0 : i32
    %dma_wait3A_160 = arith.constant 0 : i32
    %dma_wait3A_161 = tpu.memref_slice %arg10[%dma_wait3A_157, %dma_wait3A_159, %dma_wait3A_160] : memref<10x128x32xf32, #tpu.memory_space<vmem>> -> memref<1x128x32xf32, #tpu.memory_space<vmem>>
    %dma_wait3A_162 = tpu.memref_squeeze %dma_wait3A_161 : memref<1x128x32xf32, #tpu.memory_space<vmem>> -> memref<128x32xf32, #tpu.memory_space<vmem>>
    %dma_wait3A_163 = arith.constant 0 : i32
    %dma_wait3A_164 = tpu.memref_slice %arg9[%dma_wait3A_158, %dma_wait3A_163] : memref<160x128xi32, #tpu.memory_space<vmem>> -> memref<1x128xi32, #tpu.memory_space<vmem>>
    %dma_wait3A_165 = tpu.memref_squeeze %dma_wait3A_164 : memref<1x128xi32, #tpu.memory_space<vmem>> -> memref<128xi32, #tpu.memory_space<vmem>>
    %dma_wait3A_166 = arith.constant 0 : i32
    %dma_wait3A_167 = arith.constant 0 : i32
    %dma_wait3A_168 = tpu.memref_slice %arg12[%dma_wait3A_166, %dma_wait3A_167] : memref<10240x32xf32, #tpu.memory_space<vmem_shared>> -> memref<10240x32xf32, #tpu.memory_space<vmem_shared>>
    tpu.wait_indirect_dma semaphore(%arg28 : memref<!tpu.dma_semaphore, #tpu.memory_space<semaphore_mem>>) src(%dma_wait3A_162 : memref<128x32xf32, #tpu.memory_space<vmem>>) dst(%dma_wait3A_168 : memref<10240x32xf32, #tpu.memory_space<vmem_shared>>)
    %dma_wait3A_169 = arith.constant 4 : i32
    %dma_wait3A_170 = arith.constant 0 : i32
    %dma_wait3A_171 = arith.constant 0 : i32
    %dma_wait3A_172 = arith.constant 0 : i32
    %dma_wait3A_173 = tpu.memref_slice %arg10[%dma_wait3A_169, %dma_wait3A_171, %dma_wait3A_172] : memref<10x128x32xf32, #tpu.memory_space<vmem>> -> memref<1x128x32xf32, #tpu.memory_space<vmem>>
    %dma_wait3A_174 = tpu.memref_squeeze %dma_wait3A_173 : memref<1x128x32xf32, #tpu.memory_space<vmem>> -> memref<128x32xf32, #tpu.memory_space<vmem>>
    %dma_wait3A_175 = arith.constant 0 : i32
    %dma_wait3A_176 = tpu.memref_slice %arg9[%dma_wait3A_170, %dma_wait3A_175] : memref<160x128xi32, #tpu.memory_space<vmem>> -> memref<1x128xi32, #tpu.memory_space<vmem>>
    %dma_wait3A_177 = tpu.memref_squeeze %dma_wait3A_176 : memref<1x128xi32, #tpu.memory_space<vmem>> -> memref<128xi32, #tpu.memory_space<vmem>>
    %dma_wait3A_178 = arith.constant 0 : i32
    %dma_wait3A_179 = arith.constant 0 : i32
    %dma_wait3A_180 = tpu.memref_slice %arg12[%dma_wait3A_178, %dma_wait3A_179] : memref<10240x32xf32, #tpu.memory_space<vmem_shared>> -> memref<10240x32xf32, #tpu.memory_space<vmem_shared>>
    tpu.wait_indirect_dma semaphore(%arg29 : memref<!tpu.dma_semaphore, #tpu.memory_space<semaphore_mem>>) src(%dma_wait3A_174 : memref<128x32xf32, #tpu.memory_space<vmem>>) dst(%dma_wait3A_180 : memref<10240x32xf32, #tpu.memory_space<vmem_shared>>)
    %dma_wait3A_181 = arith.constant 5 : i32
    %dma_wait3A_182 = arith.constant 0 : i32
    %dma_wait3A_183 = arith.constant 0 : i32
    %dma_wait3A_184 = arith.constant 0 : i32
    %dma_wait3A_185 = tpu.memref_slice %arg10[%dma_wait3A_181, %dma_wait3A_183, %dma_wait3A_184] : memref<10x128x32xf32, #tpu.memory_space<vmem>> -> memref<1x128x32xf32, #tpu.memory_space<vmem>>
    %dma_wait3A_186 = tpu.memref_squeeze %dma_wait3A_185 : memref<1x128x32xf32, #tpu.memory_space<vmem>> -> memref<128x32xf32, #tpu.memory_space<vmem>>
    %dma_wait3A_187 = arith.constant 0 : i32
    %dma_wait3A_188 = tpu.memref_slice %arg9[%dma_wait3A_182, %dma_wait3A_187] : memref<160x128xi32, #tpu.memory_space<vmem>> -> memref<1x128xi32, #tpu.memory_space<vmem>>
    %dma_wait3A_189 = tpu.memref_squeeze %dma_wait3A_188 : memref<1x128xi32, #tpu.memory_space<vmem>> -> memref<128xi32, #tpu.memory_space<vmem>>
    %dma_wait3A_190 = arith.constant 0 : i32
    %dma_wait3A_191 = arith.constant 0 : i32
    %dma_wait3A_192 = tpu.memref_slice %arg12[%dma_wait3A_190, %dma_wait3A_191] : memref<10240x32xf32, #tpu.memory_space<vmem_shared>> -> memref<10240x32xf32, #tpu.memory_space<vmem_shared>>
    tpu.wait_indirect_dma semaphore(%arg30 : memref<!tpu.dma_semaphore, #tpu.memory_space<semaphore_mem>>) src(%dma_wait3A_186 : memref<128x32xf32, #tpu.memory_space<vmem>>) dst(%dma_wait3A_192 : memref<10240x32xf32, #tpu.memory_space<vmem_shared>>)
    %dma_wait3A_193 = arith.constant 6 : i32
    %dma_wait3A_194 = arith.constant 0 : i32
    %dma_wait3A_195 = arith.constant 0 : i32
    %dma_wait3A_196 = arith.constant 0 : i32
    %dma_wait3A_197 = tpu.memref_slice %arg10[%dma_wait3A_193, %dma_wait3A_195, %dma_wait3A_196] : memref<10x128x32xf32, #tpu.memory_space<vmem>> -> memref<1x128x32xf32, #tpu.memory_space<vmem>>
    %dma_wait3A_198 = tpu.memref_squeeze %dma_wait3A_197 : memref<1x128x32xf32, #tpu.memory_space<vmem>> -> memref<128x32xf32, #tpu.memory_space<vmem>>
    %dma_wait3A_199 = arith.constant 0 : i32
    %dma_wait3A_200 = tpu.memref_slice %arg9[%dma_wait3A_194, %dma_wait3A_199] : memref<160x128xi32, #tpu.memory_space<vmem>> -> memref<1x128xi32, #tpu.memory_space<vmem>>
    %dma_wait3A_201 = tpu.memref_squeeze %dma_wait3A_200 : memref<1x128xi32, #tpu.memory_space<vmem>> -> memref<128xi32, #tpu.memory_space<vmem>>
    %dma_wait3A_202 = arith.constant 0 : i32
    %dma_wait3A_203 = arith.constant 0 : i32
    %dma_wait3A_204 = tpu.memref_slice %arg12[%dma_wait3A_202, %dma_wait3A_203] : memref<10240x32xf32, #tpu.memory_space<vmem_shared>> -> memref<10240x32xf32, #tpu.memory_space<vmem_shared>>
    tpu.wait_indirect_dma semaphore(%arg31 : memref<!tpu.dma_semaphore, #tpu.memory_space<semaphore_mem>>) src(%dma_wait3A_198 : memref<128x32xf32, #tpu.memory_space<vmem>>) dst(%dma_wait3A_204 : memref<10240x32xf32, #tpu.memory_space<vmem_shared>>)
    %dma_wait3A_205 = arith.constant 7 : i32
    %dma_wait3A_206 = arith.constant 0 : i32
    %dma_wait3A_207 = arith.constant 0 : i32
    %dma_wait3A_208 = arith.constant 0 : i32
    %dma_wait3A_209 = tpu.memref_slice %arg10[%dma_wait3A_205, %dma_wait3A_207, %dma_wait3A_208] : memref<10x128x32xf32, #tpu.memory_space<vmem>> -> memref<1x128x32xf32, #tpu.memory_space<vmem>>
    %dma_wait3A_210 = tpu.memref_squeeze %dma_wait3A_209 : memref<1x128x32xf32, #tpu.memory_space<vmem>> -> memref<128x32xf32, #tpu.memory_space<vmem>>
    %dma_wait3A_211 = arith.constant 0 : i32
    %dma_wait3A_212 = tpu.memref_slice %arg9[%dma_wait3A_206, %dma_wait3A_211] : memref<160x128xi32, #tpu.memory_space<vmem>> -> memref<1x128xi32, #tpu.memory_space<vmem>>
    %dma_wait3A_213 = tpu.memref_squeeze %dma_wait3A_212 : memref<1x128xi32, #tpu.memory_space<vmem>> -> memref<128xi32, #tpu.memory_space<vmem>>
    %dma_wait3A_214 = arith.constant 0 : i32
    %dma_wait3A_215 = arith.constant 0 : i32
    %dma_wait3A_216 = tpu.memref_slice %arg12[%dma_wait3A_214, %dma_wait3A_215] : memref<10240x32xf32, #tpu.memory_space<vmem_shared>> -> memref<10240x32xf32, #tpu.memory_space<vmem_shared>>
    tpu.wait_indirect_dma semaphore(%arg32 : memref<!tpu.dma_semaphore, #tpu.memory_space<semaphore_mem>>) src(%dma_wait3A_210 : memref<128x32xf32, #tpu.memory_space<vmem>>) dst(%dma_wait3A_216 : memref<10240x32xf32, #tpu.memory_space<vmem_shared>>)
    %dma_wait3A_217 = arith.constant 8 : i32
    %dma_wait3A_218 = arith.constant 0 : i32
    %dma_wait3A_219 = arith.constant 0 : i32
    %dma_wait3A_220 = arith.constant 0 : i32
    %dma_wait3A_221 = tpu.memref_slice %arg10[%dma_wait3A_217, %dma_wait3A_219, %dma_wait3A_220] : memref<10x128x32xf32, #tpu.memory_space<vmem>> -> memref<1x128x32xf32, #tpu.memory_space<vmem>>
    %dma_wait3A_222 = tpu.memref_squeeze %dma_wait3A_221 : memref<1x128x32xf32, #tpu.memory_space<vmem>> -> memref<128x32xf32, #tpu.memory_space<vmem>>
    %dma_wait3A_223 = arith.constant 0 : i32
    %dma_wait3A_224 = tpu.memref_slice %arg9[%dma_wait3A_218, %dma_wait3A_223] : memref<160x128xi32, #tpu.memory_space<vmem>> -> memref<1x128xi32, #tpu.memory_space<vmem>>
    %dma_wait3A_225 = tpu.memref_squeeze %dma_wait3A_224 : memref<1x128xi32, #tpu.memory_space<vmem>> -> memref<128xi32, #tpu.memory_space<vmem>>
    %dma_wait3A_226 = arith.constant 0 : i32
    %dma_wait3A_227 = arith.constant 0 : i32
    %dma_wait3A_228 = tpu.memref_slice %arg12[%dma_wait3A_226, %dma_wait3A_227] : memref<10240x32xf32, #tpu.memory_space<vmem_shared>> -> memref<10240x32xf32, #tpu.memory_space<vmem_shared>>
    tpu.wait_indirect_dma semaphore(%arg33 : memref<!tpu.dma_semaphore, #tpu.memory_space<semaphore_mem>>) src(%dma_wait3A_222 : memref<128x32xf32, #tpu.memory_space<vmem>>) dst(%dma_wait3A_228 : memref<10240x32xf32, #tpu.memory_space<vmem_shared>>)
    %dma_wait3A_229 = arith.constant 9 : i32
    %dma_wait3A_230 = arith.constant 0 : i32
    %dma_wait3A_231 = arith.constant 0 : i32
    %dma_wait3A_232 = arith.constant 0 : i32
    %dma_wait3A_233 = tpu.memref_slice %arg10[%dma_wait3A_229, %dma_wait3A_231, %dma_wait3A_232] : memref<10x128x32xf32, #tpu.memory_space<vmem>> -> memref<1x128x32xf32, #tpu.memory_space<vmem>>
    %dma_wait3A_234 = tpu.memref_squeeze %dma_wait3A_233 : memref<1x128x32xf32, #tpu.memory_space<vmem>> -> memref<128x32xf32, #tpu.memory_space<vmem>>
    %dma_wait3A_235 = arith.constant 0 : i32
    %dma_wait3A_236 = tpu.memref_slice %arg9[%dma_wait3A_230, %dma_wait3A_235] : memref<160x128xi32, #tpu.memory_space<vmem>> -> memref<1x128xi32, #tpu.memory_space<vmem>>
    %dma_wait3A_237 = tpu.memref_squeeze %dma_wait3A_236 : memref<1x128xi32, #tpu.memory_space<vmem>> -> memref<128xi32, #tpu.memory_space<vmem>>
    %dma_wait3A_238 = arith.constant 0 : i32
    %dma_wait3A_239 = arith.constant 0 : i32
    %dma_wait3A_240 = tpu.memref_slice %arg12[%dma_wait3A_238, %dma_wait3A_239] : memref<10240x32xf32, #tpu.memory_space<vmem_shared>> -> memref<10240x32xf32, #tpu.memory_space<vmem_shared>>
    tpu.wait_indirect_dma semaphore(%arg34 : memref<!tpu.dma_semaphore, #tpu.memory_space<semaphore_mem>>) src(%dma_wait3A_234 : memref<128x32xf32, #tpu.memory_space<vmem>>) dst(%dma_wait3A_240 : memref<10240x32xf32, #tpu.memory_space<vmem_shared>>)
    %barrier3A_241 = arith.constant 0 : index
    tpu.barrier barrier_id(%barrier3A_241)
    %eq3A_242 = arith.constant 0 : i32
    %eq3A_243 = arith.cmpi eq, %arg0, %eq3A_242 : i32
    %convert_element_type3A_244 = arith.extui %eq3A_243 : i1 to i32
    %cond3A_245 = arith.constant 0 : i32
    %cond3A_246 = arith.cmpi ne, %convert_element_type3A_244, %cond3A_245 : i32
    scf.if %cond3A_246 {
      "tpu.region"() ({
        %run_scoped3A = tpu.sem_alloc : memref<!tpu.dma_semaphore, #tpu.memory_space<semaphore_mem>>
        %dma_start3A_252 = arith.constant 0 : i32
        %dma_start3A_253 = tpu.memref_slice %arg7[%mul3A_46, %dma_start3A_252] : memref<10240x128xf32, #tpu.memory_space<hbm>> -> memref<640x32xf32, #tpu.memory_space<hbm>>
        %dma_start3A_254 = arith.constant 0 : i32
        %dma_start3A_255 = tpu.memref_slice %arg12[%mul3A_46, %dma_start3A_254] : memref<10240x32xf32, #tpu.memory_space<vmem_shared>> -> memref<640x32xf32, #tpu.memory_space<vmem_shared>>
        tpu.enqueue_dma source(%dma_start3A_255 : memref<640x32xf32, #tpu.memory_space<vmem_shared>>) target(%dma_start3A_253 : memref<640x32xf32, #tpu.memory_space<hbm>>) target_semaphore(%run_scoped3A : memref<!tpu.dma_semaphore, #tpu.memory_space<semaphore_mem>>)
        %dma_wait3A_256 = arith.constant 0 : i32
        %dma_wait3A_257 = tpu.memref_slice %arg7[%mul3A_46, %dma_wait3A_256] : memref<10240x128xf32, #tpu.memory_space<hbm>> -> memref<640x32xf32, #tpu.memory_space<hbm>>
        %dma_wait3A_258 = arith.constant 0 : i32
        %dma_wait3A_259 = tpu.memref_slice %arg12[%mul3A_46, %dma_wait3A_258] : memref<10240x32xf32, #tpu.memory_space<vmem_shared>> -> memref<640x32xf32, #tpu.memory_space<vmem_shared>>
        tpu.wait_dma2 semaphore(%run_scoped3A : memref<!tpu.dma_semaphore, #tpu.memory_space<semaphore_mem>>) src(%dma_wait3A_259 : memref<640x32xf32, #tpu.memory_space<vmem_shared>>) dst(%dma_wait3A_257 : memref<640x32xf32, #tpu.memory_space<hbm>>)
        tpu.yield
      }) : () -> ()
    } else {
    }
    %eq3A_247 = arith.constant 1 : i32
    %eq3A_248 = arith.cmpi eq, %arg0, %eq3A_247 : i32
    %convert_element_type3A_249 = arith.extui %eq3A_248 : i1 to i32
    %cond3A_250 = arith.constant 0 : i32
    %cond3A_251 = arith.cmpi ne, %convert_element_type3A_249, %cond3A_250 : i32
    scf.if %cond3A_251 {
      "tpu.region"() ({
        %run_scoped3A = tpu.sem_alloc : memref<!tpu.dma_semaphore, #tpu.memory_space<semaphore_mem>>
        %dma_start3A_252 = arith.constant 32 : i32
        %dma_start3A_253 = tpu.memref_slice %arg7[%mul3A_46, %dma_start3A_252] : memref<10240x128xf32, #tpu.memory_space<hbm>> -> memref<640x32xf32, #tpu.memory_space<hbm>>
        %dma_start3A_254 = arith.constant 0 : i32
        %dma_start3A_255 = tpu.memref_slice %arg12[%mul3A_46, %dma_start3A_254] : memref<10240x32xf32, #tpu.memory_space<vmem_shared>> -> memref<640x32xf32, #tpu.memory_space<vmem_shared>>
        tpu.enqueue_dma source(%dma_start3A_255 : memref<640x32xf32, #tpu.memory_space<vmem_shared>>) target(%dma_start3A_253 : memref<640x32xf32, #tpu.memory_space<hbm>>) target_semaphore(%run_scoped3A : memref<!tpu.dma_semaphore, #tpu.memory_space<semaphore_mem>>)
        %dma_wait3A_256 = arith.constant 32 : i32
        %dma_wait3A_257 = tpu.memref_slice %arg7[%mul3A_46, %dma_wait3A_256] : memref<10240x128xf32, #tpu.memory_space<hbm>> -> memref<640x32xf32, #tpu.memory_space<hbm>>
        %dma_wait3A_258 = arith.constant 0 : i32
        %dma_wait3A_259 = tpu.memref_slice %arg12[%mul3A_46, %dma_wait3A_258] : memref<10240x32xf32, #tpu.memory_space<vmem_shared>> -> memref<640x32xf32, #tpu.memory_space<vmem_shared>>
        tpu.wait_dma2 semaphore(%run_scoped3A : memref<!tpu.dma_semaphore, #tpu.memory_space<semaphore_mem>>) src(%dma_wait3A_259 : memref<640x32xf32, #tpu.memory_space<vmem_shared>>) dst(%dma_wait3A_257 : memref<640x32xf32, #tpu.memory_space<hbm>>)
        tpu.yield
      }) : () -> ()
    } else {
    }
    return
  }
}

module attributes {stable_mosaic.version = 14 : i64} {
  func.func @_tc1_body(%arg0: i32, %arg1: memref<10000x128xf32, #tpu.memory_space<vmem>>, %arg2: memref<128x64xf32, #tpu.memory_space<vmem>>, %arg3: memref<128x64xf32, #tpu.memory_space<vmem>>, %arg4: memref<10000x128xf32, #tpu.memory_space<vmem>>) attributes {dimension_semantics = [#tpu.dimension_semantics<arbitrary>], iteration_bounds = array<i64: 1>, scalar_prefetch = 0 : i64, scratch_operands = 0 : i64, tpu.core_type = #tpu.core_type<tc>, window_params = [{pipeline_mode = #tpu.pipeline_mode<synchronous>, transform_indices = @transform_0, window_bounds = array<i64: 10000, 128>}, {pipeline_mode = #tpu.pipeline_mode<synchronous>, transform_indices = @transform_1, window_bounds = array<i64: 128, 64>}, {pipeline_mode = #tpu.pipeline_mode<synchronous>, transform_indices = @transform_2, window_bounds = array<i64: 128, 64>}, {pipeline_mode = #tpu.pipeline_mode<synchronous>, transform_indices = @transform_3, window_bounds = array<i64: 10000, 128>}]} {
    %get3A = arith.constant 0 : index
    %get3A_0 = arith.constant 0 : index
    %get3A_1 = vector.load %arg1[%get3A, %get3A_0] : memref<10000x128xf32, #tpu.memory_space<vmem>>, vector<10000x128xf32>
    %get3A_2 = arith.constant 0 : index
    %get3A_3 = arith.constant 0 : index
    %get3A_4 = vector.load %arg2[%get3A_2, %get3A_3] : memref<128x64xf32, #tpu.memory_space<vmem>>, vector<128x64xf32>
    %dot_general3A = arith.constant dense<0.000000e+00> : vector<10000x64xf32>
    %dot_general3A_5 = tpu.matmul %get3A_1, %get3A_4, %dot_general3A {dimension_numbers = #tpu.dot_dimension_numbers<[1], [0], [0], [1], [0, 0, 1, 1], [], []>, transpose_lhs_hint = false} : vector<10000x128xf32>, vector<128x64xf32>, vector<10000x64xf32> -> vector<10000x64xf32>
    %get3A_6 = arith.constant 0 : index
    %get3A_7 = arith.constant 0 : index
    %get3A_8 = vector.load %arg3[%get3A_6, %get3A_7] : memref<128x64xf32, #tpu.memory_space<vmem>>, vector<128x64xf32>
    %dot_general3A_9 = arith.constant dense<0.000000e+00> : vector<10000x64xf32>
    %dot_general3A_10 = tpu.matmul %get3A_1, %get3A_8, %dot_general3A_9 {dimension_numbers = #tpu.dot_dimension_numbers<[1], [0], [0], [1], [0, 0, 1, 1], [], []>, transpose_lhs_hint = false} : vector<10000x128xf32>, vector<128x64xf32>, vector<10000x64xf32> -> vector<10000x64xf32>
    %concatenate3A = tpu.concatenate %dot_general3A_5, %dot_general3A_10 in 1 : vector<10000x64xf32>, vector<10000x64xf32> -> vector<10000x128xf32>
    %swap3A = arith.constant 0 : index
    %swap3A_11 = arith.constant 0 : index
    %swap3A_12 = vector.load %arg4[%swap3A, %swap3A_11] : memref<10000x128xf32, #tpu.memory_space<vmem>>, vector<10000x128xf32>
    tpu.vector_store %arg4[%swap3A, %swap3A_11], %concatenate3A {strides = array<i32>} : memref<10000x128xf32, #tpu.memory_space<vmem>>, vector<10000x128xf32>,
    return
  }
  func.func @transform_0(%arg0: i32) -> (i32, i32) {
    %c0_i32 = arith.constant 0 : i32
    %c0_i32_0 = arith.constant 0 : i32
    %c0_i32_1 = arith.constant 0 : i32
    return %c0_i32, %c0_i32_0 : i32, i32
  }
  func.func @transform_1(%arg0: i32) -> (i32, i32) {
    %c0_i32 = arith.constant 0 : i32
    %c0_i32_0 = arith.constant 0 : i32
    %c0_i32_1 = arith.constant 0 : i32
    return %c0_i32, %c0_i32_0 : i32, i32
  }
  func.func @transform_2(%arg0: i32) -> (i32, i32) {
    %c0_i32 = arith.constant 0 : i32
    %c0_i32_0 = arith.constant 0 : i32
    %c0_i32_1 = arith.constant 0 : i32
    return %c0_i32, %c0_i32_0 : i32, i32
  }
  func.func @transform_3(%arg0: i32) -> (i32, i32) {
    %c0_i32 = arith.constant 0 : i32
    %c0_i32_0 = arith.constant 0 : i32
    %c0_i32_1 = arith.constant 0 : i32
    return %c0_i32, %c0_i32_0 : i32, i32
  }
}

module attributes {stable_mosaic.version = 14 : i64} {
  func.func @body(%arg0: i32, %arg1: memref<2x327680xi32, #tpu.memory_space<vmem>>, %arg2: memref<2560x128xi32, #tpu.memory_space<vmem>>, %arg3: memref<2560x128xi32, #tpu.memory_space<vmem>>) attributes {dimension_semantics = [#tpu.dimension_semantics<arbitrary>], iteration_bounds = array<i64: 1>, scalar_prefetch = 0 : i64, scratch_operands = 0 : i64, tpu.core_type = #tpu.core_type<tc>, window_params = [{transform_indices = @transform_0, window_bounds = array<i64: 2, 327680>}, {pipeline_mode = #tpu.pipeline_mode<synchronous>, transform_indices = @transform_1, window_bounds = array<i64: 2560, 128>}, {pipeline_mode = #tpu.pipeline_mode<synchronous>, transform_indices = @transform_2, window_bounds = array<i64: 2560, 128>}]} {
    %get3A = arith.constant 0 : index
    %get3A_0 = arith.constant 0 : index
    %get3A_1 = vector.load %arg1[%get3A, %get3A_0] : memref<2x327680xi32, #tpu.memory_space<vmem>>, vector<1x327680xi32>
    %get3A_2 = vector.shape_cast %get3A_1 : vector<1x327680xi32> to vector<327680xi32>
    %reshape3A = vector.shape_cast %get3A_2 : vector<327680xi32> to vector<2560x128xi32>
    %get3A_3 = arith.constant 1 : index
    %get3A_4 = arith.constant 0 : index
    %get3A_5 = vector.load %arg1[%get3A_3, %get3A_4] : memref<2x327680xi32, #tpu.memory_space<vmem>>, vector<1x327680xi32>
    %get3A_6 = vector.shape_cast %get3A_5 : vector<1x327680xi32> to vector<327680xi32>
    %reshape3A_7 = vector.shape_cast %get3A_6 : vector<327680xi32> to vector<2560x128xi32>
    %iota3A = tpu.iota {dimensions = array<i32: 0>} : vector<2560x128xi32>
    %mul3A = arith.constant 128 : i32
    %mul3A_8 = vector.broadcast %mul3A : i32 to vector<2560x128xi32>
    %mul3A_9 = arith.muli %iota3A, %mul3A_8 : vector<2560x128xi32>
    %iota3A_10 = tpu.iota {dimensions = array<i32: 1>} : vector<2560x128xi32>
    %add3A = arith.addi %mul3A_9, %iota3A_10 : vector<2560x128xi32>
    %lt3A = arith.constant 320000 : i32
    %lt3A_11 = vector.broadcast %lt3A : i32 to vector<2560x128xi32>
    %lt3A_12 = arith.cmpi slt, %add3A, %lt3A_11 : vector<2560x128xi32>
    %jit3A = arith.constant 0 : i32
    %broadcast_in_dim3A = vector.broadcast %jit3A : i32 to vector<2560x128xi32>
    %select_n3A = arith.select %lt3A_12, %reshape3A, %broadcast_in_dim3A : vector<2560x128xi1>, vector<2560x128xi32>
    %swap3A = arith.constant 0 : index
    %swap3A_13 = arith.constant 0 : index
    %swap3A_14 = vector.load %arg2[%swap3A, %swap3A_13] : memref<2560x128xi32, #tpu.memory_space<vmem>>, vector<2560x128xi32>
    tpu.vector_store %arg2[%swap3A, %swap3A_13], %select_n3A {strides = array<i32>} : memref<2560x128xi32, #tpu.memory_space<vmem>>, vector<2560x128xi32>,
    %jit3A_15 = arith.constant 10239 : i32
    %broadcast_in_dim3A_16 = vector.broadcast %jit3A_15 : i32 to vector<2560x128xi32>
    %select_n3A_17 = arith.select %lt3A_12, %reshape3A_7, %broadcast_in_dim3A_16 : vector<2560x128xi1>, vector<2560x128xi32>
    %swap3A_18 = arith.constant 0 : index
    %swap3A_19 = arith.constant 0 : index
    %swap3A_20 = vector.load %arg3[%swap3A_18, %swap3A_19] : memref<2560x128xi32, #tpu.memory_space<vmem>>, vector<2560x128xi32>
    tpu.vector_store %arg3[%swap3A_18, %swap3A_19], %select_n3A_17 {strides = array<i32>} : memref<2560x128xi32, #tpu.memory_space<vmem>>, vector<2560x128xi32>,
    return
  }
  func.func @transform_0(%arg0: i32) -> (i32, i32) {
    %c0_i32 = arith.constant 0 : i32
    %c0_i32_0 = arith.constant 0 : i32
    %c0_i32_1 = arith.constant 0 : i32
    return %c0_i32, %c0_i32_0 : i32, i32
  }
  func.func @transform_1(%arg0: i32) -> (i32, i32) {
    %c0_i32 = arith.constant 0 : i32
    %c0_i32_0 = arith.constant 0 : i32
    %c0_i32_1 = arith.constant 0 : i32
    return %c0_i32, %c0_i32_0 : i32, i32
  }
  func.func @transform_2(%arg0: i32) -> (i32, i32) {
    %c0_i32 = arith.constant 0 : i32
    %c0_i32_0 = arith.constant 0 : i32
    %c0_i32_1 = arith.constant 0 : i32
    return %c0_i32, %c0_i32_0 : i32, i32
  }
}

module attributes {stable_mosaic.version = 14 : i64} {
  func.func @_tc2_body(%arg0: i32, %arg1: memref<10240x128xf32, #tpu.memory_space<vmem>>, %arg2: memref<10240x2xf32, #tpu.memory_space<vmem>>, %arg3: memref<10000x128xf32, #tpu.memory_space<vmem>>, %arg4: memref<64xf32, #tpu.memory_space<vmem>>, %arg5: memref<64x64xf32, #tpu.memory_space<vmem>>, %arg6: memref<64x64xf32, #tpu.memory_space<vmem>>, %arg7: memref<10000x128xf32, #tpu.memory_space<vmem>>) attributes {dimension_semantics = [#tpu.dimension_semantics<arbitrary>], iteration_bounds = array<i64: 1>, scalar_prefetch = 0 : i64, scratch_operands = 0 : i64, tpu.core_type = #tpu.core_type<tc>, window_params = [{pipeline_mode = #tpu.pipeline_mode<synchronous>, transform_indices = @transform_0, window_bounds = array<i64: 10240, 128>}, {pipeline_mode = #tpu.pipeline_mode<synchronous>, transform_indices = @transform_1, window_bounds = array<i64: 10240, 2>}, {pipeline_mode = #tpu.pipeline_mode<synchronous>, transform_indices = @transform_2, window_bounds = array<i64: 10000, 128>}, {pipeline_mode = #tpu.pipeline_mode<synchronous>, transform_indices = @transform_3, window_bounds = array<i64: 64>}, {pipeline_mode = #tpu.pipeline_mode<synchronous>, transform_indices = @transform_4, window_bounds = array<i64: 64, 64>}, {pipeline_mode = #tpu.pipeline_mode<synchronous>, transform_indices = @transform_5, window_bounds = array<i64: 64, 64>}, {pipeline_mode = #tpu.pipeline_mode<synchronous>, transform_indices = @transform_6, window_bounds = array<i64: 10000, 128>}]} {
    %get3A = arith.constant 0 : index
    %get3A_0 = arith.constant 0 : index
    %get3A_1 = vector.load %arg1[%get3A, %get3A_0] : memref<10240x128xf32, #tpu.memory_space<vmem>>, vector<10000x64xf32>
    %get3A_2 = arith.constant 0 : index
    %get3A_3 = arith.constant 0 : index
    %get3A_4 = vector.load %arg2[%get3A_2, %get3A_3] : memref<10240x2xf32, #tpu.memory_space<vmem>>, vector<10000x1xf32>
    %get3A_5 = vector.shape_cast %get3A_4 : vector<10000x1xf32> to vector<10000xf32>
    %get3A_6 = arith.constant 0 : index
    %get3A_7 = arith.constant 1 : index
    %get3A_8 = vector.load %arg2[%get3A_6, %get3A_7] : memref<10240x2xf32, #tpu.memory_space<vmem>>, vector<10000x1xf32>
    %get3A_9 = vector.shape_cast %get3A_8 : vector<10000x1xf32> to vector<10000xf32>
    %add3A = arith.addf %get3A_5, %get3A_9 : vector<10000xf32>
    %max3A = arith.constant 1.000000e+00 : f32
    %max3A_10 = vector.broadcast %max3A : f32 to vector<10000xf32>
    %max3A_11 = arith.maximumf %add3A, %max3A_10 : vector<10000xf32>
    %div3A = arith.constant 1.000000e+00 : f32
    %div3A_12 = vector.broadcast %div3A : f32 to vector<10000xf32>
    %div3A_13 = arith.divf %div3A_12, %max3A_11 : vector<10000xf32>
    %get3A_14 = arith.constant 0 : index
    %get3A_15 = arith.constant 64 : index
    %get3A_16 = vector.load %arg3[%get3A_14, %get3A_15] : memref<10000x128xf32, #tpu.memory_space<vmem>>, vector<10000x64xf32>
    %broadcast_in_dim3A = vector.shape_cast %div3A_13 : vector<10000xf32> to vector<10000x1xf32>
    %mul3A = vector.broadcast %broadcast_in_dim3A : vector<10000x1xf32> to vector<10000x64xf32>
    %mul3A_17 = arith.mulf %get3A_1, %mul3A : vector<10000x64xf32>
    %add3A_18 = arith.addf %mul3A_17, %get3A_16 : vector<10000x64xf32>
    %get3A_19 = arith.constant 0 : index
    %get3A_20 = vector.load %arg4[%get3A_19] : memref<64xf32, #tpu.memory_space<vmem>>, vector<64xf32>
    %broadcast_in_dim3A_21 = vector.shape_cast %get3A_20 : vector<64xf32> to vector<1x64xf32>
    %add3A_22 = vector.broadcast %broadcast_in_dim3A_21 : vector<1x64xf32> to vector<10000x64xf32>
    %add3A_23 = arith.addf %add3A_18, %add3A_22 : vector<10000x64xf32>
    %max3A_24 = arith.constant 0.000000e+00 : f32
    %max3A_25 = vector.broadcast %max3A_24 : f32 to vector<10000x64xf32>
    %max3A_26 = arith.maximumf %add3A_23, %max3A_25 : vector<10000x64xf32>
    %get3A_27 = arith.constant 0 : index
    %get3A_28 = arith.constant 0 : index
    %get3A_29 = vector.load %arg5[%get3A_27, %get3A_28] : memref<64x64xf32, #tpu.memory_space<vmem>>, vector<64x64xf32>
    %dot_general3A = arith.constant dense<0.000000e+00> : vector<10000x64xf32>
    %dot_general3A_30 = tpu.matmul %max3A_26, %get3A_29, %dot_general3A {dimension_numbers = #tpu.dot_dimension_numbers<[1], [0], [0], [1], [0, 0, 1, 1], [], []>, transpose_lhs_hint = false} : vector<10000x64xf32>, vector<64x64xf32>, vector<10000x64xf32> -> vector<10000x64xf32>
    %get3A_31 = arith.constant 0 : index
    %get3A_32 = arith.constant 0 : index
    %get3A_33 = vector.load %arg6[%get3A_31, %get3A_32] : memref<64x64xf32, #tpu.memory_space<vmem>>, vector<64x64xf32>
    %dot_general3A_34 = arith.constant dense<0.000000e+00> : vector<10000x64xf32>
    %dot_general3A_35 = tpu.matmul %max3A_26, %get3A_33, %dot_general3A_34 {dimension_numbers = #tpu.dot_dimension_numbers<[1], [0], [0], [1], [0, 0, 1, 1], [], []>, transpose_lhs_hint = false} : vector<10000x64xf32>, vector<64x64xf32>, vector<10000x64xf32> -> vector<10000x64xf32>
    %concatenate3A = tpu.concatenate %dot_general3A_30, %dot_general3A_35 in 1 : vector<10000x64xf32>, vector<10000x64xf32> -> vector<10000x128xf32>
    %swap3A = arith.constant 0 : index
    %swap3A_36 = arith.constant 0 : index
    %swap3A_37 = vector.load %arg7[%swap3A, %swap3A_36] : memref<10000x128xf32, #tpu.memory_space<vmem>>, vector<10000x128xf32>
    tpu.vector_store %arg7[%swap3A, %swap3A_36], %concatenate3A {strides = array<i32>} : memref<10000x128xf32, #tpu.memory_space<vmem>>, vector<10000x128xf32>,
    return
  }
  func.func @transform_0(%arg0: i32) -> (i32, i32) {
    %c0_i32 = arith.constant 0 : i32
    %c0_i32_0 = arith.constant 0 : i32
    %c0_i32_1 = arith.constant 0 : i32
    return %c0_i32, %c0_i32_0 : i32, i32
  }
  func.func @transform_1(%arg0: i32) -> (i32, i32) {
    %c0_i32 = arith.constant 0 : i32
    %c0_i32_0 = arith.constant 0 : i32
    %c0_i32_1 = arith.constant 0 : i32
    return %c0_i32, %c0_i32_0 : i32, i32
  }
  func.func @transform_2(%arg0: i32) -> (i32, i32) {
    %c0_i32 = arith.constant 0 : i32
    %c0_i32_0 = arith.constant 0 : i32
    %c0_i32_1 = arith.constant 0 : i32
    return %c0_i32, %c0_i32_0 : i32, i32
  }
  func.func @transform_3(%arg0: i32) -> i32 {
    %c0_i32 = arith.constant 0 : i32
    %c0_i32_0 = arith.constant 0 : i32
    return %c0_i32 : i32
  }
  func.func @transform_4(%arg0: i32) -> (i32, i32) {
    %c0_i32 = arith.constant 0 : i32
    %c0_i32_0 = arith.constant 0 : i32
    %c0_i32_1 = arith.constant 0 : i32
    return %c0_i32, %c0_i32_0 : i32, i32
  }
  func.func @transform_5(%arg0: i32) -> (i32, i32) {
    %c0_i32 = arith.constant 0 : i32
    %c0_i32_0 = arith.constant 0 : i32
    %c0_i32_1 = arith.constant 0 : i32
    return %c0_i32, %c0_i32_0 : i32, i32
  }
  func.func @transform_6(%arg0: i32) -> (i32, i32) {
    %c0_i32 = arith.constant 0 : i32
    %c0_i32_0 = arith.constant 0 : i32
    %c0_i32_1 = arith.constant 0 : i32
    return %c0_i32, %c0_i32_0 : i32, i32
  }
}

module attributes {stable_mosaic.version = 14 : i64} {
  func.func @_tc3_body(%arg0: i32, %arg1: memref<10240x128xf32, #tpu.memory_space<vmem>>, %arg2: memref<10240x2xf32, #tpu.memory_space<vmem>>, %arg3: memref<10000x128xf32, #tpu.memory_space<vmem>>, %arg4: memref<64xf32, #tpu.memory_space<vmem>>, %arg5: memref<64x32xf32, #tpu.memory_space<vmem>>, %arg6: memref<32xf32, #tpu.memory_space<vmem>>, %arg7: memref<10000x32xf32, #tpu.memory_space<vmem>>, %arg8: memref<10000x64xf32, #tpu.memory_space<vmem>>) attributes {dimension_semantics = [#tpu.dimension_semantics<arbitrary>], iteration_bounds = array<i64: 1>, scalar_prefetch = 0 : i64, scratch_operands = 0 : i64, tpu.core_type = #tpu.core_type<tc>, window_params = [{pipeline_mode = #tpu.pipeline_mode<synchronous>, transform_indices = @transform_0, window_bounds = array<i64: 10240, 128>}, {pipeline_mode = #tpu.pipeline_mode<synchronous>, transform_indices = @transform_1, window_bounds = array<i64: 10240, 2>}, {pipeline_mode = #tpu.pipeline_mode<synchronous>, transform_indices = @transform_2, window_bounds = array<i64: 10000, 128>}, {pipeline_mode = #tpu.pipeline_mode<synchronous>, transform_indices = @transform_3, window_bounds = array<i64: 64>}, {pipeline_mode = #tpu.pipeline_mode<synchronous>, transform_indices = @transform_4, window_bounds = array<i64: 64, 32>}, {pipeline_mode = #tpu.pipeline_mode<synchronous>, transform_indices = @transform_5, window_bounds = array<i64: 32>}, {pipeline_mode = #tpu.pipeline_mode<synchronous>, transform_indices = @transform_6, window_bounds = array<i64: 10000, 32>}, {pipeline_mode = #tpu.pipeline_mode<synchronous>, transform_indices = @transform_7, window_bounds = array<i64: 10000, 64>}]} {
    %get3A = arith.constant 0 : index
    %get3A_0 = arith.constant 0 : index
    %get3A_1 = vector.load %arg1[%get3A, %get3A_0] : memref<10240x128xf32, #tpu.memory_space<vmem>>, vector<10000x64xf32>
    %get3A_2 = arith.constant 0 : index
    %get3A_3 = arith.constant 0 : index
    %get3A_4 = vector.load %arg2[%get3A_2, %get3A_3] : memref<10240x2xf32, #tpu.memory_space<vmem>>, vector<10000x1xf32>
    %get3A_5 = vector.shape_cast %get3A_4 : vector<10000x1xf32> to vector<10000xf32>
    %get3A_6 = arith.constant 0 : index
    %get3A_7 = arith.constant 1 : index
    %get3A_8 = vector.load %arg2[%get3A_6, %get3A_7] : memref<10240x2xf32, #tpu.memory_space<vmem>>, vector<10000x1xf32>
    %get3A_9 = vector.shape_cast %get3A_8 : vector<10000x1xf32> to vector<10000xf32>
    %add3A = arith.addf %get3A_5, %get3A_9 : vector<10000xf32>
    %max3A = arith.constant 1.000000e+00 : f32
    %max3A_10 = vector.broadcast %max3A : f32 to vector<10000xf32>
    %max3A_11 = arith.maximumf %add3A, %max3A_10 : vector<10000xf32>
    %div3A = arith.constant 1.000000e+00 : f32
    %div3A_12 = vector.broadcast %div3A : f32 to vector<10000xf32>
    %div3A_13 = arith.divf %div3A_12, %max3A_11 : vector<10000xf32>
    %broadcast_in_dim3A = vector.shape_cast %div3A_13 : vector<10000xf32> to vector<10000x1xf32>
    %mul3A = vector.broadcast %broadcast_in_dim3A : vector<10000x1xf32> to vector<10000x64xf32>
    %mul3A_14 = arith.mulf %get3A_1, %mul3A : vector<10000x64xf32>
    %get3A_15 = arith.constant 0 : index
    %get3A_16 = arith.constant 64 : index
    %get3A_17 = vector.load %arg3[%get3A_15, %get3A_16] : memref<10000x128xf32, #tpu.memory_space<vmem>>, vector<10000x64xf32>
    %add3A_18 = arith.addf %mul3A_14, %get3A_17 : vector<10000x64xf32>
    %get3A_19 = arith.constant 0 : index
    %get3A_20 = vector.load %arg4[%get3A_19] : memref<64xf32, #tpu.memory_space<vmem>>, vector<64xf32>
    %broadcast_in_dim3A_21 = vector.shape_cast %get3A_20 : vector<64xf32> to vector<1x64xf32>
    %add3A_22 = vector.broadcast %broadcast_in_dim3A_21 : vector<1x64xf32> to vector<10000x64xf32>
    %add3A_23 = arith.addf %add3A_18, %add3A_22 : vector<10000x64xf32>
    %swap3A = arith.constant 0 : index
    %swap3A_24 = arith.constant 0 : index
    %swap3A_25 = vector.load %arg8[%swap3A, %swap3A_24] : memref<10000x64xf32, #tpu.memory_space<vmem>>, vector<10000x64xf32>
    tpu.vector_store %arg8[%swap3A, %swap3A_24], %add3A_23 {strides = array<i32>} : memref<10000x64xf32, #tpu.memory_space<vmem>>, vector<10000x64xf32>,
    %get3A_26 = arith.constant 0 : index
    %get3A_27 = arith.constant 0 : index
    %get3A_28 = vector.load %arg5[%get3A_26, %get3A_27] : memref<64x32xf32, #tpu.memory_space<vmem>>, vector<64x32xf32>
    %dot_general3A = arith.constant dense<0.000000e+00> : vector<10000x32xf32>
    %dot_general3A_29 = tpu.matmul %add3A_23, %get3A_28, %dot_general3A {dimension_numbers = #tpu.dot_dimension_numbers<[1], [0], [0], [1], [0, 0, 1, 1], [], []>, transpose_lhs_hint = false} : vector<10000x64xf32>, vector<64x32xf32>, vector<10000x32xf32> -> vector<10000x32xf32>
    %get3A_30 = arith.constant 0 : index
    %get3A_31 = vector.load %arg6[%get3A_30] : memref<32xf32, #tpu.memory_space<vmem>>, vector<32xf32>
    %broadcast_in_dim3A_32 = vector.shape_cast %get3A_31 : vector<32xf32> to vector<1x32xf32>
    %add3A_33 = vector.broadcast %broadcast_in_dim3A_32 : vector<1x32xf32> to vector<10000x32xf32>
    %add3A_34 = arith.addf %dot_general3A_29, %add3A_33 : vector<10000x32xf32>
    %swap3A_35 = arith.constant 0 : index
    %swap3A_36 = arith.constant 0 : index
    %swap3A_37 = vector.load %arg7[%swap3A_35, %swap3A_36] : memref<10000x32xf32, #tpu.memory_space<vmem>>, vector<10000x32xf32>
    tpu.vector_store %arg7[%swap3A_35, %swap3A_36], %add3A_34 {strides = array<i32>} : memref<10000x32xf32, #tpu.memory_space<vmem>>, vector<10000x32xf32>,
    return
  }
  func.func @transform_0(%arg0: i32) -> (i32, i32) {
    %c0_i32 = arith.constant 0 : i32
    %c0_i32_0 = arith.constant 0 : i32
    %c0_i32_1 = arith.constant 0 : i32
    return %c0_i32, %c0_i32_0 : i32, i32
  }
  func.func @transform_1(%arg0: i32) -> (i32, i32) {
    %c0_i32 = arith.constant 0 : i32
    %c0_i32_0 = arith.constant 0 : i32
    %c0_i32_1 = arith.constant 0 : i32
    return %c0_i32, %c0_i32_0 : i32, i32
  }
  func.func @transform_2(%arg0: i32) -> (i32, i32) {
    %c0_i32 = arith.constant 0 : i32
    %c0_i32_0 = arith.constant 0 : i32
    %c0_i32_1 = arith.constant 0 : i32
    return %c0_i32, %c0_i32_0 : i32, i32
  }
  func.func @transform_3(%arg0: i32) -> i32 {
    %c0_i32 = arith.constant 0 : i32
    %c0_i32_0 = arith.constant 0 : i32
    return %c0_i32 : i32
  }
  func.func @transform_4(%arg0: i32) -> (i32, i32) {
    %c0_i32 = arith.constant 0 : i32
    %c0_i32_0 = arith.constant 0 : i32
    %c0_i32_1 = arith.constant 0 : i32
    return %c0_i32, %c0_i32_0 : i32, i32
  }
  func.func @transform_5(%arg0: i32) -> i32 {
    %c0_i32 = arith.constant 0 : i32
    %c0_i32_0 = arith.constant 0 : i32
    return %c0_i32 : i32
  }
  func.func @transform_6(%arg0: i32) -> (i32, i32) {
    %c0_i32 = arith.constant 0 : i32
    %c0_i32_0 = arith.constant 0 : i32
    %c0_i32_1 = arith.constant 0 : i32
    return %c0_i32, %c0_i32_0 : i32, i32
  }
  func.func @transform_7(%arg0: i32) -> (i32, i32) {
    %c0_i32 = arith.constant 0 : i32
    %c0_i32_0 = arith.constant 0 : i32
    %c0_i32_1 = arith.constant 0 : i32
    return %c0_i32, %c0_i32_0 : i32, i32
  }
}

</mosaic_0001>

<sc_bundles>
// kernel: kernel.11.cloned.1.call-start
scs
__scs_entry_jumppad:
0x0: {  	(pc) =	sbr.rel $0x88, $3  }
0x1: {  	(tag) =	ssettag $0x0;
	lr =	simm.s32 $0x1  }
0x2: {  	[smem:$0x3F97] =	sst lr;
	_ =	strace $0xD0000000  }
0x3: {  	_ = 	snop  }
0x4: {  	_ = 	snop  }
0x5: {  	_ = 	snop  }
0x6: {  	_ = 	snop  }
0x7: {  	_ = 	snop  }
__scs_overlays_trampoline_lowered:
0x8: {  	[smem:$0x3FA6] =	sst s0  }
0x9: {  	[smem:$0x3FA7] =	sst s1  }
0xa: {  	[smem:$0x3FA8] =	sst s2  }
0xb: {  	[smem:$0x3FA9] =	sst s3  }
0xc: {  	[smem:$0x3FAA] =	sst s4  }
0xd: {  	[smem:$0x3FAB] =	sst s5  }
0xe: {  	[smem:$0x3FAC] =	sst s6  }
0xf: {  	[smem:$0x3FAD] =	sst s7  }
0x10: {  	[smem:$0x3FAE] =	sst s8  }
0x11: {  	[smem:$0x3FAF] =	sst s9;
	s0 =	simm.s32 @!p0 $0x0  }
0x12: {  	s1 =	sld [smem:$0x3F95];
	s0 =	simm.s32 @p0 $0x1  }
0x13: {  	[smem:$0x3FB0] =	sst s0;
	s0 =	simm.s32 @!p1 $0x0  }
0x14: {  	s2 =	sld [smem:$0x3F94];
	s0 =	simm.s32 @p1 $0x1  }
0x15: {  	[smem:$0x3FB1] =	sst s0;
	s0 =	simm.s32 @!p2 $0x0  }
0x16: {  	s3 =	sld [smem:$0x3FDB];
	s0 =	simm.s32 @p2 $0x1  }
0x17: {  	s4 =	simm.s32 $0x1BF5;
	[smem:$0x3FB3] =	sst s0  }
0x18: {  	s0 =	sld [smem:$0x3F96];
	_ =	swait.ge [sflag:s4], $0x0  }
0x19: {  	s7 =	sld [smem:$0x3F97]  }
0x1a: {  	s8 =	sadd.s32 $0xFFFFE003, lr  }
0x1b: {  	s9 =	sadd.s32 $0xFFFFFEF7, lr;
	s5 =	simm.s32 $0xFFFFFFFF;
	p2 =	slt.u32 s8, $0xFFFFF086  }
0x1c: {  	p1 =	slt.u32 s9, $0xF7A;
	s5 =	simm.s32 @!p2 $0x0  }
0x1d: {  	s5 =	simm.s32 @p1 $0x1;
	p0 =	seq.s32 s7, s2  }
0x1e: {  	s7 =	smul.u32 @!p0 $0xF7A, s2;
	p2 =	seq.s32 @!p0 s5, $0x0  }
0x1f: {  	s9 =	smul.u32 $0xF7A, s1;
	s8 =	simm.s32 @!p0 $0x1BF5;
	p2 =	por !p2, p0  }
0x20: {  	[sflag:s8] =	ssyncset.s32 @!p0 $0xFFFFF086;
	s6 =	sadd.s32 @!p0 s3, s7;
	s7 =	simm.s32 @!p0 $0x108  }
0x21: {  	s3 =	sadd.s32 s3, s9;
	s6 =	sadd.s32 @!p0 $0x88, s6;
	s7 =	simm.s32 @p2 $0x1082  }
0x22: {  	[simem:s7], [sflag:s8] =	dma.local @!p0 [hbm:s6], $0xF7A  }
0x23: {  	s9 =	sor.u32 $0xD0000000, s2;
	s6 =	simm.s32 $0x108;
	_ =	swait.ge @!p0 [sflag:s8], $0x0  }
0x24: {  	s3 =	sadd.s32 $0x88, s3;
	s6 =	simm.s32 @!p1 $0x1082;
	[sflag:s4] =	ssyncset.s32 $0xFFFFF086  }
0x25: {  	[simem:s6], [sflag:s4] =	dma.local [hbm:s3], $0xF7A  }
0x26: {  	[smem:$0x3F97] =	sst s1;
	(tag) =	ssettag s2;
	_ =	strace s9  }
0x27: {  	s1 =	sld [smem:$0x3FA7]  }
0x28: {  	s2 =	sld [smem:$0x3FA8]  }
0x29: {  	s4 =	sld [smem:$0x3FAA]  }
0x2a: {  	p0 =	seq.s32 s5, $0x0;
	s5 =	sld [smem:$0x3FAB]  }
0x2b: {  	s6 =	sld [smem:$0x3FAC]  }
0x2c: {  	s7 =	sld [smem:$0x3FAD]  }
0x2d: {  	s3 =	simm.s32 $0x108;
	s8 =	sld [smem:$0x3FAE]  }
0x2e: {  	s3 =	simm.s32 @!p0 $0x1082;
	s9 =	sld [smem:$0x3FAF]  }
0x2f: {  	lr =	sadd.s32 s0, s3;
	s0 =	sld [smem:$0x3FA6]  }
0x30: {  	s3 =	sld [smem:$0x3FA9]  }
0x31: {  	[smem:$0x3FB2] =	sst s10  }
0x32: {  	s10 =	sld [smem:$0x3FB0];
	_ =	sdelay $0x3  }
0x33: {  	p0 =	seq.s32 s10, $0x1;
	s10 =	sld [smem:$0x3FB2];
	_ =	sdelay $0x3  }
0x34: {  	[smem:$0x3FB2] =	sst s10  }
0x35: {  	s10 =	sld [smem:$0x3FB1];
	_ =	sdelay $0x3  }
0x36: {  	p1 =	seq.s32 s10, $0x1;
	s10 =	sld [smem:$0x3FB2];
	_ =	sdelay $0x3  }
0x37: {  	[smem:$0x3FB2] =	sst s10  }
0x38: {  	s10 =	sld [smem:$0x3FB3]  }
0x39: {  	_ = 	snop;
	(pc) =	sbr.ind lr, $3  }
0x3a: {  	_ = 	snop  }
0x3b: {  	_ = 	snop  }
0x3c: {  	p2 =	seq.s32 s10, $0x1;
	s10 =	sld [smem:$0x3FB2]  }
0x3d: {  	_ =	shalt  }
0x3e: {  	_ =	shalt  }
0x3f: {  	_ =	shalt  }
0x40: {  	_ =	shalt  }
0x41: {  	_ =	shalt  }
0x42: {  	_ =	shalt  }
0x43: {  	_ =	shalt  }
0x44: {  	_ =	shalt  }
0x45: {  	_ =	shalt  }
0x46: {  	_ =	shalt  }
0x47: {  	_ =	shalt  }
0x48: {  	_ =	shalt  }
0x49: {  	_ =	shalt  }
0x4a: {  	_ =	shalt  }
0x4b: {  	_ =	shalt  }
0x4c: {  	_ =	shalt  }
0x4d: {  	_ =	shalt  }
0x4e: {  	_ =	shalt  }
0x4f: {  	_ =	shalt  }
0x50: {  	_ =	shalt  }
0x51: {  	_ =	shalt  }
0x52: {  	_ =	shalt  }
0x53: {  	_ =	shalt  }
0x54: {  	_ =	shalt  }
0x55: {  	_ =	shalt  }
0x56: {  	_ =	shalt  }
0x57: {  	_ =	shalt  }
0x58: {  	_ =	shalt  }
0x59: {  	_ =	shalt  }
0x5a: {  	_ =	shalt  }
0x5b: {  	_ =	shalt  }
0x5c: {  	_ =	shalt  }
0x5d: {  	_ =	shalt  }
0x5e: {  	_ =	shalt  }
0x5f: {  	_ =	shalt  }
0x60: {  	_ =	shalt  }
0x61: {  	_ =	shalt  }
0x62: {  	_ =	shalt  }
0x63: {  	_ =	shalt  }
0x64: {  	_ =	shalt  }
0x65: {  	_ =	shalt  }
0x66: {  	_ =	shalt  }
0x67: {  	_ =	shalt  }
0x68: {  	_ =	shalt  }
0x69: {  	_ =	shalt  }
0x6a: {  	_ =	shalt  }
0x6b: {  	_ =	shalt  }
0x6c: {  	_ =	shalt  }
0x6d: {  	_ =	shalt  }
0x6e: {  	_ =	shalt  }
0x6f: {  	_ =	shalt  }
0x70: {  	_ =	shalt  }
0x71: {  	_ =	shalt  }
0x72: {  	_ =	shalt  }
0x73: {  	_ =	shalt  }
0x74: {  	_ =	shalt  }
0x75: {  	_ =	shalt  }
0x76: {  	_ =	shalt  }
0x77: {  	_ =	shalt  }
0x78: {  	_ =	shalt  }
0x79: {  	_ =	shalt  }
0x7a: {  	_ =	shalt  }
0x7b: {  	_ =	shalt  }
0x7c: {  	_ =	shalt  }
0x7d: {  	_ =	shalt  }
0x7e: {  	_ =	shalt  }
0x7f: {  	_ =	shalt  }
0x80: {  	_ =	shalt  }
0x81: {  	_ =	shalt  }
0x82: {  	_ =	shalt  }
0x83: {  	_ =	shalt  }
0x84: {  	_ =	shalt  }
0x85: {  	_ =	shalt  }
0x86: {  	_ =	shalt  }
0x87: {  	_ =	shalt  }
.Lfunc_end0:
.L_simem_size_0:
called_computation.1_lowered:
.L_overlay_start_0:
0x88: {  	s2 =	sld [smem:$0x3FD9]  }
0x89: {  	s3 =	sld [smem:$0x3FFE];
	_ =	sdelay $0x1  }
0x8a: {  	s1 =	srdreg.scid  }
0x8b: {  	s0 =	sand.u32 $0x1, s1  }
0x8c: {  	s14 =	sshll.u32 s0, $0xA;
	s2 =	sadd.s32 s3, s2  }
0x8d: {  	s2 =	sadd.s32 s2, s14  }
0x8e: {  	[smem:$0x3FBE] =	sst s2  }
0x8f: {  	_ = 	snop  }
0x90: {  	s2 =	sld [smem:$0x3FD0];
	_ =	sdelay $0x2  }
0x91: {  	s15 =	simm.s32 $0xA;
	s4 =	simm.s32 $0x10  }
0x92: {  	[smem:s4], [sflag:s15] =	dma.local [hbm:s2], $0x1  }
0x93: {  	_ =	swait.eq [sflag:s15], $0x1  }
0x94: {  	[sflag:s15] =	ssyncset.done $0x0  }
0x95: {  	[sflag:s15] =	ssyncadd.s32 $0xFFFFFFFF  }
0x96: {  	s16 =	sld [smem:$0x11];
	(tm) =	ssettm $0x1  }
0x97: {  	s17 =	sld [smem:$0x3FFB];
	_ =	sdelay $0x3  }
0x98: {  	_ =	strace s17  }
0x99: {  	s3 =	sld [smem:$0x3FFC];
	_ =	sdelay $0x3  }
0x9a: {  	_ =	strace s3  }
0x9b: {  	s3 =	sld [smem:$0x3FFD];
	_ =	sdelay $0x3  }
0x9c: {  	_ =	strace s3  }
0x9d: {  	_ =	strace $0x8FFFFFFF  }
0x9e: {  	s18 =	sld [smem:$0x3FDB];
	_ =	sdelay $0x1  }
0x9f: {  	s19 =	simm.s32 $_scs_section_size  }
0xa0: {  	s5 =	simm.s32 $_size__tile_overlayer_lowered;
	s6 =	simm.s32 $_tile_overlayer_lowered  }
0xa1: {  	s22 =	simm.s32 $0x1BFF;
	s21 =	sshll.u32 s6, $0x1;
	s3 =	sadd.s32 s19, s18  }
0xa2: {  	s7 =	simm.s32 $0x0;
	s20 =	sshll.u32 s5, $0x1;
	s5 =	sadd.s32 s21, s3  }
0xa3: {  	[timem:s7], [sflag:s22] =	dma.local [hbm:s5], s20  }
0xa4: {  	_ =	swait.ge [sflag:s22], s20  }
0xa5: {  	s4 =	ssub.s32 $0x0, s20;
	[sflag:s22] =	ssyncset.done $0x0  }
0xa6: {  	[sflag:s22] =	ssyncadd.s32 s4;
	_ =	sdelay $0x1  }
0xa7: {  	s23 =	simm.s32 $0x1B8B  }
0xa8: {  	_ =	swait.ge [sflag:s23], $0x1  }
0xa9: {  	[sflag:s23] =	ssyncset.done $0x0  }
0xaa: {  	s25 =	simm.s32 $0x1B8E;
	s24 =	sld [smem:$0x3FFE];
	[sflag:s23] =	ssyncadd.s32 $0xFFFFFFFF  }
0xab: {  	s26 =	simm.s32 $execute0_lowered;
	[smem:$0x3FD2] =	sst s25  }
0xac: {  	s5 =	sshll.u32 s26, $0x1;
	_ =	strace $0x80000049;
	[dreg:$0x1] =	wrdreg $0xFFFFFFFF  }
0xad: {  	s28 =	simm.s32 $_size_execute0_lowered;
	s3 =	sadd.s32 s3, s5;
	[dreg:$0x0] =	wrdreg $0x0  }
0xae: {  	s5 =	sshll.u32 s28, $0x1;
	[dreg:$0x2] =	wrdreg s3  }
0xaf: {  	[dreg:$0x3] =	wrdreg s5  }
0xb0: {  	[dreg:$0x4] =	wrdreg $0xC0  }
0xb1: {  	_ =	task [dreg:s7], $0x5FFFF  }
0xb2: {  	[dreg:$0x1] =	wrdreg $0xFFFFFFFF  }
0xb3: {  	[dreg:$0x0] =	wrdreg $0x60  }
0xb4: {  	[dreg:$0x2] =	wrdreg s24  }
0xb5: {  	[dreg:$0x3] =	wrdreg s16  }
0xb6: {  	[dreg:$0x4] =	wrdreg $0x140800  }
0xb7: {  	[dreg:$0x5] =	wrdreg $0x190800  }
0xb8: {  	[dreg:$0x6] =	wrdreg $0x193000  }
0xb9: {  	[dreg:$0x7] =	wrdreg $0x9  }
0xba: {  	_ =	task.clear_ibuf [dreg:s7], $0x8FFFF;
	_ =	strace $0x90000049  }
0xbb: {  	s29 =	simm.s32 $0x9;
	_ =	strace $0x8000004B  }
0xbc: {  	_ =	swait.ge [sflag:s29], $0x1  }
0xbd: {  	[sflag:s29] =	ssyncadd.s32 $0xFFFFFFFF  }
0xbe: {  	_ =	strace $0x9000004B  }
0xbf: {  	_ =	sfence  }
0xc0: {  	s30 =	sld [smem:$0x0];
	_ =	sdelay $0x2  }
0xc1: {  	s31 =	sshll.u32 s1, $0xD;
	s1 =	sshrl.u32 s1, $0x2  }
0xc2: {  	s3 =	sand.u32 $0x4000, s31;
	s1 =	sadd.s32 s1, s30  }
0xc3: {  	s0 =	sor.u32 s3, s0;
	s1 =	sshll.u32 s1, $0x11  }
0xc4: {  	s0 =	sor.u32 s1, s0  }
0xc5: {  	s0 =	sadd.s32 $0x8F2B, s0  }
0xc6: {  	[sflag:s0] =	ssyncadd.remote.s32 $0x1  }
0xc7: {  	_ =	sfence.sel $0xFFFF  }
0xc8: {  	[dreg:$0x0] =	wrdreg $0xFFFFFFFF;
	(pc) =	sbr.abs _section_cstart, $3  }
0xc9: {  	[dreg:$0x1] =	wrdreg $0xFFFFFFFF  }
0xca: {  	_ =	task.clear_ibuf [dreg:s7], $0x2FFFF;
	_ =	strace $0x9FFFFFFF  }
0xcb: {  	(tm) =	ssettm $0x7FFFFFFF  }
tec
execute0_lowered:
.L_overlay_start_1:
0x0: {  	(tag) =	ssettag $0x1  }
0x1: {  	s0 =	rddreg [dreg:$0x0]  }
0x2: {  	s2 =	rddreg [dreg:$0x1]  }
0x3: {  	s1 =	rddreg [dreg:$0x2]  }
0x4: {  	s4 =	rddreg [dreg:$0x3];
	s14 =	stileid.u32  }
0x5: {  	s3 =	rddreg [dreg:$0x4];
	s5 =	simm.s32 $0x0;
	s16 =	smul.u32 $0x5000, s14  }
0x6: {  	s9 =	srdreg.scid;
	s28 =	simm.s32 $0xD000;
	s7 =	smul.u32 $0xA00, s14  }
0x7: {  	s30 =	simm.s32 $0xE000;
	s31 =	simm.s32 $0xF000;
	s8 =	smul.u32 $0x280, s14  }
0x8: {  	s29 =	simm.s32 $0x5;
	[smem:$0x7FF] =	sst s5;
	s13 =	smul.u32 $0x13880, s14  }
0x9: {  	s9 =	sand.u32 $0x1, s9;
	s18 =	sshll.u32 s14, $0x6;
	s20 =	smul.u32 $0x2710, s14  }
0xa: {  	s21 =	smul.u32 $0x2800, s14;
	s14 =	simm.s32 $0x15;
	_ =	strace $0x8000004A  }
0xb: {  	s12 =	sshll.u32 s9, $0x2;
	s9 =	ssub.s32 $0x2, s9;
	s6 =	sshrl.u32 s16, $0x3  }
0xc: {  	s10 =	sadd.s32 s7, s0;
	s11 =	sshrl.u32 s8, $0x3;
	s17 =	sshrl.u32 s9, $0x1  }
0xd: {  	s5 =	sadd.s32 s16, s1;
	s4 =	sadd.s32 s8, s4;
	s19 =	sshrl.u32 s13, $0x2  }
0xe: {  	s2 =	sadd.s32 s2, s7;
	s7 =	simm.s32 $0x6;
	s16 =	simm.s32 $0xF  }
0xf: {  	s6 =	sadd.s32 s6, s0;
	s11 =	sadd.s32 s11, s0;
	s0 =	sadd.s32 s12, s0  }
0x10: {  	s9 =	ssub.s32 s9, s17;
	s8 =	sadd.s32 s19, s3;
	[dreg:$0x9] =	wrdreg s2  }
0x11: {  	s22 =	sadd.s32 $0x3800, s10;
	s10 =	sshrl.u32 s5, $0x3;
	s25 =	sshrl.u32 s4, $0x3  }
0x12: {  	s17 =	simm.s32 $0x1;
	s5 =	simm.s32 $0x13000;
	s12 =	simm.s32 $0x0  }
0x13: {  	s6 =	sadd.s32 $0x35000, s6;
	s11 =	sadd.s32 $0x34A00, s11;
	[dreg:$0xa] =	wrdreg s22  }
0x14: {  	s23 =	sadd.s32 s20, s0;
	s24 =	smax.u32 s9, $0x1;
	s0 =	sadd.s32 s21, s0  }
0x15: {  	[dreg:$0xf] =	wrdreg s25;
	s26 =	sshrl.u32 s8, $0x3;
	s21 =	simm.s32 $0x80  }
0x16: {  	s22 =	simm.s32 $0xA000;
	s25 =	simm.s32 $0xC000;
	[dreg:$0xe] =	wrdreg s10  }
0x17: {  	s20 =	simm.s32 $0x3;
	s8 =	simm.s32 $0x8;
	[dreg:$0x6] =	wrdreg s6  }
0x18: {  	s9 =	simm.s32 $0xA;
	s6 =	sor.u32 $0x1C15, s18;
	[dreg:$0x8] =	wrdreg s11  }
.Ltmp0:
0x19: {  	[dreg:$0xb] =	wrdreg s24;
	s2 =	sadd.s32 $0xD800, s23;
	(pc) =	sbr.rel .LBB2_1-.Ltmp0, $4  }
0x1a: {  	s0 =	sadd.s32 $0x3F000, s0;
	[dreg:$0x10] =	wrdreg s26;
	s18 =	simm.s32 $0x4  }
0x1b: {  	s11 =	simm.s32 $0x10;
	s23 =	simm.s32 $0xB000;
	[dreg:$0xc] =	wrdreg s2  }
0x1c: {  	s24 =	simm.s32 $0x11000;
	s26 =	simm.s32 $0x12000;
	[dreg:$0xd] =	wrdreg s0  }
0x1d: {  	v0 =	vimm.f32 $1.000000000e+00;
	s0 =	simm.s32 $0x2;
	s2 =	simm.s32 $0x10000;
	[dreg:$0x7] =	wrdreg s6  }
.LBB2_4:
0x1e: {  	s4 =	simm.s32 $0xB  }
0x1f: {  	_ =	swait.ge [sflag:s4], $0x1000  }
0x20: {  	[sflag:s4] =	ssyncset.done $0x0  }
0x21: {  	s13 =	simm.s32 $0xC;
	[sflag:s4] =	ssyncadd.s32 $0xFFFFF000  }
0x22: {  	_ =	swait.ge [sflag:s13], $0x1000  }
0x23: {  	[sflag:s13] =	ssyncset.done $0x0  }
0x24: {  	s15 =	simm.s32 $0xD;
	[sflag:s13] =	ssyncadd.s32 $0xFFFFF000  }
0x25: {  	_ =	swait.ge [sflag:s15], $0x1000  }
0x26: {  	[sflag:s15] =	ssyncset.done $0x0  }
0x27: {  	s19 =	simm.s32 $0xE;
	[sflag:s15] =	ssyncadd.s32 $0xFFFFF000  }
0x28: {  	_ =	swait.ge [sflag:s19], $0x1000  }
0x29: {  	[sflag:s19] =	ssyncset.done $0x0  }
0x2a: {  	[sflag:s19] =	ssyncadd.s32 $0xFFFFF000  }
0x2b: {  	_ =	swait.ge [sflag:s16], $0x1000  }
0x2c: {  	[sflag:s16] =	ssyncset.done $0x0  }
0x2d: {  	s11 =	simm.s32 $0x10;
	[sflag:s16] =	ssyncadd.s32 $0xFFFFF000  }
0x2e: {  	_ =	swait.ge [sflag:s11], $0x1000  }
0x2f: {  	[sflag:s11] =	ssyncset.done $0x0  }
0x30: {  	s6 =	simm.s32 $0x11;
	[sflag:s11] =	ssyncadd.s32 $0xFFFFF000  }
0x31: {  	_ =	swait.ge [sflag:s6], $0x1000  }
0x32: {  	[sflag:s6] =	ssyncset.done $0x0  }
0x33: {  	s10 =	simm.s32 $0x12;
	[sflag:s6] =	ssyncadd.s32 $0xFFFFF000  }
0x34: {  	_ =	swait.ge [sflag:s10], $0x1000  }
0x35: {  	[sflag:s10] =	ssyncset.done $0x0  }
0x36: {  	s12 =	simm.s32 $0x13;
	[sflag:s10] =	ssyncadd.s32 $0xFFFFF000  }
0x37: {  	_ =	swait.ge [sflag:s12], $0x1000  }
0x38: {  	[sflag:s12] =	ssyncset.done $0x0  }
0x39: {  	s13 =	simm.s32 $0x14;
	[sflag:s12] =	ssyncadd.s32 $0xFFFFF000  }
0x3a: {  	_ =	swait.ge [sflag:s13], $0x1000  }
0x3b: {  	[sflag:s13] =	ssyncset.done $0x0  }
0x3c: {  	[sflag:s13] =	ssyncadd.s32 $0xFFFFF000  }
0x3d: {  	[bflag:$0x0] =	sbarrier.arrive $0xFFFF  }
0x3e: {  	s6 =	rddreg [dreg:$0x7]  }
0x3f: {  	s15 =	rddreg [dreg:$0xd]  }
0x40: {  	s10 =	rddreg [dreg:$0xe]  }
0x41: {  	[hbm:s15@s11], [sflag:s6] =	dma.strided [spmem:s10@s18], $0xA00, s17, $0x4   }
0x42: {  	_ =	swait.ge [sflag:s14], $0xA00  }
0x43: {  	s12 =	rddreg [dreg:$0x11]  }
0x44: {  	s19 =	rddreg [dreg:$0xb];
	s12 =	sadd.s32 $0x1, s12  }
0x45: {  	p0 =	sne.s32 s12, s19  }
.Ltmp1:
0x46: {  	_ = 	snop;
	(pc) =	sbr.rel @!p0 .LBB2_5-.Ltmp1, $3  }
0x47: {  	_ =	sdelay $0x1  }
0x48: {  	[sflag:s14] =	ssyncset.done $0x0  }
0x49: {  	[sflag:s14] =	ssyncadd.s32 $0xFFFFF600  }
.LBB2_1:
0x4a: {  	[tilespmem:$0x14000] =	vst v0  }
0x4b: {  	[tilespmem:$0x14010] =	vst v0  }
0x4c: {  	[tilespmem:$0x14020] =	vst v0  }
0x4d: {  	[tilespmem:$0x14030] =	vst v0  }
0x4e: {  	[tilespmem:$0x14040] =	vst v0  }
0x4f: {  	[tilespmem:$0x14050] =	vst v0  }
0x50: {  	[dreg:$0x11] =	wrdreg s12;
	[tilespmem:$0x14060] =	vst v0  }
0x51: {  	[tilespmem:$0x14070] =	vst v0;
	s4 =	rddreg [dreg:$0x6]  }
0x52: {  	[spmem:s10], [sflag:s6] =	dma.local [hbm:s4], $0xA00  }
0x53: {  	_ =	swait.ge [sflag:s14], $0xA00  }
0x54: {  	[sflag:s14] =	ssyncset.done $0x0;
	s10 =	rddreg [dreg:$0x8]  }
0x55: {  	s12 =	rddreg [dreg:$0xf];
	[sflag:s14] =	ssyncadd.s32 $0xFFFFF600  }
0x56: {  	[spmem:s12], [sflag:s6] =	dma.local [hbm:s10], $0x50  }
0x57: {  	_ =	swait.ge [sflag:s14], $0x50  }
0x58: {  	[sflag:s14] =	ssyncset.done $0x0;
	s13 =	rddreg [dreg:$0xc]  }
0x59: {  	s15 =	rddreg [dreg:$0x10];
	[sflag:s14] =	ssyncadd.s32 $0xFFFFFFB0  }
0x5a: {  	[spmem:s15@s18], [sflag:s6] =	dma.strided [hbm:s13@s11], $0x9C4, s17, $0x4   }
0x5b: {  	_ =	swait.ge [sflag:s14], $0x9C4  }
0x5c: {  	[sflag:s14] =	ssyncset.done $0x0  }
0x5d: {  	s19 =	simm.s32 $0x0;
	s10 =	rddreg [dreg:$0x9];
	[sflag:s14] =	ssyncadd.s32 $0xFFFFF63C  }
0x5e: {  	[tilespmem:s19], [sflag:$0x15] =	stream.linear.gather [hbm4b:s10+s19], $0x5000, $0x38;
	[tilespmem:$0x1E120] =	vst v63  }
0x5f: {  	_ =	swait.ge [sflag:s14], $0x5000  }
0x60: {  	[sflag:s14] =	ssyncset.done $0x0  }
0x61: {  	s12 =	simm.s32 $0x5000;
	s11 =	rddreg [dreg:$0xa];
	[sflag:s14] =	ssyncadd.s32 $0xFFFFB000  }
0x62: {  	[tilespmem:s12], [sflag:$0x15] =	stream.linear.gather [hbm4b:s11+s19], $0x5000, $0x38;
	[tilespmem:$0x1E120] =	vst v63  }
0x63: {  	_ =	swait.ge [sflag:s14], $0x5000  }
0x64: {  	[sflag:s14] =	ssyncset.done $0x0  }
0x65: {  	[sflag:s14] =	ssyncadd.s32 $0xFFFFB000  }
0x66: {  	[bflag:$0x0] =	sbarrier.arrive $0xFFFF  }
0x67: {  	[tilespmem:s22], [sflag:$0x1] =	stream.indirect.gather [spmem:s3], $0x20, s19, s21, $0xb8;
	[tilespmem:$0x1E120] =	vst v63  }
0x68: {  	_ = 	snop  }
0x69: {  	[tilespmem:s23], [sflag:$0x2] =	stream.indirect.gather [spmem:s3], $0x20, s21, s21, $0xb8;
	[tilespmem:$0x1E120] =	vst v63  }
0x6a: {  	s13 =	simm.s32 $0x100  }
0x6b: {  	[tilespmem:s25], [sflag:$0x3] =	stream.indirect.gather [spmem:s3], $0x20, s13, s21, $0xb8;
	[tilespmem:$0x1E120] =	vst v63  }
0x6c: {  	s15 =	simm.s32 $0x180  }
0x6d: {  	[tilespmem:s28], [sflag:$0x4] =	stream.indirect.gather [spmem:s3], $0x20, s15, s21, $0xb8;
	[tilespmem:$0x1E120] =	vst v63  }
0x6e: {  	s4 =	simm.s32 $0x0;
	s19 =	simm.s32 $0x200  }
0x6f: {  	[tilespmem:s30], [sflag:$0x5] =	stream.indirect.gather [spmem:s3], $0x20, s19, s21, $0xb8;
	[tilespmem:$0x1E120] =	vst v63  }
.LBB2_2:
0x70: {  	_ =	swait.ge [sflag:s17], $0x1000  }
0x71: {  	s10 =	sshra.s32 s4, $0x2;
	[sflag:s17] =	ssyncset.done $0x0  }
0x72: {  	p0 =	seq.s32 s4, $0x0;
	s11 =	sadd.s32 $0x5000, s10;
	[sflag:s17] =	ssyncadd.s32 $0xFFFFF000  }
0x73: {  	[spmem:s1] =	stream.indirect.scatter.add.f32 [tilespmem:s22], [sflag:$0xB], $0x20, s11, s21, $0xb8;
	[tilespmem:$0x1E120] =	vst v63  }
0x74: {  	s11 =	simm.s32 @!p0 $0x10  }
0x75: {  	_ =	swait.ge @!p0 [sflag:s11], $0x1000  }
0x76: {  	[sflag:s11] =	ssyncset.done @!p0 $0x0  }
0x77: {  	s19 =	sadd.s32 $0x280, s10;
	[sflag:s11] =	ssyncadd.s32 @!p0 $0xFFFFF000  }
0x78: {  	[tilespmem:s31], [sflag:$0x6] =	stream.indirect.gather [spmem:s3], $0x20, s19, s21, $0xb8;
	[tilespmem:$0x1E120] =	vst v63  }
0x79: {  	_ =	swait.ge [sflag:s0], $0x1000  }
0x7a: {  	[sflag:s0] =	ssyncset.done $0x0  }
0x7b: {  	s6 =	sadd.s32 $0x5080, s10;
	s11 =	simm.s32 @!p0 $0x11;
	[sflag:s0] =	ssyncadd.s32 $0xFFFFF000  }
0x7c: {  	[spmem:s1] =	stream.indirect.scatter.add.f32 [tilespmem:s23], [sflag:$0xC], $0x20, s6, s21, $0xb8;
	[tilespmem:$0x1E120] =	vst v63  }
0x7d: {  	_ =	swait.ge @!p0 [sflag:s11], $0x1000  }
0x7e: {  	[sflag:s11] =	ssyncset.done @!p0 $0x0  }
0x7f: {  	s12 =	sadd.s32 $0x300, s10;
	[sflag:s11] =	ssyncadd.s32 @!p0 $0xFFFFF000  }
0x80: {  	[tilespmem:s2], [sflag:$0x7] =	stream.indirect.gather [spmem:s3], $0x20, s12, s21, $0xb8;
	[tilespmem:$0x1E120] =	vst v63  }
0x81: {  	_ =	swait.ge [sflag:s20], $0x1000  }
0x82: {  	[sflag:s20] =	ssyncset.done $0x0  }
0x83: {  	s13 =	sadd.s32 $0x5100, s10;
	s11 =	simm.s32 @!p0 $0x12;
	[sflag:s20] =	ssyncadd.s32 $0xFFFFF000  }
0x84: {  	[spmem:s1] =	stream.indirect.scatter.add.f32 [tilespmem:s25], [sflag:$0xD], $0x20, s13, s21, $0xb8;
	[tilespmem:$0x1E120] =	vst v63  }
0x85: {  	_ =	swait.ge @!p0 [sflag:s11], $0x1000  }
0x86: {  	[sflag:s11] =	ssyncset.done @!p0 $0x0  }
0x87: {  	s15 =	sadd.s32 $0x380, s10;
	[sflag:s11] =	ssyncadd.s32 @!p0 $0xFFFFF000  }
0x88: {  	[tilespmem:s24], [sflag:$0x8] =	stream.indirect.gather [spmem:s3], $0x20, s15, s21, $0xb8;
	[tilespmem:$0x1E120] =	vst v63  }
0x89: {  	_ =	swait.ge [sflag:s18], $0x1000  }
0x8a: {  	[sflag:s18] =	ssyncset.done $0x0  }
0x8b: {  	s19 =	sadd.s32 $0x5180, s10;
	s11 =	simm.s32 @!p0 $0x13;
	[sflag:s18] =	ssyncadd.s32 $0xFFFFF000  }
0x8c: {  	[spmem:s1] =	stream.indirect.scatter.add.f32 [tilespmem:s28], [sflag:$0xE], $0x20, s19, s21, $0xb8;
	[tilespmem:$0x1E120] =	vst v63  }
0x8d: {  	_ =	swait.ge @!p0 [sflag:s11], $0x1000  }
0x8e: {  	[sflag:s11] =	ssyncset.done @!p0 $0x0  }
0x8f: {  	s6 =	sadd.s32 $0x400, s10;
	[sflag:s11] =	ssyncadd.s32 @!p0 $0xFFFFF000  }
0x90: {  	[tilespmem:s26], [sflag:$0x9] =	stream.indirect.gather [spmem:s3], $0x20, s6, s21, $0xb8;
	[tilespmem:$0x1E120] =	vst v63  }
0x91: {  	_ =	swait.ge [sflag:s29], $0x1000  }
0x92: {  	[sflag:s29] =	ssyncset.done $0x0  }
0x93: {  	s12 =	sadd.s32 $0x5200, s10;
	s11 =	simm.s32 @!p0 $0x14;
	[sflag:s29] =	ssyncadd.s32 $0xFFFFF000  }
0x94: {  	[spmem:s1] =	stream.indirect.scatter.add.f32 [tilespmem:s30], [sflag:$0xF], $0x20, s12, s21, $0xb8;
	[tilespmem:$0x1E120] =	vst v63  }
0x95: {  	_ =	swait.ge @!p0 [sflag:s11], $0x1000  }
0x96: {  	[sflag:s11] =	ssyncset.done @!p0 $0x0  }
0x97: {  	s13 =	sadd.s32 $0x480, s10;
	[sflag:s11] =	ssyncadd.s32 @!p0 $0xFFFFF000  }
0x98: {  	[tilespmem:s5], [sflag:$0xA] =	stream.indirect.gather [spmem:s3], $0x20, s13, s21, $0xb8;
	[tilespmem:$0x1E120] =	vst v63  }
0x99: {  	_ =	swait.ge [sflag:s7], $0x1000  }
0x9a: {  	p0 =	seq.s32 s4, $0x12C00;
	[sflag:s7] =	ssyncset.done $0x0  }
0x9b: {  	s15 =	sadd.s32 $0x5280, s10;
	s11 =	simm.s32 @p0 $0x7;
	[sflag:s7] =	ssyncadd.s32 $0xFFFFF000  }
0x9c: {  	[spmem:s1] =	stream.indirect.scatter.add.f32 [tilespmem:s31], [sflag:$0x10], $0x20, s15, s21, $0xb8;
	[tilespmem:$0x1E120] =	vst v63  }
0x9d: {  	_ =	swait.ge @p0 [sflag:s11], $0x1000  }
0x9e: {  	[sflag:s11] =	ssyncset.done @p0 $0x0  }
0x9f: {  	[sflag:s11] =	ssyncadd.s32 @p0 $0xFFFFF000;
	s11 =	sshra.s32 @p0 s4, $0x2  }
0xa0: {  	s13 =	simm.s32 @p0 $0x80;
	s19 =	simm.s32 @p0 $0x10000;
	s12 =	sadd.s32 @p0 $0x5300, s11  }
0xa1: {  	[spmem:s1] =	stream.indirect.scatter.add.f32 @p0 [tilespmem:s19], [sflag:$0x11], $0x20, s12, s13, $0xb8;
	[tilespmem:$0x1E120] =	vst v63  }
0xa2: {  	s12 =	simm.s32 @!p0 $0xB  }
0xa3: {  	_ =	swait.ge @!p0 [sflag:s12], $0x1000  }
0xa4: {  	[sflag:s12] =	ssyncset.done @!p0 $0x0  }
0xa5: {  	[sflag:s12] =	ssyncadd.s32 @!p0 $0xFFFFF000;
	s12 =	sshra.s32 @!p0 s4, $0x2  }
0xa6: {  	s6 =	simm.s32 @!p0 $0x80;
	s15 =	simm.s32 @!p0 $0xA000;
	s19 =	sadd.s32 @!p0 $0x500, s12  }
0xa7: {  	[tilespmem:s15], [sflag:$0x1] =	stream.indirect.gather @!p0 [spmem:s3], $0x20, s19, s6, $0xb8;
	[tilespmem:$0x1E120] =	vst v63  }
0xa8: {  	s15 =	simm.s32 @!p0 $0x7  }
0xa9: {  	_ =	swait.ge @!p0 [sflag:s15], $0x1000  }
0xaa: {  	[sflag:s15] =	ssyncset.done @!p0 $0x0  }
0xab: {  	s19 =	simm.s32 @!p0 $0x10000;
	[sflag:s15] =	ssyncadd.s32 @!p0 $0xFFFFF000;
	s15 =	sadd.s32 @!p0 $0x5300, s12  }
0xac: {  	[spmem:s1] =	stream.indirect.scatter.add.f32 @!p0 [tilespmem:s19], [sflag:$0x11], $0x20, s15, s6, $0xb8;
	[tilespmem:$0x1E120] =	vst v63  }
0xad: {  	s15 =	simm.s32 @!p0 $0xC  }
0xae: {  	_ =	swait.ge @!p0 [sflag:s15], $0x1000  }
0xaf: {  	[sflag:s15] =	ssyncset.done @!p0 $0x0  }
0xb0: {  	s19 =	simm.s32 @!p0 $0xB000;
	[sflag:s15] =	ssyncadd.s32 @!p0 $0xFFFFF000;
	s15 =	sadd.s32 @!p0 $0x580, s12  }
0xb1: {  	[tilespmem:s19], [sflag:$0x2] =	stream.indirect.gather @!p0 [spmem:s3], $0x20, s15, s6, $0xb8;
	[tilespmem:$0x1E120] =	vst v63  }
0xb2: {  	_ =	swait.ge [sflag:s8], $0x1000  }
0xb3: {  	[sflag:s8] =	ssyncset.done $0x0  }
0xb4: {  	s19 =	sadd.s32 $0x5380, s10;
	s15 =	simm.s32 @p0 $0x9;
	[sflag:s8] =	ssyncadd.s32 $0xFFFFF000  }
0xb5: {  	[spmem:s1] =	stream.indirect.scatter.add.f32 [tilespmem:s24], [sflag:$0x12], $0x20, s19, s21, $0xb8;
	[tilespmem:$0x1E120] =	vst v63  }
0xb6: {  	_ =	swait.ge @p0 [sflag:s15], $0x1000  }
0xb7: {  	[sflag:s15] =	ssyncset.done @p0 $0x0  }
0xb8: {  	s11 =	sadd.s32 @p0 $0x5400, s11;
	[sflag:s15] =	ssyncadd.s32 @p0 $0xFFFFF000;
	s15 =	simm.s32 @p0 $0x12000  }
0xb9: {  	[spmem:s1] =	stream.indirect.scatter.add.f32 @p0 [tilespmem:s15], [sflag:$0x13], $0x20, s11, s13, $0xb8;
	[tilespmem:$0x1E120] =	vst v63  }
0xba: {  	s11 =	simm.s32 @!p0 $0xD  }
0xbb: {  	_ =	swait.ge @!p0 [sflag:s11], $0x1000  }
0xbc: {  	[sflag:s11] =	ssyncset.done @!p0 $0x0  }
0xbd: {  	s13 =	simm.s32 @!p0 $0xC000;
	[sflag:s11] =	ssyncadd.s32 @!p0 $0xFFFFF000;
	s11 =	sadd.s32 @!p0 $0x600, s12  }
0xbe: {  	[tilespmem:s13], [sflag:$0x3] =	stream.indirect.gather @!p0 [spmem:s3], $0x20, s11, s6, $0xb8;
	[tilespmem:$0x1E120] =	vst v63  }
0xbf: {  	s11 =	simm.s32 @!p0 $0x9  }
0xc0: {  	_ =	swait.ge @!p0 [sflag:s11], $0x1000  }
0xc1: {  	[sflag:s11] =	ssyncset.done @!p0 $0x0  }
0xc2: {  	s13 =	simm.s32 @!p0 $0x12000;
	[sflag:s11] =	ssyncadd.s32 @!p0 $0xFFFFF000;
	s11 =	sadd.s32 @!p0 $0x5400, s12  }
0xc3: {  	[spmem:s1] =	stream.indirect.scatter.add.f32 @!p0 [tilespmem:s13], [sflag:$0x13], $0x20, s11, s6, $0xb8;
	[tilespmem:$0x1E120] =	vst v63  }
0xc4: {  	s11 =	simm.s32 @!p0 $0xE  }
0xc5: {  	_ =	swait.ge @!p0 [sflag:s11], $0x1000  }
0xc6: {  	[sflag:s11] =	ssyncset.done @!p0 $0x0  }
0xc7: {  	[sflag:s11] =	ssyncadd.s32 @!p0 $0xFFFFF000;
	s11 =	sadd.s32 @!p0 $0x680, s12;
	s12 =	simm.s32 @!p0 $0xD000  }
0xc8: {  	[tilespmem:s12], [sflag:$0x4] =	stream.indirect.gather @!p0 [spmem:s3], $0x20, s11, s6, $0xb8;
	[tilespmem:$0x1E120] =	vst v63  }
.Ltmp2:
0xc9: {  	_ = 	snop;
	(pc) =	sbr.rel @p0 .LBB2_4-.Ltmp2, $4  }
0xca: {  	_ =	swait.ge [sflag:s9], $0x1000  }
0xcb: {  	[sflag:s9] =	ssyncset.done $0x0  }
0xcc: {  	s19 =	sadd.s32 $0x5480, s10;
	[sflag:s9] =	ssyncadd.s32 $0xFFFFF000  }
0xcd: {  	[spmem:s1] =	stream.indirect.scatter.add.f32 [tilespmem:s5], [sflag:$0x14], $0x20, s19, s21, $0xb8;
	[tilespmem:$0x1E120] =	vst v63  }
.Ltmp3:
0xce: {  	(pc) =	sbr.rel .LBB2_2-.Ltmp3, $4  }
0xcf: {  	_ =	swait.ge [sflag:s16], $0x1000  }
0xd0: {  	[sflag:s16] =	ssyncset.done $0x0  }
0xd1: {  	s6 =	sadd.s32 $0x700, s10;
	s4 =	sadd.s32 $0x1400, s4;
	[sflag:s16] =	ssyncadd.s32 $0xFFFFF000  }
0xd2: {  	[tilespmem:s30], [sflag:$0x5] =	stream.indirect.gather [spmem:s3], $0x20, s6, s21, $0xb8;
	[tilespmem:$0x1E120] =	vst v63  }
.LBB2_5:
0xd3: {  	_ =	sfence.sel $0x180000  }
0xd4: {  	[bflag:$0x0] =	sbarrier.arrive $0xFFFF  }
0xd5: {  	_ =	strace $0x9000004A  }
0xd6: {  	s0 =	stileid.u32;
	[bflag:$0x2] =	sbarrier.arrive $0xFFFF  }
0xd7: {  	p0 =	sne.s32 s0, $0x0;
	s0 =	rddreg [dreg:$0x5]  }
0xd8: {  	s0 =	sadd.s32 @!p0 $0x100000, s0  }
0xd9: {  	[sflag:s0] =	ssyncadd.tile.s32 @!p0 $0x1;
	_ =	shalt  }
.Lfunc_end2:
_tile_overlayer_lowered:
.L_overlay_start_2:
0xda: {  	(tag) =	ssettag $0x2  }
0xdb: {  	s0 =	rddreg [dreg:$0x0];
	s2 =	stileid.u32  }
0xdc: {  	s1 =	rddreg [dreg:$0x1];
	p0 =	sne.s32 s2, $0x0  }
0xdd: {  	s3 =	rddreg [dreg:$0x2];
	[bflag:$0x3] =	sbarrier.arrive $0xFFFF;
	s2 =	simm.s32 @!p0 $0x1C15  }
0xde: {  	[timem:s3], [sflag:s2] =	dma.local @!p0 [hbm:s0], s1  }
0xdf: {  	s0 =	simm.s32 @!p0 $0x15  }
0xe0: {  	_ =	swait.ge @!p0 [sflag:s0], s1  }
0xe1: {  	s1 =	ssub.s32 @!p0 $0x0, s1;
	[sflag:s0] =	ssyncset.done @!p0 $0x0  }
0xe2: {  	[sflag:s0] =	ssyncadd.s32 @!p0 s1  }
0xe3: {  	[bflag:$0x3] =	sbarrier.arrive $0xFFFF  }
0xe4: {  	_ =	shalt  }

// kernel: kernel.8.cloned.1.call-start
scs
__scs_entry_jumppad:
0x0: {  	(pc) =	sbr.rel $0x88, $3  }
0x1: {  	(tag) =	ssettag $0x0;
	lr =	simm.s32 $0x1  }
0x2: {  	[smem:$0x3F97] =	sst lr;
	_ =	strace $0xD0000000  }
0x3: {  	_ = 	snop  }
0x4: {  	_ = 	snop  }
0x5: {  	_ = 	snop  }
0x6: {  	_ = 	snop  }
0x7: {  	_ = 	snop  }
__scs_overlays_trampoline_lowered:
0x8: {  	[smem:$0x3FA6] =	sst s0  }
0x9: {  	[smem:$0x3FA7] =	sst s1  }
0xa: {  	[smem:$0x3FA8] =	sst s2  }
0xb: {  	[smem:$0x3FA9] =	sst s3  }
0xc: {  	[smem:$0x3FAA] =	sst s4  }
0xd: {  	[smem:$0x3FAB] =	sst s5  }
0xe: {  	[smem:$0x3FAC] =	sst s6  }
0xf: {  	[smem:$0x3FAD] =	sst s7  }
0x10: {  	[smem:$0x3FAE] =	sst s8  }
0x11: {  	[smem:$0x3FAF] =	sst s9;
	s0 =	simm.s32 @!p0 $0x0  }
0x12: {  	s1 =	sld [smem:$0x3F95];
	s0 =	simm.s32 @p0 $0x1  }
0x13: {  	[smem:$0x3FB0] =	sst s0;
	s0 =	simm.s32 @!p1 $0x0  }
0x14: {  	s2 =	sld [smem:$0x3F94];
	s0 =	simm.s32 @p1 $0x1  }
0x15: {  	[smem:$0x3FB1] =	sst s0;
	s0 =	simm.s32 @!p2 $0x0  }
0x16: {  	s3 =	sld [smem:$0x3FDB];
	s0 =	simm.s32 @p2 $0x1  }
0x17: {  	s4 =	simm.s32 $0x1BF5;
	[smem:$0x3FB3] =	sst s0  }
0x18: {  	s0 =	sld [smem:$0x3F96];
	_ =	swait.ge [sflag:s4], $0x0  }
0x19: {  	s7 =	sld [smem:$0x3F97]  }
0x1a: {  	s8 =	sadd.s32 $0xFFFFE003, lr  }
0x1b: {  	s9 =	sadd.s32 $0xFFFFFEF7, lr;
	s5 =	simm.s32 $0xFFFFFFFF;
	p2 =	slt.u32 s8, $0xFFFFF086  }
0x1c: {  	p1 =	slt.u32 s9, $0xF7A;
	s5 =	simm.s32 @!p2 $0x0  }
0x1d: {  	s5 =	simm.s32 @p1 $0x1;
	p0 =	seq.s32 s7, s2  }
0x1e: {  	s7 =	smul.u32 @!p0 $0xF7A, s2;
	p2 =	seq.s32 @!p0 s5, $0x0  }
0x1f: {  	s9 =	smul.u32 $0xF7A, s1;
	s8 =	simm.s32 @!p0 $0x1BF5;
	p2 =	por !p2, p0  }
0x20: {  	[sflag:s8] =	ssyncset.s32 @!p0 $0xFFFFF086;
	s6 =	sadd.s32 @!p0 s3, s7;
	s7 =	simm.s32 @!p0 $0x108  }
0x21: {  	s3 =	sadd.s32 s3, s9;
	s6 =	sadd.s32 @!p0 $0x88, s6;
	s7 =	simm.s32 @p2 $0x1082  }
0x22: {  	[simem:s7], [sflag:s8] =	dma.local @!p0 [hbm:s6], $0xF7A  }
0x23: {  	s9 =	sor.u32 $0xD0000000, s2;
	s6 =	simm.s32 $0x108;
	_ =	swait.ge @!p0 [sflag:s8], $0x0  }
0x24: {  	s3 =	sadd.s32 $0x88, s3;
	s6 =	simm.s32 @!p1 $0x1082;
	[sflag:s4] =	ssyncset.s32 $0xFFFFF086  }
0x25: {  	[simem:s6], [sflag:s4] =	dma.local [hbm:s3], $0xF7A  }
0x26: {  	[smem:$0x3F97] =	sst s1;
	(tag) =	ssettag s2;
	_ =	strace s9  }
0x27: {  	s1 =	sld [smem:$0x3FA7]  }
0x28: {  	s2 =	sld [smem:$0x3FA8]  }
0x29: {  	s4 =	sld [smem:$0x3FAA]  }
0x2a: {  	p0 =	seq.s32 s5, $0x0;
	s5 =	sld [smem:$0x3FAB]  }
0x2b: {  	s6 =	sld [smem:$0x3FAC]  }
0x2c: {  	s7 =	sld [smem:$0x3FAD]  }
0x2d: {  	s3 =	simm.s32 $0x108;
	s8 =	sld [smem:$0x3FAE]  }
0x2e: {  	s3 =	simm.s32 @!p0 $0x1082;
	s9 =	sld [smem:$0x3FAF]  }
0x2f: {  	lr =	sadd.s32 s0, s3;
	s0 =	sld [smem:$0x3FA6]  }
0x30: {  	s3 =	sld [smem:$0x3FA9]  }
0x31: {  	[smem:$0x3FB2] =	sst s10  }
0x32: {  	s10 =	sld [smem:$0x3FB0];
	_ =	sdelay $0x3  }
0x33: {  	p0 =	seq.s32 s10, $0x1;
	s10 =	sld [smem:$0x3FB2];
	_ =	sdelay $0x3  }
0x34: {  	[smem:$0x3FB2] =	sst s10  }
0x35: {  	s10 =	sld [smem:$0x3FB1];
	_ =	sdelay $0x3  }
0x36: {  	p1 =	seq.s32 s10, $0x1;
	s10 =	sld [smem:$0x3FB2];
	_ =	sdelay $0x3  }
0x37: {  	[smem:$0x3FB2] =	sst s10  }
0x38: {  	s10 =	sld [smem:$0x3FB3]  }
0x39: {  	_ = 	snop;
	(pc) =	sbr.ind lr, $3  }
0x3a: {  	_ = 	snop  }
0x3b: {  	_ = 	snop  }
0x3c: {  	p2 =	seq.s32 s10, $0x1;
	s10 =	sld [smem:$0x3FB2]  }
0x3d: {  	_ =	shalt  }
0x3e: {  	_ =	shalt  }
0x3f: {  	_ =	shalt  }
0x40: {  	_ =	shalt  }
0x41: {  	_ =	shalt  }
0x42: {  	_ =	shalt  }
0x43: {  	_ =	shalt  }
0x44: {  	_ =	shalt  }
0x45: {  	_ =	shalt  }
0x46: {  	_ =	shalt  }
0x47: {  	_ =	shalt  }
0x48: {  	_ =	shalt  }
0x49: {  	_ =	shalt  }
0x4a: {  	_ =	shalt  }
0x4b: {  	_ =	shalt  }
0x4c: {  	_ =	shalt  }
0x4d: {  	_ =	shalt  }
0x4e: {  	_ =	shalt  }
0x4f: {  	_ =	shalt  }
0x50: {  	_ =	shalt  }
0x51: {  	_ =	shalt  }
0x52: {  	_ =	shalt  }
0x53: {  	_ =	shalt  }
0x54: {  	_ =	shalt  }
0x55: {  	_ =	shalt  }
0x56: {  	_ =	shalt  }
0x57: {  	_ =	shalt  }
0x58: {  	_ =	shalt  }
0x59: {  	_ =	shalt  }
0x5a: {  	_ =	shalt  }
0x5b: {  	_ =	shalt  }
0x5c: {  	_ =	shalt  }
0x5d: {  	_ =	shalt  }
0x5e: {  	_ =	shalt  }
0x5f: {  	_ =	shalt  }
0x60: {  	_ =	shalt  }
0x61: {  	_ =	shalt  }
0x62: {  	_ =	shalt  }
0x63: {  	_ =	shalt  }
0x64: {  	_ =	shalt  }
0x65: {  	_ =	shalt  }
0x66: {  	_ =	shalt  }
0x67: {  	_ =	shalt  }
0x68: {  	_ =	shalt  }
0x69: {  	_ =	shalt  }
0x6a: {  	_ =	shalt  }
0x6b: {  	_ =	shalt  }
0x6c: {  	_ =	shalt  }
0x6d: {  	_ =	shalt  }
0x6e: {  	_ =	shalt  }
0x6f: {  	_ =	shalt  }
0x70: {  	_ =	shalt  }
0x71: {  	_ =	shalt  }
0x72: {  	_ =	shalt  }
0x73: {  	_ =	shalt  }
0x74: {  	_ =	shalt  }
0x75: {  	_ =	shalt  }
0x76: {  	_ =	shalt  }
0x77: {  	_ =	shalt  }
0x78: {  	_ =	shalt  }
0x79: {  	_ =	shalt  }
0x7a: {  	_ =	shalt  }
0x7b: {  	_ =	shalt  }
0x7c: {  	_ =	shalt  }
0x7d: {  	_ =	shalt  }
0x7e: {  	_ =	shalt  }
0x7f: {  	_ =	shalt  }
0x80: {  	_ =	shalt  }
0x81: {  	_ =	shalt  }
0x82: {  	_ =	shalt  }
0x83: {  	_ =	shalt  }
0x84: {  	_ =	shalt  }
0x85: {  	_ =	shalt  }
0x86: {  	_ =	shalt  }
0x87: {  	_ =	shalt  }
.Lfunc_end0:
.L_simem_size_0:
called_computation_lowered:
.L_overlay_start_0:
0x88: {  	s2 =	sld [smem:$0x3FD9]  }
0x89: {  	s3 =	sld [smem:$0x3FFE];
	_ =	sdelay $0x1  }
0x8a: {  	s1 =	srdreg.scid  }
0x8b: {  	s0 =	sand.u32 $0x1, s1  }
0x8c: {  	s14 =	sshll.u32 s0, $0xA;
	s2 =	sadd.s32 s3, s2  }
0x8d: {  	s2 =	sadd.s32 s2, s14  }
0x8e: {  	[smem:$0x3FBE] =	sst s2  }
0x8f: {  	_ = 	snop  }
0x90: {  	s2 =	sld [smem:$0x3FD0];
	_ =	sdelay $0x2  }
0x91: {  	s15 =	simm.s32 $0xA;
	s4 =	simm.s32 $0x10  }
0x92: {  	[smem:s4], [sflag:s15] =	dma.local [hbm:s2], $0x1  }
0x93: {  	_ =	swait.eq [sflag:s15], $0x1  }
0x94: {  	[sflag:s15] =	ssyncset.done $0x0  }
0x95: {  	s16 =	sld [smem:$0x10];
	[sflag:s15] =	ssyncadd.s32 $0xFFFFFFFF  }
0x96: {  	s17 =	sld [smem:$0x11];
	(tm) =	ssettm $0x1  }
0x97: {  	s18 =	sld [smem:$0x3FFB];
	_ =	sdelay $0x3  }
0x98: {  	_ =	strace s18  }
0x99: {  	s4 =	sld [smem:$0x3FFC];
	_ =	sdelay $0x3  }
0x9a: {  	_ =	strace s4  }
0x9b: {  	s4 =	sld [smem:$0x3FFD];
	_ =	sdelay $0x3  }
0x9c: {  	_ =	strace s4  }
0x9d: {  	_ =	strace $0x8FFFFFFF  }
0x9e: {  	s19 =	sld [smem:$0x3FDB];
	_ =	sdelay $0x1  }
0x9f: {  	s5 =	simm.s32 $_scs_section_size  }
0xa0: {  	s6 =	simm.s32 $_size__tile_overlayer_lowered;
	s7 =	simm.s32 $_tile_overlayer_lowered  }
0xa1: {  	s22 =	simm.s32 $0x1BFF;
	s21 =	sshll.u32 s7, $0x1;
	s4 =	sadd.s32 s5, s19  }
0xa2: {  	s8 =	simm.s32 $0x0;
	s20 =	sshll.u32 s6, $0x1;
	s6 =	sadd.s32 s21, s4  }
0xa3: {  	[timem:s8], [sflag:s22] =	dma.local [hbm:s6], s20  }
0xa4: {  	_ =	swait.ge [sflag:s22], s20  }
0xa5: {  	s5 =	ssub.s32 $0x0, s20;
	[sflag:s22] =	ssyncset.done $0x0  }
0xa6: {  	[sflag:s22] =	ssyncadd.s32 s5;
	_ =	sdelay $0x1  }
0xa7: {  	s23 =	simm.s32 $0x1B8B  }
0xa8: {  	_ =	swait.ge [sflag:s23], $0x1  }
0xa9: {  	[sflag:s23] =	ssyncset.done $0x0  }
0xaa: {  	s25 =	simm.s32 $0x1B8E;
	s24 =	sld [smem:$0x3FFE];
	[sflag:s23] =	ssyncadd.s32 $0xFFFFFFFF  }
0xab: {  	s26 =	simm.s32 $execute0_lowered;
	[smem:$0x3FD2] =	sst s25  }
0xac: {  	s6 =	sshll.u32 s26, $0x1;
	_ =	strace $0x80000046;
	[dreg:$0x1] =	wrdreg $0xFFFFFFFF  }
0xad: {  	s28 =	simm.s32 $_size_execute0_lowered;
	s4 =	sadd.s32 s4, s6;
	[dreg:$0x0] =	wrdreg $0x0  }
0xae: {  	s6 =	sshll.u32 s28, $0x1;
	[dreg:$0x2] =	wrdreg s4  }
0xaf: {  	[dreg:$0x3] =	wrdreg s6  }
0xb0: {  	[dreg:$0x4] =	wrdreg $0xC0  }
0xb1: {  	_ =	task [dreg:s8], $0x5FFFF  }
0xb2: {  	[dreg:$0x1] =	wrdreg $0xFFFFFFFF  }
0xb3: {  	[dreg:$0x0] =	wrdreg $0x60  }
0xb4: {  	[dreg:$0x2] =	wrdreg s24  }
0xb5: {  	[dreg:$0x3] =	wrdreg s17  }
0xb6: {  	[dreg:$0x4] =	wrdreg s16  }
0xb7: {  	[dreg:$0x5] =	wrdreg $0x140800  }
0xb8: {  	[dreg:$0x6] =	wrdreg $0x190800  }
0xb9: {  	[dreg:$0x7] =	wrdreg $0x193000  }
0xba: {  	[dreg:$0x8] =	wrdreg $0x9  }
0xbb: {  	_ =	task.clear_ibuf [dreg:s8], $0x9FFFF;
	_ =	strace $0x90000046  }
0xbc: {  	s29 =	simm.s32 $0x9;
	_ =	strace $0x80000048  }
0xbd: {  	_ =	swait.ge [sflag:s29], $0x1  }
0xbe: {  	[sflag:s29] =	ssyncadd.s32 $0xFFFFFFFF  }
0xbf: {  	_ =	strace $0x90000048  }
0xc0: {  	_ =	sfence  }
0xc1: {  	s30 =	sld [smem:$0x0];
	_ =	sdelay $0x2  }
0xc2: {  	s31 =	sshll.u32 s1, $0xD;
	s1 =	sshrl.u32 s1, $0x2  }
0xc3: {  	s3 =	sand.u32 $0x4000, s31;
	s1 =	sadd.s32 s1, s30  }
0xc4: {  	s0 =	sor.u32 s3, s0;
	s1 =	sshll.u32 s1, $0x11  }
0xc5: {  	s0 =	sor.u32 s1, s0  }
0xc6: {  	s0 =	sadd.s32 $0x8F2B, s0  }
0xc7: {  	[sflag:s0] =	ssyncadd.remote.s32 $0x1  }
0xc8: {  	_ =	sfence.sel $0xFFFF  }
0xc9: {  	[dreg:$0x0] =	wrdreg $0xFFFFFFFF;
	(pc) =	sbr.abs _section_cstart, $3  }
0xca: {  	[dreg:$0x1] =	wrdreg $0xFFFFFFFF  }
0xcb: {  	_ =	task.clear_ibuf [dreg:s8], $0x2FFFF;
	_ =	strace $0x9FFFFFFF  }
0xcc: {  	(tm) =	ssettm $0x7FFFFFFF  }
0xcd: {  	_ =	shalt  }
tec
execute0_lowered:
.L_overlay_start_1:
0x0: {  	(tag) =	ssettag $0x1  }
0x1: {  	s0 =	rddreg [dreg:$0x0]  }
0x2: {  	s2 =	rddreg [dreg:$0x1]  }
0x3: {  	s5 =	rddreg [dreg:$0x2]  }
0x4: {  	s1 =	rddreg [dreg:$0x3];
	s16 =	stileid.u32  }
0x5: {  	s3 =	rddreg [dreg:$0x4];
	s30 =	smul.u32 $0x5000, s16  }
0x6: {  	s4 =	rddreg [dreg:$0x5];
	s6 =	simm.s32 $0x0;
	s7 =	smul.u32 $0xA00, s16  }
0x7: {  	s8 =	srdreg.scid;
	s29 =	simm.s32 $0x3;
	s10 =	smul.u32 $0x280, s16  }
0x8: {  	s31 =	simm.s32 $0x11000;
	[smem:$0x7FF] =	sst s6;
	s18 =	smul.u32 $0x13880, s16  }
0x9: {  	s8 =	sand.u32 $0x1, s8;
	s17 =	sshll.u32 s16, $0x6;
	s22 =	smul.u32 $0x2710, s16  }
0xa: {  	s23 =	smul.u32 $0x2800, s16;
	_ =	strace $0x80000047;
	s12 =	ssub.s32 $0x2, s8  }
0xb: {  	s14 =	sshll.u32 s8, $0x2;
	s17 =	sor.u32 $0x1C15, s17;
	s19 =	smul.u32 $0x2800, s8  }
0xc: {  	p0 =	seq.s32 s8, $0x0;
	s8 =	simm.s32 $0x5;
	s9 =	sshrl.u32 s30, $0x3  }
0xd: {  	s11 =	sadd.s32 s7, s0;
	s13 =	sshrl.u32 s10, $0x3;
	s15 =	sshrl.u32 s12, $0x1  }
0xe: {  	s6 =	sadd.s32 s30, s1;
	s20 =	sadd.s32 s10, s3;
	s21 =	sshrl.u32 s18, $0x2  }
0xf: {  	s2 =	sadd.s32 s2, s7;
	s18 =	simm.s32 $0xF;
	[dreg:$0x8] =	wrdreg s17  }
0x10: {  	s9 =	sadd.s32 s9, s0;
	s13 =	sadd.s32 s13, s0;
	s0 =	sadd.s32 s14, s0  }
0x11: {  	s12 =	ssub.s32 s12, s15;
	[dreg:$0xa] =	wrdreg s2;
	s25 =	sadd.s32 $0x3800, s11  }
0x12: {  	s7 =	sshrl.u32 s6, $0x3;
	s15 =	simm.s32 $0x15;
	s16 =	sshrl.u32 s20, $0x3  }
0x13: {  	s20 =	simm.s32 $0x4;
	s2 =	simm.s32 $0xF000;
	s6 =	simm.s32 $0x12000  }
0x14: {  	s11 =	simm.s32 $0x7;
	s14 =	simm.s32 $0xA;
	[dreg:$0xb] =	wrdreg s25  }
0x15: {  	s9 =	sadd.s32 $0x35000, s9;
	s13 =	sadd.s32 $0x34A00, s13;
	[dreg:$0x10] =	wrdreg s7  }
0x16: {  	s26 =	sadd.s32 s22, s0;
	s28 =	smax.u32 s12, $0x1;
	[dreg:$0x11] =	wrdreg s16  }
0x17: {  	s0 =	sadd.s32 s23, s0;
	s23 =	simm.s32 $0x80;
	[dreg:$0x7] =	wrdreg s9  }
0x18: {  	s22 =	simm.s32 $0x2;
	s12 =	simm.s32 $0x8;
	[dreg:$0x9] =	wrdreg s13  }
0x19: {  	s13 =	sadd.s32 s21, s4;
	s9 =	sadd.s32 s10, s19;
	[dreg:$0xd] =	wrdreg s28  }
0x1a: {  	s0 =	sadd.s32 $0x3F000, s0;
	s19 =	simm.s32 $0x1;
	s21 =	simm.s32 $0x10  }
.Ltmp0:
0x1b: {  	s10 =	simm.s32 $0x6;
	s24 =	sshrl.u32 s9, $0x3;
	(pc) =	sbr.rel .LBB2_1-.Ltmp0, $4  }
0x1c: {  	[dreg:$0xf] =	wrdreg s0;
	s30 =	sshrl.u32 s13, $0x3;
	s0 =	simm.s32 $0xE000  }
0x1d: {  	s9 =	simm.s32 $0x13000;
	s5 =	sadd.s32 s5, s24;
	[dreg:$0x12] =	wrdreg s30  }
0x1e: {  	s13 =	simm.s32 $0x9;
	[dreg:$0xc] =	wrdreg s5;
	s5 =	sadd.s32 $0xD800, s26  }
0x1f: {  	v0 =	vimm.f32 $1.000000000e+00;
	s24 =	simm.s32 $0x0;
	s26 =	simm.s32 $0x10000;
	[dreg:$0xe] =	wrdreg s5  }
.LBB2_4:
0x20: {  	s5 =	simm.s32 $0xB  }
0x21: {  	_ =	swait.ge [sflag:s5], $0x1000  }
0x22: {  	[sflag:s5] =	ssyncset.done $0x0  }
0x23: {  	s28 =	simm.s32 $0xC;
	[sflag:s5] =	ssyncadd.s32 $0xFFFFF000  }
0x24: {  	_ =	swait.ge [sflag:s28], $0x1000  }
0x25: {  	[sflag:s28] =	ssyncset.done $0x0  }
0x26: {  	s30 =	simm.s32 $0xD;
	[sflag:s28] =	ssyncadd.s32 $0xFFFFF000  }
0x27: {  	_ =	swait.ge [sflag:s30], $0x1000  }
0x28: {  	[sflag:s30] =	ssyncset.done $0x0  }
0x29: {  	s7 =	simm.s32 $0xE;
	[sflag:s30] =	ssyncadd.s32 $0xFFFFF000  }
0x2a: {  	_ =	swait.ge [sflag:s7], $0x1000  }
0x2b: {  	[sflag:s7] =	ssyncset.done $0x0  }
0x2c: {  	[sflag:s7] =	ssyncadd.s32 $0xFFFFF000  }
0x2d: {  	_ =	swait.ge [sflag:s18], $0x1000  }
0x2e: {  	[sflag:s18] =	ssyncset.done $0x0  }
0x2f: {  	s21 =	simm.s32 $0x10;
	[sflag:s18] =	ssyncadd.s32 $0xFFFFF000  }
0x30: {  	_ =	swait.ge [sflag:s21], $0x1000  }
0x31: {  	[sflag:s21] =	ssyncset.done $0x0  }
0x32: {  	s15 =	simm.s32 $0x11;
	[sflag:s21] =	ssyncadd.s32 $0xFFFFF000  }
0x33: {  	_ =	swait.ge [sflag:s15], $0x1000  }
0x34: {  	[sflag:s15] =	ssyncset.done $0x0  }
0x35: {  	s16 =	simm.s32 $0x12;
	[sflag:s15] =	ssyncadd.s32 $0xFFFFF000  }
0x36: {  	_ =	swait.ge [sflag:s16], $0x1000  }
0x37: {  	[sflag:s16] =	ssyncset.done $0x0  }
0x38: {  	s17 =	simm.s32 $0x13;
	[sflag:s16] =	ssyncadd.s32 $0xFFFFF000  }
0x39: {  	_ =	swait.ge [sflag:s17], $0x1000  }
0x3a: {  	[sflag:s17] =	ssyncset.done $0x0  }
0x3b: {  	s24 =	simm.s32 $0x14;
	[sflag:s17] =	ssyncadd.s32 $0xFFFFF000  }
0x3c: {  	_ =	swait.ge [sflag:s24], $0x1000  }
0x3d: {  	[sflag:s24] =	ssyncset.done $0x0  }
0x3e: {  	[sflag:s24] =	ssyncadd.s32 $0xFFFFF000  }
0x3f: {  	[bflag:$0x0] =	sbarrier.arrive $0xFFFF  }
0x40: {  	s17 =	rddreg [dreg:$0x8]  }
0x41: {  	s25 =	rddreg [dreg:$0xf]  }
0x42: {  	s15 =	simm.s32 $0x15;
	s7 =	rddreg [dreg:$0x10]  }
0x43: {  	[hbm:s25@s21], [sflag:s17] =	dma.strided [spmem:s7@s20], $0xA00, s19, $0x4   }
0x44: {  	_ =	swait.ge [sflag:s15], $0xA00  }
0x45: {  	[sflag:s15] =	ssyncset.done $0x0;
	s28 =	rddreg [dreg:$0xc]  }
0x46: {  	s16 =	rddreg [dreg:$0x11];
	[sflag:s15] =	ssyncadd.s32 $0xFFFFF600  }
0x47: {  	[hbm:s28], [sflag:s17] =	dma.local [spmem:s16], $0x50  }
0x48: {  	_ =	swait.ge [sflag:s15], $0x50  }
0x49: {  	s24 =	rddreg [dreg:$0x13]  }
0x4a: {  	s30 =	rddreg [dreg:$0xd];
	s24 =	sadd.s32 $0x1, s24  }
0x4b: {  	p1 =	sne.s32 s24, s30  }
.Ltmp1:
0x4c: {  	_ = 	snop;
	(pc) =	sbr.rel @!p1 .LBB2_5-.Ltmp1, $3  }
0x4d: {  	_ =	sdelay $0x1  }
0x4e: {  	[sflag:s15] =	ssyncset.done $0x0  }
0x4f: {  	[sflag:s15] =	ssyncadd.s32 $0xFFFFFFB0  }
.LBB2_1:
0x50: {  	[tilespmem:$0x14000] =	vst v0  }
0x51: {  	[tilespmem:$0x14010] =	vst v0  }
0x52: {  	[tilespmem:$0x14020] =	vst v0  }
0x53: {  	[tilespmem:$0x14030] =	vst v0  }
0x54: {  	[tilespmem:$0x14040] =	vst v0  }
0x55: {  	[tilespmem:$0x14050] =	vst v0  }
0x56: {  	[dreg:$0x13] =	wrdreg s24;
	[tilespmem:$0x14060] =	vst v0  }
0x57: {  	[tilespmem:$0x14070] =	vst v0;
	s5 =	rddreg [dreg:$0x7]  }
0x58: {  	[spmem:s7], [sflag:s17] =	dma.local [hbm:s5], $0xA00  }
0x59: {  	_ =	swait.ge [sflag:s15], $0xA00  }
0x5a: {  	[sflag:s15] =	ssyncset.done $0x0  }
0x5b: {  	s30 =	rddreg [dreg:$0x9];
	[sflag:s15] =	ssyncadd.s32 $0xFFFFF600  }
0x5c: {  	[spmem:s16], [sflag:s17] =	dma.local [hbm:s30], $0x50  }
0x5d: {  	_ =	swait.ge [sflag:s15], $0x50  }
0x5e: {  	[sflag:s15] =	ssyncset.done $0x0;
	s7 =	rddreg [dreg:$0xe]  }
0x5f: {  	s16 =	rddreg [dreg:$0x12];
	[sflag:s15] =	ssyncadd.s32 $0xFFFFFFB0  }
0x60: {  	[spmem:s16@s20], [sflag:s17] =	dma.strided [hbm:s7@s21], $0x9C4, s19, $0x4   }
0x61: {  	_ =	swait.ge [sflag:s15], $0x9C4  }
0x62: {  	[sflag:s15] =	ssyncset.done $0x0  }
0x63: {  	s24 =	simm.s32 $0x0;
	s25 =	rddreg [dreg:$0xa];
	[sflag:s15] =	ssyncadd.s32 $0xFFFFF63C  }
0x64: {  	[tilespmem:s24], [sflag:$0x15] =	stream.linear.gather [hbm4b:s25+s24], $0x5000, $0x38;
	[tilespmem:$0x1E120] =	vst v63  }
0x65: {  	_ =	swait.ge [sflag:s15], $0x5000  }
0x66: {  	[sflag:s15] =	ssyncset.done $0x0  }
0x67: {  	s30 =	simm.s32 $0x5000;
	s28 =	rddreg [dreg:$0xb];
	[sflag:s15] =	ssyncadd.s32 $0xFFFFB000  }
0x68: {  	[tilespmem:s30], [sflag:$0x15] =	stream.linear.gather [hbm4b:s28+s24], $0x5000, $0x38;
	[tilespmem:$0x1E120] =	vst v63  }
0x69: {  	_ =	swait.ge [sflag:s15], $0x5000  }
0x6a: {  	[sflag:s15] =	ssyncset.done $0x0  }
0x6b: {  	[sflag:s15] =	ssyncadd.s32 $0xFFFFB000  }
0x6c: {  	s16 =	simm.s32 $0xA000;
	[bflag:$0x0] =	sbarrier.arrive $0xFFFF  }
0x6d: {  	[tilespmem:s16], [sflag:$0x1] =	stream.indirect.gather [spmem:s4], $0x20, s24, s23, $0xb8;
	[tilespmem:$0x1E120] =	vst v63  }
0x6e: {  	s17 =	simm.s32 $0xB000  }
0x6f: {  	[tilespmem:s17], [sflag:$0x2] =	stream.indirect.gather [spmem:s4], $0x20, s23, s23, $0xb8;
	[tilespmem:$0x1E120] =	vst v63  }
0x70: {  	s21 =	simm.s32 $0x100;
	s24 =	simm.s32 $0xC000  }
0x71: {  	[tilespmem:s24], [sflag:$0x3] =	stream.indirect.gather [spmem:s4], $0x20, s21, s23, $0xb8;
	[tilespmem:$0x1E120] =	vst v63  }
0x72: {  	s25 =	simm.s32 $0x180;
	s28 =	simm.s32 $0xD000  }
0x73: {  	[tilespmem:s28], [sflag:$0x4] =	stream.indirect.gather [spmem:s4], $0x20, s25, s23, $0xb8;
	[tilespmem:$0x1E120] =	vst v63  }
0x74: {  	s30 =	simm.s32 $0x200;
	s15 =	simm.s32 $0x0;
	s17 =	simm.s32 $0x0  }
0x75: {  	[tilespmem:s0], [sflag:$0x5] =	stream.indirect.gather [spmem:s4], $0x20, s30, s23, $0xb8;
	[tilespmem:$0x1E120] =	vst v63  }
.LBB2_2:
0x76: {  	_ =	swait.ge [sflag:s19], $0x1000  }
0x77: {  	s21 =	sshra.s32 s15, $0x2;
	[sflag:s19] =	ssyncset.done $0x0  }
0x78: {  	s7 =	simm.s32 $0xA000;
	s5 =	sadd.s32 $0x5000, s21;
	[sflag:s19] =	ssyncadd.s32 $0xFFFFF000  }
0x79: {  	[spmem:s1] =	stream.indirect.scatter.add.f32 [tilespmem:s7], [sflag:$0xB], $0x20, s5, s23, $0xb8;
	[tilespmem:$0x1E120] =	vst v63  }
0x7a: {  	p3 =	sgt.u32 s17, $0x7;
	s16 =	simm.s32 $0x1;
	s7 =	simm.s32 $0x1  }
0x7b: {  	s16 =	simm.s32 @!p0 $0x0;
	s7 =	simm.s32 @!p3 $0x0  }
0x7c: {  	p1 =	seq.s32 s16, s7  }
0x7d: {  	s7 =	simm.s32 @!p1 $0x80;
	s16 =	simm.s32 @!p1 $0x14000  }
0x7e: {  	[spmem:s3] =	stream.indirect.scatter.add.f32 @!p1 [tilespmem:s16], [sflag:$0x15], $0x1, s5, s7, $0xb8;
	[tilespmem:$0x1E120] =	vst v63  }
0x7f: {  	s5 =	simm.s32 @!p1 $0x15  }
0x80: {  	_ =	swait.ge @!p1 [sflag:s5], $0x80  }
0x81: {  	p2 =	seq.s32 s15, $0x0;
	[sflag:s5] =	ssyncset.done @!p1 $0x0  }
0x82: {  	[sflag:s5] =	ssyncadd.s32 @!p1 $0xFFFFFF80;
	s5 =	simm.s32 @!p2 $0x10  }
0x83: {  	_ =	swait.ge @!p2 [sflag:s5], $0x1000  }
0x84: {  	[sflag:s5] =	ssyncset.done @!p2 $0x0  }
0x85: {  	s16 =	sadd.s32 $0x280, s21;
	[sflag:s5] =	ssyncadd.s32 @!p2 $0xFFFFF000  }
0x86: {  	[tilespmem:s2], [sflag:$0x6] =	stream.indirect.gather [spmem:s4], $0x20, s16, s23, $0xb8;
	[tilespmem:$0x1E120] =	vst v63  }
0x87: {  	_ =	swait.ge [sflag:s22], $0x1000  }
0x88: {  	s24 =	simm.s32 $0xB000;
	p1 =	por !p3, !p3;
	[sflag:s22] =	ssyncset.done $0x0  }
0x89: {  	p1 =	por @!p0 p3, p3;
	s5 =	sadd.s32 $0x5080, s21;
	[sflag:s22] =	ssyncadd.s32 $0xFFFFF000  }
0x8a: {  	[spmem:s1] =	stream.indirect.scatter.add.f32 [tilespmem:s24], [sflag:$0xC], $0x20, s5, s23, $0xb8;
	[tilespmem:$0x1E120] =	vst v63  }
0x8b: {  	s7 =	simm.s32 @p1 $0x80;
	s16 =	simm.s32 @p1 $0x14000  }
0x8c: {  	[spmem:s3] =	stream.indirect.scatter.add.f32 @p1 [tilespmem:s16], [sflag:$0x15], $0x1, s5, s7, $0xb8;
	[tilespmem:$0x1E120] =	vst v63  }
0x8d: {  	s5 =	simm.s32 @p1 $0x15  }
0x8e: {  	_ =	swait.ge @p1 [sflag:s5], $0x80  }
0x8f: {  	[sflag:s5] =	ssyncset.done @p1 $0x0  }
0x90: {  	s24 =	simm.s32 @!p2 $0x11;
	[sflag:s5] =	ssyncadd.s32 @p1 $0xFFFFFF80  }
0x91: {  	_ =	swait.ge @!p2 [sflag:s24], $0x1000  }
0x92: {  	[sflag:s24] =	ssyncset.done @!p2 $0x0  }
0x93: {  	s25 =	sadd.s32 $0x300, s21;
	[sflag:s24] =	ssyncadd.s32 @!p2 $0xFFFFF000  }
0x94: {  	[tilespmem:s26], [sflag:$0x7] =	stream.indirect.gather [spmem:s4], $0x20, s25, s23, $0xb8;
	[tilespmem:$0x1E120] =	vst v63  }
0x95: {  	_ =	swait.ge [sflag:s29], $0x1000  }
0x96: {  	[sflag:s29] =	ssyncset.done $0x0  }
0x97: {  	s24 =	sadd.s32 $0x5100, s21;
	s25 =	simm.s32 $0xC000;
	[sflag:s29] =	ssyncadd.s32 $0xFFFFF000  }
0x98: {  	[spmem:s1] =	stream.indirect.scatter.add.f32 [tilespmem:s25], [sflag:$0xD], $0x20, s24, s23, $0xb8;
	[tilespmem:$0x1E120] =	vst v63  }
0x99: {  	_ = 	snop  }
0x9a: {  	[spmem:s3] =	stream.indirect.scatter.add.f32 @p1 [tilespmem:s16], [sflag:$0x15], $0x1, s24, s7, $0xb8;
	[tilespmem:$0x1E120] =	vst v63  }
0x9b: {  	_ =	swait.ge @p1 [sflag:s5], $0x80  }
0x9c: {  	[sflag:s5] =	ssyncset.done @p1 $0x0  }
0x9d: {  	s24 =	simm.s32 @!p2 $0x12;
	[sflag:s5] =	ssyncadd.s32 @p1 $0xFFFFFF80  }
0x9e: {  	_ =	swait.ge @!p2 [sflag:s24], $0x1000  }
0x9f: {  	[sflag:s24] =	ssyncset.done @!p2 $0x0  }
0xa0: {  	s28 =	sadd.s32 $0x380, s21;
	[sflag:s24] =	ssyncadd.s32 @!p2 $0xFFFFF000  }
0xa1: {  	[tilespmem:s31], [sflag:$0x8] =	stream.indirect.gather [spmem:s4], $0x20, s28, s23, $0xb8;
	[tilespmem:$0x1E120] =	vst v63  }
0xa2: {  	_ =	swait.ge [sflag:s20], $0x1000  }
0xa3: {  	[sflag:s20] =	ssyncset.done $0x0  }
0xa4: {  	s30 =	simm.s32 $0xD000;
	s24 =	sadd.s32 $0x5180, s21;
	[sflag:s20] =	ssyncadd.s32 $0xFFFFF000  }
0xa5: {  	[spmem:s1] =	stream.indirect.scatter.add.f32 [tilespmem:s30], [sflag:$0xE], $0x20, s24, s23, $0xb8;
	[tilespmem:$0x1E120] =	vst v63  }
0xa6: {  	_ = 	snop  }
0xa7: {  	[spmem:s3] =	stream.indirect.scatter.add.f32 @p1 [tilespmem:s16], [sflag:$0x15], $0x1, s24, s7, $0xb8;
	[tilespmem:$0x1E120] =	vst v63  }
0xa8: {  	_ =	swait.ge @p1 [sflag:s5], $0x80  }
0xa9: {  	[sflag:s5] =	ssyncset.done @p1 $0x0  }
0xaa: {  	s24 =	simm.s32 @!p2 $0x13;
	[sflag:s5] =	ssyncadd.s32 @p1 $0xFFFFFF80  }
0xab: {  	_ =	swait.ge @!p2 [sflag:s24], $0x1000  }
0xac: {  	[sflag:s24] =	ssyncset.done @!p2 $0x0  }
0xad: {  	s28 =	sadd.s32 $0x400, s21;
	[sflag:s24] =	ssyncadd.s32 @!p2 $0xFFFFF000  }
0xae: {  	[tilespmem:s6], [sflag:$0x9] =	stream.indirect.gather [spmem:s4], $0x20, s28, s23, $0xb8;
	[tilespmem:$0x1E120] =	vst v63  }
0xaf: {  	_ =	swait.ge [sflag:s8], $0x1000  }
0xb0: {  	[sflag:s8] =	ssyncset.done $0x0  }
0xb1: {  	s24 =	sadd.s32 $0x5200, s21;
	[sflag:s8] =	ssyncadd.s32 $0xFFFFF000  }
0xb2: {  	[spmem:s1] =	stream.indirect.scatter.add.f32 [tilespmem:s0], [sflag:$0xF], $0x20, s24, s23, $0xb8;
	[tilespmem:$0x1E120] =	vst v63  }
0xb3: {  	_ = 	snop  }
0xb4: {  	[spmem:s3] =	stream.indirect.scatter.add.f32 @p1 [tilespmem:s16], [sflag:$0x15], $0x1, s24, s7, $0xb8;
	[tilespmem:$0x1E120] =	vst v63  }
0xb5: {  	_ =	swait.ge @p1 [sflag:s5], $0x80  }
0xb6: {  	[sflag:s5] =	ssyncset.done @p1 $0x0  }
0xb7: {  	s24 =	simm.s32 @!p2 $0x14;
	[sflag:s5] =	ssyncadd.s32 @p1 $0xFFFFFF80  }
0xb8: {  	_ =	swait.ge @!p2 [sflag:s24], $0x1000  }
0xb9: {  	[sflag:s24] =	ssyncset.done @!p2 $0x0  }
0xba: {  	s30 =	sadd.s32 $0x480, s21;
	[sflag:s24] =	ssyncadd.s32 @!p2 $0xFFFFF000  }
0xbb: {  	[tilespmem:s9], [sflag:$0xA] =	stream.indirect.gather [spmem:s4], $0x20, s30, s23, $0xb8;
	[tilespmem:$0x1E120] =	vst v63  }
0xbc: {  	_ =	swait.ge [sflag:s10], $0x1000  }
0xbd: {  	[sflag:s10] =	ssyncset.done $0x0  }
0xbe: {  	s24 =	sadd.s32 $0x5280, s21;
	[sflag:s10] =	ssyncadd.s32 $0xFFFFF000  }
0xbf: {  	[spmem:s1] =	stream.indirect.scatter.add.f32 [tilespmem:s2], [sflag:$0x10], $0x20, s24, s23, $0xb8;
	[tilespmem:$0x1E120] =	vst v63  }
0xc0: {  	_ = 	snop  }
0xc1: {  	[spmem:s3] =	stream.indirect.scatter.add.f32 @p1 [tilespmem:s16], [sflag:$0x15], $0x1, s24, s7, $0xb8;
	[tilespmem:$0x1E120] =	vst v63  }
0xc2: {  	_ =	swait.ge @p1 [sflag:s5], $0x80  }
0xc3: {  	p2 =	seq.s32 s15, $0x12C00;
	[sflag:s5] =	ssyncset.done @p1 $0x0  }
0xc4: {  	s24 =	simm.s32 @!p2 $0xB;
	[sflag:s5] =	ssyncadd.s32 @p1 $0xFFFFFF80  }
0xc5: {  	_ =	swait.ge @!p2 [sflag:s24], $0x1000  }
0xc6: {  	[sflag:s24] =	ssyncset.done @!p2 $0x0  }
0xc7: {  	[sflag:s24] =	ssyncadd.s32 @!p2 $0xFFFFF000;
	s24 =	sshra.s32 @!p2 s15, $0x2  }
0xc8: {  	s28 =	simm.s32 @!p2 $0x80;
	s30 =	simm.s32 @!p2 $0xA000;
	s25 =	sadd.s32 @!p2 $0x500, s24  }
0xc9: {  	[tilespmem:s30], [sflag:$0x1] =	stream.indirect.gather @!p2 [spmem:s4], $0x20, s25, s28, $0xb8;
	[tilespmem:$0x1E120] =	vst v63  }
0xca: {  	_ =	swait.ge [sflag:s11], $0x1000  }
0xcb: {  	[sflag:s11] =	ssyncset.done $0x0  }
0xcc: {  	s25 =	sadd.s32 $0x5300, s21;
	[sflag:s11] =	ssyncadd.s32 $0xFFFFF000  }
0xcd: {  	[spmem:s1] =	stream.indirect.scatter.add.f32 [tilespmem:s26], [sflag:$0x11], $0x20, s25, s23, $0xb8;
	[tilespmem:$0x1E120] =	vst v63  }
0xce: {  	_ = 	snop  }
0xcf: {  	[spmem:s3] =	stream.indirect.scatter.add.f32 @p1 [tilespmem:s16], [sflag:$0x15], $0x1, s25, s7, $0xb8;
	[tilespmem:$0x1E120] =	vst v63  }
0xd0: {  	_ =	swait.ge @p1 [sflag:s5], $0x80  }
0xd1: {  	[sflag:s5] =	ssyncset.done @p1 $0x0  }
0xd2: {  	s25 =	simm.s32 @!p2 $0xC;
	[sflag:s5] =	ssyncadd.s32 @p1 $0xFFFFFF80  }
0xd3: {  	_ =	swait.ge @!p2 [sflag:s25], $0x1000  }
0xd4: {  	[sflag:s25] =	ssyncset.done @!p2 $0x0  }
0xd5: {  	s30 =	simm.s32 @!p2 $0xB000;
	[sflag:s25] =	ssyncadd.s32 @!p2 $0xFFFFF000;
	s25 =	sadd.s32 @!p2 $0x580, s24  }
0xd6: {  	[tilespmem:s30], [sflag:$0x2] =	stream.indirect.gather @!p2 [spmem:s4], $0x20, s25, s28, $0xb8;
	[tilespmem:$0x1E120] =	vst v63  }
0xd7: {  	_ =	swait.ge [sflag:s12], $0x1000  }
0xd8: {  	[sflag:s12] =	ssyncset.done $0x0  }
0xd9: {  	s25 =	sadd.s32 $0x5380, s21;
	[sflag:s12] =	ssyncadd.s32 $0xFFFFF000  }
0xda: {  	[spmem:s1] =	stream.indirect.scatter.add.f32 [tilespmem:s31], [sflag:$0x12], $0x20, s25, s23, $0xb8;
	[tilespmem:$0x1E120] =	vst v63  }
0xdb: {  	_ = 	snop  }
0xdc: {  	[spmem:s3] =	stream.indirect.scatter.add.f32 @p1 [tilespmem:s16], [sflag:$0x15], $0x1, s25, s7, $0xb8;
	[tilespmem:$0x1E120] =	vst v63  }
0xdd: {  	_ =	swait.ge @p1 [sflag:s5], $0x80  }
0xde: {  	[sflag:s5] =	ssyncset.done @p1 $0x0  }
0xdf: {  	s25 =	simm.s32 @!p2 $0xD;
	[sflag:s5] =	ssyncadd.s32 @p1 $0xFFFFFF80  }
0xe0: {  	_ =	swait.ge @!p2 [sflag:s25], $0x1000  }
0xe1: {  	[sflag:s25] =	ssyncset.done @!p2 $0x0  }
0xe2: {  	s30 =	simm.s32 @!p2 $0xC000;
	[sflag:s25] =	ssyncadd.s32 @!p2 $0xFFFFF000;
	s25 =	sadd.s32 @!p2 $0x600, s24  }
0xe3: {  	[tilespmem:s30], [sflag:$0x3] =	stream.indirect.gather @!p2 [spmem:s4], $0x20, s25, s28, $0xb8;
	[tilespmem:$0x1E120] =	vst v63  }
0xe4: {  	_ =	swait.ge [sflag:s13], $0x1000  }
0xe5: {  	[sflag:s13] =	ssyncset.done $0x0  }
0xe6: {  	s25 =	sadd.s32 $0x5400, s21;
	[sflag:s13] =	ssyncadd.s32 $0xFFFFF000  }
0xe7: {  	[spmem:s1] =	stream.indirect.scatter.add.f32 [tilespmem:s6], [sflag:$0x13], $0x20, s25, s23, $0xb8;
	[tilespmem:$0x1E120] =	vst v63  }
0xe8: {  	_ = 	snop  }
0xe9: {  	[spmem:s3] =	stream.indirect.scatter.add.f32 @p1 [tilespmem:s16], [sflag:$0x15], $0x1, s25, s7, $0xb8;
	[tilespmem:$0x1E120] =	vst v63  }
0xea: {  	_ =	swait.ge @p1 [sflag:s5], $0x80  }
0xeb: {  	[sflag:s5] =	ssyncset.done @p1 $0x0  }
0xec: {  	s25 =	simm.s32 @!p2 $0xE;
	[sflag:s5] =	ssyncadd.s32 @p1 $0xFFFFFF80  }
0xed: {  	_ =	swait.ge @!p2 [sflag:s25], $0x1000  }
0xee: {  	[sflag:s25] =	ssyncset.done @!p2 $0x0  }
0xef: {  	s24 =	sadd.s32 @!p2 $0x680, s24;
	[sflag:s25] =	ssyncadd.s32 @!p2 $0xFFFFF000;
	s25 =	simm.s32 @!p2 $0xD000  }
0xf0: {  	[tilespmem:s25], [sflag:$0x4] =	stream.indirect.gather @!p2 [spmem:s4], $0x20, s24, s28, $0xb8;
	[tilespmem:$0x1E120] =	vst v63  }
0xf1: {  	_ =	swait.ge [sflag:s14], $0x1000  }
0xf2: {  	[sflag:s14] =	ssyncset.done $0x0  }
0xf3: {  	s24 =	sadd.s32 $0x5480, s21;
	[sflag:s14] =	ssyncadd.s32 $0xFFFFF000  }
0xf4: {  	[spmem:s1] =	stream.indirect.scatter.add.f32 [tilespmem:s9], [sflag:$0x14], $0x20, s24, s23, $0xb8;
	[tilespmem:$0x1E120] =	vst v63  }
.Ltmp2:
0xf5: {  	_ = 	snop;
	(pc) =	sbr.rel @p2 .LBB2_4-.Ltmp2, $4  }
0xf6: {  	[spmem:s3] =	stream.indirect.scatter.add.f32 @p1 [tilespmem:s16], [sflag:$0x15], $0x1, s24, s7, $0xb8;
	[tilespmem:$0x1E120] =	vst v63  }
0xf7: {  	_ =	swait.ge @p1 [sflag:s5], $0x80  }
0xf8: {  	[sflag:s5] =	ssyncset.done @p1 $0x0  }
0xf9: {  	[sflag:s5] =	ssyncadd.s32 @p1 $0xFFFFFF80  }
.Ltmp3:
0xfa: {  	(pc) =	sbr.rel .LBB2_2-.Ltmp3, $4  }
0xfb: {  	_ =	swait.ge [sflag:s18], $0x1000  }
0xfc: {  	s5 =	sadd.s32 $0x700, s21;
	[sflag:s18] =	ssyncset.done $0x0  }
0xfd: {  	s17 =	sadd.s32 $0x1, s17;
	s15 =	sadd.s32 $0x1400, s15;
	[sflag:s18] =	ssyncadd.s32 $0xFFFFF000  }
0xfe: {  	[tilespmem:s0], [sflag:$0x5] =	stream.indirect.gather [spmem:s4], $0x20, s5, s23, $0xb8;
	[tilespmem:$0x1E120] =	vst v63  }
.LBB2_5:
0xff: {  	_ =	sfence.sel $0x180000  }
0x100: {  	[bflag:$0x0] =	sbarrier.arrive $0xFFFF  }
0x101: {  	_ =	strace $0x90000047  }
0x102: {  	s0 =	stileid.u32;
	[bflag:$0x2] =	sbarrier.arrive $0xFFFF  }
0x103: {  	p0 =	sne.s32 s0, $0x0;
	s0 =	rddreg [dreg:$0x6]  }
0x104: {  	s0 =	sadd.s32 @!p0 $0x100000, s0  }
0x105: {  	[sflag:s0] =	ssyncadd.tile.s32 @!p0 $0x1;
	_ =	shalt  }
.Lfunc_end2:
_tile_overlayer_lowered:
.L_overlay_start_2:
0x106: {  	(tag) =	ssettag $0x2  }
0x107: {  	s0 =	rddreg [dreg:$0x0];
	s2 =	stileid.u32  }
0x108: {  	s1 =	rddreg [dreg:$0x1];
	p0 =	sne.s32 s2, $0x0  }
0x109: {  	s3 =	rddreg [dreg:$0x2];
	[bflag:$0x3] =	sbarrier.arrive $0xFFFF;
	s2 =	simm.s32 @!p0 $0x1C15  }
0x10a: {  	[timem:s3], [sflag:s2] =	dma.local @!p0 [hbm:s0], s1  }
0x10b: {  	s0 =	simm.s32 @!p0 $0x15  }
0x10c: {  	_ =	swait.ge @!p0 [sflag:s0], s1  }
0x10d: {  	s1 =	ssub.s32 @!p0 $0x0, s1;
	[sflag:s0] =	ssyncset.done @!p0 $0x0  }
0x10e: {  	[sflag:s0] =	ssyncadd.s32 @!p0 s1  }
0x10f: {  	[bflag:$0x3] =	sbarrier.arrive $0xFFFF  }
0x110: {  	_ =	shalt  }

</sc_bundles>
